<compile_context>
chip_gen: v7x
topology: tpu7x:2x2x1
jax: 0.10.2.dev20260603
libtpu: 0.0.44.dev20260713+nightly
codegen_flags: <defaults>
</compile_context>

<pallas_src>
import functools

import jax
import jax.numpy as jnp
import numpy as np
from jax import lax
from jax.experimental import pallas as pl
from jax.experimental.pallas import tpu as pltpu
from jax.experimental.pallas import tpu_sc as plsc

DIM = 4096
ROWS = 2 * 4096
NC = 2
NS = 16
L = 16
NW = NC * NS
ROWS_PER_W = ROWS // NW
R = 8
SLABS = ROWS_PER_W // R
HD = DIM // 2
JV = DIM // L
JH = JV // 2

_SIGN = np.int32(-(2 ** 31))
_IDX = np.int32(DIM - 1)

_mesh = plsc.VectorSubcoreMesh(core_axis_name="c", subcore_axis_name="s")


@functools.partial(
    pl.kernel,
    mesh=_mesh,
    compiler_params=pltpu.CompilerParams(
        needs_layout_passes=False, skip_device_barrier=True),
    out_type=jax.ShapeDtypeStruct((ROWS, DIM), jnp.float32),
    scratch_types=[
        pltpu.VMEM((DIM,), jnp.int32),
        pltpu.VMEM((DIM,), jnp.float32),
        pltpu.VMEM((DIM,), jnp.float32),
        pltpu.VMEM((R, DIM), jnp.float32),
        pltpu.VMEM((R, DIM), jnp.float32),
        pltpu.VMEM((R, HD), jnp.float32),
        pltpu.VMEM((R, HD), jnp.float32),
        pltpu.VMEM((R, HD), jnp.float32),
        pltpu.SemaphoreType.DMA,
        pltpu.SemaphoreType.DMA,
        pltpu.SemaphoreType.DMA,
        pltpu.SemaphoreType.DMA,
        pltpu.SemaphoreType.DMA,
    ],
)
def _dpd_sc(x_hbm, s1_hbm, s2_hbm, perm_hbm, out_hbm,
            perm_v, s1_v, s2_v, in0, in1, outh0, outh1, outh2,
            sem_i0, sem_i1, sem_o0, sem_o1, sem_o2):
    wid = lax.axis_index("s") * NC + lax.axis_index("c")
    row0 = wid * ROWS_PER_W

    pltpu.async_copy(x_hbm.at[pl.ds(row0, R)], in0, sem_i0)
    pltpu.async_copy(x_hbm.at[pl.ds(row0 + R, R)], in1, sem_i1)

    pltpu.sync_copy(perm_hbm, perm_v)
    pltpu.sync_copy(s1_hbm, s1_v)
    pltpu.sync_copy(s2_hbm, s2_v)

    @plsc.parallel_loop(0, JV, unroll=4)
    def _sign_loop(j):
        sl = pl.ds(j * L, L)
        pv = perm_v[sl]
        b1 = plsc.bitcast(plsc.load_gather(s1_v, [pv]), jnp.int32)
        b2 = plsc.bitcast(s2_v[sl], jnp.int32)
        perm_v[sl] = pv | ((b1 ^ b2) & _SIGN)

    def start_in(slot, sem, s):
        pltpu.async_copy(x_hbm.at[pl.ds(row0 + s * R, R)], slot, sem)

    def wait_in(slot, sem):
        pltpu.make_async_copy(x_hbm.at[pl.ds(row0, R)], slot, sem).wait()

    def start_out(slot, sem, s, h):
        pltpu.async_copy(
            slot, out_hbm.at[pl.ds(row0 + s * R, R), pl.ds(h * HD, HD)], sem)

    def wait_out(slot, sem):
        pltpu.make_async_copy(
            slot, out_hbm.at[pl.ds(row0, R), pl.ds(0, HD)], sem).wait()

    ris = [jnp.full((L,), r, dtype=jnp.int32) for r in range(R)]

    def compute_half(in_ref, out_ref, h):
        @plsc.parallel_loop(h * JH, (h + 1) * JH, unroll=8)
        def _jloop(j):
            sl = pl.ds(j * L, L)
            pk = perm_v[sl]
            m = pk & _SIGN
            b = pk & _IDX
            co = j * L - h * HD
            for r in range(R):
                g = plsc.load_gather(in_ref, [ris[r], b])
                gi = plsc.bitcast(g, jnp.int32) ^ m
                out_ref[r, pl.ds(co, L)] = plsc.bitcast(gi, jnp.float32)

    T = SLABS // 2

    def process_slab(in_ref, sem_i, s, h0_slot, h0_sem, first_h0, first_h1):
        wait_in(in_ref, sem_i)

        @pl.when(jnp.logical_not(first_h0))
        def _():
            wait_out(h0_slot, h0_sem)

        compute_half(in_ref, h0_slot, 0)
        start_out(h0_slot, h0_sem, s, 0)

        @pl.when(jnp.logical_not(first_h1))
        def _():
            wait_out(outh2, sem_o2)

        compute_half(in_ref, outh2, 1)
        start_out(outh2, sem_o2, s, 1)

    def cbody(t, carry):
        process_slab(in0, sem_i0, 2 * t, outh0, sem_o0, t == 0, t == 0)

        @pl.when(t < T - 1)
        def _():
            start_in(in0, sem_i0, 2 * t + 2)

        process_slab(in1, sem_i1, 2 * t + 1, outh1, sem_o1, t == 0,
                     jnp.bool_(False))

        @pl.when(t < T - 1)
        def _():
            start_in(in1, sem_i1, 2 * t + 3)

        return carry

    lax.fori_loop(0, T, cbody, 0)

    wait_out(outh0, sem_o0)
    wait_out(outh1, sem_o1)
    wait_out(outh2, sem_o2)


def kernel(x, sign1, sign2, perm):
    out = _dpd_sc(x.reshape(ROWS, DIM), sign1, sign2, perm.astype(jnp.int32))
    return out.reshape(x.shape)

# --- scband reference (transcript-rebuilt; emitter-appended) ---
"""Pipeline reference for scband-dpd-66254165508538 (READ-ONLY COPY).

The authoritative reference and input builder live on the scoring server;
editing this copy changes nothing except your own understanding.
"""

import jax, jax.numpy as jnp
import numpy as np

DIM = 4096

def setup_inputs(seed: int = 0) -> dict:
    key = jax.random.key(seed)
    k1, k2, k3, k4 = jax.random.split(key, 4)
    x = jax.random.normal(k1, (2, 4096, DIM), dtype=jnp.float32)
    # buffers of the DPD module: random sign vectors (+1/-1) and a random permutation
    sign1 = jax.random.randint(k2, (DIM,), 0, 2).astype(jnp.float32) * 2.0 - 1.0
    sign2 = jax.random.randint(k3, (DIM,), 0, 2).astype(jnp.float32) * 2.0 - 1.0
    perm = jax.random.permutation(k4, DIM).astype(jnp.int64)
    return {"x": x, "sign1": sign1, "sign2": sign2, "perm": perm}

def reference(x, sign1, sign2, perm):
    # Diagonal-Permutation-Diagonal orthogonal transform
    y = x * sign1
    y = jnp.take(y, perm, axis=-1)
    y = y * sign2
    return y

if __name__ == "__main__":
    import jax
    _d = setup_inputs()
    print(jax.jit(kernel)(*tuple(_d.values())))

</pallas_src>

<mosaic_0001>
#map = affine_map<(d0, d1) -> (0, 0)>
#map1 = affine_map<(d0, d1) -> (0)>
module attributes {stable_mosaic.version = 14 : i64} {
  func.func @_dpd_sc(%arg0: i32, %arg1: i32, %arg2: memref<8192x4096xf32, #tpu.memory_space<hbm>>, %arg3: memref<4096xf32, #tpu.memory_space<hbm>>, %arg4: memref<4096xf32, #tpu.memory_space<hbm>>, %arg5: memref<4096xi32, #tpu.memory_space<hbm>>, %arg6: memref<8192x4096xf32, #tpu.memory_space<hbm>>, %arg7: memref<4096xi32, #tpu.memory_space<vmem>>, %arg8: memref<4096xf32, #tpu.memory_space<vmem>>, %arg9: memref<4096xf32, #tpu.memory_space<vmem>>, %arg10: memref<8x4096xf32, #tpu.memory_space<vmem>>, %arg11: memref<8x4096xf32, #tpu.memory_space<vmem>>, %arg12: memref<8x2048xf32, #tpu.memory_space<vmem>>, %arg13: memref<8x2048xf32, #tpu.memory_space<vmem>>, %arg14: memref<8x2048xf32, #tpu.memory_space<vmem>>, %arg15: memref<!tpu.dma_semaphore, #tpu.memory_space<semaphore_mem>>, %arg16: memref<!tpu.dma_semaphore, #tpu.memory_space<semaphore_mem>>, %arg17: memref<!tpu.dma_semaphore, #tpu.memory_space<semaphore_mem>>, %arg18: memref<!tpu.dma_semaphore, #tpu.memory_space<semaphore_mem>>, %arg19: memref<!tpu.dma_semaphore, #tpu.memory_space<semaphore_mem>>) attributes {dimension_semantics = [#tpu.dimension_semantics<core_parallel>, #tpu.dimension_semantics<subcore_parallel>], iteration_bounds = array<i64: 2, 16>, scalar_prefetch = 0 : i64, scratch_operands = 13 : i64, tpu.core_type = #tpu.core_type<sc_vector_subcore>, window_params = [{transform_indices = #map}, {transform_indices = #map1}, {transform_indices = #map1}, {transform_indices = #map1}, {transform_indices = #map}]} {
    %mul3A = arith.constant 2 : i32
    %mul3A_0 = arith.muli %arg1, %mul3A : i32
    %add3A = arith.addi %mul3A_0, %arg0 : i32
    %mul3A_1 = arith.constant 256 : i32
    %mul3A_2 = arith.muli %add3A, %mul3A_1 : i32
    %dma_start3A = arith.constant 0 : i32
    %dma_start3A_3 = tpu.memref_slice %arg2[%mul3A_2, %dma_start3A] : memref<8192x4096xf32, #tpu.memory_space<hbm>> -> memref<8x4096xf32, #tpu.memory_space<hbm>>
    %dma_start3A_4 = arith.constant 0 : i32
    %dma_start3A_5 = tpu.memref_slice %arg2[%mul3A_2, %dma_start3A_4] : memref<8192x4096xf32, #tpu.memory_space<hbm>> -> memref<8x4096xf32, #tpu.memory_space<hbm>>
    tpu.enqueue_dma source(%dma_start3A_5 : memref<8x4096xf32, #tpu.memory_space<hbm>>) target(%arg10 : memref<8x4096xf32, #tpu.memory_space<vmem>>) target_semaphore(%arg15 : memref<!tpu.dma_semaphore, #tpu.memory_space<semaphore_mem>>)
    %add3A_6 = arith.constant 8 : i32
    %add3A_7 = arith.addi %mul3A_2, %add3A_6 : i32
    %dma_start3A_8 = arith.constant 0 : i32
    %dma_start3A_9 = tpu.memref_slice %arg2[%add3A_7, %dma_start3A_8] : memref<8192x4096xf32, #tpu.memory_space<hbm>> -> memref<8x4096xf32, #tpu.memory_space<hbm>>
    %dma_start3A_10 = arith.constant 0 : i32
    %dma_start3A_11 = tpu.memref_slice %arg2[%add3A_7, %dma_start3A_10] : memref<8192x4096xf32, #tpu.memory_space<hbm>> -> memref<8x4096xf32, #tpu.memory_space<hbm>>
    tpu.enqueue_dma source(%dma_start3A_11 : memref<8x4096xf32, #tpu.memory_space<hbm>>) target(%arg11 : memref<8x4096xf32, #tpu.memory_space<vmem>>) target_semaphore(%arg16 : memref<!tpu.dma_semaphore, #tpu.memory_space<semaphore_mem>>)
    "tpu.region"() ({
      %run_scoped3A = tpu.sem_alloc : memref<!tpu.dma_semaphore, #tpu.memory_space<semaphore_mem>>
      tpu.enqueue_dma source(%arg5 : memref<4096xi32, #tpu.memory_space<hbm>>) target(%arg7 : memref<4096xi32, #tpu.memory_space<vmem>>) target_semaphore(%run_scoped3A : memref<!tpu.dma_semaphore, #tpu.memory_space<semaphore_mem>>)
      tpu.wait_dma2 semaphore(%run_scoped3A : memref<!tpu.dma_semaphore, #tpu.memory_space<semaphore_mem>>) src(%arg5 : memref<4096xi32, #tpu.memory_space<hbm>>) dst(%arg7 : memref<4096xi32, #tpu.memory_space<vmem>>)
      tpu.yield
    }) : () -> ()
    "tpu.region"() ({
      %run_scoped3A = tpu.sem_alloc : memref<!tpu.dma_semaphore, #tpu.memory_space<semaphore_mem>>
      tpu.enqueue_dma source(%arg3 : memref<4096xf32, #tpu.memory_space<hbm>>) target(%arg8 : memref<4096xf32, #tpu.memory_space<vmem>>) target_semaphore(%run_scoped3A : memref<!tpu.dma_semaphore, #tpu.memory_space<semaphore_mem>>)
      tpu.wait_dma2 semaphore(%run_scoped3A : memref<!tpu.dma_semaphore, #tpu.memory_space<semaphore_mem>>) src(%arg3 : memref<4096xf32, #tpu.memory_space<hbm>>) dst(%arg8 : memref<4096xf32, #tpu.memory_space<vmem>>)
      tpu.yield
    }) : () -> ()
    "tpu.region"() ({
      %run_scoped3A = tpu.sem_alloc : memref<!tpu.dma_semaphore, #tpu.memory_space<semaphore_mem>>
      tpu.enqueue_dma source(%arg4 : memref<4096xf32, #tpu.memory_space<hbm>>) target(%arg9 : memref<4096xf32, #tpu.memory_space<vmem>>) target_semaphore(%run_scoped3A : memref<!tpu.dma_semaphore, #tpu.memory_space<semaphore_mem>>)
      tpu.wait_dma2 semaphore(%run_scoped3A : memref<!tpu.dma_semaphore, #tpu.memory_space<semaphore_mem>>) src(%arg4 : memref<4096xf32, #tpu.memory_space<hbm>>) dst(%arg9 : memref<4096xf32, #tpu.memory_space<vmem>>)
      tpu.yield
    }) : () -> ()
    %parallel_loop3A = arith.constant 0 : i32
    %parallel_loop3A_12 = arith.constant 256 : i32
    %parallel_loop3A_13 = arith.constant 1 : i32
    scf.for %parallel_loop3A_45 = %parallel_loop3A to %parallel_loop3A_12 step %parallel_loop3A_13  : i32 {
      %parallel_loop3A_46 = arith.constant 16 : i32
      %parallel_loop3A_47 = arith.muli %parallel_loop3A_45, %parallel_loop3A_46 : i32
      %parallel_loop3A_48 = arith.index_cast %parallel_loop3A_47 : i32 to index
      %parallel_loop3A_49 = tpu.vector_load %arg7[%parallel_loop3A_48] {strides = array<i32>} : memref<4096xi32, #tpu.memory_space<vmem>>, vector<16xi32>,
      %parallel_loop3A_50 = tpu.vector_load_idx %arg8[%parallel_loop3A_49] : memref<4096xf32, #tpu.memory_space<vmem>>[vector<16xi32>], vector<16xf32>,
      %parallel_loop3A_51 = vector.bitcast %parallel_loop3A_50 : vector<16xf32> to vector<16xi32>
      %parallel_loop3A_52 = arith.index_cast %parallel_loop3A_47 : i32 to index
      %parallel_loop3A_53 = tpu.vector_load %arg9[%parallel_loop3A_52] {strides = array<i32>} : memref<4096xf32, #tpu.memory_space<vmem>>, vector<16xf32>,
      %parallel_loop3A_54 = vector.bitcast %parallel_loop3A_53 : vector<16xf32> to vector<16xi32>
      %parallel_loop3A_55 = arith.xori %parallel_loop3A_51, %parallel_loop3A_54 : vector<16xi32>
      %parallel_loop3A_56 = arith.constant -2147483648 : i32
      %parallel_loop3A_57 = vector.broadcast %parallel_loop3A_56 : i32 to vector<16xi32>
      %parallel_loop3A_58 = arith.andi %parallel_loop3A_55, %parallel_loop3A_57 : vector<16xi32>
      %parallel_loop3A_59 = arith.ori %parallel_loop3A_49, %parallel_loop3A_58 : vector<16xi32>
      %parallel_loop3A_60 = arith.index_cast %parallel_loop3A_47 : i32 to index
      %parallel_loop3A_61 = tpu.vector_load %arg7[%parallel_loop3A_60] {strides = array<i32>} : memref<4096xi32, #tpu.memory_space<vmem>>, vector<16xi32>,
      tpu.vector_store %arg7[%parallel_loop3A_60], %parallel_loop3A_59 {strides = array<i32>} : memref<4096xi32, #tpu.memory_space<vmem>>, vector<16xi32>,
    } {sc.loop_unroll_factor = 4 : i64, sc.parallel_access}
    %broadcast_in_dim3A = arith.constant 0 : i32
    %broadcast_in_dim3A_14 = vector.broadcast %broadcast_in_dim3A : i32 to vector<16xi32>
    %broadcast_in_dim3A_15 = arith.constant 1 : i32
    %broadcast_in_dim3A_16 = vector.broadcast %broadcast_in_dim3A_15 : i32 to vector<16xi32>
    %broadcast_in_dim3A_17 = arith.constant 2 : i32
    %broadcast_in_dim3A_18 = vector.broadcast %broadcast_in_dim3A_17 : i32 to vector<16xi32>
    %broadcast_in_dim3A_19 = arith.constant 3 : i32
    %broadcast_in_dim3A_20 = vector.broadcast %broadcast_in_dim3A_19 : i32 to vector<16xi32>
    %broadcast_in_dim3A_21 = arith.constant 4 : i32
    %broadcast_in_dim3A_22 = vector.broadcast %broadcast_in_dim3A_21 : i32 to vector<16xi32>
    %broadcast_in_dim3A_23 = arith.constant 5 : i32
    %broadcast_in_dim3A_24 = vector.broadcast %broadcast_in_dim3A_23 : i32 to vector<16xi32>
    %broadcast_in_dim3A_25 = arith.constant 6 : i32
    %broadcast_in_dim3A_26 = vector.broadcast %broadcast_in_dim3A_25 : i32 to vector<16xi32>
    %broadcast_in_dim3A_27 = arith.constant 7 : i32
    %broadcast_in_dim3A_28 = vector.broadcast %broadcast_in_dim3A_27 : i32 to vector<16xi32>
    %scan3A = arith.constant 0 : i32
    %scan3A_29 = arith.constant 0 : i32
    %scan3A_30 = arith.constant 16 : i32
    %scan3A_31 = arith.addi %scan3A_29, %scan3A_30 : i32
    %scan3A_32 = arith.constant 1 : i32
    scf.for %scan3A_45 = %scan3A_29 to %scan3A_31 step %scan3A_32  : i32 {
      %mul3A_46 = arith.constant 2 : i32
      %mul3A_47 = arith.muli %mul3A_46, %scan3A_45 : i32
      %eq3A = arith.constant 0 : i32
      %eq3A_48 = arith.cmpi eq, %scan3A_45, %eq3A : i32
      %eq3A_49 = arith.constant 0 : i32
      %eq3A_50 = arith.cmpi eq, %scan3A_45, %eq3A_49 : i32
      %dma_wait3A_51 = arith.constant 0 : i32
      %dma_wait3A_52 = tpu.memref_slice %arg2[%mul3A_2, %dma_wait3A_51] : memref<8192x4096xf32, #tpu.memory_space<hbm>> -> memref<8x4096xf32, #tpu.memory_space<hbm>>
      %dma_wait3A_53 = arith.constant 0 : i32
      %dma_wait3A_54 = tpu.memref_slice %arg2[%mul3A_2, %dma_wait3A_53] : memref<8192x4096xf32, #tpu.memory_space<hbm>> -> memref<8x4096xf32, #tpu.memory_space<hbm>>
      tpu.wait_dma2 semaphore(%arg15 : memref<!tpu.dma_semaphore, #tpu.memory_space<semaphore_mem>>) src(%dma_wait3A_54 : memref<8x4096xf32, #tpu.memory_space<hbm>>) dst(%arg10 : memref<8x4096xf32, #tpu.memory_space<vmem>>)
      %not3A = arith.constant true
      %not3A_55 = arith.xori %eq3A_48, %not3A : i1
      %convert_element_type3A = arith.extui %not3A_55 : i1 to i32
      %cond3A = arith.constant 0 : i32
      %cond3A_56 = arith.cmpi ne, %convert_element_type3A, %cond3A : i32
      scf.if %cond3A_56 {
        %dma_wait3A_132 = arith.constant 0 : i32
        %dma_wait3A_133 = tpu.memref_slice %arg6[%mul3A_2, %dma_wait3A_132] : memref<8192x4096xf32, #tpu.memory_space<hbm>> -> memref<8x2048xf32, #tpu.memory_space<hbm>>
        %dma_wait3A_134 = arith.constant 0 : i32
        %dma_wait3A_135 = tpu.memref_slice %arg6[%mul3A_2, %dma_wait3A_134] : memref<8192x4096xf32, #tpu.memory_space<hbm>> -> memref<8x2048xf32, #tpu.memory_space<hbm>>
        tpu.wait_dma2 semaphore(%arg17 : memref<!tpu.dma_semaphore, #tpu.memory_space<semaphore_mem>>) src(%arg12 : memref<8x2048xf32, #tpu.memory_space<vmem>>) dst(%dma_wait3A_135 : memref<8x2048xf32, #tpu.memory_space<hbm>>)
      } else {
      }
      %parallel_loop3A_57 = arith.constant 0 : i32
      %parallel_loop3A_58 = arith.constant 128 : i32
      %parallel_loop3A_59 = arith.constant 1 : i32
      scf.for %parallel_loop3A_132 = %parallel_loop3A_57 to %parallel_loop3A_58 step %parallel_loop3A_59  : i32 {
        %parallel_loop3A_133 = arith.constant 16 : i32
        %parallel_loop3A_134 = arith.muli %parallel_loop3A_132, %parallel_loop3A_133 : i32
        %parallel_loop3A_135 = arith.index_cast %parallel_loop3A_134 : i32 to index
        %parallel_loop3A_136 = tpu.vector_load %arg7[%parallel_loop3A_135] {strides = array<i32>} : memref<4096xi32, #tpu.memory_space<vmem>>, vector<16xi32>,
        %parallel_loop3A_137 = arith.constant -2147483648 : i32
        %parallel_loop3A_138 = vector.broadcast %parallel_loop3A_137 : i32 to vector<16xi32>
        %parallel_loop3A_139 = arith.andi %parallel_loop3A_136, %parallel_loop3A_138 : vector<16xi32>
        %parallel_loop3A_140 = arith.constant 4095 : i32
        %parallel_loop3A_141 = vector.broadcast %parallel_loop3A_140 : i32 to vector<16xi32>
        %parallel_loop3A_142 = arith.andi %parallel_loop3A_136, %parallel_loop3A_141 : vector<16xi32>
        %parallel_loop3A_143 = arith.constant 16 : i32
        %parallel_loop3A_144 = arith.muli %parallel_loop3A_132, %parallel_loop3A_143 : i32
        %parallel_loop3A_145 = arith.constant 0 : i32
        %parallel_loop3A_146 = arith.subi %parallel_loop3A_144, %parallel_loop3A_145 : i32
        %parallel_loop3A_147 = tpu.vector_load_idx %arg10[%broadcast_in_dim3A_14, %parallel_loop3A_142] : memref<8x4096xf32, #tpu.memory_space<vmem>>[vector<16xi32>, vector<16xi32>], vector<16xf32>,
        %parallel_loop3A_148 = vector.bitcast %parallel_loop3A_147 : vector<16xf32> to vector<16xi32>
        %parallel_loop3A_149 = arith.xori %parallel_loop3A_148, %parallel_loop3A_139 : vector<16xi32>
        %parallel_loop3A_150 = vector.bitcast %parallel_loop3A_149 : vector<16xi32> to vector<16xf32>
        %parallel_loop3A_151 = arith.constant 0 : i32
        %parallel_loop3A_152 = arith.index_cast %parallel_loop3A_151 : i32 to index
        %parallel_loop3A_153 = arith.index_cast %parallel_loop3A_146 : i32 to index
        %parallel_loop3A_154 = tpu.vector_load %arg12[%parallel_loop3A_152, %parallel_loop3A_153] {strides = array<i32>} : memref<8x2048xf32, #tpu.memory_space<vmem>>, vector<16xf32>,
        tpu.vector_store %arg12[%parallel_loop3A_152, %parallel_loop3A_153], %parallel_loop3A_150 {strides = array<i32>} : memref<8x2048xf32, #tpu.memory_space<vmem>>, vector<16xf32>,
        %parallel_loop3A_155 = tpu.vector_load_idx %arg10[%broadcast_in_dim3A_16, %parallel_loop3A_142] : memref<8x4096xf32, #tpu.memory_space<vmem>>[vector<16xi32>, vector<16xi32>], vector<16xf32>,
        %parallel_loop3A_156 = vector.bitcast %parallel_loop3A_155 : vector<16xf32> to vector<16xi32>
        %parallel_loop3A_157 = arith.xori %parallel_loop3A_156, %parallel_loop3A_139 : vector<16xi32>
        %parallel_loop3A_158 = vector.bitcast %parallel_loop3A_157 : vector<16xi32> to vector<16xf32>
        %parallel_loop3A_159 = arith.constant 1 : i32
        %parallel_loop3A_160 = arith.index_cast %parallel_loop3A_159 : i32 to index
        %parallel_loop3A_161 = arith.index_cast %parallel_loop3A_146 : i32 to index
        %parallel_loop3A_162 = tpu.vector_load %arg12[%parallel_loop3A_160, %parallel_loop3A_161] {strides = array<i32>} : memref<8x2048xf32, #tpu.memory_space<vmem>>, vector<16xf32>,
        tpu.vector_store %arg12[%parallel_loop3A_160, %parallel_loop3A_161], %parallel_loop3A_158 {strides = array<i32>} : memref<8x2048xf32, #tpu.memory_space<vmem>>, vector<16xf32>,
        %parallel_loop3A_163 = tpu.vector_load_idx %arg10[%broadcast_in_dim3A_18, %parallel_loop3A_142] : memref<8x4096xf32, #tpu.memory_space<vmem>>[vector<16xi32>, vector<16xi32>], vector<16xf32>,
        %parallel_loop3A_164 = vector.bitcast %parallel_loop3A_163 : vector<16xf32> to vector<16xi32>
        %parallel_loop3A_165 = arith.xori %parallel_loop3A_164, %parallel_loop3A_139 : vector<16xi32>
        %parallel_loop3A_166 = vector.bitcast %parallel_loop3A_165 : vector<16xi32> to vector<16xf32>
        %parallel_loop3A_167 = arith.constant 2 : i32
        %parallel_loop3A_168 = arith.index_cast %parallel_loop3A_167 : i32 to index
        %parallel_loop3A_169 = arith.index_cast %parallel_loop3A_146 : i32 to index
        %parallel_loop3A_170 = tpu.vector_load %arg12[%parallel_loop3A_168, %parallel_loop3A_169] {strides = array<i32>} : memref<8x2048xf32, #tpu.memory_space<vmem>>, vector<16xf32>,
        tpu.vector_store %arg12[%parallel_loop3A_168, %parallel_loop3A_169], %parallel_loop3A_166 {strides = array<i32>} : memref<8x2048xf32, #tpu.memory_space<vmem>>, vector<16xf32>,
        %parallel_loop3A_171 = tpu.vector_load_idx %arg10[%broadcast_in_dim3A_20, %parallel_loop3A_142] : memref<8x4096xf32, #tpu.memory_space<vmem>>[vector<16xi32>, vector<16xi32>], vector<16xf32>,
        %parallel_loop3A_172 = vector.bitcast %parallel_loop3A_171 : vector<16xf32> to vector<16xi32>
        %parallel_loop3A_173 = arith.xori %parallel_loop3A_172, %parallel_loop3A_139 : vector<16xi32>
        %parallel_loop3A_174 = vector.bitcast %parallel_loop3A_173 : vector<16xi32> to vector<16xf32>
        %parallel_loop3A_175 = arith.constant 3 : i32
        %parallel_loop3A_176 = arith.index_cast %parallel_loop3A_175 : i32 to index
        %parallel_loop3A_177 = arith.index_cast %parallel_loop3A_146 : i32 to index
        %parallel_loop3A_178 = tpu.vector_load %arg12[%parallel_loop3A_176, %parallel_loop3A_177] {strides = array<i32>} : memref<8x2048xf32, #tpu.memory_space<vmem>>, vector<16xf32>,
        tpu.vector_store %arg12[%parallel_loop3A_176, %parallel_loop3A_177], %parallel_loop3A_174 {strides = array<i32>} : memref<8x2048xf32, #tpu.memory_space<vmem>>, vector<16xf32>,
        %parallel_loop3A_179 = tpu.vector_load_idx %arg10[%broadcast_in_dim3A_22, %parallel_loop3A_142] : memref<8x4096xf32, #tpu.memory_space<vmem>>[vector<16xi32>, vector<16xi32>], vector<16xf32>,
        %parallel_loop3A_180 = vector.bitcast %parallel_loop3A_179 : vector<16xf32> to vector<16xi32>
        %parallel_loop3A_181 = arith.xori %parallel_loop3A_180, %parallel_loop3A_139 : vector<16xi32>
        %parallel_loop3A_182 = vector.bitcast %parallel_loop3A_181 : vector<16xi32> to vector<16xf32>
        %parallel_loop3A_183 = arith.constant 4 : i32
        %parallel_loop3A_184 = arith.index_cast %parallel_loop3A_183 : i32 to index
        %parallel_loop3A_185 = arith.index_cast %parallel_loop3A_146 : i32 to index
        %parallel_loop3A_186 = tpu.vector_load %arg12[%parallel_loop3A_184, %parallel_loop3A_185] {strides = array<i32>} : memref<8x2048xf32, #tpu.memory_space<vmem>>, vector<16xf32>,
        tpu.vector_store %arg12[%parallel_loop3A_184, %parallel_loop3A_185], %parallel_loop3A_182 {strides = array<i32>} : memref<8x2048xf32, #tpu.memory_space<vmem>>, vector<16xf32>,
        %parallel_loop3A_187 = tpu.vector_load_idx %arg10[%broadcast_in_dim3A_24, %parallel_loop3A_142] : memref<8x4096xf32, #tpu.memory_space<vmem>>[vector<16xi32>, vector<16xi32>], vector<16xf32>,
        %parallel_loop3A_188 = vector.bitcast %parallel_loop3A_187 : vector<16xf32> to vector<16xi32>
        %parallel_loop3A_189 = arith.xori %parallel_loop3A_188, %parallel_loop3A_139 : vector<16xi32>
        %parallel_loop3A_190 = vector.bitcast %parallel_loop3A_189 : vector<16xi32> to vector<16xf32>
        %parallel_loop3A_191 = arith.constant 5 : i32
        %parallel_loop3A_192 = arith.index_cast %parallel_loop3A_191 : i32 to index
        %parallel_loop3A_193 = arith.index_cast %parallel_loop3A_146 : i32 to index
        %parallel_loop3A_194 = tpu.vector_load %arg12[%parallel_loop3A_192, %parallel_loop3A_193] {strides = array<i32>} : memref<8x2048xf32, #tpu.memory_space<vmem>>, vector<16xf32>,
        tpu.vector_store %arg12[%parallel_loop3A_192, %parallel_loop3A_193], %parallel_loop3A_190 {strides = array<i32>} : memref<8x2048xf32, #tpu.memory_space<vmem>>, vector<16xf32>,
        %parallel_loop3A_195 = tpu.vector_load_idx %arg10[%broadcast_in_dim3A_26, %parallel_loop3A_142] : memref<8x4096xf32, #tpu.memory_space<vmem>>[vector<16xi32>, vector<16xi32>], vector<16xf32>,
        %parallel_loop3A_196 = vector.bitcast %parallel_loop3A_195 : vector<16xf32> to vector<16xi32>
        %parallel_loop3A_197 = arith.xori %parallel_loop3A_196, %parallel_loop3A_139 : vector<16xi32>
        %parallel_loop3A_198 = vector.bitcast %parallel_loop3A_197 : vector<16xi32> to vector<16xf32>
        %parallel_loop3A_199 = arith.constant 6 : i32
        %parallel_loop3A_200 = arith.index_cast %parallel_loop3A_199 : i32 to index
        %parallel_loop3A_201 = arith.index_cast %parallel_loop3A_146 : i32 to index
        %parallel_loop3A_202 = tpu.vector_load %arg12[%parallel_loop3A_200, %parallel_loop3A_201] {strides = array<i32>} : memref<8x2048xf32, #tpu.memory_space<vmem>>, vector<16xf32>,
        tpu.vector_store %arg12[%parallel_loop3A_200, %parallel_loop3A_201], %parallel_loop3A_198 {strides = array<i32>} : memref<8x2048xf32, #tpu.memory_space<vmem>>, vector<16xf32>,
        %parallel_loop3A_203 = tpu.vector_load_idx %arg10[%broadcast_in_dim3A_28, %parallel_loop3A_142] : memref<8x4096xf32, #tpu.memory_space<vmem>>[vector<16xi32>, vector<16xi32>], vector<16xf32>,
        %parallel_loop3A_204 = vector.bitcast %parallel_loop3A_203 : vector<16xf32> to vector<16xi32>
        %parallel_loop3A_205 = arith.xori %parallel_loop3A_204, %parallel_loop3A_139 : vector<16xi32>
        %parallel_loop3A_206 = vector.bitcast %parallel_loop3A_205 : vector<16xi32> to vector<16xf32>
        %parallel_loop3A_207 = arith.constant 7 : i32
        %parallel_loop3A_208 = arith.index_cast %parallel_loop3A_207 : i32 to index
        %parallel_loop3A_209 = arith.index_cast %parallel_loop3A_146 : i32 to index
        %parallel_loop3A_210 = tpu.vector_load %arg12[%parallel_loop3A_208, %parallel_loop3A_209] {strides = array<i32>} : memref<8x2048xf32, #tpu.memory_space<vmem>>, vector<16xf32>,
        tpu.vector_store %arg12[%parallel_loop3A_208, %parallel_loop3A_209], %parallel_loop3A_206 {strides = array<i32>} : memref<8x2048xf32, #tpu.memory_space<vmem>>, vector<16xf32>,
      } {sc.loop_unroll_factor = 8 : i64, sc.parallel_access}
      %mul3A_60 = arith.constant 8 : i32
      %mul3A_61 = arith.muli %mul3A_47, %mul3A_60 : i32
      %add3A_62 = arith.addi %mul3A_2, %mul3A_61 : i32
      %dma_start3A_63 = arith.constant 0 : i32
      %dma_start3A_64 = tpu.memref_slice %arg6[%add3A_62, %dma_start3A_63] : memref<8192x4096xf32, #tpu.memory_space<hbm>> -> memref<8x2048xf32, #tpu.memory_space<hbm>>
      %dma_start3A_65 = arith.constant 0 : i32
      %dma_start3A_66 = tpu.memref_slice %arg6[%add3A_62, %dma_start3A_65] : memref<8192x4096xf32, #tpu.memory_space<hbm>> -> memref<8x2048xf32, #tpu.memory_space<hbm>>
      tpu.enqueue_dma source(%arg12 : memref<8x2048xf32, #tpu.memory_space<vmem>>) target(%dma_start3A_66 : memref<8x2048xf32, #tpu.memory_space<hbm>>) target_semaphore(%arg17 : memref<!tpu.dma_semaphore, #tpu.memory_space<semaphore_mem>>)
      %not3A_67 = arith.constant true
      %not3A_68 = arith.xori %eq3A_50, %not3A_67 : i1
      %convert_element_type3A_69 = arith.extui %not3A_68 : i1 to i32
      %cond3A_70 = arith.constant 0 : i32
      %cond3A_71 = arith.cmpi ne, %convert_element_type3A_69, %cond3A_70 : i32
      scf.if %cond3A_71 {
        %dma_wait3A_132 = arith.constant 0 : i32
        %dma_wait3A_133 = tpu.memref_slice %arg6[%mul3A_2, %dma_wait3A_132] : memref<8192x4096xf32, #tpu.memory_space<hbm>> -> memref<8x2048xf32, #tpu.memory_space<hbm>>
        %dma_wait3A_134 = arith.constant 0 : i32
        %dma_wait3A_135 = tpu.memref_slice %arg6[%mul3A_2, %dma_wait3A_134] : memref<8192x4096xf32, #tpu.memory_space<hbm>> -> memref<8x2048xf32, #tpu.memory_space<hbm>>
        tpu.wait_dma2 semaphore(%arg19 : memref<!tpu.dma_semaphore, #tpu.memory_space<semaphore_mem>>) src(%arg14 : memref<8x2048xf32, #tpu.memory_space<vmem>>) dst(%dma_wait3A_135 : memref<8x2048xf32, #tpu.memory_space<hbm>>)
      } else {
      }
      %parallel_loop3A_72 = arith.constant 128 : i32
      %parallel_loop3A_73 = arith.constant 256 : i32
      %parallel_loop3A_74 = arith.constant 1 : i32
      scf.for %parallel_loop3A_132 = %parallel_loop3A_72 to %parallel_loop3A_73 step %parallel_loop3A_74  : i32 {
        %parallel_loop3A_133 = arith.constant 16 : i32
        %parallel_loop3A_134 = arith.muli %parallel_loop3A_132, %parallel_loop3A_133 : i32
        %parallel_loop3A_135 = arith.index_cast %parallel_loop3A_134 : i32 to index
        %parallel_loop3A_136 = tpu.vector_load %arg7[%parallel_loop3A_135] {strides = array<i32>} : memref<4096xi32, #tpu.memory_space<vmem>>, vector<16xi32>,
        %parallel_loop3A_137 = arith.constant -2147483648 : i32
        %parallel_loop3A_138 = vector.broadcast %parallel_loop3A_137 : i32 to vector<16xi32>
        %parallel_loop3A_139 = arith.andi %parallel_loop3A_136, %parallel_loop3A_138 : vector<16xi32>
        %parallel_loop3A_140 = arith.constant 4095 : i32
        %parallel_loop3A_141 = vector.broadcast %parallel_loop3A_140 : i32 to vector<16xi32>
        %parallel_loop3A_142 = arith.andi %parallel_loop3A_136, %parallel_loop3A_141 : vector<16xi32>
        %parallel_loop3A_143 = arith.constant 16 : i32
        %parallel_loop3A_144 = arith.muli %parallel_loop3A_132, %parallel_loop3A_143 : i32
        %parallel_loop3A_145 = arith.constant 2048 : i32
        %parallel_loop3A_146 = arith.subi %parallel_loop3A_144, %parallel_loop3A_145 : i32
        %parallel_loop3A_147 = tpu.vector_load_idx %arg10[%broadcast_in_dim3A_14, %parallel_loop3A_142] : memref<8x4096xf32, #tpu.memory_space<vmem>>[vector<16xi32>, vector<16xi32>], vector<16xf32>,
        %parallel_loop3A_148 = vector.bitcast %parallel_loop3A_147 : vector<16xf32> to vector<16xi32>
        %parallel_loop3A_149 = arith.xori %parallel_loop3A_148, %parallel_loop3A_139 : vector<16xi32>
        %parallel_loop3A_150 = vector.bitcast %parallel_loop3A_149 : vector<16xi32> to vector<16xf32>
        %parallel_loop3A_151 = arith.constant 0 : i32
        %parallel_loop3A_152 = arith.index_cast %parallel_loop3A_151 : i32 to index
        %parallel_loop3A_153 = arith.index_cast %parallel_loop3A_146 : i32 to index
        %parallel_loop3A_154 = tpu.vector_load %arg14[%parallel_loop3A_152, %parallel_loop3A_153] {strides = array<i32>} : memref<8x2048xf32, #tpu.memory_space<vmem>>, vector<16xf32>,
        tpu.vector_store %arg14[%parallel_loop3A_152, %parallel_loop3A_153], %parallel_loop3A_150 {strides = array<i32>} : memref<8x2048xf32, #tpu.memory_space<vmem>>, vector<16xf32>,
        %parallel_loop3A_155 = tpu.vector_load_idx %arg10[%broadcast_in_dim3A_16, %parallel_loop3A_142] : memref<8x4096xf32, #tpu.memory_space<vmem>>[vector<16xi32>, vector<16xi32>], vector<16xf32>,
        %parallel_loop3A_156 = vector.bitcast %parallel_loop3A_155 : vector<16xf32> to vector<16xi32>
        %parallel_loop3A_157 = arith.xori %parallel_loop3A_156, %parallel_loop3A_139 : vector<16xi32>
        %parallel_loop3A_158 = vector.bitcast %parallel_loop3A_157 : vector<16xi32> to vector<16xf32>
        %parallel_loop3A_159 = arith.constant 1 : i32
        %parallel_loop3A_160 = arith.index_cast %parallel_loop3A_159 : i32 to index
        %parallel_loop3A_161 = arith.index_cast %parallel_loop3A_146 : i32 to index
        %parallel_loop3A_162 = tpu.vector_load %arg14[%parallel_loop3A_160, %parallel_loop3A_161] {strides = array<i32>} : memref<8x2048xf32, #tpu.memory_space<vmem>>, vector<16xf32>,
        tpu.vector_store %arg14[%parallel_loop3A_160, %parallel_loop3A_161], %parallel_loop3A_158 {strides = array<i32>} : memref<8x2048xf32, #tpu.memory_space<vmem>>, vector<16xf32>,
        %parallel_loop3A_163 = tpu.vector_load_idx %arg10[%broadcast_in_dim3A_18, %parallel_loop3A_142] : memref<8x4096xf32, #tpu.memory_space<vmem>>[vector<16xi32>, vector<16xi32>], vector<16xf32>,
        %parallel_loop3A_164 = vector.bitcast %parallel_loop3A_163 : vector<16xf32> to vector<16xi32>
        %parallel_loop3A_165 = arith.xori %parallel_loop3A_164, %parallel_loop3A_139 : vector<16xi32>
        %parallel_loop3A_166 = vector.bitcast %parallel_loop3A_165 : vector<16xi32> to vector<16xf32>
        %parallel_loop3A_167 = arith.constant 2 : i32
        %parallel_loop3A_168 = arith.index_cast %parallel_loop3A_167 : i32 to index
        %parallel_loop3A_169 = arith.index_cast %parallel_loop3A_146 : i32 to index
        %parallel_loop3A_170 = tpu.vector_load %arg14[%parallel_loop3A_168, %parallel_loop3A_169] {strides = array<i32>} : memref<8x2048xf32, #tpu.memory_space<vmem>>, vector<16xf32>,
        tpu.vector_store %arg14[%parallel_loop3A_168, %parallel_loop3A_169], %parallel_loop3A_166 {strides = array<i32>} : memref<8x2048xf32, #tpu.memory_space<vmem>>, vector<16xf32>,
        %parallel_loop3A_171 = tpu.vector_load_idx %arg10[%broadcast_in_dim3A_20, %parallel_loop3A_142] : memref<8x4096xf32, #tpu.memory_space<vmem>>[vector<16xi32>, vector<16xi32>], vector<16xf32>,
        %parallel_loop3A_172 = vector.bitcast %parallel_loop3A_171 : vector<16xf32> to vector<16xi32>
        %parallel_loop3A_173 = arith.xori %parallel_loop3A_172, %parallel_loop3A_139 : vector<16xi32>
        %parallel_loop3A_174 = vector.bitcast %parallel_loop3A_173 : vector<16xi32> to vector<16xf32>
        %parallel_loop3A_175 = arith.constant 3 : i32
        %parallel_loop3A_176 = arith.index_cast %parallel_loop3A_175 : i32 to index
        %parallel_loop3A_177 = arith.index_cast %parallel_loop3A_146 : i32 to index
        %parallel_loop3A_178 = tpu.vector_load %arg14[%parallel_loop3A_176, %parallel_loop3A_177] {strides = array<i32>} : memref<8x2048xf32, #tpu.memory_space<vmem>>, vector<16xf32>,
        tpu.vector_store %arg14[%parallel_loop3A_176, %parallel_loop3A_177], %parallel_loop3A_174 {strides = array<i32>} : memref<8x2048xf32, #tpu.memory_space<vmem>>, vector<16xf32>,
        %parallel_loop3A_179 = tpu.vector_load_idx %arg10[%broadcast_in_dim3A_22, %parallel_loop3A_142] : memref<8x4096xf32, #tpu.memory_space<vmem>>[vector<16xi32>, vector<16xi32>], vector<16xf32>,
        %parallel_loop3A_180 = vector.bitcast %parallel_loop3A_179 : vector<16xf32> to vector<16xi32>
        %parallel_loop3A_181 = arith.xori %parallel_loop3A_180, %parallel_loop3A_139 : vector<16xi32>
        %parallel_loop3A_182 = vector.bitcast %parallel_loop3A_181 : vector<16xi32> to vector<16xf32>
        %parallel_loop3A_183 = arith.constant 4 : i32
        %parallel_loop3A_184 = arith.index_cast %parallel_loop3A_183 : i32 to index
        %parallel_loop3A_185 = arith.index_cast %parallel_loop3A_146 : i32 to index
        %parallel_loop3A_186 = tpu.vector_load %arg14[%parallel_loop3A_184, %parallel_loop3A_185] {strides = array<i32>} : memref<8x2048xf32, #tpu.memory_space<vmem>>, vector<16xf32>,
        tpu.vector_store %arg14[%parallel_loop3A_184, %parallel_loop3A_185], %parallel_loop3A_182 {strides = array<i32>} : memref<8x2048xf32, #tpu.memory_space<vmem>>, vector<16xf32>,
        %parallel_loop3A_187 = tpu.vector_load_idx %arg10[%broadcast_in_dim3A_24, %parallel_loop3A_142] : memref<8x4096xf32, #tpu.memory_space<vmem>>[vector<16xi32>, vector<16xi32>], vector<16xf32>,
        %parallel_loop3A_188 = vector.bitcast %parallel_loop3A_187 : vector<16xf32> to vector<16xi32>
        %parallel_loop3A_189 = arith.xori %parallel_loop3A_188, %parallel_loop3A_139 : vector<16xi32>
        %parallel_loop3A_190 = vector.bitcast %parallel_loop3A_189 : vector<16xi32> to vector<16xf32>
        %parallel_loop3A_191 = arith.constant 5 : i32
        %parallel_loop3A_192 = arith.index_cast %parallel_loop3A_191 : i32 to index
        %parallel_loop3A_193 = arith.index_cast %parallel_loop3A_146 : i32 to index
        %parallel_loop3A_194 = tpu.vector_load %arg14[%parallel_loop3A_192, %parallel_loop3A_193] {strides = array<i32>} : memref<8x2048xf32, #tpu.memory_space<vmem>>, vector<16xf32>,
        tpu.vector_store %arg14[%parallel_loop3A_192, %parallel_loop3A_193], %parallel_loop3A_190 {strides = array<i32>} : memref<8x2048xf32, #tpu.memory_space<vmem>>, vector<16xf32>,
        %parallel_loop3A_195 = tpu.vector_load_idx %arg10[%broadcast_in_dim3A_26, %parallel_loop3A_142] : memref<8x4096xf32, #tpu.memory_space<vmem>>[vector<16xi32>, vector<16xi32>], vector<16xf32>,
        %parallel_loop3A_196 = vector.bitcast %parallel_loop3A_195 : vector<16xf32> to vector<16xi32>
        %parallel_loop3A_197 = arith.xori %parallel_loop3A_196, %parallel_loop3A_139 : vector<16xi32>
        %parallel_loop3A_198 = vector.bitcast %parallel_loop3A_197 : vector<16xi32> to vector<16xf32>
        %parallel_loop3A_199 = arith.constant 6 : i32
        %parallel_loop3A_200 = arith.index_cast %parallel_loop3A_199 : i32 to index
        %parallel_loop3A_201 = arith.index_cast %parallel_loop3A_146 : i32 to index
        %parallel_loop3A_202 = tpu.vector_load %arg14[%parallel_loop3A_200, %parallel_loop3A_201] {strides = array<i32>} : memref<8x2048xf32, #tpu.memory_space<vmem>>, vector<16xf32>,
        tpu.vector_store %arg14[%parallel_loop3A_200, %parallel_loop3A_201], %parallel_loop3A_198 {strides = array<i32>} : memref<8x2048xf32, #tpu.memory_space<vmem>>, vector<16xf32>,
        %parallel_loop3A_203 = tpu.vector_load_idx %arg10[%broadcast_in_dim3A_28, %parallel_loop3A_142] : memref<8x4096xf32, #tpu.memory_space<vmem>>[vector<16xi32>, vector<16xi32>], vector<16xf32>,
        %parallel_loop3A_204 = vector.bitcast %parallel_loop3A_203 : vector<16xf32> to vector<16xi32>
        %parallel_loop3A_205 = arith.xori %parallel_loop3A_204, %parallel_loop3A_139 : vector<16xi32>
        %parallel_loop3A_206 = vector.bitcast %parallel_loop3A_205 : vector<16xi32> to vector<16xf32>
        %parallel_loop3A_207 = arith.constant 7 : i32
        %parallel_loop3A_208 = arith.index_cast %parallel_loop3A_207 : i32 to index
        %parallel_loop3A_209 = arith.index_cast %parallel_loop3A_146 : i32 to index
        %parallel_loop3A_210 = tpu.vector_load %arg14[%parallel_loop3A_208, %parallel_loop3A_209] {strides = array<i32>} : memref<8x2048xf32, #tpu.memory_space<vmem>>, vector<16xf32>,
        tpu.vector_store %arg14[%parallel_loop3A_208, %parallel_loop3A_209], %parallel_loop3A_206 {strides = array<i32>} : memref<8x2048xf32, #tpu.memory_space<vmem>>, vector<16xf32>,
      } {sc.loop_unroll_factor = 8 : i64, sc.parallel_access}
      %mul3A_75 = arith.constant 8 : i32
      %mul3A_76 = arith.muli %mul3A_47, %mul3A_75 : i32
      %add3A_77 = arith.addi %mul3A_2, %mul3A_76 : i32
      %dma_start3A_78 = arith.constant 2048 : i32
      %dma_start3A_79 = tpu.memref_slice %arg6[%add3A_77, %dma_start3A_78] : memref<8192x4096xf32, #tpu.memory_space<hbm>> -> memref<8x2048xf32, #tpu.memory_space<hbm>>
      %dma_start3A_80 = arith.constant 2048 : i32
      %dma_start3A_81 = tpu.memref_slice %arg6[%add3A_77, %dma_start3A_80] : memref<8192x4096xf32, #tpu.memory_space<hbm>> -> memref<8x2048xf32, #tpu.memory_space<hbm>>
      tpu.enqueue_dma source(%arg14 : memref<8x2048xf32, #tpu.memory_space<vmem>>) target(%dma_start3A_81 : memref<8x2048xf32, #tpu.memory_space<hbm>>) target_semaphore(%arg19 : memref<!tpu.dma_semaphore, #tpu.memory_space<semaphore_mem>>)
      %lt3A = arith.constant 15 : i32
      %lt3A_82 = arith.cmpi slt, %scan3A_45, %lt3A : i32
      %convert_element_type3A_83 = arith.extui %lt3A_82 : i1 to i32
      %cond3A_84 = arith.constant 0 : i32
      %cond3A_85 = arith.cmpi ne, %convert_element_type3A_83, %cond3A_84 : i32
      scf.if %cond3A_85 {
        %mul3A_132 = arith.constant 2 : i32
        %mul3A_133 = arith.muli %mul3A_132, %scan3A_45 : i32
        %add3A_134 = arith.constant 2 : i32
        %add3A_135 = arith.addi %mul3A_133, %add3A_134 : i32
        %mul3A_136 = arith.constant 8 : i32
        %mul3A_137 = arith.muli %add3A_135, %mul3A_136 : i32
        %add3A_138 = arith.addi %mul3A_2, %mul3A_137 : i32
        %dma_start3A_139 = arith.constant 0 : i32
        %dma_start3A_140 = tpu.memref_slice %arg2[%add3A_138, %dma_start3A_139] : memref<8192x4096xf32, #tpu.memory_space<hbm>> -> memref<8x4096xf32, #tpu.memory_space<hbm>>
        %dma_start3A_141 = arith.constant 0 : i32
        %dma_start3A_142 = tpu.memref_slice %arg2[%add3A_138, %dma_start3A_141] : memref<8192x4096xf32, #tpu.memory_space<hbm>> -> memref<8x4096xf32, #tpu.memory_space<hbm>>
        tpu.enqueue_dma source(%dma_start3A_142 : memref<8x4096xf32, #tpu.memory_space<hbm>>) target(%arg10 : memref<8x4096xf32, #tpu.memory_space<vmem>>) target_semaphore(%arg15 : memref<!tpu.dma_semaphore, #tpu.memory_space<semaphore_mem>>)
      } else {
      }
      %mul3A_86 = arith.constant 2 : i32
      %mul3A_87 = arith.muli %mul3A_86, %scan3A_45 : i32
      %add3A_88 = arith.constant 1 : i32
      %add3A_89 = arith.addi %mul3A_87, %add3A_88 : i32
      %eq3A_90 = arith.constant 0 : i32
      %eq3A_91 = arith.cmpi eq, %scan3A_45, %eq3A_90 : i32
      %dma_wait3A_92 = arith.constant 0 : i32
      %dma_wait3A_93 = tpu.memref_slice %arg2[%mul3A_2, %dma_wait3A_92] : memref<8192x4096xf32, #tpu.memory_space<hbm>> -> memref<8x4096xf32, #tpu.memory_space<hbm>>
      %dma_wait3A_94 = arith.constant 0 : i32
      %dma_wait3A_95 = tpu.memref_slice %arg2[%mul3A_2, %dma_wait3A_94] : memref<8192x4096xf32, #tpu.memory_space<hbm>> -> memref<8x4096xf32, #tpu.memory_space<hbm>>
      tpu.wait_dma2 semaphore(%arg16 : memref<!tpu.dma_semaphore, #tpu.memory_space<semaphore_mem>>) src(%dma_wait3A_95 : memref<8x4096xf32, #tpu.memory_space<hbm>>) dst(%arg11 : memref<8x4096xf32, #tpu.memory_space<vmem>>)
      %not3A_96 = arith.constant true
      %not3A_97 = arith.xori %eq3A_91, %not3A_96 : i1
      %convert_element_type3A_98 = arith.extui %not3A_97 : i1 to i32
      %cond3A_99 = arith.constant 0 : i32
      %cond3A_100 = arith.cmpi ne, %convert_element_type3A_98, %cond3A_99 : i32
      scf.if %cond3A_100 {
        %dma_wait3A_132 = arith.constant 0 : i32
        %dma_wait3A_133 = tpu.memref_slice %arg6[%mul3A_2, %dma_wait3A_132] : memref<8192x4096xf32, #tpu.memory_space<hbm>> -> memref<8x2048xf32, #tpu.memory_space<hbm>>
        %dma_wait3A_134 = arith.constant 0 : i32
        %dma_wait3A_135 = tpu.memref_slice %arg6[%mul3A_2, %dma_wait3A_134] : memref<8192x4096xf32, #tpu.memory_space<hbm>> -> memref<8x2048xf32, #tpu.memory_space<hbm>>
        tpu.wait_dma2 semaphore(%arg18 : memref<!tpu.dma_semaphore, #tpu.memory_space<semaphore_mem>>) src(%arg13 : memref<8x2048xf32, #tpu.memory_space<vmem>>) dst(%dma_wait3A_135 : memref<8x2048xf32, #tpu.memory_space<hbm>>)
      } else {
      }
      %parallel_loop3A_101 = arith.constant 0 : i32
      %parallel_loop3A_102 = arith.constant 128 : i32
      %parallel_loop3A_103 = arith.constant 1 : i32
      scf.for %parallel_loop3A_132 = %parallel_loop3A_101 to %parallel_loop3A_102 step %parallel_loop3A_103  : i32 {
        %parallel_loop3A_133 = arith.constant 16 : i32
        %parallel_loop3A_134 = arith.muli %parallel_loop3A_132, %parallel_loop3A_133 : i32
        %parallel_loop3A_135 = arith.index_cast %parallel_loop3A_134 : i32 to index
        %parallel_loop3A_136 = tpu.vector_load %arg7[%parallel_loop3A_135] {strides = array<i32>} : memref<4096xi32, #tpu.memory_space<vmem>>, vector<16xi32>,
        %parallel_loop3A_137 = arith.constant -2147483648 : i32
        %parallel_loop3A_138 = vector.broadcast %parallel_loop3A_137 : i32 to vector<16xi32>
        %parallel_loop3A_139 = arith.andi %parallel_loop3A_136, %parallel_loop3A_138 : vector<16xi32>
        %parallel_loop3A_140 = arith.constant 4095 : i32
        %parallel_loop3A_141 = vector.broadcast %parallel_loop3A_140 : i32 to vector<16xi32>
        %parallel_loop3A_142 = arith.andi %parallel_loop3A_136, %parallel_loop3A_141 : vector<16xi32>
        %parallel_loop3A_143 = arith.constant 16 : i32
        %parallel_loop3A_144 = arith.muli %parallel_loop3A_132, %parallel_loop3A_143 : i32
        %parallel_loop3A_145 = arith.constant 0 : i32
        %parallel_loop3A_146 = arith.subi %parallel_loop3A_144, %parallel_loop3A_145 : i32
        %parallel_loop3A_147 = tpu.vector_load_idx %arg11[%broadcast_in_dim3A_14, %parallel_loop3A_142] : memref<8x4096xf32, #tpu.memory_space<vmem>>[vector<16xi32>, vector<16xi32>], vector<16xf32>,
        %parallel_loop3A_148 = vector.bitcast %parallel_loop3A_147 : vector<16xf32> to vector<16xi32>
        %parallel_loop3A_149 = arith.xori %parallel_loop3A_148, %parallel_loop3A_139 : vector<16xi32>
        %parallel_loop3A_150 = vector.bitcast %parallel_loop3A_149 : vector<16xi32> to vector<16xf32>
        %parallel_loop3A_151 = arith.constant 0 : i32
        %parallel_loop3A_152 = arith.index_cast %parallel_loop3A_151 : i32 to index
        %parallel_loop3A_153 = arith.index_cast %parallel_loop3A_146 : i32 to index
        %parallel_loop3A_154 = tpu.vector_load %arg13[%parallel_loop3A_152, %parallel_loop3A_153] {strides = array<i32>} : memref<8x2048xf32, #tpu.memory_space<vmem>>, vector<16xf32>,
        tpu.vector_store %arg13[%parallel_loop3A_152, %parallel_loop3A_153], %parallel_loop3A_150 {strides = array<i32>} : memref<8x2048xf32, #tpu.memory_space<vmem>>, vector<16xf32>,
        %parallel_loop3A_155 = tpu.vector_load_idx %arg11[%broadcast_in_dim3A_16, %parallel_loop3A_142] : memref<8x4096xf32, #tpu.memory_space<vmem>>[vector<16xi32>, vector<16xi32>], vector<16xf32>,
        %parallel_loop3A_156 = vector.bitcast %parallel_loop3A_155 : vector<16xf32> to vector<16xi32>
        %parallel_loop3A_157 = arith.xori %parallel_loop3A_156, %parallel_loop3A_139 : vector<16xi32>
        %parallel_loop3A_158 = vector.bitcast %parallel_loop3A_157 : vector<16xi32> to vector<16xf32>
        %parallel_loop3A_159 = arith.constant 1 : i32
        %parallel_loop3A_160 = arith.index_cast %parallel_loop3A_159 : i32 to index
        %parallel_loop3A_161 = arith.index_cast %parallel_loop3A_146 : i32 to index
        %parallel_loop3A_162 = tpu.vector_load %arg13[%parallel_loop3A_160, %parallel_loop3A_161] {strides = array<i32>} : memref<8x2048xf32, #tpu.memory_space<vmem>>, vector<16xf32>,
        tpu.vector_store %arg13[%parallel_loop3A_160, %parallel_loop3A_161], %parallel_loop3A_158 {strides = array<i32>} : memref<8x2048xf32, #tpu.memory_space<vmem>>, vector<16xf32>,
        %parallel_loop3A_163 = tpu.vector_load_idx %arg11[%broadcast_in_dim3A_18, %parallel_loop3A_142] : memref<8x4096xf32, #tpu.memory_space<vmem>>[vector<16xi32>, vector<16xi32>], vector<16xf32>,
        %parallel_loop3A_164 = vector.bitcast %parallel_loop3A_163 : vector<16xf32> to vector<16xi32>
        %parallel_loop3A_165 = arith.xori %parallel_loop3A_164, %parallel_loop3A_139 : vector<16xi32>
        %parallel_loop3A_166 = vector.bitcast %parallel_loop3A_165 : vector<16xi32> to vector<16xf32>
        %parallel_loop3A_167 = arith.constant 2 : i32
        %parallel_loop3A_168 = arith.index_cast %parallel_loop3A_167 : i32 to index
        %parallel_loop3A_169 = arith.index_cast %parallel_loop3A_146 : i32 to index
        %parallel_loop3A_170 = tpu.vector_load %arg13[%parallel_loop3A_168, %parallel_loop3A_169] {strides = array<i32>} : memref<8x2048xf32, #tpu.memory_space<vmem>>, vector<16xf32>,
        tpu.vector_store %arg13[%parallel_loop3A_168, %parallel_loop3A_169], %parallel_loop3A_166 {strides = array<i32>} : memref<8x2048xf32, #tpu.memory_space<vmem>>, vector<16xf32>,
        %parallel_loop3A_171 = tpu.vector_load_idx %arg11[%broadcast_in_dim3A_20, %parallel_loop3A_142] : memref<8x4096xf32, #tpu.memory_space<vmem>>[vector<16xi32>, vector<16xi32>], vector<16xf32>,
        %parallel_loop3A_172 = vector.bitcast %parallel_loop3A_171 : vector<16xf32> to vector<16xi32>
        %parallel_loop3A_173 = arith.xori %parallel_loop3A_172, %parallel_loop3A_139 : vector<16xi32>
        %parallel_loop3A_174 = vector.bitcast %parallel_loop3A_173 : vector<16xi32> to vector<16xf32>
        %parallel_loop3A_175 = arith.constant 3 : i32
        %parallel_loop3A_176 = arith.index_cast %parallel_loop3A_175 : i32 to index
        %parallel_loop3A_177 = arith.index_cast %parallel_loop3A_146 : i32 to index
        %parallel_loop3A_178 = tpu.vector_load %arg13[%parallel_loop3A_176, %parallel_loop3A_177] {strides = array<i32>} : memref<8x2048xf32, #tpu.memory_space<vmem>>, vector<16xf32>,
        tpu.vector_store %arg13[%parallel_loop3A_176, %parallel_loop3A_177], %parallel_loop3A_174 {strides = array<i32>} : memref<8x2048xf32, #tpu.memory_space<vmem>>, vector<16xf32>,
        %parallel_loop3A_179 = tpu.vector_load_idx %arg11[%broadcast_in_dim3A_22, %parallel_loop3A_142] : memref<8x4096xf32, #tpu.memory_space<vmem>>[vector<16xi32>, vector<16xi32>], vector<16xf32>,
        %parallel_loop3A_180 = vector.bitcast %parallel_loop3A_179 : vector<16xf32> to vector<16xi32>
        %parallel_loop3A_181 = arith.xori %parallel_loop3A_180, %parallel_loop3A_139 : vector<16xi32>
        %parallel_loop3A_182 = vector.bitcast %parallel_loop3A_181 : vector<16xi32> to vector<16xf32>
        %parallel_loop3A_183 = arith.constant 4 : i32
        %parallel_loop3A_184 = arith.index_cast %parallel_loop3A_183 : i32 to index
        %parallel_loop3A_185 = arith.index_cast %parallel_loop3A_146 : i32 to index
        %parallel_loop3A_186 = tpu.vector_load %arg13[%parallel_loop3A_184, %parallel_loop3A_185] {strides = array<i32>} : memref<8x2048xf32, #tpu.memory_space<vmem>>, vector<16xf32>,
        tpu.vector_store %arg13[%parallel_loop3A_184, %parallel_loop3A_185], %parallel_loop3A_182 {strides = array<i32>} : memref<8x2048xf32, #tpu.memory_space<vmem>>, vector<16xf32>,
        %parallel_loop3A_187 = tpu.vector_load_idx %arg11[%broadcast_in_dim3A_24, %parallel_loop3A_142] : memref<8x4096xf32, #tpu.memory_space<vmem>>[vector<16xi32>, vector<16xi32>], vector<16xf32>,
        %parallel_loop3A_188 = vector.bitcast %parallel_loop3A_187 : vector<16xf32> to vector<16xi32>
        %parallel_loop3A_189 = arith.xori %parallel_loop3A_188, %parallel_loop3A_139 : vector<16xi32>
        %parallel_loop3A_190 = vector.bitcast %parallel_loop3A_189 : vector<16xi32> to vector<16xf32>
        %parallel_loop3A_191 = arith.constant 5 : i32
        %parallel_loop3A_192 = arith.index_cast %parallel_loop3A_191 : i32 to index
        %parallel_loop3A_193 = arith.index_cast %parallel_loop3A_146 : i32 to index
        %parallel_loop3A_194 = tpu.vector_load %arg13[%parallel_loop3A_192, %parallel_loop3A_193] {strides = array<i32>} : memref<8x2048xf32, #tpu.memory_space<vmem>>, vector<16xf32>,
        tpu.vector_store %arg13[%parallel_loop3A_192, %parallel_loop3A_193], %parallel_loop3A_190 {strides = array<i32>} : memref<8x2048xf32, #tpu.memory_space<vmem>>, vector<16xf32>,
        %parallel_loop3A_195 = tpu.vector_load_idx %arg11[%broadcast_in_dim3A_26, %parallel_loop3A_142] : memref<8x4096xf32, #tpu.memory_space<vmem>>[vector<16xi32>, vector<16xi32>], vector<16xf32>,
        %parallel_loop3A_196 = vector.bitcast %parallel_loop3A_195 : vector<16xf32> to vector<16xi32>
        %parallel_loop3A_197 = arith.xori %parallel_loop3A_196, %parallel_loop3A_139 : vector<16xi32>
        %parallel_loop3A_198 = vector.bitcast %parallel_loop3A_197 : vector<16xi32> to vector<16xf32>
        %parallel_loop3A_199 = arith.constant 6 : i32
        %parallel_loop3A_200 = arith.index_cast %parallel_loop3A_199 : i32 to index
        %parallel_loop3A_201 = arith.index_cast %parallel_loop3A_146 : i32 to index
        %parallel_loop3A_202 = tpu.vector_load %arg13[%parallel_loop3A_200, %parallel_loop3A_201] {strides = array<i32>} : memref<8x2048xf32, #tpu.memory_space<vmem>>, vector<16xf32>,
        tpu.vector_store %arg13[%parallel_loop3A_200, %parallel_loop3A_201], %parallel_loop3A_198 {strides = array<i32>} : memref<8x2048xf32, #tpu.memory_space<vmem>>, vector<16xf32>,
        %parallel_loop3A_203 = tpu.vector_load_idx %arg11[%broadcast_in_dim3A_28, %parallel_loop3A_142] : memref<8x4096xf32, #tpu.memory_space<vmem>>[vector<16xi32>, vector<16xi32>], vector<16xf32>,
        %parallel_loop3A_204 = vector.bitcast %parallel_loop3A_203 : vector<16xf32> to vector<16xi32>
        %parallel_loop3A_205 = arith.xori %parallel_loop3A_204, %parallel_loop3A_139 : vector<16xi32>
        %parallel_loop3A_206 = vector.bitcast %parallel_loop3A_205 : vector<16xi32> to vector<16xf32>
        %parallel_loop3A_207 = arith.constant 7 : i32
        %parallel_loop3A_208 = arith.index_cast %parallel_loop3A_207 : i32 to index
        %parallel_loop3A_209 = arith.index_cast %parallel_loop3A_146 : i32 to index
        %parallel_loop3A_210 = tpu.vector_load %arg13[%parallel_loop3A_208, %parallel_loop3A_209] {strides = array<i32>} : memref<8x2048xf32, #tpu.memory_space<vmem>>, vector<16xf32>,
        tpu.vector_store %arg13[%parallel_loop3A_208, %parallel_loop3A_209], %parallel_loop3A_206 {strides = array<i32>} : memref<8x2048xf32, #tpu.memory_space<vmem>>, vector<16xf32>,
      } {sc.loop_unroll_factor = 8 : i64, sc.parallel_access}
      %mul3A_104 = arith.constant 8 : i32
      %mul3A_105 = arith.muli %add3A_89, %mul3A_104 : i32
      %add3A_106 = arith.addi %mul3A_2, %mul3A_105 : i32
      %dma_start3A_107 = arith.constant 0 : i32
      %dma_start3A_108 = tpu.memref_slice %arg6[%add3A_106, %dma_start3A_107] : memref<8192x4096xf32, #tpu.memory_space<hbm>> -> memref<8x2048xf32, #tpu.memory_space<hbm>>
      %dma_start3A_109 = arith.constant 0 : i32
      %dma_start3A_110 = tpu.memref_slice %arg6[%add3A_106, %dma_start3A_109] : memref<8192x4096xf32, #tpu.memory_space<hbm>> -> memref<8x2048xf32, #tpu.memory_space<hbm>>
      tpu.enqueue_dma source(%arg13 : memref<8x2048xf32, #tpu.memory_space<vmem>>) target(%dma_start3A_110 : memref<8x2048xf32, #tpu.memory_space<hbm>>) target_semaphore(%arg18 : memref<!tpu.dma_semaphore, #tpu.memory_space<semaphore_mem>>)
      %not3A_111 = arith.constant false
      %not3A_112 = arith.constant true
      %not3A_113 = arith.xori %not3A_111, %not3A_112 : i1
      %convert_element_type3A_114 = arith.extui %not3A_113 : i1 to i32
      %cond3A_115 = arith.constant 0 : i32
      %cond3A_116 = arith.cmpi ne, %convert_element_type3A_114, %cond3A_115 : i32
      scf.if %cond3A_116 {
        %dma_wait3A_132 = arith.constant 0 : i32
        %dma_wait3A_133 = tpu.memref_slice %arg6[%mul3A_2, %dma_wait3A_132] : memref<8192x4096xf32, #tpu.memory_space<hbm>> -> memref<8x2048xf32, #tpu.memory_space<hbm>>
        %dma_wait3A_134 = arith.constant 0 : i32
        %dma_wait3A_135 = tpu.memref_slice %arg6[%mul3A_2, %dma_wait3A_134] : memref<8192x4096xf32, #tpu.memory_space<hbm>> -> memref<8x2048xf32, #tpu.memory_space<hbm>>
        tpu.wait_dma2 semaphore(%arg19 : memref<!tpu.dma_semaphore, #tpu.memory_space<semaphore_mem>>) src(%arg14 : memref<8x2048xf32, #tpu.memory_space<vmem>>) dst(%dma_wait3A_135 : memref<8x2048xf32, #tpu.memory_space<hbm>>)
      } else {
      }
      %parallel_loop3A_117 = arith.constant 128 : i32
      %parallel_loop3A_118 = arith.constant 256 : i32
      %parallel_loop3A_119 = arith.constant 1 : i32
      scf.for %parallel_loop3A_132 = %parallel_loop3A_117 to %parallel_loop3A_118 step %parallel_loop3A_119  : i32 {
        %parallel_loop3A_133 = arith.constant 16 : i32
        %parallel_loop3A_134 = arith.muli %parallel_loop3A_132, %parallel_loop3A_133 : i32
        %parallel_loop3A_135 = arith.index_cast %parallel_loop3A_134 : i32 to index
        %parallel_loop3A_136 = tpu.vector_load %arg7[%parallel_loop3A_135] {strides = array<i32>} : memref<4096xi32, #tpu.memory_space<vmem>>, vector<16xi32>,
        %parallel_loop3A_137 = arith.constant -2147483648 : i32
        %parallel_loop3A_138 = vector.broadcast %parallel_loop3A_137 : i32 to vector<16xi32>
        %parallel_loop3A_139 = arith.andi %parallel_loop3A_136, %parallel_loop3A_138 : vector<16xi32>
        %parallel_loop3A_140 = arith.constant 4095 : i32
        %parallel_loop3A_141 = vector.broadcast %parallel_loop3A_140 : i32 to vector<16xi32>
        %parallel_loop3A_142 = arith.andi %parallel_loop3A_136, %parallel_loop3A_141 : vector<16xi32>
        %parallel_loop3A_143 = arith.constant 16 : i32
        %parallel_loop3A_144 = arith.muli %parallel_loop3A_132, %parallel_loop3A_143 : i32
        %parallel_loop3A_145 = arith.constant 2048 : i32
        %parallel_loop3A_146 = arith.subi %parallel_loop3A_144, %parallel_loop3A_145 : i32
        %parallel_loop3A_147 = tpu.vector_load_idx %arg11[%broadcast_in_dim3A_14, %parallel_loop3A_142] : memref<8x4096xf32, #tpu.memory_space<vmem>>[vector<16xi32>, vector<16xi32>], vector<16xf32>,
        %parallel_loop3A_148 = vector.bitcast %parallel_loop3A_147 : vector<16xf32> to vector<16xi32>
        %parallel_loop3A_149 = arith.xori %parallel_loop3A_148, %parallel_loop3A_139 : vector<16xi32>
        %parallel_loop3A_150 = vector.bitcast %parallel_loop3A_149 : vector<16xi32> to vector<16xf32>
        %parallel_loop3A_151 = arith.constant 0 : i32
        %parallel_loop3A_152 = arith.index_cast %parallel_loop3A_151 : i32 to index
        %parallel_loop3A_153 = arith.index_cast %parallel_loop3A_146 : i32 to index
        %parallel_loop3A_154 = tpu.vector_load %arg14[%parallel_loop3A_152, %parallel_loop3A_153] {strides = array<i32>} : memref<8x2048xf32, #tpu.memory_space<vmem>>, vector<16xf32>,
        tpu.vector_store %arg14[%parallel_loop3A_152, %parallel_loop3A_153], %parallel_loop3A_150 {strides = array<i32>} : memref<8x2048xf32, #tpu.memory_space<vmem>>, vector<16xf32>,
        %parallel_loop3A_155 = tpu.vector_load_idx %arg11[%broadcast_in_dim3A_16, %parallel_loop3A_142] : memref<8x4096xf32, #tpu.memory_space<vmem>>[vector<16xi32>, vector<16xi32>], vector<16xf32>,
        %parallel_loop3A_156 = vector.bitcast %parallel_loop3A_155 : vector<16xf32> to vector<16xi32>
        %parallel_loop3A_157 = arith.xori %parallel_loop3A_156, %parallel_loop3A_139 : vector<16xi32>
        %parallel_loop3A_158 = vector.bitcast %parallel_loop3A_157 : vector<16xi32> to vector<16xf32>
        %parallel_loop3A_159 = arith.constant 1 : i32
        %parallel_loop3A_160 = arith.index_cast %parallel_loop3A_159 : i32 to index
        %parallel_loop3A_161 = arith.index_cast %parallel_loop3A_146 : i32 to index
        %parallel_loop3A_162 = tpu.vector_load %arg14[%parallel_loop3A_160, %parallel_loop3A_161] {strides = array<i32>} : memref<8x2048xf32, #tpu.memory_space<vmem>>, vector<16xf32>,
        tpu.vector_store %arg14[%parallel_loop3A_160, %parallel_loop3A_161], %parallel_loop3A_158 {strides = array<i32>} : memref<8x2048xf32, #tpu.memory_space<vmem>>, vector<16xf32>,
        %parallel_loop3A_163 = tpu.vector_load_idx %arg11[%broadcast_in_dim3A_18, %parallel_loop3A_142] : memref<8x4096xf32, #tpu.memory_space<vmem>>[vector<16xi32>, vector<16xi32>], vector<16xf32>,
        %parallel_loop3A_164 = vector.bitcast %parallel_loop3A_163 : vector<16xf32> to vector<16xi32>
        %parallel_loop3A_165 = arith.xori %parallel_loop3A_164, %parallel_loop3A_139 : vector<16xi32>
        %parallel_loop3A_166 = vector.bitcast %parallel_loop3A_165 : vector<16xi32> to vector<16xf32>
        %parallel_loop3A_167 = arith.constant 2 : i32
        %parallel_loop3A_168 = arith.index_cast %parallel_loop3A_167 : i32 to index
        %parallel_loop3A_169 = arith.index_cast %parallel_loop3A_146 : i32 to index
        %parallel_loop3A_170 = tpu.vector_load %arg14[%parallel_loop3A_168, %parallel_loop3A_169] {strides = array<i32>} : memref<8x2048xf32, #tpu.memory_space<vmem>>, vector<16xf32>,
        tpu.vector_store %arg14[%parallel_loop3A_168, %parallel_loop3A_169], %parallel_loop3A_166 {strides = array<i32>} : memref<8x2048xf32, #tpu.memory_space<vmem>>, vector<16xf32>,
        %parallel_loop3A_171 = tpu.vector_load_idx %arg11[%broadcast_in_dim3A_20, %parallel_loop3A_142] : memref<8x4096xf32, #tpu.memory_space<vmem>>[vector<16xi32>, vector<16xi32>], vector<16xf32>,
        %parallel_loop3A_172 = vector.bitcast %parallel_loop3A_171 : vector<16xf32> to vector<16xi32>
        %parallel_loop3A_173 = arith.xori %parallel_loop3A_172, %parallel_loop3A_139 : vector<16xi32>
        %parallel_loop3A_174 = vector.bitcast %parallel_loop3A_173 : vector<16xi32> to vector<16xf32>
        %parallel_loop3A_175 = arith.constant 3 : i32
        %parallel_loop3A_176 = arith.index_cast %parallel_loop3A_175 : i32 to index
        %parallel_loop3A_177 = arith.index_cast %parallel_loop3A_146 : i32 to index
        %parallel_loop3A_178 = tpu.vector_load %arg14[%parallel_loop3A_176, %parallel_loop3A_177] {strides = array<i32>} : memref<8x2048xf32, #tpu.memory_space<vmem>>, vector<16xf32>,
        tpu.vector_store %arg14[%parallel_loop3A_176, %parallel_loop3A_177], %parallel_loop3A_174 {strides = array<i32>} : memref<8x2048xf32, #tpu.memory_space<vmem>>, vector<16xf32>,
        %parallel_loop3A_179 = tpu.vector_load_idx %arg11[%broadcast_in_dim3A_22, %parallel_loop3A_142] : memref<8x4096xf32, #tpu.memory_space<vmem>>[vector<16xi32>, vector<16xi32>], vector<16xf32>,
        %parallel_loop3A_180 = vector.bitcast %parallel_loop3A_179 : vector<16xf32> to vector<16xi32>
        %parallel_loop3A_181 = arith.xori %parallel_loop3A_180, %parallel_loop3A_139 : vector<16xi32>
        %parallel_loop3A_182 = vector.bitcast %parallel_loop3A_181 : vector<16xi32> to vector<16xf32>
        %parallel_loop3A_183 = arith.constant 4 : i32
        %parallel_loop3A_184 = arith.index_cast %parallel_loop3A_183 : i32 to index
        %parallel_loop3A_185 = arith.index_cast %parallel_loop3A_146 : i32 to index
        %parallel_loop3A_186 = tpu.vector_load %arg14[%parallel_loop3A_184, %parallel_loop3A_185] {strides = array<i32>} : memref<8x2048xf32, #tpu.memory_space<vmem>>, vector<16xf32>,
        tpu.vector_store %arg14[%parallel_loop3A_184, %parallel_loop3A_185], %parallel_loop3A_182 {strides = array<i32>} : memref<8x2048xf32, #tpu.memory_space<vmem>>, vector<16xf32>,
        %parallel_loop3A_187 = tpu.vector_load_idx %arg11[%broadcast_in_dim3A_24, %parallel_loop3A_142] : memref<8x4096xf32, #tpu.memory_space<vmem>>[vector<16xi32>, vector<16xi32>], vector<16xf32>,
        %parallel_loop3A_188 = vector.bitcast %parallel_loop3A_187 : vector<16xf32> to vector<16xi32>
        %parallel_loop3A_189 = arith.xori %parallel_loop3A_188, %parallel_loop3A_139 : vector<16xi32>
        %parallel_loop3A_190 = vector.bitcast %parallel_loop3A_189 : vector<16xi32> to vector<16xf32>
        %parallel_loop3A_191 = arith.constant 5 : i32
        %parallel_loop3A_192 = arith.index_cast %parallel_loop3A_191 : i32 to index
        %parallel_loop3A_193 = arith.index_cast %parallel_loop3A_146 : i32 to index
        %parallel_loop3A_194 = tpu.vector_load %arg14[%parallel_loop3A_192, %parallel_loop3A_193] {strides = array<i32>} : memref<8x2048xf32, #tpu.memory_space<vmem>>, vector<16xf32>,
        tpu.vector_store %arg14[%parallel_loop3A_192, %parallel_loop3A_193], %parallel_loop3A_190 {strides = array<i32>} : memref<8x2048xf32, #tpu.memory_space<vmem>>, vector<16xf32>,
        %parallel_loop3A_195 = tpu.vector_load_idx %arg11[%broadcast_in_dim3A_26, %parallel_loop3A_142] : memref<8x4096xf32, #tpu.memory_space<vmem>>[vector<16xi32>, vector<16xi32>], vector<16xf32>,
        %parallel_loop3A_196 = vector.bitcast %parallel_loop3A_195 : vector<16xf32> to vector<16xi32>
        %parallel_loop3A_197 = arith.xori %parallel_loop3A_196, %parallel_loop3A_139 : vector<16xi32>
        %parallel_loop3A_198 = vector.bitcast %parallel_loop3A_197 : vector<16xi32> to vector<16xf32>
        %parallel_loop3A_199 = arith.constant 6 : i32
        %parallel_loop3A_200 = arith.index_cast %parallel_loop3A_199 : i32 to index
        %parallel_loop3A_201 = arith.index_cast %parallel_loop3A_146 : i32 to index
        %parallel_loop3A_202 = tpu.vector_load %arg14[%parallel_loop3A_200, %parallel_loop3A_201] {strides = array<i32>} : memref<8x2048xf32, #tpu.memory_space<vmem>>, vector<16xf32>,
        tpu.vector_store %arg14[%parallel_loop3A_200, %parallel_loop3A_201], %parallel_loop3A_198 {strides = array<i32>} : memref<8x2048xf32, #tpu.memory_space<vmem>>, vector<16xf32>,
        %parallel_loop3A_203 = tpu.vector_load_idx %arg11[%broadcast_in_dim3A_28, %parallel_loop3A_142] : memref<8x4096xf32, #tpu.memory_space<vmem>>[vector<16xi32>, vector<16xi32>], vector<16xf32>,
        %parallel_loop3A_204 = vector.bitcast %parallel_loop3A_203 : vector<16xf32> to vector<16xi32>
        %parallel_loop3A_205 = arith.xori %parallel_loop3A_204, %parallel_loop3A_139 : vector<16xi32>
        %parallel_loop3A_206 = vector.bitcast %parallel_loop3A_205 : vector<16xi32> to vector<16xf32>
        %parallel_loop3A_207 = arith.constant 7 : i32
        %parallel_loop3A_208 = arith.index_cast %parallel_loop3A_207 : i32 to index
        %parallel_loop3A_209 = arith.index_cast %parallel_loop3A_146 : i32 to index
        %parallel_loop3A_210 = tpu.vector_load %arg14[%parallel_loop3A_208, %parallel_loop3A_209] {strides = array<i32>} : memref<8x2048xf32, #tpu.memory_space<vmem>>, vector<16xf32>,
        tpu.vector_store %arg14[%parallel_loop3A_208, %parallel_loop3A_209], %parallel_loop3A_206 {strides = array<i32>} : memref<8x2048xf32, #tpu.memory_space<vmem>>, vector<16xf32>,
      } {sc.loop_unroll_factor = 8 : i64, sc.parallel_access}
      %mul3A_120 = arith.constant 8 : i32
      %mul3A_121 = arith.muli %add3A_89, %mul3A_120 : i32
      %add3A_122 = arith.addi %mul3A_2, %mul3A_121 : i32
      %dma_start3A_123 = arith.constant 2048 : i32
      %dma_start3A_124 = tpu.memref_slice %arg6[%add3A_122, %dma_start3A_123] : memref<8192x4096xf32, #tpu.memory_space<hbm>> -> memref<8x2048xf32, #tpu.memory_space<hbm>>
      %dma_start3A_125 = arith.constant 2048 : i32
      %dma_start3A_126 = tpu.memref_slice %arg6[%add3A_122, %dma_start3A_125] : memref<8192x4096xf32, #tpu.memory_space<hbm>> -> memref<8x2048xf32, #tpu.memory_space<hbm>>
      tpu.enqueue_dma source(%arg14 : memref<8x2048xf32, #tpu.memory_space<vmem>>) target(%dma_start3A_126 : memref<8x2048xf32, #tpu.memory_space<hbm>>) target_semaphore(%arg19 : memref<!tpu.dma_semaphore, #tpu.memory_space<semaphore_mem>>)
      %lt3A_127 = arith.constant 15 : i32
      %lt3A_128 = arith.cmpi slt, %scan3A_45, %lt3A_127 : i32
      %convert_element_type3A_129 = arith.extui %lt3A_128 : i1 to i32
      %cond3A_130 = arith.constant 0 : i32
      %cond3A_131 = arith.cmpi ne, %convert_element_type3A_129, %cond3A_130 : i32
      scf.if %cond3A_131 {
        %mul3A_132 = arith.constant 2 : i32
        %mul3A_133 = arith.muli %mul3A_132, %scan3A_45 : i32
        %add3A_134 = arith.constant 3 : i32
        %add3A_135 = arith.addi %mul3A_133, %add3A_134 : i32
        %mul3A_136 = arith.constant 8 : i32
        %mul3A_137 = arith.muli %add3A_135, %mul3A_136 : i32
        %add3A_138 = arith.addi %mul3A_2, %mul3A_137 : i32
        %dma_start3A_139 = arith.constant 0 : i32
        %dma_start3A_140 = tpu.memref_slice %arg2[%add3A_138, %dma_start3A_139] : memref<8192x4096xf32, #tpu.memory_space<hbm>> -> memref<8x4096xf32, #tpu.memory_space<hbm>>
        %dma_start3A_141 = arith.constant 0 : i32
        %dma_start3A_142 = tpu.memref_slice %arg2[%add3A_138, %dma_start3A_141] : memref<8192x4096xf32, #tpu.memory_space<hbm>> -> memref<8x4096xf32, #tpu.memory_space<hbm>>
        tpu.enqueue_dma source(%dma_start3A_142 : memref<8x4096xf32, #tpu.memory_space<hbm>>) target(%arg11 : memref<8x4096xf32, #tpu.memory_space<vmem>>) target_semaphore(%arg16 : memref<!tpu.dma_semaphore, #tpu.memory_space<semaphore_mem>>)
      } else {
      }
    }
    %scan3A_33 = arith.constant 16 : i32
    %dma_wait3A = arith.constant 0 : i32
    %dma_wait3A_34 = tpu.memref_slice %arg6[%mul3A_2, %dma_wait3A] : memref<8192x4096xf32, #tpu.memory_space<hbm>> -> memref<8x2048xf32, #tpu.memory_space<hbm>>
    %dma_wait3A_35 = arith.constant 0 : i32
    %dma_wait3A_36 = tpu.memref_slice %arg6[%mul3A_2, %dma_wait3A_35] : memref<8192x4096xf32, #tpu.memory_space<hbm>> -> memref<8x2048xf32, #tpu.memory_space<hbm>>
    tpu.wait_dma2 semaphore(%arg17 : memref<!tpu.dma_semaphore, #tpu.memory_space<semaphore_mem>>) src(%arg12 : memref<8x2048xf32, #tpu.memory_space<vmem>>) dst(%dma_wait3A_36 : memref<8x2048xf32, #tpu.memory_space<hbm>>)
    %dma_wait3A_37 = arith.constant 0 : i32
    %dma_wait3A_38 = tpu.memref_slice %arg6[%mul3A_2, %dma_wait3A_37] : memref<8192x4096xf32, #tpu.memory_space<hbm>> -> memref<8x2048xf32, #tpu.memory_space<hbm>>
    %dma_wait3A_39 = arith.constant 0 : i32
    %dma_wait3A_40 = tpu.memref_slice %arg6[%mul3A_2, %dma_wait3A_39] : memref<8192x4096xf32, #tpu.memory_space<hbm>> -> memref<8x2048xf32, #tpu.memory_space<hbm>>
    tpu.wait_dma2 semaphore(%arg18 : memref<!tpu.dma_semaphore, #tpu.memory_space<semaphore_mem>>) src(%arg13 : memref<8x2048xf32, #tpu.memory_space<vmem>>) dst(%dma_wait3A_40 : memref<8x2048xf32, #tpu.memory_space<hbm>>)
    %dma_wait3A_41 = arith.constant 0 : i32
    %dma_wait3A_42 = tpu.memref_slice %arg6[%mul3A_2, %dma_wait3A_41] : memref<8192x4096xf32, #tpu.memory_space<hbm>> -> memref<8x2048xf32, #tpu.memory_space<hbm>>
    %dma_wait3A_43 = arith.constant 0 : i32
    %dma_wait3A_44 = tpu.memref_slice %arg6[%mul3A_2, %dma_wait3A_43] : memref<8192x4096xf32, #tpu.memory_space<hbm>> -> memref<8x2048xf32, #tpu.memory_space<hbm>>
    tpu.wait_dma2 semaphore(%arg19 : memref<!tpu.dma_semaphore, #tpu.memory_space<semaphore_mem>>) src(%arg14 : memref<8x2048xf32, #tpu.memory_space<vmem>>) dst(%dma_wait3A_44 : memref<8x2048xf32, #tpu.memory_space<hbm>>)
    return
  }
}

</mosaic_0001>

<sc_bundles>
// kernel: kernel.3.cloned.1.call-start
scs
__scs_entry_jumppad:
0x0: {  	(pc) =	sbr.rel $0x88, $3  }
0x1: {  	(tag) =	ssettag $0x0;
	lr =	simm.s32 $0x1  }
0x2: {  	[smem:$0x3F9D] =	sst lr;
	_ =	strace $0xD0000000  }
0x3: {  	_ = 	snop  }
0x4: {  	_ = 	snop  }
0x5: {  	_ = 	snop  }
0x6: {  	_ = 	snop  }
0x7: {  	_ = 	snop  }
__scs_overlays_trampoline_lowered:
0x8: {  	[smem:$0x3FAC] =	sst s0  }
0x9: {  	[smem:$0x3FAD] =	sst s1  }
0xa: {  	[smem:$0x3FAE] =	sst s2  }
0xb: {  	[smem:$0x3FAF] =	sst s3  }
0xc: {  	[smem:$0x3FB0] =	sst s4  }
0xd: {  	[smem:$0x3FB1] =	sst s5  }
0xe: {  	[smem:$0x3FB2] =	sst s6  }
0xf: {  	[smem:$0x3FB3] =	sst s7  }
0x10: {  	[smem:$0x3FB4] =	sst s8  }
0x11: {  	[smem:$0x3FB5] =	sst s9;
	s0 =	simm.s32 @!p0 $0x0  }
0x12: {  	s1 =	sld [smem:$0x3F9B];
	s0 =	simm.s32 @p0 $0x1  }
0x13: {  	[smem:$0x3FB6] =	sst s0;
	s0 =	simm.s32 @!p1 $0x0  }
0x14: {  	s2 =	sld [smem:$0x3F9A];
	s0 =	simm.s32 @p1 $0x1  }
0x15: {  	[smem:$0x3FB7] =	sst s0;
	s0 =	simm.s32 @!p2 $0x0  }
0x16: {  	s3 =	sld [smem:$0x3FDB];
	s0 =	simm.s32 @p2 $0x1  }
0x17: {  	s4 =	simm.s32 $0x1BF5;
	[smem:$0x3FB9] =	sst s0  }
0x18: {  	s0 =	sld [smem:$0x3F9C];
	_ =	swait.ge [sflag:s4], $0x0  }
0x19: {  	s7 =	sld [smem:$0x3F9D]  }
0x1a: {  	s8 =	sadd.s32 $0xFFFFE003, lr  }
0x1b: {  	s9 =	sadd.s32 $0xFFFFFEF7, lr;
	s5 =	simm.s32 $0xFFFFFFFF;
	p2 =	slt.u32 s8, $0xFFFFF086  }
0x1c: {  	p1 =	slt.u32 s9, $0xF7A;
	s5 =	simm.s32 @!p2 $0x0  }
0x1d: {  	s5 =	simm.s32 @p1 $0x1;
	p0 =	seq.s32 s7, s2  }
0x1e: {  	s7 =	smul.u32 @!p0 $0xF7A, s2;
	p2 =	seq.s32 @!p0 s5, $0x0  }
0x1f: {  	s9 =	smul.u32 $0xF7A, s1;
	s8 =	simm.s32 @!p0 $0x1BF5;
	p2 =	por !p2, p0  }
0x20: {  	[sflag:s8] =	ssyncset.s32 @!p0 $0xFFFFF086;
	s6 =	sadd.s32 @!p0 s3, s7;
	s7 =	simm.s32 @!p0 $0x108  }
0x21: {  	s3 =	sadd.s32 s3, s9;
	s6 =	sadd.s32 @!p0 $0x88, s6;
	s7 =	simm.s32 @p2 $0x1082  }
0x22: {  	[simem:s7], [sflag:s8] =	dma.local @!p0 [hbm:s6], $0xF7A  }
0x23: {  	s9 =	sor.u32 $0xD0000000, s2;
	s6 =	simm.s32 $0x108;
	_ =	swait.ge @!p0 [sflag:s8], $0x0  }
0x24: {  	s3 =	sadd.s32 $0x88, s3;
	s6 =	simm.s32 @!p1 $0x1082;
	[sflag:s4] =	ssyncset.s32 $0xFFFFF086  }
0x25: {  	[simem:s6], [sflag:s4] =	dma.local [hbm:s3], $0xF7A  }
0x26: {  	[smem:$0x3F9D] =	sst s1;
	(tag) =	ssettag s2;
	_ =	strace s9  }
0x27: {  	s1 =	sld [smem:$0x3FAD]  }
0x28: {  	s2 =	sld [smem:$0x3FAE]  }
0x29: {  	s4 =	sld [smem:$0x3FB0]  }
0x2a: {  	p0 =	seq.s32 s5, $0x0;
	s5 =	sld [smem:$0x3FB1]  }
0x2b: {  	s6 =	sld [smem:$0x3FB2]  }
0x2c: {  	s7 =	sld [smem:$0x3FB3]  }
0x2d: {  	s3 =	simm.s32 $0x108;
	s8 =	sld [smem:$0x3FB4]  }
0x2e: {  	s3 =	simm.s32 @!p0 $0x1082;
	s9 =	sld [smem:$0x3FB5]  }
0x2f: {  	lr =	sadd.s32 s0, s3;
	s0 =	sld [smem:$0x3FAC]  }
0x30: {  	s3 =	sld [smem:$0x3FAF]  }
0x31: {  	[smem:$0x3FB8] =	sst s10  }
0x32: {  	s10 =	sld [smem:$0x3FB6];
	_ =	sdelay $0x3  }
0x33: {  	p0 =	seq.s32 s10, $0x1;
	s10 =	sld [smem:$0x3FB8];
	_ =	sdelay $0x3  }
0x34: {  	[smem:$0x3FB8] =	sst s10  }
0x35: {  	s10 =	sld [smem:$0x3FB7];
	_ =	sdelay $0x3  }
0x36: {  	p1 =	seq.s32 s10, $0x1;
	s10 =	sld [smem:$0x3FB8];
	_ =	sdelay $0x3  }
0x37: {  	[smem:$0x3FB8] =	sst s10  }
0x38: {  	s10 =	sld [smem:$0x3FB9]  }
0x39: {  	_ = 	snop;
	(pc) =	sbr.ind lr, $3  }
0x3a: {  	_ = 	snop  }
0x3b: {  	_ = 	snop  }
0x3c: {  	p2 =	seq.s32 s10, $0x1;
	s10 =	sld [smem:$0x3FB8]  }
0x3d: {  	_ =	shalt  }
0x3e: {  	_ =	shalt  }
0x3f: {  	_ =	shalt  }
0x40: {  	_ =	shalt  }
0x41: {  	_ =	shalt  }
0x42: {  	_ =	shalt  }
0x43: {  	_ =	shalt  }
0x44: {  	_ =	shalt  }
0x45: {  	_ =	shalt  }
0x46: {  	_ =	shalt  }
0x47: {  	_ =	shalt  }
0x48: {  	_ =	shalt  }
0x49: {  	_ =	shalt  }
0x4a: {  	_ =	shalt  }
0x4b: {  	_ =	shalt  }
0x4c: {  	_ =	shalt  }
0x4d: {  	_ =	shalt  }
0x4e: {  	_ =	shalt  }
0x4f: {  	_ =	shalt  }
0x50: {  	_ =	shalt  }
0x51: {  	_ =	shalt  }
0x52: {  	_ =	shalt  }
0x53: {  	_ =	shalt  }
0x54: {  	_ =	shalt  }
0x55: {  	_ =	shalt  }
0x56: {  	_ =	shalt  }
0x57: {  	_ =	shalt  }
0x58: {  	_ =	shalt  }
0x59: {  	_ =	shalt  }
0x5a: {  	_ =	shalt  }
0x5b: {  	_ =	shalt  }
0x5c: {  	_ =	shalt  }
0x5d: {  	_ =	shalt  }
0x5e: {  	_ =	shalt  }
0x5f: {  	_ =	shalt  }
0x60: {  	_ =	shalt  }
0x61: {  	_ =	shalt  }
0x62: {  	_ =	shalt  }
0x63: {  	_ =	shalt  }
0x64: {  	_ =	shalt  }
0x65: {  	_ =	shalt  }
0x66: {  	_ =	shalt  }
0x67: {  	_ =	shalt  }
0x68: {  	_ =	shalt  }
0x69: {  	_ =	shalt  }
0x6a: {  	_ =	shalt  }
0x6b: {  	_ =	shalt  }
0x6c: {  	_ =	shalt  }
0x6d: {  	_ =	shalt  }
0x6e: {  	_ =	shalt  }
0x6f: {  	_ =	shalt  }
0x70: {  	_ =	shalt  }
0x71: {  	_ =	shalt  }
0x72: {  	_ =	shalt  }
0x73: {  	_ =	shalt  }
0x74: {  	_ =	shalt  }
0x75: {  	_ =	shalt  }
0x76: {  	_ =	shalt  }
0x77: {  	_ =	shalt  }
0x78: {  	_ =	shalt  }
0x79: {  	_ =	shalt  }
0x7a: {  	_ =	shalt  }
0x7b: {  	_ =	shalt  }
0x7c: {  	_ =	shalt  }
0x7d: {  	_ =	shalt  }
0x7e: {  	_ =	shalt  }
0x7f: {  	_ =	shalt  }
0x80: {  	_ =	shalt  }
0x81: {  	_ =	shalt  }
0x82: {  	_ =	shalt  }
0x83: {  	_ =	shalt  }
0x84: {  	_ =	shalt  }
0x85: {  	_ =	shalt  }
0x86: {  	_ =	shalt  }
0x87: {  	_ =	shalt  }
.Lfunc_end0:
.L_simem_size_0:
called_computation_lowered:
.L_overlay_start_0:
0x88: {  	s2 =	sld [smem:$0x3FD9]  }
0x89: {  	s3 =	sld [smem:$0x3FFE];
	_ =	sdelay $0x1  }
0x8a: {  	s1 =	srdreg.scid  }
0x8b: {  	s0 =	sand.u32 $0x1, s1  }
0x8c: {  	s18 =	sshll.u32 s0, $0xA;
	s2 =	sadd.s32 s3, s2  }
0x8d: {  	s2 =	sadd.s32 s2, s18  }
0x8e: {  	[smem:$0x3FC4] =	sst s2  }
0x8f: {  	_ = 	snop  }
0x90: {  	s2 =	sld [smem:$0x3FC9]  }
0x91: {  	s19 =	sld [smem:$0x3FC8]  }
0x92: {  	s4 =	sld [smem:$0x3FC7]  }
0x93: {  	s5 =	sld [smem:$0x3FC6]  }
0x94: {  	s6 =	sld [smem:$0x3FD0];
	(tm) =	ssettm $0x1  }
0x95: {  	s7 =	sld [smem:$0x3FFB];
	_ =	sdelay $0x3  }
0x96: {  	_ =	strace s7  }
0x97: {  	s7 =	sld [smem:$0x3FFC];
	_ =	sdelay $0x3  }
0x98: {  	_ =	strace s7  }
0x99: {  	s7 =	sld [smem:$0x3FFD];
	_ =	sdelay $0x3  }
0x9a: {  	_ =	strace s7  }
0x9b: {  	_ =	strace $0x8FFFFFFF  }
0x9c: {  	s20 =	sld [smem:$0x3FDB];
	_ =	sdelay $0x1  }
0x9d: {  	s8 =	simm.s32 $_scs_section_size  }
0x9e: {  	s9 =	simm.s32 $_size__tile_overlayer_lowered;
	s10 =	simm.s32 $_tile_overlayer_lowered  }
0x9f: {  	s23 =	simm.s32 $0x1BFF;
	s22 =	sshll.u32 s10, $0x1;
	s7 =	sadd.s32 s8, s20  }
0xa0: {  	s11 =	simm.s32 $0x0;
	s21 =	sshll.u32 s9, $0x1;
	s9 =	sadd.s32 s22, s7  }
0xa1: {  	[timem:s11], [sflag:s23] =	dma.local [hbm:s9], s21  }
0xa2: {  	_ =	swait.ge [sflag:s23], s21  }
0xa3: {  	s8 =	ssub.s32 $0x0, s21;
	[sflag:s23] =	ssyncset.done $0x0  }
0xa4: {  	[sflag:s23] =	ssyncadd.s32 s8;
	_ =	sdelay $0x1  }
0xa5: {  	s24 =	simm.s32 $0x1B8B  }
0xa6: {  	_ =	swait.ge [sflag:s24], $0x1  }
0xa7: {  	[sflag:s24] =	ssyncset.done $0x0  }
0xa8: {  	s25 =	simm.s32 $0x1B8E;
	[sflag:s24] =	ssyncadd.s32 $0xFFFFFFFF  }
0xa9: {  	s26 =	simm.s32 $execute0_lowered;
	[smem:$0x3FD2] =	sst s25  }
0xaa: {  	s8 =	sshll.u32 s26, $0x1;
	_ =	strace $0x80000046;
	[dreg:$0x1] =	wrdreg $0xFFFFFFFF  }
0xab: {  	s28 =	simm.s32 $_size_execute0_lowered;
	s7 =	sadd.s32 s7, s8;
	[dreg:$0x0] =	wrdreg $0x0  }
0xac: {  	s8 =	sshll.u32 s28, $0x1;
	[dreg:$0x2] =	wrdreg s7  }
0xad: {  	[dreg:$0x3] =	wrdreg s8  }
0xae: {  	[dreg:$0x4] =	wrdreg $0xC0  }
0xaf: {  	_ =	task [dreg:s11], $0x5FFFF  }
0xb0: {  	[dreg:$0x1] =	wrdreg $0xFFFFFFFF  }
0xb1: {  	[dreg:$0x0] =	wrdreg $0x60  }
0xb2: {  	[dreg:$0x2] =	wrdreg s2  }
0xb3: {  	[dreg:$0x3] =	wrdreg s19  }
0xb4: {  	[dreg:$0x4] =	wrdreg s4  }
0xb5: {  	[dreg:$0x5] =	wrdreg s5  }
0xb6: {  	[dreg:$0x6] =	wrdreg s6  }
0xb7: {  	[dreg:$0x7] =	wrdreg $0x9  }
0xb8: {  	_ =	task.clear_ibuf [dreg:s11], $0x8FFFF;
	_ =	strace $0x90000046  }
0xb9: {  	s29 =	simm.s32 $0x9;
	_ =	strace $0x80000048  }
0xba: {  	_ =	swait.ge [sflag:s29], $0x1  }
0xbb: {  	[sflag:s29] =	ssyncadd.s32 $0xFFFFFFFF  }
0xbc: {  	_ =	strace $0x90000048  }
0xbd: {  	_ =	sfence  }
0xbe: {  	s30 =	sld [smem:$0x0];
	_ =	sdelay $0x2  }
0xbf: {  	s31 =	sshll.u32 s1, $0xD;
	s1 =	sshrl.u32 s1, $0x2  }
0xc0: {  	s3 =	sand.u32 $0x4000, s31;
	s1 =	sadd.s32 s1, s30  }
0xc1: {  	s0 =	sor.u32 s3, s0;
	s1 =	sshll.u32 s1, $0x11  }
0xc2: {  	s0 =	sor.u32 s1, s0  }
0xc3: {  	s0 =	sadd.s32 $0x8F2B, s0  }
0xc4: {  	[sflag:s0] =	ssyncadd.remote.s32 $0x1  }
0xc5: {  	_ =	sfence.sel $0xFFFF  }
0xc6: {  	[dreg:$0x0] =	wrdreg $0xFFFFFFFF;
	(pc) =	sbr.abs _section_cstart, $3  }
0xc7: {  	[dreg:$0x1] =	wrdreg $0xFFFFFFFF  }
0xc8: {  	_ =	task.clear_ibuf [dreg:s11], $0x2FFFF;
	_ =	strace $0x9FFFFFFF  }
0xc9: {  	(tm) =	ssettm $0x7FFFFFFF  }
tec
execute0_lowered:
.L_overlay_start_1:
0x0: {  	(tag) =	ssettag $0x1  }
0x1: {  	s0 =	rddreg [dreg:$0x0]  }
0x2: {  	s1 =	srdreg.scid;
	s2 =	stileid.u32  }
0x3: {  	s6 =	rddreg [dreg:$0x4];
	s8 =	simm.s32 $0x0;
	s16 =	simm.s32 $0x3000  }
0x4: {  	s17 =	simm.s32 $0xB000;
	s18 =	simm.s32 $0x6;
	s19 =	simm.s32 $0x1000  }
0x5: {  	s21 =	simm.s32 $0x1;
	s22 =	simm.s32 $0x13000;
	s23 =	simm.s32 $0x1B000  }
0x6: {  	s24 =	simm.s32 $0x2;
	s25 =	simm.s32 $0x17000;
	s28 =	simm.s32 $0x3  }
0x7: {  	s29 =	simm.s32 $0x4;
	s30 =	simm.s32 $0x0;
	s1 =	sand.u32 $0x1, s1  }
0x8: {  	s2 =	sshll.u32 s2, $0x9;
	[smem:$0x7FF] =	sst s8;
	s3 =	sshll.u32 s1, $0x8  }
.Ltmp0:
0x9: {  	s1 =	ssub.s32 $0x2, s1;
	s7 =	sor.u32 s3, s2;
	(pc) =	sbr.rel .LBB2_1-.Ltmp0, $4  }
0xa: {  	s12 =	sadd.s32 $0x800, s6;
	s26 =	sshrl.u32 s1, $0x1;
	s9 =	sshll.u32 s7, $0x9  }
0xb: {  	_ =	strace $0x80000047;
	s1 =	ssub.s32 s1, s26;
	s10 =	sadd.s32 s0, s9  }
0xc: {  	s13 =	sor.u32 $0x18, s7;
	s26 =	simm.s32 $0x5;
	s31 =	sadd.s32 $0x1000, s10  }
0xd: {  	s14 =	smax.u32 s1, $0x1;
	s15 =	sadd.s32 $0x2000, s10;
	[dreg:$0x6] =	wrdreg s31  }
.LBB2_14:
0xe: {  	_ =	swait.ge [sflag:s28], $0x4000  }
0xf: {  	[sflag:s28] =	ssyncset.done $0x0  }
0x10: {  	s30 =	sadd.s32 $0x1, s30;
	[sflag:s28] =	ssyncadd.s32 $0xFFFFC000  }
0x11: {  	p0 =	sne.s32 s30, s14;
	_ =	swait.ge [sflag:s29], $0x4000  }
.Ltmp1:
0x12: {  	[sflag:s29] =	ssyncset.done $0x0;
	(pc) =	sbr.rel @!p0 .LBB2_15-.Ltmp1, $4  }
0x13: {  	[sflag:s29] =	ssyncadd.s32 $0xFFFFC000  }
0x14: {  	_ =	swait.ge [sflag:s26], $0x4000  }
0x15: {  	[sflag:s26] =	ssyncset.done $0x0  }
0x16: {  	[sflag:s26] =	ssyncadd.s32 $0xFFFFC000  }
.LBB2_1:
0x17: {  	[tilespmem:s16], [sflag:$0x1] =	stream.linear.gather [hbm4b:s10+s8], $0x8000, $0x38;
	[tilespmem:$0x1F000] =	vst v63  }
0x18: {  	s1 =	rddreg [dreg:$0x6]  }
0x19: {  	[tilespmem:s17], [sflag:$0x2] =	stream.linear.gather [hbm4b:s1+s8], $0x8000, $0x38;
	[tilespmem:$0x1F000] =	vst v63  }
0x1a: {  	s11 =	rddreg [dreg:$0x3]  }
0x1b: {  	[tilespmem:s8], [sflag:$0x6] =	stream.linear.gather [hbm4b:s11+s8], $0x1000, $0x38;
	[tilespmem:$0x1F000] =	vst v63  }
0x1c: {  	_ =	swait.ge [sflag:s18], $0x1000  }
0x1d: {  	[sflag:s18] =	ssyncset.done $0x0  }
0x1e: {  	[sflag:s18] =	ssyncadd.s32 $0xFFFFF000  }
0x1f: {  	s20 =	rddreg [dreg:$0x1]  }
0x20: {  	[tilespmem:s19], [sflag:$0x6] =	stream.linear.gather [hbm4b:s20+s8], $0x1000, $0x38;
	[tilespmem:$0x1F000] =	vst v63  }
0x21: {  	_ =	swait.ge [sflag:s18], $0x1000  }
0x22: {  	[sflag:s18] =	ssyncset.done $0x0  }
0x23: {  	[sflag:s18] =	ssyncadd.s32 $0xFFFFF000  }
0x24: {  	s2 =	simm.s32 $0x2000;
	s31 =	rddreg [dreg:$0x2]  }
0x25: {  	[tilespmem:s2], [sflag:$0x6] =	stream.linear.gather [hbm4b:s31+s8], $0x1000, $0x38;
	[tilespmem:$0x1F000] =	vst v63  }
0x26: {  	_ =	swait.ge [sflag:s18], $0x1000  }
0x27: {  	[sflag:s18] =	ssyncset.done $0x0  }
0x28: {  	s2 =	simm.s32 $0x20;
	[sflag:s18] =	ssyncadd.s32 $0xFFFFF000  }
0x29: {  	v7 =	vld [tilespmem:s2+$0x10]  }
0x2a: {  	v3 =	vld [tilespmem:s2+$0xFFFFFFF0]  }
0x2b: {  	v5 =	vld [tilespmem:s2+$0xFFFFFFE0]  }
0x2c: {  	s3 =	simm.s32 $0x2020;
	v2 =	vld [tilespmem:s2+$0x0]  }
0x2d: {  	s1 =	simm.s32 $0x60;
	v10 =	vld [tilespmem:s3+$0x10]  }
0x2e: {  	v4 =	vld [tilespmem:s1+$0x10]  }
0x2f: {  	v1 =	vld [tilespmem:s1+$0xFFFFFFF0]  }
0x30: {  	v0 =	vld [tilespmem:s1+$0x0]  }
0x31: {  	v6 =	vld [tilespmem:s1+$0xFFFFFFE0]  }
0x32: {  	v15 =	vld [tilespmem:s3+$0xFFFFFFE0]  }
0x33: {  	v16 =	vld [tilespmem:s3+$0xFFFFFFF0]  }
0x34: {  	v8 =	vld.idx.msk [tilespmem:v7+s19+$0x0], $0xffff  }
0x35: {  	v13 =	vld [tilespmem:s3+$0x0]  }
0x36: {  	v14 =	vld.idx.msk [tilespmem:v5+s19+$0x0], $0xffff  }
0x37: {  	v12 =	vld.idx.msk [tilespmem:v3+s19+$0x0], $0xffff  }
0x38: {  	s3 =	simm.s32 $0x2060;
	v9 =	vld.idx.msk [tilespmem:v2+s19+$0x0], $0xffff  }
0x39: {  	v11 =	vld [tilespmem:s3+$0x10];
	v8 =	vxor.u32 v8, v10  }
0x3a: {  	v10 =	vld.idx.msk [tilespmem:v4+s19+$0x0], $0xffff;
	v8 =	vand.u32 $0x80000000, v8  }
0x3b: {  	v14 =	vxor.u32 v14, v15;
	v7 =	vor.u32 v7, v8;
	v8 =	vld.idx.msk [tilespmem:v1+s19+$0x0], $0xffff  }
0x3c: {  	s4 =	simm.s32 $0x4;
	s5 =	simm.s32 $0xA0;
	v15 =	vand.u32 $0x80000000, v14;
	v14 =	vxor.u32 v12, v16;
	v12 =	vmov v0;
	[tilespmem:s2+$0x10] =	vst v7;
	v7 =	vld.idx.msk [tilespmem:v6+s19+$0x0], $0xffff  }
.LBB2_2:
0x3d: {  	v16 =	vld [tilespmem:s5+$0x10];
	s4 =	sadd.s32 $0x4, s4;
	v15 =	vor.u32 v5, v15;
	v14 =	vand.u32 $0x80000000, v14;
	v9 =	vxor.u32 v9, v13;
	v5 =	vmovc v6  }
0x3e: {  	p0 =	slt.u32 s4, $0xFC;
	[tilespmem:s2+$0xFFFFFFE0] =	vst v15;
	v6 =	vor.u32 v3, v14;
	v9 =	vand.u32 $0x80000000, v9;
	v3 =	vmov v1;
	v1 =	vld [tilespmem:s5+$0xFFFFFFF0]  }
0x3f: {  	v10 =	vxor.u32 v10, v11;
	[tilespmem:s2+$0xFFFFFFF0] =	vst v6;
	v9 =	vor.u32 v2, v9;
	v2 =	vmov v0;
	v0 =	vld [tilespmem:s5+$0x0]  }
0x40: {  	v6 =	vld [tilespmem:s5+$0xFFFFFFE0];
	v10 =	vand.u32 $0x80000000, v10;
	[tilespmem:s2+$0x0] =	vst v9;
	s2 =	smov.u32 s1;
	s1 =	smov.u32 s5  }
0x41: {  	v14 =	vmov v8;
	v9 =	vld.idx.msk [tilespmem:v12+s19+$0x0], $0xffff;
	v10 =	vor.u32 v4, v10  }
0x42: {  	v15 =	vld [tilespmem:s3+$0xFFFFFFE0];
	[tilespmem:s2+$0x10] =	vst v10;
	v4 =	vmov v16  }
0x43: {  	v17 =	vld [tilespmem:s3+$0xFFFFFFF0]  }
.Ltmp2:
0x44: {  	v13 =	vld [tilespmem:s3+$0x0];
	v12 =	vmov v0;
	(pc) =	sbr.rel @p0 .LBB2_2-.Ltmp2, $4  }
0x45: {  	s3 =	sadd.s32 $0x40, s3;
	v10 =	vld.idx.msk [tilespmem:v16+s19+$0x0], $0xffff  }
0x46: {  	v11 =	vld [tilespmem:s3+$0x10]  }
0x47: {  	v8 =	vld.idx.msk [tilespmem:v1+s19+$0x0], $0xffff;
	v15 =	vxor.u32 v7, v15  }
0x48: {  	s5 =	sadd.s32 $0x40, s5;
	v7 =	vld.idx.msk [tilespmem:v6+s19+$0x0], $0xffff;
	v15 =	vand.u32 $0x80000000, v15;
	v14 =	vxor.u32 v14, v17  }
0x49: {  	_ =	sdelay $0x3  }
0x4a: {  	v12 =	vld.idx.msk [tilespmem:v12+s19+$0x0], $0xffff  }
0x4b: {  	v16 =	vld [tilespmem:s3+$0xFFFFFFE0]  }
0x4c: {  	v17 =	vld [tilespmem:s3+$0xFFFFFFF0]  }
0x4d: {  	v18 =	vld [tilespmem:s3+$0x0]  }
0x4e: {  	v5 =	vor.u32 v5, v15;
	v9 =	vxor.u32 v9, v13;
	v52 =	vand.u32 $0x80000000, v14  }
0x4f: {  	[tilespmem:s2+$0xFFFFFFE0] =	vst v5;
	v3 =	vor.u32 v3, v52;
	v53 =	vand.u32 $0x80000000, v9;
	v54 =	vxor.u32 v10, v11  }
0x50: {  	[tilespmem:s2+$0xFFFFFFF0] =	vst v3;
	v2 =	vor.u32 v2, v53;
	v55 =	vand.u32 $0x80000000, v54;
	v56 =	vxor.u32 v7, v16  }
0x51: {  	[tilespmem:s2+$0x0] =	vst v2;
	v57 =	vor.u32 v4, v55;
	v59 =	vxor.u32 v8, v17;
	v58 =	vand.u32 $0x80000000, v56  }
0x52: {  	[tilespmem:s1+$0x10] =	vst v57;
	v62 =	vxor.u32 v12, v18;
	v61 =	vand.u32 $0x80000000, v59;
	v60 =	vor.u32 v6, v58  }
0x53: {  	v63 =	vand.u32 $0x80000000, v62;
	v1 =	vor.u32 v1, v61;
	[tilespmem:s1+$0xFFFFFFE0] =	vst v60  }
0x54: {  	v0 =	vor.u32 v0, v63;
	[tilespmem:s1+$0xFFFFFFF0] =	vst v1  }
0x55: {  	s31 =	simm.s32 $0x0;
	[tilespmem:s1+$0x0] =	vst v0  }
.LBB2_4:
0x56: {  	_ =	swait.ge [sflag:s21], $0x8000  }
0x57: {  	p0 =	seq.s32 s31, $0x0;
	[sflag:s21] =	ssyncset.done $0x0  }
0x58: {  	s1 =	simm.s32 @!p0 $0x3;
	[sflag:s21] =	ssyncadd.s32 $0xFFFF8000  }
0x59: {  	_ =	swait.ge @!p0 [sflag:s1], $0x4000  }
0x5a: {  	[sflag:s1] =	ssyncset.done @!p0 $0x0  }
0x5b: {  	s20 =	simm.s32 $0x40;
	[sflag:s1] =	ssyncadd.s32 @!p0 $0xFFFFC000  }
0x5c: {  	v2 =	vld [tilespmem:s20+$0x30];
	_ =	sdelay $0x1  }
0x5d: {  	v3 =	vld [tilespmem:s20+$0xFFFFFFD0]  }
0x5e: {  	v4 =	vld [tilespmem:s20+$0xFFFFFFE0]  }
0x5f: {  	v9 =	vld [tilespmem:s20+$0xFFFFFFF0]  }
0x60: {  	v5 =	vld [tilespmem:s20+$0xFFFFFFC0];
	v0 =	vshll.u32 v2, $0x3  }
0x61: {  	v1 =	vand.u32 $0x7F, v2;
	v0 =	vand.u32 $0x7C00, v0  }
0x62: {  	v15 =	vor.u32 v1, v0  }
0x63: {  	v17 =	vld [tilespmem:s20+$0x10]  }
0x64: {  	v16 =	vld [tilespmem:s20+$0x0];
	v6 =	vand.u32 $0x7F, v3;
	v8 =	vshll.u32 v9, $0x3;
	v0 =	vshll.u32 v3, $0x3  }
0x65: {  	v18 =	vld [tilespmem:s20+$0x20];
	v10 =	vand.u32 $0x7F, v5;
	v1 =	vand.u32 $0x7C00, v0;
	v0 =	vshll.u32 v4, $0x3  }
0x66: {  	v12 =	vand.u32 $0x7F, v4;
	v7 =	vand.u32 $0x7C00, v0;
	v0 =	vshll.u32 v5, $0x3  }
0x67: {  	v13 =	vand.u32 $0x7F, v9;
	v14 =	vor.u32 v6, v1;
	v0 =	vand.u32 $0x7C00, v0;
	v11 =	vld.idx.msk [tilespmem:v15+s16+$0x0], $0xffff  }
0x68: {  	s2 =	simm.s32 $0xC0;
	v21 =	vshll.u32 v17, $0x3;
	v8 =	vand.u32 $0x7C00, v8;
	v0 =	vor.u32 v10, v0  }
0x69: {  	v35 =	vld [tilespmem:s2+$0xFFFFFFD0];
	v19 =	vor.u32 $0x80, v15;
	v6 =	vand.u32 $0x7F, v16;
	v1 =	vor.u32 v12, v7  }
0x6a: {  	v36 =	vld [tilespmem:s2+$0xFFFFFFE0];
	v7 =	vand.u32 $0x7C00, v21;
	v12 =	vshll.u32 v18, $0x3;
	v10 =	vshll.u32 v16, $0x3  }
0x6b: {  	v37 =	vld [tilespmem:s2+$0xFFFFFFF0];
	v20 =	vand.u32 $0x7C00, v10;
	v10 =	vand.u32 $0x80000000, v2;
	v2 =	vor.u32 v13, v8  }
0x6c: {  	s1 =	simm.s32 $0x13200;
	v13 =	vand.u32 $0x7F, v17;
	v21 =	vld.idx.msk [tilespmem:v14+s16+$0x0], $0xffff;
	v8 =	vxor.u32 v11, v10;
	v11 =	vor.u32 v6, v20  }
0x6d: {  	v20 =	vld.idx.msk [tilespmem:v0+s16+$0x0], $0xffff;
	v6 =	vand.u32 $0x7C00, v12;
	v12 =	vor.u32 v13, v7;
	[tilespmem:s1+$0xFFFFFE70] =	vst v8;
	v8 =	vand.u32 $0x7F, v18  }
0x6e: {  	v19 =	vld.idx.msk [tilespmem:v19+s16+$0x0], $0xffff;
	v13 =	vor.u32 v8, v6  }
0x6f: {  	v22 =	vor.u32 $0x80, v0;
	v23 =	vld.idx.msk [tilespmem:v1+s16+$0x0], $0xffff  }
0x70: {  	v25 =	vor.u32 $0x100, v15;
	v26 =	vor.u32 $0x80, v14;
	v24 =	vld.idx.msk [tilespmem:v2+s16+$0x0], $0xffff;
	v7 =	vand.u32 $0x80000000, v3  }
0x71: {  	v6 =	vand.u32 $0x80000000, v5;
	v8 =	vand.u32 $0x80000000, v4;
	v4 =	vxor.u32 v21, v7;
	v27 =	vld.idx.msk [tilespmem:v11+s16+$0x0], $0xffff  }
0x72: {  	v28 =	vor.u32 $0x80, v1;
	[tilespmem:s1+$0xFFFFFE10] =	vst v4;
	v5 =	vxor.u32 v20, v6;
	v20 =	vld.idx.msk [tilespmem:v12+s16+$0x0], $0xffff  }
0x73: {  	v29 =	vor.u32 $0x80, v2;
	[tilespmem:s1+$0xFFFFFE00] =	vst v5;
	v30 =	vld.idx.msk [tilespmem:v13+s16+$0x0], $0xffff;
	v3 =	vxor.u32 v19, v10  }
0x74: {  	v9 =	vand.u32 $0x80000000, v9;
	v19 =	vor.u32 $0x80, v11;
	v22 =	vld.idx.msk [tilespmem:v22+s16+$0x0], $0xffff;
	[tilespmem:s1+$0xFFFFFEF0] =	vst v3;
	v3 =	vxor.u32 v23, v8  }
0x75: {  	v21 =	vor.u32 $0x80, v12;
	v5 =	vand.u32 $0x80000000, v16;
	v23 =	vld.idx.msk [tilespmem:v25+s16+$0x0], $0xffff;
	[tilespmem:s1+$0xFFFFFE20] =	vst v3;
	v3 =	vxor.u32 v24, v9  }
0x76: {  	v4 =	vand.u32 $0x80000000, v17;
	v16 =	vor.u32 $0x80, v13;
	v25 =	vld.idx.msk [tilespmem:v26+s16+$0x0], $0xffff;
	[tilespmem:s1+$0xFFFFFE30] =	vst v3;
	v26 =	vxor.u32 v27, v5  }
0x77: {  	v17 =	vor.u32 $0x100, v0;
	v24 =	vld.idx.msk [tilespmem:v28+s16+$0x0], $0xffff;
	v3 =	vand.u32 $0x80000000, v18;
	v20 =	vxor.u32 v20, v4;
	[tilespmem:s1+$0xFFFFFE40] =	vst v26  }
0x78: {  	v18 =	vld.idx.msk [tilespmem:v29+s16+$0x0], $0xffff;
	v26 =	vor.u32 $0x180, v15;
	[tilespmem:s1+$0xFFFFFE50] =	vst v20;
	v20 =	vxor.u32 v30, v3  }
0x79: {  	v27 =	vor.u32 $0x100, v14;
	v19 =	vld.idx.msk [tilespmem:v19+s16+$0x0], $0xffff;
	v22 =	vxor.u32 v22, v6;
	[tilespmem:s1+$0xFFFFFE60] =	vst v20  }
0x7a: {  	v28 =	vor.u32 $0x100, v1;
	v21 =	vld.idx.msk [tilespmem:v21+s16+$0x0], $0xffff;
	[tilespmem:s1+$0xFFFFFE80] =	vst v22;
	v22 =	vxor.u32 v23, v10  }
0x7b: {  	v20 =	vor.u32 $0x100, v2;
	v16 =	vld.idx.msk [tilespmem:v16+s16+$0x0], $0xffff;
	v25 =	vxor.u32 v25, v7;
	[tilespmem:s1+$0xFFFFFF70] =	vst v22  }
0x7c: {  	v23 =	vor.u32 $0x100, v11;
	v17 =	vld.idx.msk [tilespmem:v17+s16+$0x0], $0xffff;
	[tilespmem:s1+$0xFFFFFE90] =	vst v25;
	v24 =	vxor.u32 v24, v8  }
0x7d: {  	v22 =	vor.u32 $0x100, v12;
	v25 =	vld.idx.msk [tilespmem:v26+s16+$0x0], $0xffff;
	[tilespmem:s1+$0xFFFFFEA0] =	vst v24;
	v18 =	vxor.u32 v18, v9  }
0x7e: {  	v26 =	vor.u32 $0x100, v13;
	v27 =	vld.idx.msk [tilespmem:v27+s16+$0x0], $0xffff;
	[tilespmem:s1+$0xFFFFFEB0] =	vst v18;
	v18 =	vxor.u32 v19, v5  }
0x7f: {  	v24 =	vor.u32 $0x180, v0;
	v28 =	vld.idx.msk [tilespmem:v28+s16+$0x0], $0xffff;
	[tilespmem:s1+$0xFFFFFEC0] =	vst v18;
	v18 =	vxor.u32 v21, v4  }
0x80: {  	v19 =	vld.idx.msk [tilespmem:v20+s16+$0x0], $0xffff;
	v20 =	vor.u32 $0x200, v15;
	[tilespmem:s1+$0xFFFFFED0] =	vst v18;
	v16 =	vxor.u32 v16, v3  }
0x81: {  	v21 =	vor.u32 $0x180, v14;
	v23 =	vld.idx.msk [tilespmem:v23+s16+$0x0], $0xffff;
	v17 =	vxor.u32 v17, v6;
	[tilespmem:s1+$0xFFFFFEE0] =	vst v16  }
0x82: {  	v18 =	vor.u32 $0x180, v1;
	v22 =	vld.idx.msk [tilespmem:v22+s16+$0x0], $0xffff;
	[tilespmem:s1+$0xFFFFFF00] =	vst v17;
	v25 =	vxor.u32 v25, v10  }
0x83: {  	v16 =	vor.u32 $0x180, v2;
	v17 =	vld.idx.msk [tilespmem:v26+s16+$0x0], $0xffff;
	v27 =	vxor.u32 v27, v7;
	[tilespmem:s1+$0xFFFFFFF0] =	vst v25  }
0x84: {  	v26 =	vor.u32 $0x180, v11;
	v24 =	vld.idx.msk [tilespmem:v24+s16+$0x0], $0xffff;
	[tilespmem:s1+$0xFFFFFF10] =	vst v27;
	v27 =	vxor.u32 v28, v8  }
0x85: {  	v25 =	vor.u32 $0x180, v12;
	v20 =	vld.idx.msk [tilespmem:v20+s16+$0x0], $0xffff;
	[tilespmem:s1+$0xFFFFFF20] =	vst v27;
	v19 =	vxor.u32 v19, v9  }
0x86: {  	v28 =	vor.u32 $0x180, v13;
	v21 =	vld.idx.msk [tilespmem:v21+s16+$0x0], $0xffff;
	[tilespmem:s1+$0xFFFFFF30] =	vst v19;
	v19 =	vxor.u32 v23, v5  }
0x87: {  	v27 =	vor.u32 $0x200, v0;
	v18 =	vld.idx.msk [tilespmem:v18+s16+$0x0], $0xffff;
	[tilespmem:s1+$0xFFFFFF40] =	vst v19;
	v19 =	vxor.u32 v22, v4  }
0x88: {  	v16 =	vld.idx.msk [tilespmem:v16+s16+$0x0], $0xffff;
	v22 =	vor.u32 $0x280, v15;
	[tilespmem:s1+$0xFFFFFF50] =	vst v19;
	v17 =	vxor.u32 v17, v3  }
0x89: {  	v23 =	vor.u32 $0x200, v14;
	v26 =	vld.idx.msk [tilespmem:v26+s16+$0x0], $0xffff;
	v24 =	vxor.u32 v24, v6;
	[tilespmem:s1+$0xFFFFFF60] =	vst v17  }
0x8a: {  	v19 =	vor.u32 $0x200, v1;
	v25 =	vld.idx.msk [tilespmem:v25+s16+$0x0], $0xffff;
	[tilespmem:s1+$0xFFFFFF80] =	vst v24;
	v20 =	vxor.u32 v20, v10  }
0x8b: {  	v17 =	vor.u32 $0x200, v2;
	v24 =	vld.idx.msk [tilespmem:v28+s16+$0x0], $0xffff;
	v21 =	vxor.u32 v21, v7;
	[tilespmem:s1+$0x70] =	vst v20  }
0x8c: {  	v28 =	vor.u32 $0x200, v11;
	v27 =	vld.idx.msk [tilespmem:v27+s16+$0x0], $0xffff;
	[tilespmem:s1+$0xFFFFFF90] =	vst v21;
	v18 =	vxor.u32 v18, v8  }
0x8d: {  	v20 =	vor.u32 $0x200, v12;
	v21 =	vld.idx.msk [tilespmem:v22+s16+$0x0], $0xffff;
	[tilespmem:s1+$0xFFFFFFA0] =	vst v18;
	v16 =	vxor.u32 v16, v9  }
0x8e: {  	v22 =	vor.u32 $0x200, v13;
	v23 =	vld.idx.msk [tilespmem:v23+s16+$0x0], $0xffff;
	[tilespmem:s1+$0xFFFFFFB0] =	vst v16;
	v16 =	vxor.u32 v26, v5  }
0x8f: {  	v18 =	vor.u32 $0x280, v0;
	v19 =	vld.idx.msk [tilespmem:v19+s16+$0x0], $0xffff;
	[tilespmem:s1+$0xFFFFFFC0] =	vst v16;
	v16 =	vxor.u32 v25, v4  }
0x90: {  	v17 =	vld.idx.msk [tilespmem:v17+s16+$0x0], $0xffff;
	v25 =	vor.u32 $0x300, v15;
	[tilespmem:s1+$0xFFFFFFD0] =	vst v16;
	v16 =	vxor.u32 v24, v3  }
0x91: {  	v26 =	vor.u32 $0x280, v14;
	v28 =	vld.idx.msk [tilespmem:v28+s16+$0x0], $0xffff;
	v27 =	vxor.u32 v27, v6;
	[tilespmem:s1+$0xFFFFFFE0] =	vst v16  }
0x92: {  	v24 =	vor.u32 $0x280, v1;
	v20 =	vld.idx.msk [tilespmem:v20+s16+$0x0], $0xffff;
	[tilespmem:s1+$0x0] =	vst v27;
	v21 =	vxor.u32 v21, v10  }
0x93: {  	v16 =	vor.u32 $0x280, v2;
	v22 =	vld.idx.msk [tilespmem:v22+s16+$0x0], $0xffff;
	v23 =	vxor.u32 v23, v7;
	[tilespmem:s1+$0xF0] =	vst v21  }
0x94: {  	v27 =	vor.u32 $0x280, v11;
	v18 =	vld.idx.msk [tilespmem:v18+s16+$0x0], $0xffff;
	[tilespmem:s1+$0x10] =	vst v23;
	v19 =	vxor.u32 v19, v8  }
0x95: {  	v21 =	vor.u32 $0x280, v12;
	v23 =	vld.idx.msk [tilespmem:v25+s16+$0x0], $0xffff;
	[tilespmem:s1+$0x20] =	vst v19;
	v17 =	vxor.u32 v17, v9  }
0x96: {  	v25 =	vor.u32 $0x280, v13;
	v26 =	vld.idx.msk [tilespmem:v26+s16+$0x0], $0xffff;
	[tilespmem:s1+$0x30] =	vst v17;
	v17 =	vxor.u32 v28, v5  }
0x97: {  	v15 =	vor.u32 $0x380, v15;
	v24 =	vld.idx.msk [tilespmem:v24+s16+$0x0], $0xffff;
	[tilespmem:s1+$0x40] =	vst v17;
	v17 =	vxor.u32 v20, v4  }
0x98: {  	v16 =	vld.idx.msk [tilespmem:v16+s16+$0x0], $0xffff;
	[tilespmem:s1+$0x50] =	vst v17;
	v17 =	vxor.u32 v22, v3  }
0x99: {  	v27 =	vld.idx.msk [tilespmem:v27+s16+$0x0], $0xffff;
	v18 =	vxor.u32 v18, v6;
	[tilespmem:s1+$0x60] =	vst v17  }
0x9a: {  	v21 =	vld.idx.msk [tilespmem:v21+s16+$0x0], $0xffff;
	[tilespmem:s1+$0x80] =	vst v18;
	v22 =	vxor.u32 v23, v10  }
0x9b: {  	v19 =	vor.u32 $0x300, v0;
	v18 =	vld.idx.msk [tilespmem:v25+s16+$0x0], $0xffff;
	v25 =	vxor.u32 v26, v7;
	[tilespmem:s1+$0x170] =	vst v22  }
0x9c: {  	v20 =	vor.u32 $0x300, v14;
	[tilespmem:s1+$0x90] =	vst v25;
	v25 =	vld.idx.msk [tilespmem:v15+s16+$0x0], $0xffff;
	v15 =	vxor.u32 v24, v8  }
0x9d: {  	v17 =	vor.u32 $0x300, v1;
	[tilespmem:s1+$0xA0] =	vst v15;
	v15 =	vxor.u32 v16, v9;
	v16 =	vld [tilespmem:s2+$0x30]  }
0x9e: {  	v38 =	vld [tilespmem:s2+$0xFFFFFFC0];
	v23 =	vor.u32 $0x300, v2  }
0x9f: {  	v39 =	vld [tilespmem:s2+$0x0]  }
0xa0: {  	v30 =	vand.u32 $0x7F, v35;
	v0 =	vor.u32 $0x380, v0;
	v14 =	vor.u32 $0x380, v14;
	v19 =	vld.idx.msk [tilespmem:v19+s16+$0x0], $0xffff  }
0xa1: {  	v1 =	vor.u32 $0x380, v1;
	v22 =	vor.u32 $0x300, v11;
	v20 =	vld.idx.msk [tilespmem:v20+s16+$0x0], $0xffff;
	v24 =	vor.u32 $0x300, v13  }
0xa2: {  	v27 =	vxor.u32 v27, v5;
	v17 =	vld.idx.msk [tilespmem:v17+s16+$0x0], $0xffff;
	[tilespmem:s1+$0xB0] =	vst v15;
	v21 =	vxor.u32 v21, v4;
	v26 =	vshll.u32 v16, $0x3  }
0xa3: {  	[tilespmem:s1+$0xC0] =	vst v27;
	v15 =	vld.idx.msk [tilespmem:v23+s16+$0x0], $0xffff;
	v23 =	vor.u32 $0x300, v12;
	v28 =	vand.u32 $0x7F, v16;
	v26 =	vand.u32 $0x7C00, v26  }
0xa4: {  	v40 =	vld [tilespmem:s2+$0x10];
	v18 =	vxor.u32 v18, v3;
	[tilespmem:s1+$0xD0] =	vst v21;
	v21 =	vshll.u32 v36, $0x3;
	v34 =	vor.u32 v28, v26  }
0xa5: {  	v41 =	vld [tilespmem:s2+$0x20];
	v19 =	vxor.u32 v19, v6;
	v31 =	vand.u32 $0x7C00, v21;
	v21 =	vshll.u32 v38, $0x3;
	[tilespmem:s1+$0xE0] =	vst v18  }
0xa6: {  	v27 =	vld.idx.msk [tilespmem:v22+s16+$0x0], $0xffff;
	v22 =	vand.u32 $0x7F, v38;
	[tilespmem:s1+$0x100] =	vst v19;
	v20 =	vxor.u32 v20, v7;
	v21 =	vand.u32 $0x7C00, v21  }
0xa7: {  	v2 =	vor.u32 $0x380, v2;
	v18 =	vshll.u32 v37, $0x3;
	v32 =	vor.u32 v22, v21;
	[tilespmem:s1+$0x110] =	vst v20;
	v21 =	vld.idx.msk [tilespmem:v0+s16+$0x0], $0xffff  }
0xa8: {  	v20 =	vshll.u32 v39, $0x3;
	v17 =	vxor.u32 v17, v8;
	v22 =	vld.idx.msk [tilespmem:v14+s16+$0x0], $0xffff;
	v14 =	vand.u32 $0x7F, v39  }
0xa9: {  	v26 =	vshll.u32 v35, $0x3;
	v15 =	vxor.u32 v15, v9;
	[tilespmem:s1+$0x120] =	vst v17;
	v17 =	vand.u32 $0x7C00, v20;
	v42 =	vld.idx.msk [tilespmem:v34+s16+$0x0], $0xffff  }
0xaa: {  	v19 =	vand.u32 $0x7F, v36;
	v28 =	vld.idx.msk [tilespmem:v23+s16+$0x0], $0xffff;
	v29 =	vand.u32 $0x7C00, v26;
	[tilespmem:s1+$0x130] =	vst v15;
	v15 =	vor.u32 v14, v17  }
0xab: {  	v18 =	vand.u32 $0x7C00, v18;
	v20 =	vshll.u32 v40, $0x3;
	v26 =	vld.idx.msk [tilespmem:v24+s16+$0x0], $0xffff;
	v33 =	vor.u32 v30, v29  }
0xac: {  	v24 =	vand.u32 $0x7F, v37;
	v0 =	vor.u32 $0x80, v34;
	v23 =	vld.idx.msk [tilespmem:v1+s16+$0x0], $0xffff;
	v1 =	vand.u32 $0x7C00, v20  }
0xad: {  	v30 =	vor.u32 v19, v31;
	v29 =	vand.u32 $0x80000000, v16;
	v31 =	vor.u32 v24, v18;
	v24 =	vld.idx.msk [tilespmem:v2+s16+$0x0], $0xffff  }
0xae: {  	s2 =	simm.s32 $0x13600;
	v16 =	vshll.u32 v41, $0x3;
	v18 =	vand.u32 $0x7F, v40;
	v19 =	vld.idx.msk [tilespmem:v32+s16+$0x0], $0xffff;
	v2 =	vxor.u32 v42, v29  }
0xaf: {  	v14 =	vand.u32 $0x7F, v41;
	v45 =	vld.idx.msk [tilespmem:v15+s16+$0x0], $0xffff;
	[tilespmem:s2+$0xFFFFFE70] =	vst v2;
	v2 =	vand.u32 $0x7C00, v16;
	v16 =	vor.u32 v18, v1  }
0xb0: {  	v1 =	vld.idx.msk [tilespmem:v33+s16+$0x0], $0xffff;
	v14 =	vor.u32 v14, v2  }
0xb1: {  	v0 =	vld.idx.msk [tilespmem:v0+s16+$0x0], $0xffff;
	v2 =	vor.u32 $0x80, v32  }
0xb2: {  	v62 =	vor.u32 $0x80, v33;
	v61 =	vld.idx.msk [tilespmem:v30+s16+$0x0], $0xffff  }
0xb3: {  	v44 =	vor.u32 $0x100, v34;
	v17 =	vand.u32 $0x80000000, v38;
	v43 =	vld.idx.msk [tilespmem:v31+s16+$0x0], $0xffff  }
0xb4: {  	v46 =	vor.u32 $0x80, v30;
	v19 =	vxor.u32 v19, v17;
	v18 =	vand.u32 $0x80000000, v35;
	v47 =	vld.idx.msk [tilespmem:v16+s16+$0x0], $0xffff  }
0xb5: {  	[tilespmem:s2+$0xFFFFFE00] =	vst v19;
	v1 =	vxor.u32 v1, v18;
	v48 =	vld.idx.msk [tilespmem:v14+s16+$0x0], $0xffff  }
0xb6: {  	v63 =	vor.u32 $0x80, v31;
	v19 =	vand.u32 $0x80000000, v36;
	v0 =	vxor.u32 v0, v29;
	v2 =	vld.idx.msk [tilespmem:v2+s16+$0x0], $0xffff;
	[tilespmem:s2+$0xFFFFFE10] =	vst v1  }
0xb7: {  	v50 =	vor.u32 $0x80, v15;
	v1 =	vxor.u32 v61, v19;
	[tilespmem:s2+$0xFFFFFEF0] =	vst v0;
	v38 =	vld.idx.msk [tilespmem:v62+s16+$0x0], $0xffff  }
0xb8: {  	v20 =	vand.u32 $0x80000000, v37;
	v0 =	vor.u32 $0x80, v16;
	[tilespmem:s2+$0xFFFFFE20] =	vst v1;
	v51 =	vld.idx.msk [tilespmem:v44+s16+$0x0], $0xffff  }
0xb9: {  	s3 =	simm.s32 $0x140;
	v55 =	vand.u32 $0x80000000, v39;
	v53 =	vor.u32 $0x80, v14;
	v1 =	vxor.u32 v43, v20;
	v61 =	vld.idx.msk [tilespmem:v46+s16+$0x0], $0xffff  }
0xba: {  	v56 =	vand.u32 $0x80000000, v40;
	v60 =	vor.u32 $0x100, v32;
	[tilespmem:s2+$0xFFFFFE30] =	vst v1;
	v1 =	vxor.u32 v45, v55;
	v45 =	vld [tilespmem:s3+$0xFFFFFFE0]  }
0xbb: {  	v57 =	vand.u32 $0x80000000, v41;
	v35 =	vld.idx.msk [tilespmem:v63+s16+$0x0], $0xffff;
	[tilespmem:s2+$0xFFFFFE40] =	vst v1;
	v63 =	vor.u32 $0x100, v33;
	v1 =	vxor.u32 v47, v56  }
0xbc: {  	v62 =	vor.u32 $0x180, v34;
	v36 =	vld.idx.msk [tilespmem:v50+s16+$0x0], $0xffff;
	[tilespmem:s2+$0xFFFFFE50] =	vst v1;
	v1 =	vxor.u32 v48, v57  }
0xbd: {  	v49 =	vor.u32 $0x100, v30;
	v2 =	vxor.u32 v2, v17;
	v0 =	vld.idx.msk [tilespmem:v0+s16+$0x0], $0xffff;
	[tilespmem:s2+$0xFFFFFE60] =	vst v1  }
0xbe: {  	v1 =	vor.u32 $0x100, v31;
	[tilespmem:s2+$0xFFFFFE80] =	vst v2;
	v38 =	vxor.u32 v38, v18;
	v2 =	vld.idx.msk [tilespmem:v53+s16+$0x0], $0xffff  }
0xbf: {  	v50 =	vor.u32 $0x100, v15;
	v37 =	vxor.u32 v51, v29;
	v40 =	vld.idx.msk [tilespmem:v60+s16+$0x0], $0xffff;
	[tilespmem:s2+$0xFFFFFE90] =	vst v38  }
0xc0: {  	v51 =	vor.u32 $0x100, v16;
	v52 =	vxor.u32 v61, v19;
	[tilespmem:s2+$0xFFFFFF70] =	vst v37;
	v43 =	vld.idx.msk [tilespmem:v63+s16+$0x0], $0xffff  }
0xc1: {  	v53 =	vor.u32 $0x100, v14;
	[tilespmem:s2+$0xFFFFFEA0] =	vst v52;
	v35 =	vxor.u32 v35, v20;
	v41 =	vld.idx.msk [tilespmem:v62+s16+$0x0], $0xffff  }
0xc2: {  	v54 =	vor.u32 $0x180, v32;
	v44 =	vld.idx.msk [tilespmem:v49+s16+$0x0], $0xffff;
	[tilespmem:s2+$0xFFFFFEB0] =	vst v35;
	v58 =	vxor.u32 v36, v55  }
0xc3: {  	v60 =	vor.u32 $0x180, v33;
	[tilespmem:s2+$0xFFFFFEC0] =	vst v58;
	v1 =	vld.idx.msk [tilespmem:v1+s16+$0x0], $0xffff;
	v0 =	vxor.u32 v0, v56  }
0xc4: {  	v59 =	vor.u32 $0x200, v34;
	v39 =	vld.idx.msk [tilespmem:v50+s16+$0x0], $0xffff;
	[tilespmem:s2+$0xFFFFFED0] =	vst v0;
	v0 =	vxor.u32 v2, v57  }
0xc5: {  	v2 =	vor.u32 $0x180, v30;
	v40 =	vxor.u32 v40, v17;
	v37 =	vld.idx.msk [tilespmem:v51+s16+$0x0], $0xffff;
	[tilespmem:s2+$0xFFFFFEE0] =	vst v0  }
0xc6: {  	v0 =	vor.u32 $0x180, v31;
	[tilespmem:s2+$0xFFFFFF00] =	vst v40;
	v43 =	vxor.u32 v43, v18;
	v61 =	vld.idx.msk [tilespmem:v53+s16+$0x0], $0xffff  }
0xc7: {  	v62 =	vor.u32 $0x180, v15;
	v41 =	vxor.u32 v41, v29;
	v38 =	vld.idx.msk [tilespmem:v54+s16+$0x0], $0xffff;
	[tilespmem:s2+$0xFFFFFF10] =	vst v43  }
0xc8: {  	v63 =	vor.u32 $0x180, v16;
	v48 =	vxor.u32 v44, v19;
	[tilespmem:s2+$0xFFFFFFF0] =	vst v41;
	v36 =	vld.idx.msk [tilespmem:v60+s16+$0x0], $0xffff  }
0xc9: {  	v49 =	vor.u32 $0x180, v14;
	[tilespmem:s2+$0xFFFFFF20] =	vst v48;
	v35 =	vld.idx.msk [tilespmem:v59+s16+$0x0], $0xffff;
	v1 =	vxor.u32 v1, v20  }
0xca: {  	v50 =	vor.u32 $0x200, v32;
	v2 =	vld.idx.msk [tilespmem:v2+s16+$0x0], $0xffff;
	[tilespmem:s2+$0xFFFFFF30] =	vst v1;
	v1 =	vxor.u32 v39, v55  }
0xcb: {  	v52 =	vor.u32 $0x200, v33;
	v0 =	vld.idx.msk [tilespmem:v0+s16+$0x0], $0xffff;
	[tilespmem:s2+$0xFFFFFF40] =	vst v1;
	v1 =	vxor.u32 v37, v56  }
0xcc: {  	v51 =	vor.u32 $0x280, v34;
	v42 =	vld.idx.msk [tilespmem:v62+s16+$0x0], $0xffff;
	[tilespmem:s2+$0xFFFFFF50] =	vst v1;
	v1 =	vxor.u32 v61, v57  }
0xcd: {  	v53 =	vor.u32 $0x200, v30;
	v38 =	vxor.u32 v38, v17;
	v41 =	vld.idx.msk [tilespmem:v63+s16+$0x0], $0xffff;
	[tilespmem:s2+$0xFFFFFF60] =	vst v1  }
0xce: {  	v1 =	vor.u32 $0x200, v31;
	[tilespmem:s2+$0xFFFFFF80] =	vst v38;
	v36 =	vxor.u32 v36, v18;
	v54 =	vld.idx.msk [tilespmem:v49+s16+$0x0], $0xffff  }
0xcf: {  	v58 =	vor.u32 $0x200, v15;
	v35 =	vxor.u32 v35, v29;
	v43 =	vld.idx.msk [tilespmem:v50+s16+$0x0], $0xffff;
	[tilespmem:s2+$0xFFFFFF90] =	vst v36  }
0xd0: {  	v59 =	vor.u32 $0x200, v16;
	[tilespmem:s2+$0x70] =	vst v35;
	v2 =	vxor.u32 v2, v19;
	v39 =	vld.idx.msk [tilespmem:v52+s16+$0x0], $0xffff  }
0xd1: {  	v61 =	vor.u32 $0x200, v14;
	v60 =	vld.idx.msk [tilespmem:v51+s16+$0x0], $0xffff;
	[tilespmem:s2+$0xFFFFFFA0] =	vst v2;
	v0 =	vxor.u32 v0, v20  }
0xd2: {  	v2 =	vor.u32 $0x280, v32;
	v40 =	vld.idx.msk [tilespmem:v53+s16+$0x0], $0xffff;
	[tilespmem:s2+$0xFFFFFFB0] =	vst v0;
	v0 =	vxor.u32 v42, v55  }
0xd3: {  	v63 =	vor.u32 $0x280, v33;
	v1 =	vld.idx.msk [tilespmem:v1+s16+$0x0], $0xffff;
	[tilespmem:s2+$0xFFFFFFC0] =	vst v0;
	v0 =	vxor.u32 v41, v56  }
0xd4: {  	v62 =	vor.u32 $0x300, v34;
	v44 =	vld.idx.msk [tilespmem:v58+s16+$0x0], $0xffff;
	[tilespmem:s2+$0xFFFFFFD0] =	vst v0;
	v0 =	vxor.u32 v54, v57  }
0xd5: {  	v46 =	vor.u32 $0x280, v30;
	v43 =	vxor.u32 v43, v17;
	v35 =	vld.idx.msk [tilespmem:v59+s16+$0x0], $0xffff;
	[tilespmem:s2+$0xFFFFFFE0] =	vst v0  }
0xd6: {  	[tilespmem:s2+$0x0] =	vst v43;
	v39 =	vxor.u32 v39, v18;
	v37 =	vld.idx.msk [tilespmem:v61+s16+$0x0], $0xffff  }
0xd7: {  	v36 =	vxor.u32 v60, v29;
	v2 =	vld.idx.msk [tilespmem:v2+s16+$0x0], $0xffff;
	[tilespmem:s2+$0x10] =	vst v39  }
0xd8: {  	v0 =	vor.u32 $0x280, v31;
	[tilespmem:s2+$0xF0] =	vst v36;
	v49 =	vxor.u32 v40, v19;
	v42 =	vld.idx.msk [tilespmem:v63+s16+$0x0], $0xffff  }
0xd9: {  	v47 =	vor.u32 $0x280, v15;
	v50 =	vld.idx.msk [tilespmem:v62+s16+$0x0], $0xffff;
	[tilespmem:s2+$0x20] =	vst v49  }
0xda: {  	v48 =	vor.u32 $0x280, v16;
	v1 =	vxor.u32 v1, v20;
	v38 =	vld.idx.msk [tilespmem:v46+s16+$0x0], $0xffff  }
0xdb: {  	[tilespmem:s2+$0x30] =	vst v1;
	v1 =	vxor.u32 v44, v55;
	v44 =	vld [tilespmem:s3+$0xFFFFFFD0]  }
0xdc: {  	v51 =	vor.u32 $0x280, v14;
	v46 =	vld [tilespmem:s3+$0xFFFFFFF0]  }
0xdd: {  	v52 =	vor.u32 $0x300, v32;
	v0 =	vld.idx.msk [tilespmem:v0+s16+$0x0], $0xffff;
	[tilespmem:s2+$0x40] =	vst v1;
	v1 =	vxor.u32 v35, v56  }
0xde: {  	v53 =	vor.u32 $0x300, v33;
	v43 =	vld.idx.msk [tilespmem:v47+s16+$0x0], $0xffff;
	[tilespmem:s2+$0x50] =	vst v1  }
0xdf: {  	v34 =	vor.u32 $0x380, v34;
	v1 =	vxor.u32 v37, v57;
	v36 =	vld.idx.msk [tilespmem:v48+s16+$0x0], $0xffff  }
0xe0: {  	v2 =	vxor.u32 v2, v17;
	[tilespmem:s2+$0x60] =	vst v1;
	v1 =	vor.u32 $0x300, v31;
	v48 =	vld [tilespmem:s3+$0x10]  }
0xe1: {  	v10 =	vxor.u32 v25, v10;
	[tilespmem:s2+$0x80] =	vst v2;
	v58 =	vxor.u32 v42, v18;
	v2 =	vld.idx.msk [tilespmem:v51+s16+$0x0], $0xffff  }
0xe2: {  	v11 =	vor.u32 $0x380, v11;
	v6 =	vxor.u32 v21, v6;
	v40 =	vxor.u32 v50, v29;
	v39 =	vld.idx.msk [tilespmem:v52+s16+$0x0], $0xffff;
	[tilespmem:s2+$0x90] =	vst v58  }
0xe3: {  	v12 =	vor.u32 $0x380, v12;
	v28 =	vxor.u32 v28, v4;
	[tilespmem:s2+$0x170] =	vst v40;
	v35 =	vld.idx.msk [tilespmem:v53+s16+$0x0], $0xffff;
	v0 =	vxor.u32 v0, v20  }
0xe4: {  	v9 =	vxor.u32 v24, v9;
	v32 =	vor.u32 $0x380, v32;
	v54 =	vor.u32 $0x300, v30;
	v34 =	vld.idx.msk [tilespmem:v34+s16+$0x0], $0xffff;
	[tilespmem:s2+$0xB0] =	vst v0  }
0xe5: {  	v33 =	vor.u32 $0x380, v33;
	v59 =	vor.u32 $0x300, v16;
	v60 =	vor.u32 $0x300, v14;
	v0 =	vld.idx.msk [tilespmem:v1+s16+$0x0], $0xffff  }
0xe6: {  	[tilespmem:s1+$0x150] =	vst v28;
	v62 =	vshll.u32 v45, $0x3;
	v42 =	vxor.u32 v27, v5;
	v51 =	vor.u32 $0x380, v30;
	v1 =	vld [tilespmem:s3+$0x30]  }
0xe7: {  	v50 =	vld [tilespmem:s3+$0xFFFFFFC0];
	v58 =	vand.u32 $0x7C00, v62;
	[tilespmem:s1+$0x140] =	vst v42;
	v38 =	vxor.u32 v38, v19;
	v61 =	vshll.u32 v44, $0x3  }
0xe8: {  	v47 =	vld [tilespmem:s3+$0x0];
	v63 =	vand.u32 $0x7F, v44;
	[tilespmem:s2+$0xA0] =	vst v38;
	v38 =	vor.u32 $0x380, v13;
	v27 =	vxor.u32 v43, v55  }
0xe9: {  	v13 =	vor.u32 $0x300, v15;
	v37 =	vld.idx.msk [tilespmem:v54+s16+$0x0], $0xffff;
	[tilespmem:s2+$0xC0] =	vst v27;
	v36 =	vxor.u32 v36, v56;
	v2 =	vxor.u32 v2, v57  }
0xea: {  	v42 =	vld.idx.msk [tilespmem:v11+s16+$0x0], $0xffff;
	v28 =	vshll.u32 v48, $0x3;
	v30 =	vxor.u32 v39, v17;
	[tilespmem:s2+$0xE0] =	vst v2;
	v2 =	vxor.u32 v34, v29  }
0xeb: {  	v43 =	vld [tilespmem:s3+$0x20];
	[tilespmem:s2+$0xD0] =	vst v36;
	v29 =	vxor.u32 v35, v18;
	v34 =	vand.u32 $0x7C00, v61;
	v25 =	vshll.u32 v1, $0x3  }
0xec: {  	[tilespmem:s2+$0x100] =	vst v30;
	v30 =	vld.idx.msk [tilespmem:v60+s16+$0x0], $0xffff;
	v60 =	vand.u32 $0x7F, v50;
	v49 =	vand.u32 $0x7F, v1;
	v25 =	vand.u32 $0x7C00, v25  }
0xed: {  	v32 =	vld.idx.msk [tilespmem:v32+s16+$0x0], $0xffff;
	[tilespmem:s2+$0x110] =	vst v29;
	v29 =	vshll.u32 v50, $0x3;
	v0 =	vxor.u32 v0, v20;
	v27 =	vor.u32 v49, v25  }
0xee: {  	v35 =	vor.u32 v63, v34;
	[tilespmem:s2+$0x130] =	vst v0;
	v25 =	vld.idx.msk [tilespmem:v13+s16+$0x0], $0xffff;
	v13 =	vor.u32 $0x380, v31;
	v31 =	vxor.u32 v37, v19  }
0xef: {  	v33 =	vld.idx.msk [tilespmem:v33+s16+$0x0], $0xffff;
	v0 =	vand.u32 $0x7F, v45;
	v49 =	vxor.u32 v26, v3;
	[tilespmem:s2+$0x120] =	vst v31;
	v31 =	vshll.u32 v46, $0x3  }
0xf0: {  	v26 =	vld.idx.msk [tilespmem:v59+s16+$0x0], $0xffff;
	v34 =	vor.u32 v0, v58;
	v52 =	vand.u32 $0x7C00, v31;
	v31 =	vshll.u32 v47, $0x3  }
0xf1: {  	v61 =	vand.u32 $0x7F, v46;
	v29 =	vand.u32 $0x7C00, v29;
	v54 =	vand.u32 $0x7C00, v31;
	v31 =	vld.idx.msk [tilespmem:v12+s16+$0x0], $0xffff  }
0xf2: {  	v29 =	vor.u32 v60, v29;
	v0 =	vand.u32 $0x7F, v47;
	v53 =	vor.u32 $0x80, v27;
	v59 =	vld.idx.msk [tilespmem:v27+s16+$0x0], $0xffff  }
0xf3: {  	[tilespmem:s1+$0x160] =	vst v49;
	v36 =	vor.u32 v61, v52;
	v12 =	vshll.u32 v43, $0x3;
	v37 =	vor.u32 v0, v54;
	v41 =	vld.idx.msk [tilespmem:v13+s16+$0x0], $0xffff  }
0xf4: {  	v0 =	vand.u32 $0x7F, v48;
	v13 =	vand.u32 $0x80000000, v1;
	v1 =	vand.u32 $0x7C00, v28;
	v28 =	vld.idx.msk [tilespmem:v38+s16+$0x0], $0xffff  }
0xf5: {  	[tilespmem:s1+$0x1F0] =	vst v10;
	v10 =	vand.u32 $0x7C00, v12;
	v21 =	vld.idx.msk [tilespmem:v34+s16+$0x0], $0xffff;
	v38 =	vor.u32 v0, v1;
	v0 =	vand.u32 $0x7F, v43  }
0xf6: {  	[tilespmem:s1+$0x1B0] =	vst v9;
	v40 =	vld.idx.msk [tilespmem:v51+s16+$0x0], $0xffff;
	v39 =	vor.u32 v0, v10  }
0xf7: {  	[tilespmem:s2+$0x1F0] =	vst v2;
	v2 =	vxor.u32 v22, v7;
	v9 =	vor.u32 $0x80, v34;
	v0 =	vld.idx.msk [tilespmem:v35+s16+$0x0], $0xffff  }
0xf8: {  	s3 =	simm.s32 $0x13A00;
	[tilespmem:s1+$0x190] =	vst v2;
	v2 =	vld.idx.msk [tilespmem:v36+s16+$0x0], $0xffff;
	v11 =	vxor.u32 v59, v13  }
0xf9: {  	v10 =	vand.u32 $0x80000000, v45;
	[tilespmem:s3+$0xFFFFFE70] =	vst v11;
	v11 =	vld.idx.msk [tilespmem:v29+s16+$0x0], $0xffff  }
0xfa: {  	[tilespmem:s1+$0x180] =	vst v6;
	v22 =	vor.u32 $0x80, v35;
	v21 =	vxor.u32 v21, v10;
	v1 =	vld.idx.msk [tilespmem:v53+s16+$0x0], $0xffff  }
0xfb: {  	v6 =	vxor.u32 v23, v8;
	v7 =	vor.u32 $0x80, v29;
	v52 =	vand.u32 $0x80000000, v44;
	[tilespmem:s3+$0xFFFFFE20] =	vst v21;
	v63 =	vld.idx.msk [tilespmem:v39+s16+$0x0], $0xffff  }
0xfc: {  	v8 =	vor.u32 $0x100, v27;
	v12 =	vand.u32 $0x80000000, v46;
	v0 =	vxor.u32 v0, v52;
	v54 =	vld.idx.msk [tilespmem:v9+s16+$0x0], $0xffff  }
0xfd: {  	v51 =	vand.u32 $0x80000000, v50;
	v62 =	vor.u32 $0x80, v36;
	v23 =	vld.idx.msk [tilespmem:v37+s16+$0x0], $0xffff;
	[tilespmem:s3+$0xFFFFFE10] =	vst v0;
	v2 =	vxor.u32 v2, v12  }
0xfe: {  	v24 =	vld.idx.msk [tilespmem:v38+s16+$0x0], $0xffff;
	v21 =	vor.u32 $0x80, v39;
	[tilespmem:s3+$0xFFFFFE30] =	vst v2;
	v11 =	vxor.u32 v11, v51  }
0xff: {  	v60 =	vor.u32 $0x100, v34;
	v9 =	vand.u32 $0x80000000, v43;
	v22 =	vld.idx.msk [tilespmem:v22+s16+$0x0], $0xffff;
	[tilespmem:s3+$0xFFFFFE00] =	vst v11;
	v1 =	vxor.u32 v1, v13  }
0x100: {  	v0 =	vor.u32 $0x80, v38;
	v59 =	vxor.u32 v63, v9;
	[tilespmem:s3+$0xFFFFFEF0] =	vst v1;
	v50 =	vld.idx.msk [tilespmem:v7+s16+$0x0], $0xffff  }
0x101: {  	v1 =	vor.u32 $0x80, v37;
	v7 =	vand.u32 $0x80000000, v47;
	[tilespmem:s3+$0xFFFFFE60] =	vst v59;
	v47 =	vxor.u32 v54, v10;
	v53 =	vld.idx.msk [tilespmem:v8+s16+$0x0], $0xffff  }
0x102: {  	v2 =	vor.u32 $0x100, v29;
	v58 =	vld.idx.msk [tilespmem:v62+s16+$0x0], $0xffff;
	v8 =	vand.u32 $0x80000000, v48;
	v23 =	vxor.u32 v23, v7;
	[tilespmem:s3+$0xFFFFFEA0] =	vst v47  }
0x103: {  	v21 =	vld.idx.msk [tilespmem:v21+s16+$0x0], $0xffff;
	[tilespmem:s3+$0xFFFFFE40] =	vst v23;
	v23 =	vxor.u32 v24, v8;
	v24 =	vor.u32 $0x180, v27  }
0x104: {  	v22 =	vxor.u32 v22, v52;
	v44 =	vld.idx.msk [tilespmem:v60+s16+$0x0], $0xffff;
	[tilespmem:s3+$0xFFFFFE50] =	vst v23;
	v23 =	vor.u32 $0x100, v35  }
0x105: {  	v61 =	vor.u32 $0x100, v36;
	[tilespmem:s3+$0xFFFFFE90] =	vst v22;
	v0 =	vld.idx.msk [tilespmem:v0+s16+$0x0], $0xffff;
	v45 =	vxor.u32 v50, v51  }
0x106: {  	v63 =	vor.u32 $0x100, v39;
	v1 =	vld.idx.msk [tilespmem:v1+s16+$0x0], $0xffff;
	[tilespmem:s3+$0xFFFFFE80] =	vst v45;
	v46 =	vxor.u32 v53, v13  }
0x107: {  	v22 =	vor.u32 $0x100, v38;
	v43 =	vxor.u32 v58, v12;
	[tilespmem:s3+$0xFFFFFF70] =	vst v46;
	v2 =	vld.idx.msk [tilespmem:v2+s16+$0x0], $0xffff  }
0x108: {  	v62 =	vor.u32 $0x100, v37;
	[tilespmem:s3+$0xFFFFFEB0] =	vst v43;
	v21 =	vxor.u32 v21, v9;
	v24 =	vld.idx.msk [tilespmem:v24+s16+$0x0], $0xffff  }
0x109: {  	[tilespmem:s3+$0xFFFFFEE0] =	vst v21;
	v21 =	vor.u32 $0x180, v34;
	v44 =	vxor.u32 v44, v10;
	v23 =	vld.idx.msk [tilespmem:v23+s16+$0x0], $0xffff  }
0x10a: {  	v48 =	vor.u32 $0x180, v29;
	v45 =	vld.idx.msk [tilespmem:v61+s16+$0x0], $0xffff;
	[tilespmem:s3+$0xFFFFFF20] =	vst v44;
	v0 =	vxor.u32 v0, v8  }
0x10b: {  	v47 =	vld.idx.msk [tilespmem:v63+s16+$0x0], $0xffff;
	v1 =	vxor.u32 v1, v7;
	[tilespmem:s3+$0xFFFFFED0] =	vst v0;
	v0 =	vor.u32 $0x180, v35  }
0x10c: {  	[tilespmem:s3+$0xFFFFFEC0] =	vst v1;
	v1 =	vor.u32 $0x200, v27;
	v22 =	vld.idx.msk [tilespmem:v22+s16+$0x0], $0xffff;
	v2 =	vxor.u32 v2, v51  }
0x10d: {  	v49 =	vor.u32 $0x180, v39;
	v46 =	vld.idx.msk [tilespmem:v62+s16+$0x0], $0xffff;
	[tilespmem:s3+$0xFFFFFF00] =	vst v2;
	v24 =	vxor.u32 v24, v13  }
0x10e: {  	v21 =	vld.idx.msk [tilespmem:v21+s16+$0x0], $0xffff;
	v2 =	vor.u32 $0x180, v36;
	v23 =	vxor.u32 v23, v52;
	[tilespmem:s3+$0xFFFFFFF0] =	vst v24  }
0x10f: {  	v45 =	vxor.u32 v45, v12;
	v24 =	vor.u32 $0x180, v37;
	v43 =	vld.idx.msk [tilespmem:v48+s16+$0x0], $0xffff;
	[tilespmem:s3+$0xFFFFFF10] =	vst v23  }
0x110: {  	[tilespmem:s3+$0xFFFFFF30] =	vst v45;
	v47 =	vxor.u32 v47, v9;
	v23 =	vor.u32 $0x180, v38;
	v0 =	vld.idx.msk [tilespmem:v0+s16+$0x0], $0xffff  }
0x111: {  	v54 =	vor.u32 $0x200, v34;
	[tilespmem:s3+$0xFFFFFF60] =	vst v47;
	v1 =	vld.idx.msk [tilespmem:v1+s16+$0x0], $0xffff;
	v22 =	vxor.u32 v22, v8  }
0x112: {  	v50 =	vor.u32 $0x200, v29;
	v44 =	vld.idx.msk [tilespmem:v49+s16+$0x0], $0xffff;
	v46 =	vxor.u32 v46, v7;
	[tilespmem:s3+$0xFFFFFF50] =	vst v22  }
0x113: {  	v22 =	vor.u32 $0x200, v35;
	v21 =	vxor.u32 v21, v10;
	v2 =	vld.idx.msk [tilespmem:v2+s16+$0x0], $0xffff;
	[tilespmem:s3+$0xFFFFFF40] =	vst v46  }
0x114: {  	v53 =	vor.u32 $0x280, v27;
	[tilespmem:s3+$0xFFFFFFA0] =	vst v21;
	v24 =	vld.idx.msk [tilespmem:v24+s16+$0x0], $0xffff;
	v43 =	vxor.u32 v43, v51  }
0x115: {  	v21 =	vor.u32 $0x200, v39;
	v23 =	vld.idx.msk [tilespmem:v23+s16+$0x0], $0xffff;
	[tilespmem:s3+$0xFFFFFF80] =	vst v43;
	v0 =	vxor.u32 v0, v52  }
0x116: {  	v58 =	vor.u32 $0x200, v36;
	v60 =	vld.idx.msk [tilespmem:v54+s16+$0x0], $0xffff;
	v1 =	vxor.u32 v1, v13;
	[tilespmem:s3+$0xFFFFFF90] =	vst v0  }
0x117: {  	v62 =	vxor.u32 v44, v9;
	v45 =	vld.idx.msk [tilespmem:v50+s16+$0x0], $0xffff;
	[tilespmem:s3+$0x70] =	vst v1;
	v1 =	vor.u32 $0x200, v37  }
0x118: {  	v0 =	vor.u32 $0x200, v38;
	[tilespmem:s3+$0xFFFFFFE0] =	vst v62;
	v59 =	vld.idx.msk [tilespmem:v22+s16+$0x0], $0xffff;
	v2 =	vxor.u32 v2, v12  }
0x119: {  	v46 =	vld.idx.msk [tilespmem:v53+s16+$0x0], $0xffff;
	[tilespmem:s3+$0xFFFFFFB0] =	vst v2;
	v2 =	vor.u32 $0x280, v29  }
0x11a: {  	v61 =	vor.u32 $0x280, v35;
	v21 =	vld.idx.msk [tilespmem:v21+s16+$0x0], $0xffff;
	v22 =	vxor.u32 v24, v7  }
0x11b: {  	v24 =	vld.idx.msk [tilespmem:v58+s16+$0x0], $0xffff;
	[tilespmem:s3+$0xFFFFFFC0] =	vst v22;
	v22 =	vxor.u32 v23, v8;
	v23 =	vor.u32 $0x300, v27  }
0x11c: {  	v14 =	vor.u32 $0x380, v14;
	v17 =	vxor.u32 v32, v17;
	[tilespmem:s3+$0xFFFFFFD0] =	vst v22;
	v47 =	vxor.u32 v45, v51;
	v1 =	vld.idx.msk [tilespmem:v1+s16+$0x0], $0xffff  }
0x11d: {  	v63 =	vor.u32 $0x280, v34;
	v22 =	vxor.u32 v41, v20;
	v0 =	vld.idx.msk [tilespmem:v0+s16+$0x0], $0xffff;
	[tilespmem:s3+$0x0] =	vst v47;
	v53 =	vxor.u32 v59, v52  }
0x11e: {  	v20 =	vxor.u32 v42, v5;
	v5 =	vor.u32 $0x280, v36;
	v49 =	vxor.u32 v46, v13;
	[tilespmem:s3+$0x10] =	vst v53;
	v2 =	vld.idx.msk [tilespmem:v2+s16+$0x0], $0xffff  }
0x11f: {  	v18 =	vxor.u32 v33, v18;
	v50 =	vor.u32 $0x280, v37;
	v32 =	vxor.u32 v60, v10;
	[tilespmem:s3+$0xF0] =	vst v49;
	v33 =	vld.idx.msk [tilespmem:v61+s16+$0x0], $0xffff  }
0x120: {  	v11 =	vor.u32 $0x380, v16;
	v16 =	vor.u32 $0x280, v38;
	[tilespmem:s3+$0x20] =	vst v32;
	v54 =	vld.idx.msk [tilespmem:v23+s16+$0x0], $0xffff;
	v23 =	vxor.u32 v24, v12  }
0x121: {  	v19 =	vxor.u32 v40, v19;
	v58 =	vor.u32 $0x280, v39;
	[tilespmem:s3+$0x30] =	vst v23;
	v1 =	vxor.u32 v1, v7  }
0x122: {  	v40 =	vld.idx.msk [tilespmem:v63+s16+$0x0], $0xffff;
	v24 =	vxor.u32 v31, v4;
	v4 =	vor.u32 $0x300, v29;
	v0 =	vxor.u32 v0, v8;
	[tilespmem:s3+$0x40] =	vst v1  }
0x123: {  	v15 =	vor.u32 $0x380, v15;
	v59 =	vor.u32 $0x300, v35;
	v5 =	vld.idx.msk [tilespmem:v5+s16+$0x0], $0xffff;
	[tilespmem:s3+$0x50] =	vst v0;
	v0 =	vxor.u32 v21, v9  }
0x124: {  	v62 =	vor.u32 $0x300, v36;
	v60 =	vor.u32 $0x380, v27;
	v41 =	vld.idx.msk [tilespmem:v50+s16+$0x0], $0xffff;
	v1 =	vxor.u32 v2, v51;
	[tilespmem:s3+$0x60] =	vst v0  }
0x125: {  	v32 =	vxor.u32 v25, v55;
	v61 =	vor.u32 $0x300, v34;
	v63 =	vld.idx.msk [tilespmem:v16+s16+$0x0], $0xffff;
	v2 =	vxor.u32 v33, v52;
	[tilespmem:s3+$0x80] =	vst v1  }
0x126: {  	v25 =	vor.u32 $0x380, v35;
	v35 =	vxor.u32 v30, v57;
	v0 =	vld.idx.msk [tilespmem:v58+s16+$0x0], $0xffff;
	v1 =	vxor.u32 v54, v13;
	[tilespmem:s3+$0x90] =	vst v2  }
0x127: {  	v27 =	vor.u32 $0x300, v37;
	v31 =	vxor.u32 v28, v3;
	v3 =	vxor.u32 v40, v10;
	[tilespmem:s3+$0x170] =	vst v1;
	v1 =	vld.idx.msk [tilespmem:v4+s16+$0x0], $0xffff  }
0x128: {  	v30 =	vor.u32 $0x380, v34;
	v28 =	vor.u32 $0x300, v38;
	v29 =	vor.u32 $0x380, v29;
	[tilespmem:s3+$0xA0] =	vst v3;
	v3 =	vld.idx.msk [tilespmem:v59+s16+$0x0], $0xffff  }
0x129: {  	[tilespmem:s1+$0x1A0] =	vst v6;
	v23 =	vor.u32 $0x300, v39;
	v21 =	vor.u32 $0x380, v38;
	v2 =	vld.idx.msk [tilespmem:v60+s16+$0x0], $0xffff;
	v4 =	vxor.u32 v5, v12  }
0x12a: {  	v33 =	vxor.u32 v26, v56;
	v26 =	vor.u32 $0x380, v36;
	v5 =	vld.idx.msk [tilespmem:v61+s16+$0x0], $0xffff;
	[tilespmem:s3+$0xB0] =	vst v4;
	v4 =	vxor.u32 v41, v7  }
0x12b: {  	s4 =	simm.s32 $0x10;
	s5 =	simm.s32 $0x1C0;
	v16 =	vor.u32 $0x380, v37;
	v34 =	vld.idx.msk [tilespmem:v62+s16+$0x0], $0xffff;
	v36 =	vxor.u32 v63, v8;
	[tilespmem:s3+$0xC0] =	vst v4;
	v4 =	vor.u32 $0x380, v39  }
.LBB2_5:
0x12c: {  	[tilespmem:s3+$0xD0] =	vst v36  }
0x12d: {  	v58 =	vld [tilespmem:s5+$0xFFFFFFD0];
	[tilespmem:s2+$0x190] =	vst v18;
	v0 =	vxor.u32 v0, v9  }
0x12e: {  	v1 =	vxor.u32 v1, v51;
	[tilespmem:s3+$0xE0] =	vst v0  }
0x12f: {  	v37 =	vld [tilespmem:s5+$0x30];
	v3 =	vxor.u32 v3, v52;
	[tilespmem:s3+$0x100] =	vst v1  }
0x130: {  	v0 =	vld [tilespmem:s5+$0xFFFFFFE0];
	[tilespmem:s3+$0x110] =	vst v3  }
0x131: {  	v3 =	vxor.u32 v5, v10;
	v5 =	vld [tilespmem:s5+$0x10];
	[tilespmem:s2+$0x150] =	vst v33  }
0x132: {  	v1 =	vxor.u32 v2, v13;
	v2 =	vld [tilespmem:s5+$0xFFFFFFF0];
	[tilespmem:s2+$0x1A0] =	vst v19  }
0x133: {  	[tilespmem:s3+$0x1F0] =	vst v1;
	v1 =	vld [tilespmem:s5+$0x0]  }
0x134: {  	[tilespmem:s3+$0x120] =	vst v3;
	v42 =	vld [tilespmem:s5+$0x20]  }
0x135: {  	v39 =	vld [tilespmem:s5+$0xFFFFFFC0];
	[tilespmem:s2+$0x140] =	vst v32  }
0x136: {  	v33 =	vld.idx.msk [tilespmem:v28+s16+$0x0], $0xffff;
	[tilespmem:s2+$0x180] =	vst v17  }
0x137: {  	v13 =	vshll.u32 v37, $0x3;
	[tilespmem:s2+$0x160] =	vst v35;
	v6 =	vld.idx.msk [tilespmem:v29+s16+$0x0], $0xffff  }
0x138: {  	v38 =	vand.u32 $0x7F, v37;
	v3 =	vxor.u32 v34, v12;
	v13 =	vand.u32 $0x7C00, v13;
	[tilespmem:s1+$0x1D0] =	vst v24;
	v32 =	vld.idx.msk [tilespmem:v27+s16+$0x0], $0xffff  }
0x139: {  	[tilespmem:s3+$0x130] =	vst v3;
	v3 =	vor.u32 v38, v13;
	v35 =	vld.idx.msk [tilespmem:v23+s16+$0x0], $0xffff;
	v40 =	vshll.u32 v0, $0x3  }
0x13a: {  	[tilespmem:s2+$0x1B0] =	vst v22;
	v27 =	vand.u32 $0x7F, v0;
	v38 =	vand.u32 $0x80000000, v0;
	v0 =	vld.idx.msk [tilespmem:v11+s16+$0x0], $0xffff;
	v18 =	vshll.u32 v39, $0x3  }
0x13b: {  	v59 =	vshll.u32 v58, $0x3;
	[tilespmem:s1+$0x1E0] =	vst v31;
	v19 =	vand.u32 $0x7C00, v18;
	v18 =	vld.idx.msk [tilespmem:v25+s16+$0x0], $0xffff  }
0x13c: {  	v34 =	vand.u32 $0x7C00, v59;
	v13 =	vand.u32 $0x7F, v58;
	v41 =	vshll.u32 v1, $0x3;
	[tilespmem:$0x1FEF0] =	vst v6;
	v6 =	vld.idx.msk [tilespmem:v26+s16+$0x0], $0xffff  }
0x13d: {  	v23 =	vand.u32 $0x7F, v1;
	v25 =	vor.u32 v13, v34;
	v34 =	vand.u32 $0x80000000, v1;
	v1 =	vld.idx.msk [tilespmem:v14+s16+$0x0], $0xffff  }
0x13e: {  	[tilespmem:s1+$0x1C0] =	vst v20;
	v29 =	vand.u32 $0x7F, v39;
	v47 =	vld.idx.msk [tilespmem:v3+s16+$0x0], $0xffff  }
0x13f: {  	v41 =	vand.u32 $0x7C00, v41;
	v29 =	vor.u32 v29, v19;
	[tilespmem:$0x1FF20] =	vst v0;
	v0 =	vmov v16  }
0x140: {  	v61 =	vshll.u32 v2, $0x3;
	v45 =	vor.u32 v23, v41;
	v23 =	vor.u32 $0x80, v3;
	[tilespmem:$0x1FFF0] =	vst v0  }
0x141: {  	v28 =	vand.u32 $0x7F, v2;
	v43 =	vshll.u32 v5, $0x3;
	v46 =	vand.u32 $0x7F, v5;
	[tilespmem:$0x1FF00] =	vst v6  }
0x142: {  	v60 =	vand.u32 $0x7C00, v40;
	v40 =	vand.u32 $0x7C00, v61;
	v13 =	vand.u32 $0x80000000, v37;
	[tilespmem:$0x1FF30] =	vst v1;
	v1 =	vmovc v4  }
0x143: {  	s1 =	smov.u32 s2;
	s2 =	smov.u32 s3;
	s3 =	sadd.s32 $0x400, s3;
	v43 =	vand.u32 $0x7C00, v43;
	v48 =	vor.u32 v27, v60;
	v6 =	vld.idx.msk [tilespmem:v15+s16+$0x0], $0xffff;
	v0 =	vxor.u32 v47, v13;
	[tilespmem:$0x1FFC0] =	vst v1  }
0x144: {  	v17 =	vmov v51;
	v50 =	vor.u32 v28, v40;
	v51 =	vor.u32 v46, v43;
	v1 =	vld.idx.msk [tilespmem:v29+s16+$0x0], $0xffff;
	[tilespmem:s3+$0xFFFFFE70] =	vst v0  }
0x145: {  	v44 =	vshll.u32 v42, $0x3;
	v62 =	vor.u32 $0x200, v51;
	v0 =	vld.idx.msk [tilespmem:v23+s16+$0x0], $0xffff  }
0x146: {  	v49 =	vand.u32 $0x7F, v42;
	v44 =	vand.u32 $0x7C00, v44;
	v63 =	vor.u32 $0x280, v25;
	[tilespmem:$0x1FF50] =	vst v62;
	v23 =	vld.idx.msk [tilespmem:v25+s16+$0x0], $0xffff  }
0x147: {  	v36 =	vand.u32 $0x80000000, v42;
	v46 =	vor.u32 v49, v44;
	[tilespmem:$0x1FF60] =	vst v63;
	v63 =	vor.u32 $0x280, v50  }
0x148: {  	v40 =	vand.u32 $0x80000000, v39;
	v39 =	vand.u32 $0x80000000, v2;
	v2 =	vor.u32 $0x80, v29;
	[tilespmem:$0x1FF70] =	vst v63;
	v42 =	vld.idx.msk [tilespmem:v48+s16+$0x0], $0xffff  }
0x149: {  	v43 =	vld.idx.msk [tilespmem:v50+s16+$0x0], $0xffff;
	[tilespmem:$0x1FF10] =	vst v6;
	v1 =	vxor.u32 v1, v40  }
0x14a: {  	v41 =	vand.u32 $0x80000000, v58;
	v4 =	vor.u32 $0x80, v25;
	v49 =	vld.idx.msk [tilespmem:v45+s16+$0x0], $0xffff;
	[tilespmem:s3+$0xFFFFFE00] =	vst v1;
	v0 =	vxor.u32 v0, v13  }
0x14b: {  	v58 =	vld.idx.msk [tilespmem:v51+s16+$0x0], $0xffff;
	v23 =	vxor.u32 v23, v41;
	[tilespmem:s3+$0xFFFFFEF0] =	vst v0  }
0x14c: {  	v47 =	vor.u32 $0x100, v3;
	v59 =	vld.idx.msk [tilespmem:v46+s16+$0x0], $0xffff;
	[tilespmem:s3+$0xFFFFFE10] =	vst v23;
	v23 =	vor.u32 $0x200, v25  }
0x14d: {  	v16 =	vor.u32 $0x80, v48;
	v60 =	vld.idx.msk [tilespmem:v2+s16+$0x0], $0xffff;
	[tilespmem:$0x1FF40] =	vst v23;
	v23 =	vxor.u32 v42, v38  }
0x14e: {  	v22 =	vld.idx.msk [tilespmem:v30+s16+$0x0], $0xffff;
	v19 =	vmov v21;
	v21 =	vor.u32 $0x80, v50;
	[tilespmem:s3+$0xFFFFFE20] =	vst v23;
	v23 =	vxor.u32 v43, v39  }
0x14f: {  	v37 =	vand.u32 $0x80000000, v5;
	v26 =	vor.u32 $0x80, v45;
	v4 =	vld.idx.msk [tilespmem:v4+s16+$0x0], $0xffff;
	[tilespmem:s3+$0xFFFFFE30] =	vst v23;
	v23 =	vxor.u32 v49, v34  }
0x150: {  	v27 =	vor.u32 $0x80, v51;
	[tilespmem:s3+$0xFFFFFE40] =	vst v23;
	v23 =	vxor.u32 v58, v37  }
0x151: {  	v61 =	vld.idx.msk [tilespmem:v47+s16+$0x0], $0xffff;
	[tilespmem:s3+$0xFFFFFE50] =	vst v23;
	v23 =	vxor.u32 v59, v36  }
0x152: {  	v16 =	vld.idx.msk [tilespmem:v16+s16+$0x0], $0xffff;
	v60 =	vxor.u32 v60, v40;
	[tilespmem:s3+$0xFFFFFE60] =	vst v23  }
0x153: {  	v28 =	vor.u32 $0x80, v46;
	v21 =	vld.idx.msk [tilespmem:v21+s16+$0x0], $0xffff;
	[tilespmem:s3+$0xFFFFFE80] =	vst v60;
	v23 =	vor.u32 $0x280, v45  }
0x154: {  	v11 =	vmov v52;
	v30 =	vor.u32 $0x100, v29;
	v26 =	vld.idx.msk [tilespmem:v26+s16+$0x0], $0xffff;
	v4 =	vxor.u32 v4, v41;
	[tilespmem:$0x1FF80] =	vst v23  }
0x155: {  	v44 =	vor.u32 $0x100, v25;
	v63 =	vld.idx.msk [tilespmem:v27+s16+$0x0], $0xffff;
	v23 =	vor.u32 $0x280, v51;
	[tilespmem:s3+$0xFFFFFE90] =	vst v4  }
0x156: {  	v18 =	vxor.u32 v18, v11;
	v6 =	vor.u32 $0x100, v45;
	v4 =	vor.u32 $0x300, v25;
	[tilespmem:$0x1FF90] =	vst v23  }
0x157: {  	v53 =	vor.u32 $0x100, v51;
	v11 =	vmovc v19;
	v19 =	vxor.u32 v22, v10;
	v10 =	vld [tilespmem:$0x1FF00];
	[tilespmem:$0x1FFD0] =	vst v4;
	v4 =	vxor.u32 v16, v38  }
0x158: {  	v62 =	vor.u32 $0x180, v3;
	v60 =	vld.idx.msk [tilespmem:v28+s16+$0x0], $0xffff;
	[tilespmem:s3+$0xFFFFFEA0] =	vst v4;
	v4 =	vxor.u32 v21, v39  }
0x159: {  	v14 =	vor.u32 $0x100, v48;
	v30 =	vld.idx.msk [tilespmem:v30+s16+$0x0], $0xffff;
	[tilespmem:s3+$0xFFFFFEB0] =	vst v4;
	v4 =	vxor.u32 v26, v34  }
0x15a: {  	v15 =	vor.u32 $0x100, v50;
	v23 =	vxor.u32 v61, v13;
	v61 =	vld.idx.msk [tilespmem:v44+s16+$0x0], $0xffff;
	[tilespmem:s3+$0xFFFFFEC0] =	vst v4;
	v4 =	vxor.u32 v63, v37  }
0x15b: {  	v54 =	vor.u32 $0x100, v46;
	v6 =	vld.idx.msk [tilespmem:v6+s16+$0x0], $0xffff;
	[tilespmem:s3+$0xFFFFFED0] =	vst v4  }
0x15c: {  	v16 =	vor.u32 $0x300, v48;
	[tilespmem:s3+$0xFFFFFF70] =	vst v23;
	v53 =	vld.idx.msk [tilespmem:v53+s16+$0x0], $0xffff  }
0x15d: {  	[tilespmem:$0x1FFE0] =	vst v16;
	v16 =	vld.idx.msk [tilespmem:v62+s16+$0x0], $0xffff  }
0x15e: {  	v24 =	vmovc v56;
	v56 =	vor.u32 $0x180, v48;
	v2 =	vor.u32 $0x180, v51;
	v14 =	vld.idx.msk [tilespmem:v14+s16+$0x0], $0xffff;
	v4 =	vxor.u32 v60, v36  }
0x15f: {  	v42 =	vor.u32 $0x200, v48;
	v59 =	vor.u32 $0x280, v48;
	v62 =	vor.u32 $0x200, v3;
	v15 =	vld.idx.msk [tilespmem:v15+s16+$0x0], $0xffff;
	[tilespmem:s3+$0xFFFFFEE0] =	vst v4  }
0x160: {  	v21 =	vxor.u32 v30, v40;
	v30 =	vor.u32 $0x380, v48;
	v48 =	vld.idx.msk [tilespmem:v54+s16+$0x0], $0xffff;
	v6 =	vxor.u32 v6, v34  }
0x161: {  	v22 =	vxor.u32 v10, v12;
	v10 =	vld [tilespmem:$0x1FF10];
	[tilespmem:s3+$0xFFFFFF40] =	vst v6;
	v6 =	vxor.u32 v53, v37  }
0x162: {  	v31 =	vmovc v57;
	v57 =	vor.u32 $0x180, v50;
	v63 =	vxor.u32 v61, v41;
	v61 =	vld [tilespmem:$0x1FEF0];
	v4 =	vxor.u32 v16, v13;
	[tilespmem:s3+$0xFFFFFF50] =	vst v6  }
0x163: {  	v5 =	vor.u32 $0x180, v45;
	v14 =	vxor.u32 v14, v38;
	[tilespmem:s3+$0xFFFFFFF0] =	vst v4;
	v2 =	vld.idx.msk [tilespmem:v2+s16+$0x0], $0xffff  }
0x164: {  	[tilespmem:s3+$0xFFFFFF20] =	vst v14;
	v14 =	vxor.u32 v15, v39;
	v60 =	vld.idx.msk [tilespmem:v62+s16+$0x0], $0xffff  }
0x165: {  	v52 =	vor.u32 $0x180, v29;
	v15 =	vld.idx.msk [tilespmem:v56+s16+$0x0], $0xffff;
	[tilespmem:s3+$0xFFFFFF30] =	vst v14;
	v6 =	vxor.u32 v48, v36  }
0x166: {  	v20 =	vmov v55;
	v55 =	vor.u32 $0x180, v25;
	[tilespmem:s3+$0xFFFFFF60] =	vst v6;
	v6 =	vld [tilespmem:$0x1FF20]  }
0x167: {  	v33 =	vxor.u32 v33, v8;
	v1 =	vor.u32 $0x180, v46;
	[tilespmem:s3+$0xFFFFFF00] =	vst v21;
	v56 =	vmovc v8;
	v8 =	vmov v37;
	v14 =	vld.idx.msk [tilespmem:v57+s16+$0x0], $0xffff  }
0x168: {  	[tilespmem:s3+$0xFFFFFF10] =	vst v63;
	v63 =	vor.u32 $0x280, v3;
	v5 =	vld.idx.msk [tilespmem:v5+s16+$0x0], $0xffff;
	v2 =	vxor.u32 v2, v8  }
0x169: {  	v47 =	vor.u32 $0x200, v50;
	[tilespmem:s3+$0xFFFFFFD0] =	vst v2;
	v2 =	vld [tilespmem:$0x1FF50]  }
0x16a: {  	v20 =	vxor.u32 v10, v20;
	v44 =	vor.u32 $0x300, v50;
	v26 =	vor.u32 $0x380, v50;
	v50 =	vld.idx.msk [tilespmem:v52+s16+$0x0], $0xffff  }
0x16b: {  	v43 =	vor.u32 $0x200, v45;
	v10 =	vmovc v38;
	v62 =	vld.idx.msk [tilespmem:v55+s16+$0x0], $0xffff;
	v24 =	vxor.u32 v6, v24;
	v6 =	vxor.u32 v60, v13  }
0x16c: {  	v32 =	vxor.u32 v32, v7;
	v12 =	vmov v39;
	v1 =	vld.idx.msk [tilespmem:v1+s16+$0x0], $0xffff;
	[tilespmem:s3+$0x70] =	vst v6;
	v6 =	vxor.u32 v15, v10  }
0x16d: {  	v55 =	vmov v7;
	v7 =	vmov v34;
	v15 =	vld.idx.msk [tilespmem:v63+s16+$0x0], $0xffff;
	[tilespmem:s3+$0xFFFFFFA0] =	vst v6;
	v6 =	vxor.u32 v14, v12  }
0x16e: {  	v0 =	vor.u32 $0x200, v29;
	v5 =	vxor.u32 v5, v7;
	v14 =	vld.idx.msk [tilespmem:v42+s16+$0x0], $0xffff;
	[tilespmem:s3+$0xFFFFFFB0] =	vst v6  }
0x16f: {  	v35 =	vxor.u32 v35, v9;
	v28 =	vor.u32 $0x300, v51;
	v21 =	vor.u32 $0x380, v51;
	v51 =	vmovc v40;
	[tilespmem:s3+$0xFFFFFFC0] =	vst v5;
	v6 =	vld.idx.msk [tilespmem:v47+s16+$0x0], $0xffff  }
0x170: {  	v17 =	vxor.u32 v61, v17;
	v57 =	vmovc v9;
	v9 =	vmov v36;
	v48 =	vxor.u32 v50, v51;
	v61 =	vld.idx.msk [tilespmem:v43+s16+$0x0], $0xffff  }
0x171: {  	[tilespmem:s3+$0xFFFFFF80] =	vst v48;
	v1 =	vxor.u32 v1, v9;
	v2 =	vld.idx.msk [tilespmem:v2+s16+$0x0], $0xffff  }
0x172: {  	[tilespmem:s3+$0xFFFFFFE0] =	vst v1;
	v1 =	vxor.u32 v15, v13  }
0x173: {  	v0 =	vld.idx.msk [tilespmem:v0+s16+$0x0], $0xffff;
	[tilespmem:s3+$0xF0] =	vst v1;
	v1 =	vxor.u32 v14, v10  }
0x174: {  	v60 =	vld [tilespmem:$0x1FF40];
	[tilespmem:s3+$0x20] =	vst v1;
	v1 =	vxor.u32 v6, v12  }
0x175: {  	v49 =	vor.u32 $0x200, v46;
	[tilespmem:s3+$0x30] =	vst v1;
	v1 =	vxor.u32 v61, v7  }
0x176: {  	v5 =	vor.u32 $0x300, v3;
	[tilespmem:s3+$0x40] =	vst v1;
	v1 =	vxor.u32 v2, v8;
	v2 =	vor.u32 $0x380, v3;
	v3 =	vld [tilespmem:$0x1FF80];
	_ =	sdelay $0x1  }
0x177: {  	v58 =	vor.u32 $0x280, v29;
	v52 =	vmov v41  }
0x178: {  	v53 =	vxor.u32 v62, v52;
	v62 =	vld [tilespmem:$0x1FF70];
	v0 =	vxor.u32 v0, v51  }
0x179: {  	[tilespmem:s3+$0x0] =	vst v0;
	v0 =	vld.idx.msk [tilespmem:v49+s16+$0x0], $0xffff  }
0x17a: {  	[tilespmem:s3+$0xFFFFFF90] =	vst v53;
	v14 =	vld [tilespmem:$0x1FF60]  }
0x17b: {  	v34 =	vld.idx.msk [tilespmem:v60+s16+$0x0], $0xffff  }
0x17c: {  	v15 =	vld.idx.msk [tilespmem:v58+s16+$0x0], $0xffff  }
0x17d: {  	v27 =	vor.u32 $0x300, v29;
	v63 =	vld.idx.msk [tilespmem:v3+s16+$0x0], $0xffff  }
0x17e: {  	[tilespmem:$0x1FFB0] =	vst v27;
	v27 =	vor.u32 $0x280, v46;
	v3 =	vld [tilespmem:$0x1FF90]  }
0x17f: {  	[tilespmem:$0x1FFA0] =	vst v27;
	v0 =	vxor.u32 v0, v9;
	v5 =	vld.idx.msk [tilespmem:v5+s16+$0x0], $0xffff  }
0x180: {  	[tilespmem:s3+$0x60] =	vst v0;
	v0 =	vld [tilespmem:$0x1FFA0];
	v34 =	vxor.u32 v34, v52  }
0x181: {  	v6 =	vld.idx.msk [tilespmem:v59+s16+$0x0], $0xffff;
	[tilespmem:s3+$0x10] =	vst v34  }
0x182: {  	[tilespmem:s3+$0x50] =	vst v1;
	v1 =	vxor.u32 v15, v51;
	v14 =	vld.idx.msk [tilespmem:v14+s16+$0x0], $0xffff  }
0x183: {  	[tilespmem:s3+$0x80] =	vst v1;
	v1 =	vld [tilespmem:$0x1FFB0];
	_ =	sdelay $0x1  }
0x184: {  	v50 =	vld [tilespmem:$0x1FF30]  }
0x185: {  	v15 =	vld.idx.msk [tilespmem:v3+s16+$0x0], $0xffff;
	v3 =	vxor.u32 v5, v13  }
0x186: {  	v34 =	vld.idx.msk [tilespmem:v62+s16+$0x0], $0xffff;
	v5 =	vxor.u32 v14, v52;
	[tilespmem:s3+$0x170] =	vst v3  }
0x187: {  	[tilespmem:s3+$0x90] =	vst v5;
	v5 =	vxor.u32 v6, v10;
	v3 =	vld [tilespmem:$0x1FFD0]  }
0x188: {  	[tilespmem:s3+$0xA0] =	vst v5;
	v5 =	vld [tilespmem:$0x1FFE0]  }
0x189: {  	v0 =	vld.idx.msk [tilespmem:v0+s16+$0x0], $0xffff  }
0x18a: {  	s4 =	sadd.s32 $0x8, s4;
	v1 =	vld.idx.msk [tilespmem:v1+s16+$0x0], $0xffff  }
0x18b: {  	p1 =	slt.u32 s4, $0x78;
	v14 =	vld [tilespmem:$0x1FFC0];
	v6 =	vxor.u32 v34, v12  }
.Ltmp3:
0x18c: {  	v2 =	vld.idx.msk [tilespmem:v2+s16+$0x0], $0xffff;
	[tilespmem:s3+$0xB0] =	vst v6;
	(pc) =	sbr.rel @p1 .LBB2_5-.Ltmp3, $4  }
0x18d: {  	v34 =	vld.idx.msk [tilespmem:v44+s16+$0x0], $0xffff  }
0x18e: {  	v29 =	vor.u32 $0x380, v29;
	v25 =	vor.u32 $0x380, v25;
	v36 =	vxor.u32 v15, v8;
	v15 =	vld [tilespmem:$0x1FFF0]  }
0x18f: {  	v27 =	vor.u32 $0x300, v45;
	v23 =	vor.u32 $0x300, v46;
	v6 =	vxor.u32 v63, v7;
	v3 =	vld.idx.msk [tilespmem:v3+s16+$0x0], $0xffff  }
0x190: {  	s5 =	sadd.s32 $0x80, s5;
	v16 =	vor.u32 $0x380, v45;
	v4 =	vor.u32 $0x380, v46;
	v31 =	vxor.u32 v50, v31;
	[tilespmem:s3+$0xC0] =	vst v6;
	v5 =	vld.idx.msk [tilespmem:v5+s16+$0x0], $0xffff  }
0x191: {  	[tilespmem:s3+$0xD0] =	vst v36  }
0x192: {  	[tilespmem:s2+$0x140] =	vst v32  }
0x193: {  	[tilespmem:s2+$0x150] =	vst v33  }
0x194: {  	[tilespmem:s2+$0x160] =	vst v35  }
0x195: {  	[tilespmem:s2+$0x180] =	vst v17  }
0x196: {  	[tilespmem:s2+$0x190] =	vst v18  }
0x197: {  	[tilespmem:s2+$0x1A0] =	vst v19  }
0x198: {  	v0 =	vxor.u32 v0, v9;
	[tilespmem:s2+$0x1B0] =	vst v22  }
0x199: {  	v1 =	vxor.u32 v1, v51;
	[tilespmem:s3+$0xE0] =	vst v0  }
0x19a: {  	[tilespmem:s3+$0x100] =	vst v1;
	v0 =	vxor.u32 v2, v13  }
0x19b: {  	[tilespmem:s3+$0x1F0] =	vst v0;
	v1 =	vxor.u32 v3, v52  }
0x19c: {  	v3 =	vld.idx.msk [tilespmem:v29+s16+$0x0], $0xffff;
	[tilespmem:s3+$0x110] =	vst v1;
	v0 =	vxor.u32 v5, v10  }
0x19d: {  	v1 =	vld.idx.msk [tilespmem:v28+s16+$0x0], $0xffff;
	[tilespmem:s3+$0x120] =	vst v0;
	v0 =	vxor.u32 v34, v12  }
0x19e: {  	[tilespmem:s3+$0x130] =	vst v0;
	v0 =	vld.idx.msk [tilespmem:v27+s16+$0x0], $0xffff  }
0x19f: {  	[tilespmem:s1+$0x1C0] =	vst v20;
	v6 =	vld.idx.msk [tilespmem:v30+s16+$0x0], $0xffff  }
0x1a0: {  	[tilespmem:s1+$0x1D0] =	vst v24;
	v2 =	vld.idx.msk [tilespmem:v23+s16+$0x0], $0xffff  }
0x1a1: {  	[tilespmem:s1+$0x1E0] =	vst v31;
	v5 =	vld.idx.msk [tilespmem:v25+s16+$0x0], $0xffff;
	v3 =	vxor.u32 v3, v51  }
0x1a2: {  	v13 =	vld.idx.msk [tilespmem:v26+s16+$0x0], $0xffff;
	v1 =	vxor.u32 v1, v8;
	[tilespmem:s3+$0x180] =	vst v3  }
0x1a3: {  	[tilespmem:s3+$0x150] =	vst v1;
	v1 =	vld.idx.msk [tilespmem:v11+s16+$0x0], $0xffff;
	v0 =	vxor.u32 v0, v7  }
0x1a4: {  	v3 =	vxor.u32 v6, v10;
	[tilespmem:s3+$0x140] =	vst v0;
	v0 =	vld.idx.msk [tilespmem:v15+s16+$0x0], $0xffff  }
0x1a5: {  	v2 =	vxor.u32 v2, v9;
	[tilespmem:s3+$0x1A0] =	vst v3;
	v3 =	vld.idx.msk [tilespmem:v21+s16+$0x0], $0xffff  }
0x1a6: {  	[tilespmem:s3+$0x160] =	vst v2;
	v2 =	vld.idx.msk [tilespmem:v14+s16+$0x0], $0xffff;
	v5 =	vxor.u32 v5, v52  }
0x1a7: {  	[tilespmem:s3+$0x190] =	vst v5;
	v6 =	vxor.u32 v13, v12;
	v5 =	vld.idx.msk [tilespmem:v16+s16+$0x0], $0xffff  }
0x1a8: {  	v4 =	vld.idx.msk [tilespmem:v4+s16+$0x0], $0xffff;
	[tilespmem:s3+$0x1B0] =	vst v6;
	v1 =	vxor.u32 v1, v56  }
0x1a9: {  	[tilespmem:s2+$0x1D0] =	vst v1;
	v0 =	vxor.u32 v0, v55  }
0x1aa: {  	v1 =	vxor.u32 v3, v8;
	[tilespmem:s2+$0x1C0] =	vst v0  }
0x1ab: {  	v0 =	vxor.u32 v2, v57;
	[tilespmem:s3+$0x1D0] =	vst v1  }
0x1ac: {  	s4 =	sshll.u32 s31, $0xD;
	[tilespmem:s2+$0x1E0] =	vst v0;
	v0 =	vxor.u32 v5, v7  }
0x1ad: {  	s1 =	sadd.s32 s9, s4;
	[tilespmem:s3+$0x1C0] =	vst v0;
	v0 =	vxor.u32 v4, v9  }
0x1ae: {  	s5 =	sadd.s32 s6, s1;
	s2 =	simm.s32 @!p0 $0x5;
	[tilespmem:s3+$0x1E0] =	vst v0  }
0x1af: {  	[hbm4b:s5+s8] =	stream.linear.scatter [tilespmem:s22], [sflag:$0x3], $0x4000, $0x38;
	[tilespmem:$0x1F000] =	vst v63  }
0x1b0: {  	_ =	swait.ge @!p0 [sflag:s2], $0x4000  }
0x1b1: {  	[sflag:s2] =	ssyncset.done @!p0 $0x0  }
0x1b2: {  	s11 =	simm.s32 $0x870;
	[sflag:s2] =	ssyncadd.s32 @!p0 $0xFFFFC000  }
0x1b3: {  	v2 =	vld [tilespmem:s11+$0x0];
	_ =	sdelay $0x1  }
0x1b4: {  	v3 =	vld [tilespmem:s11+$0xFFFFFFA0]  }
0x1b5: {  	v4 =	vld [tilespmem:s11+$0xFFFFFFB0]  }
0x1b6: {  	v9 =	vld [tilespmem:s11+$0xFFFFFFC0]  }
0x1b7: {  	v5 =	vld [tilespmem:s11+$0xFFFFFF90];
	v0 =	vshll.u32 v2, $0x3  }
0x1b8: {  	v1 =	vand.u32 $0x7F, v2;
	v0 =	vand.u32 $0x7C00, v0  }
0x1b9: {  	v15 =	vor.u32 v1, v0  }
0x1ba: {  	v17 =	vld [tilespmem:s11+$0xFFFFFFE0]  }
0x1bb: {  	v16 =	vld [tilespmem:s11+$0xFFFFFFD0];
	v6 =	vand.u32 $0x7F, v3;
	v8 =	vshll.u32 v9, $0x3;
	v0 =	vshll.u32 v3, $0x3  }
0x1bc: {  	v18 =	vld [tilespmem:s11+$0xFFFFFFF0];
	v10 =	vand.u32 $0x7F, v5;
	v1 =	vand.u32 $0x7C00, v0;
	v0 =	vshll.u32 v4, $0x3  }
0x1bd: {  	v12 =	vand.u32 $0x7F, v4;
	v7 =	vand.u32 $0x7C00, v0;
	v0 =	vshll.u32 v5, $0x3  }
0x1be: {  	v13 =	vand.u32 $0x7F, v9;
	v14 =	vor.u32 v6, v1;
	v0 =	vand.u32 $0x7C00, v0;
	v11 =	vld.idx.msk [tilespmem:v15+s16+$0x0], $0xffff  }
0x1bf: {  	s20 =	simm.s32 $0x8F0;
	v21 =	vshll.u32 v17, $0x3;
	v8 =	vand.u32 $0x7C00, v8;
	v0 =	vor.u32 v10, v0  }
0x1c0: {  	v59 =	vld [tilespmem:s20+$0xFFFFFFA0];
	v19 =	vor.u32 $0x80, v15;
	v6 =	vand.u32 $0x7F, v16;
	v1 =	vor.u32 v12, v7  }
0x1c1: {  	v60 =	vld [tilespmem:s20+$0xFFFFFFB0];
	v7 =	vand.u32 $0x7C00, v21;
	v12 =	vshll.u32 v18, $0x3;
	v10 =	vshll.u32 v16, $0x3  }
0x1c2: {  	v37 =	vld [tilespmem:s20+$0xFFFFFFC0];
	v20 =	vand.u32 $0x7C00, v10;
	v10 =	vand.u32 $0x80000000, v2;
	v2 =	vor.u32 v13, v8  }
0x1c3: {  	s2 =	simm.s32 $0x1B200;
	v13 =	vand.u32 $0x7F, v17;
	v21 =	vld.idx.msk [tilespmem:v14+s16+$0x0], $0xffff;
	v8 =	vxor.u32 v11, v10;
	v11 =	vor.u32 v6, v20  }
0x1c4: {  	v20 =	vld.idx.msk [tilespmem:v0+s16+$0x0], $0xffff;
	v6 =	vand.u32 $0x7C00, v12;
	v12 =	vor.u32 v13, v7;
	[tilespmem:s2+$0xFFFFFE70] =	vst v8;
	v8 =	vand.u32 $0x7F, v18  }
0x1c5: {  	v19 =	vld.idx.msk [tilespmem:v19+s16+$0x0], $0xffff;
	v13 =	vor.u32 v8, v6  }
0x1c6: {  	v22 =	vor.u32 $0x80, v0;
	v23 =	vld.idx.msk [tilespmem:v1+s16+$0x0], $0xffff  }
0x1c7: {  	v25 =	vor.u32 $0x100, v15;
	v26 =	vor.u32 $0x80, v14;
	v24 =	vld.idx.msk [tilespmem:v2+s16+$0x0], $0xffff;
	v7 =	vand.u32 $0x80000000, v3  }
0x1c8: {  	v6 =	vand.u32 $0x80000000, v5;
	v8 =	vand.u32 $0x80000000, v4;
	v4 =	vxor.u32 v21, v7;
	v27 =	vld.idx.msk [tilespmem:v11+s16+$0x0], $0xffff  }
0x1c9: {  	v28 =	vor.u32 $0x80, v1;
	[tilespmem:s2+$0xFFFFFE10] =	vst v4;
	v5 =	vxor.u32 v20, v6;
	v20 =	vld.idx.msk [tilespmem:v12+s16+$0x0], $0xffff  }
0x1ca: {  	v29 =	vor.u32 $0x80, v2;
	[tilespmem:s2+$0xFFFFFE00] =	vst v5;
	v30 =	vld.idx.msk [tilespmem:v13+s16+$0x0], $0xffff;
	v3 =	vxor.u32 v19, v10  }
0x1cb: {  	v9 =	vand.u32 $0x80000000, v9;
	v19 =	vor.u32 $0x80, v11;
	v22 =	vld.idx.msk [tilespmem:v22+s16+$0x0], $0xffff;
	[tilespmem:s2+$0xFFFFFEF0] =	vst v3;
	v3 =	vxor.u32 v23, v8  }
0x1cc: {  	v21 =	vor.u32 $0x80, v12;
	v5 =	vand.u32 $0x80000000, v16;
	v23 =	vld.idx.msk [tilespmem:v25+s16+$0x0], $0xffff;
	[tilespmem:s2+$0xFFFFFE20] =	vst v3;
	v3 =	vxor.u32 v24, v9  }
0x1cd: {  	v4 =	vand.u32 $0x80000000, v17;
	v16 =	vor.u32 $0x80, v13;
	v25 =	vld.idx.msk [tilespmem:v26+s16+$0x0], $0xffff;
	[tilespmem:s2+$0xFFFFFE30] =	vst v3;
	v26 =	vxor.u32 v27, v5  }
0x1ce: {  	v17 =	vor.u32 $0x100, v0;
	v24 =	vld.idx.msk [tilespmem:v28+s16+$0x0], $0xffff;
	v3 =	vand.u32 $0x80000000, v18;
	v20 =	vxor.u32 v20, v4;
	[tilespmem:s2+$0xFFFFFE40] =	vst v26  }
0x1cf: {  	v18 =	vld.idx.msk [tilespmem:v29+s16+$0x0], $0xffff;
	v26 =	vor.u32 $0x180, v15;
	[tilespmem:s2+$0xFFFFFE50] =	vst v20;
	v20 =	vxor.u32 v30, v3  }
0x1d0: {  	v27 =	vor.u32 $0x100, v14;
	v19 =	vld.idx.msk [tilespmem:v19+s16+$0x0], $0xffff;
	v22 =	vxor.u32 v22, v6;
	[tilespmem:s2+$0xFFFFFE60] =	vst v20  }
0x1d1: {  	v28 =	vor.u32 $0x100, v1;
	v21 =	vld.idx.msk [tilespmem:v21+s16+$0x0], $0xffff;
	[tilespmem:s2+$0xFFFFFE80] =	vst v22;
	v22 =	vxor.u32 v23, v10  }
0x1d2: {  	v20 =	vor.u32 $0x100, v2;
	v16 =	vld.idx.msk [tilespmem:v16+s16+$0x0], $0xffff;
	v25 =	vxor.u32 v25, v7;
	[tilespmem:s2+$0xFFFFFF70] =	vst v22  }
0x1d3: {  	v23 =	vor.u32 $0x100, v11;
	v17 =	vld.idx.msk [tilespmem:v17+s16+$0x0], $0xffff;
	[tilespmem:s2+$0xFFFFFE90] =	vst v25;
	v24 =	vxor.u32 v24, v8  }
0x1d4: {  	v22 =	vor.u32 $0x100, v12;
	v25 =	vld.idx.msk [tilespmem:v26+s16+$0x0], $0xffff;
	[tilespmem:s2+$0xFFFFFEA0] =	vst v24;
	v18 =	vxor.u32 v18, v9  }
0x1d5: {  	v26 =	vor.u32 $0x100, v13;
	v27 =	vld.idx.msk [tilespmem:v27+s16+$0x0], $0xffff;
	[tilespmem:s2+$0xFFFFFEB0] =	vst v18;
	v18 =	vxor.u32 v19, v5  }
0x1d6: {  	v24 =	vor.u32 $0x180, v0;
	v28 =	vld.idx.msk [tilespmem:v28+s16+$0x0], $0xffff;
	[tilespmem:s2+$0xFFFFFEC0] =	vst v18;
	v18 =	vxor.u32 v21, v4  }
0x1d7: {  	v19 =	vld.idx.msk [tilespmem:v20+s16+$0x0], $0xffff;
	v20 =	vor.u32 $0x200, v15;
	[tilespmem:s2+$0xFFFFFED0] =	vst v18;
	v16 =	vxor.u32 v16, v3  }
0x1d8: {  	v21 =	vor.u32 $0x180, v14;
	v23 =	vld.idx.msk [tilespmem:v23+s16+$0x0], $0xffff;
	v17 =	vxor.u32 v17, v6;
	[tilespmem:s2+$0xFFFFFEE0] =	vst v16  }
0x1d9: {  	v18 =	vor.u32 $0x180, v1;
	v22 =	vld.idx.msk [tilespmem:v22+s16+$0x0], $0xffff;
	[tilespmem:s2+$0xFFFFFF00] =	vst v17;
	v25 =	vxor.u32 v25, v10  }
0x1da: {  	v16 =	vor.u32 $0x180, v2;
	v17 =	vld.idx.msk [tilespmem:v26+s16+$0x0], $0xffff;
	v27 =	vxor.u32 v27, v7;
	[tilespmem:s2+$0xFFFFFFF0] =	vst v25  }
0x1db: {  	v26 =	vor.u32 $0x180, v11;
	v24 =	vld.idx.msk [tilespmem:v24+s16+$0x0], $0xffff;
	[tilespmem:s2+$0xFFFFFF10] =	vst v27;
	v27 =	vxor.u32 v28, v8  }
0x1dc: {  	v25 =	vor.u32 $0x180, v12;
	v20 =	vld.idx.msk [tilespmem:v20+s16+$0x0], $0xffff;
	[tilespmem:s2+$0xFFFFFF20] =	vst v27;
	v19 =	vxor.u32 v19, v9  }
0x1dd: {  	v28 =	vor.u32 $0x180, v13;
	v21 =	vld.idx.msk [tilespmem:v21+s16+$0x0], $0xffff;
	[tilespmem:s2+$0xFFFFFF30] =	vst v19;
	v19 =	vxor.u32 v23, v5  }
0x1de: {  	v27 =	vor.u32 $0x200, v0;
	v18 =	vld.idx.msk [tilespmem:v18+s16+$0x0], $0xffff;
	[tilespmem:s2+$0xFFFFFF40] =	vst v19;
	v19 =	vxor.u32 v22, v4  }
0x1df: {  	v16 =	vld.idx.msk [tilespmem:v16+s16+$0x0], $0xffff;
	v22 =	vor.u32 $0x280, v15;
	[tilespmem:s2+$0xFFFFFF50] =	vst v19;
	v17 =	vxor.u32 v17, v3  }
0x1e0: {  	v23 =	vor.u32 $0x200, v14;
	v26 =	vld.idx.msk [tilespmem:v26+s16+$0x0], $0xffff;
	v24 =	vxor.u32 v24, v6;
	[tilespmem:s2+$0xFFFFFF60] =	vst v17  }
0x1e1: {  	v19 =	vor.u32 $0x200, v1;
	v25 =	vld.idx.msk [tilespmem:v25+s16+$0x0], $0xffff;
	[tilespmem:s2+$0xFFFFFF80] =	vst v24;
	v20 =	vxor.u32 v20, v10  }
0x1e2: {  	v17 =	vor.u32 $0x200, v2;
	v24 =	vld.idx.msk [tilespmem:v28+s16+$0x0], $0xffff;
	v21 =	vxor.u32 v21, v7;
	[tilespmem:s2+$0x70] =	vst v20  }
0x1e3: {  	v28 =	vor.u32 $0x200, v11;
	v27 =	vld.idx.msk [tilespmem:v27+s16+$0x0], $0xffff;
	[tilespmem:s2+$0xFFFFFF90] =	vst v21;
	v18 =	vxor.u32 v18, v8  }
0x1e4: {  	v20 =	vor.u32 $0x200, v12;
	v21 =	vld.idx.msk [tilespmem:v22+s16+$0x0], $0xffff;
	[tilespmem:s2+$0xFFFFFFA0] =	vst v18;
	v16 =	vxor.u32 v16, v9  }
0x1e5: {  	v22 =	vor.u32 $0x200, v13;
	v23 =	vld.idx.msk [tilespmem:v23+s16+$0x0], $0xffff;
	[tilespmem:s2+$0xFFFFFFB0] =	vst v16;
	v16 =	vxor.u32 v26, v5  }
0x1e6: {  	v18 =	vor.u32 $0x280, v0;
	v19 =	vld.idx.msk [tilespmem:v19+s16+$0x0], $0xffff;
	[tilespmem:s2+$0xFFFFFFC0] =	vst v16;
	v16 =	vxor.u32 v25, v4  }
0x1e7: {  	v17 =	vld.idx.msk [tilespmem:v17+s16+$0x0], $0xffff;
	v25 =	vor.u32 $0x300, v15;
	[tilespmem:s2+$0xFFFFFFD0] =	vst v16;
	v16 =	vxor.u32 v24, v3  }
0x1e8: {  	v26 =	vor.u32 $0x280, v14;
	v28 =	vld.idx.msk [tilespmem:v28+s16+$0x0], $0xffff;
	v27 =	vxor.u32 v27, v6;
	[tilespmem:s2+$0xFFFFFFE0] =	vst v16  }
0x1e9: {  	v24 =	vor.u32 $0x280, v1;
	v20 =	vld.idx.msk [tilespmem:v20+s16+$0x0], $0xffff;
	[tilespmem:s2+$0x0] =	vst v27;
	v21 =	vxor.u32 v21, v10  }
0x1ea: {  	v16 =	vor.u32 $0x280, v2;
	v22 =	vld.idx.msk [tilespmem:v22+s16+$0x0], $0xffff;
	v23 =	vxor.u32 v23, v7;
	[tilespmem:s2+$0xF0] =	vst v21  }
0x1eb: {  	v27 =	vor.u32 $0x280, v11;
	v18 =	vld.idx.msk [tilespmem:v18+s16+$0x0], $0xffff;
	[tilespmem:s2+$0x10] =	vst v23;
	v19 =	vxor.u32 v19, v8  }
0x1ec: {  	v21 =	vor.u32 $0x280, v12;
	v23 =	vld.idx.msk [tilespmem:v25+s16+$0x0], $0xffff;
	[tilespmem:s2+$0x20] =	vst v19;
	v17 =	vxor.u32 v17, v9  }
0x1ed: {  	v25 =	vor.u32 $0x280, v13;
	v26 =	vld.idx.msk [tilespmem:v26+s16+$0x0], $0xffff;
	[tilespmem:s2+$0x30] =	vst v17;
	v17 =	vxor.u32 v28, v5  }
0x1ee: {  	v15 =	vor.u32 $0x380, v15;
	v24 =	vld.idx.msk [tilespmem:v24+s16+$0x0], $0xffff;
	[tilespmem:s2+$0x40] =	vst v17;
	v17 =	vxor.u32 v20, v4  }
0x1ef: {  	v16 =	vld.idx.msk [tilespmem:v16+s16+$0x0], $0xffff;
	[tilespmem:s2+$0x50] =	vst v17;
	v17 =	vxor.u32 v22, v3  }
0x1f0: {  	v27 =	vld.idx.msk [tilespmem:v27+s16+$0x0], $0xffff;
	v18 =	vxor.u32 v18, v6;
	[tilespmem:s2+$0x60] =	vst v17  }
0x1f1: {  	v21 =	vld.idx.msk [tilespmem:v21+s16+$0x0], $0xffff;
	[tilespmem:s2+$0x80] =	vst v18;
	v22 =	vxor.u32 v23, v10  }
0x1f2: {  	v19 =	vor.u32 $0x300, v0;
	v18 =	vld.idx.msk [tilespmem:v25+s16+$0x0], $0xffff;
	v25 =	vxor.u32 v26, v7;
	[tilespmem:s2+$0x170] =	vst v22  }
0x1f3: {  	v20 =	vor.u32 $0x300, v14;
	[tilespmem:s2+$0x90] =	vst v25;
	v25 =	vld.idx.msk [tilespmem:v15+s16+$0x0], $0xffff;
	v15 =	vxor.u32 v24, v8  }
0x1f4: {  	v17 =	vor.u32 $0x300, v1;
	[tilespmem:s2+$0xA0] =	vst v15;
	v15 =	vxor.u32 v16, v9;
	v16 =	vld [tilespmem:s20+$0x0]  }
0x1f5: {  	v38 =	vld [tilespmem:s20+$0xFFFFFF90];
	v23 =	vor.u32 $0x300, v2  }
0x1f6: {  	v39 =	vld [tilespmem:s20+$0xFFFFFFD0]  }
0x1f7: {  	v30 =	vand.u32 $0x7F, v59;
	v0 =	vor.u32 $0x380, v0;
	v14 =	vor.u32 $0x380, v14;
	v19 =	vld.idx.msk [tilespmem:v19+s16+$0x0], $0xffff  }
0x1f8: {  	v1 =	vor.u32 $0x380, v1;
	v22 =	vor.u32 $0x300, v11;
	v20 =	vld.idx.msk [tilespmem:v20+s16+$0x0], $0xffff;
	v24 =	vor.u32 $0x300, v13  }
0x1f9: {  	v27 =	vxor.u32 v27, v5;
	v17 =	vld.idx.msk [tilespmem:v17+s16+$0x0], $0xffff;
	[tilespmem:s2+$0xB0] =	vst v15;
	v21 =	vxor.u32 v21, v4;
	v26 =	vshll.u32 v16, $0x3  }
0x1fa: {  	[tilespmem:s2+$0xC0] =	vst v27;
	v15 =	vld.idx.msk [tilespmem:v23+s16+$0x0], $0xffff;
	v23 =	vor.u32 $0x300, v12;
	v28 =	vand.u32 $0x7F, v16;
	v26 =	vand.u32 $0x7C00, v26  }
0x1fb: {  	v40 =	vld [tilespmem:s20+$0xFFFFFFE0];
	v18 =	vxor.u32 v18, v3;
	[tilespmem:s2+$0xD0] =	vst v21;
	v21 =	vshll.u32 v60, $0x3;
	v34 =	vor.u32 v28, v26  }
0x1fc: {  	v41 =	vld [tilespmem:s20+$0xFFFFFFF0];
	v19 =	vxor.u32 v19, v6;
	v31 =	vand.u32 $0x7C00, v21;
	v21 =	vshll.u32 v38, $0x3;
	[tilespmem:s2+$0xE0] =	vst v18  }
0x1fd: {  	v27 =	vld.idx.msk [tilespmem:v22+s16+$0x0], $0xffff;
	v22 =	vand.u32 $0x7F, v38;
	[tilespmem:s2+$0x100] =	vst v19;
	v20 =	vxor.u32 v20, v7;
	v21 =	vand.u32 $0x7C00, v21  }
0x1fe: {  	v2 =	vor.u32 $0x380, v2;
	v18 =	vshll.u32 v37, $0x3;
	v32 =	vor.u32 v22, v21;
	[tilespmem:s2+$0x110] =	vst v20;
	v21 =	vld.idx.msk [tilespmem:v0+s16+$0x0], $0xffff  }
0x1ff: {  	v20 =	vshll.u32 v39, $0x3;
	v17 =	vxor.u32 v17, v8;
	v22 =	vld.idx.msk [tilespmem:v14+s16+$0x0], $0xffff;
	v14 =	vand.u32 $0x7F, v39  }
0x200: {  	v26 =	vshll.u32 v59, $0x3;
	v15 =	vxor.u32 v15, v9;
	[tilespmem:s2+$0x120] =	vst v17;
	v17 =	vand.u32 $0x7C00, v20;
	v42 =	vld.idx.msk [tilespmem:v34+s16+$0x0], $0xffff  }
0x201: {  	v19 =	vand.u32 $0x7F, v60;
	v28 =	vld.idx.msk [tilespmem:v23+s16+$0x0], $0xffff;
	v29 =	vand.u32 $0x7C00, v26;
	[tilespmem:s2+$0x130] =	vst v15;
	v15 =	vor.u32 v14, v17  }
0x202: {  	v18 =	vand.u32 $0x7C00, v18;
	v20 =	vshll.u32 v40, $0x3;
	v26 =	vld.idx.msk [tilespmem:v24+s16+$0x0], $0xffff;
	v33 =	vor.u32 v30, v29  }
0x203: {  	v24 =	vand.u32 $0x7F, v37;
	v0 =	vor.u32 $0x80, v34;
	v23 =	vld.idx.msk [tilespmem:v1+s16+$0x0], $0xffff;
	v1 =	vand.u32 $0x7C00, v20  }
0x204: {  	v30 =	vor.u32 v19, v31;
	v29 =	vand.u32 $0x80000000, v16;
	v31 =	vor.u32 v24, v18;
	v24 =	vld.idx.msk [tilespmem:v2+s16+$0x0], $0xffff  }
0x205: {  	s3 =	simm.s32 $0x1B600;
	v16 =	vshll.u32 v41, $0x3;
	v18 =	vand.u32 $0x7F, v40;
	v19 =	vld.idx.msk [tilespmem:v32+s16+$0x0], $0xffff;
	v2 =	vxor.u32 v42, v29  }
0x206: {  	v14 =	vand.u32 $0x7F, v41;
	v45 =	vld.idx.msk [tilespmem:v15+s16+$0x0], $0xffff;
	[tilespmem:s3+$0xFFFFFE70] =	vst v2;
	v2 =	vand.u32 $0x7C00, v16;
	v16 =	vor.u32 v18, v1  }
0x207: {  	v1 =	vld.idx.msk [tilespmem:v33+s16+$0x0], $0xffff;
	v14 =	vor.u32 v14, v2  }
0x208: {  	v0 =	vld.idx.msk [tilespmem:v0+s16+$0x0], $0xffff;
	v2 =	vor.u32 $0x80, v32  }
0x209: {  	v62 =	vor.u32 $0x80, v33;
	v61 =	vld.idx.msk [tilespmem:v30+s16+$0x0], $0xffff  }
0x20a: {  	v44 =	vor.u32 $0x100, v34;
	v17 =	vand.u32 $0x80000000, v38;
	v43 =	vld.idx.msk [tilespmem:v31+s16+$0x0], $0xffff  }
0x20b: {  	v46 =	vor.u32 $0x80, v30;
	v19 =	vxor.u32 v19, v17;
	v18 =	vand.u32 $0x80000000, v59;
	v47 =	vld.idx.msk [tilespmem:v16+s16+$0x0], $0xffff  }
0x20c: {  	v63 =	vor.u32 $0x80, v31;
	[tilespmem:s3+$0xFFFFFE00] =	vst v19;
	v1 =	vxor.u32 v1, v18;
	v48 =	vld.idx.msk [tilespmem:v14+s16+$0x0], $0xffff  }
0x20d: {  	v50 =	vor.u32 $0x80, v15;
	v19 =	vand.u32 $0x80000000, v60;
	v0 =	vxor.u32 v0, v29;
	v2 =	vld.idx.msk [tilespmem:v2+s16+$0x0], $0xffff;
	[tilespmem:s3+$0xFFFFFE10] =	vst v1  }
0x20e: {  	v20 =	vand.u32 $0x80000000, v37;
	v1 =	vxor.u32 v61, v19;
	[tilespmem:s3+$0xFFFFFEF0] =	vst v0;
	v0 =	vor.u32 $0x80, v16;
	v38 =	vld.idx.msk [tilespmem:v62+s16+$0x0], $0xffff  }
0x20f: {  	v55 =	vand.u32 $0x80000000, v39;
	v53 =	vor.u32 $0x80, v14;
	[tilespmem:s3+$0xFFFFFE20] =	vst v1;
	v1 =	vxor.u32 v43, v20;
	v51 =	vld.idx.msk [tilespmem:v44+s16+$0x0], $0xffff  }
0x210: {  	v56 =	vand.u32 $0x80000000, v40;
	v60 =	vor.u32 $0x100, v32;
	v61 =	vld.idx.msk [tilespmem:v46+s16+$0x0], $0xffff;
	[tilespmem:s3+$0xFFFFFE30] =	vst v1;
	v1 =	vxor.u32 v45, v55  }
0x211: {  	v57 =	vand.u32 $0x80000000, v41;
	v35 =	vld.idx.msk [tilespmem:v63+s16+$0x0], $0xffff;
	[tilespmem:s3+$0xFFFFFE40] =	vst v1;
	v63 =	vor.u32 $0x100, v33;
	v1 =	vxor.u32 v47, v56  }
0x212: {  	v62 =	vor.u32 $0x180, v34;
	v36 =	vld.idx.msk [tilespmem:v50+s16+$0x0], $0xffff;
	[tilespmem:s3+$0xFFFFFE50] =	vst v1;
	v1 =	vxor.u32 v48, v57  }
0x213: {  	v49 =	vor.u32 $0x100, v30;
	v2 =	vxor.u32 v2, v17;
	v0 =	vld.idx.msk [tilespmem:v0+s16+$0x0], $0xffff;
	[tilespmem:s3+$0xFFFFFE60] =	vst v1  }
0x214: {  	v1 =	vor.u32 $0x100, v31;
	[tilespmem:s3+$0xFFFFFE80] =	vst v2;
	v38 =	vxor.u32 v38, v18;
	v2 =	vld.idx.msk [tilespmem:v53+s16+$0x0], $0xffff  }
0x215: {  	v50 =	vor.u32 $0x100, v15;
	v37 =	vxor.u32 v51, v29;
	v40 =	vld.idx.msk [tilespmem:v60+s16+$0x0], $0xffff;
	[tilespmem:s3+$0xFFFFFE90] =	vst v38  }
0x216: {  	v51 =	vor.u32 $0x100, v16;
	v52 =	vxor.u32 v61, v19;
	[tilespmem:s3+$0xFFFFFF70] =	vst v37;
	v43 =	vld.idx.msk [tilespmem:v63+s16+$0x0], $0xffff  }
0x217: {  	v53 =	vor.u32 $0x100, v14;
	[tilespmem:s3+$0xFFFFFEA0] =	vst v52;
	v35 =	vxor.u32 v35, v20;
	v41 =	vld.idx.msk [tilespmem:v62+s16+$0x0], $0xffff  }
0x218: {  	v54 =	vor.u32 $0x180, v32;
	v44 =	vld.idx.msk [tilespmem:v49+s16+$0x0], $0xffff;
	[tilespmem:s3+$0xFFFFFEB0] =	vst v35;
	v58 =	vxor.u32 v36, v55  }
0x219: {  	v60 =	vor.u32 $0x180, v33;
	[tilespmem:s3+$0xFFFFFEC0] =	vst v58;
	v1 =	vld.idx.msk [tilespmem:v1+s16+$0x0], $0xffff;
	v0 =	vxor.u32 v0, v56  }
0x21a: {  	v59 =	vor.u32 $0x200, v34;
	v39 =	vld.idx.msk [tilespmem:v50+s16+$0x0], $0xffff;
	[tilespmem:s3+$0xFFFFFED0] =	vst v0;
	v0 =	vxor.u32 v2, v57  }
0x21b: {  	v2 =	vor.u32 $0x180, v30;
	v40 =	vxor.u32 v40, v17;
	v37 =	vld.idx.msk [tilespmem:v51+s16+$0x0], $0xffff;
	[tilespmem:s3+$0xFFFFFEE0] =	vst v0  }
0x21c: {  	v0 =	vor.u32 $0x180, v31;
	[tilespmem:s3+$0xFFFFFF00] =	vst v40;
	v43 =	vxor.u32 v43, v18;
	v61 =	vld.idx.msk [tilespmem:v53+s16+$0x0], $0xffff  }
0x21d: {  	v62 =	vor.u32 $0x180, v15;
	v41 =	vxor.u32 v41, v29;
	v38 =	vld.idx.msk [tilespmem:v54+s16+$0x0], $0xffff;
	[tilespmem:s3+$0xFFFFFF10] =	vst v43  }
0x21e: {  	v63 =	vor.u32 $0x180, v16;
	v48 =	vxor.u32 v44, v19;
	[tilespmem:s3+$0xFFFFFFF0] =	vst v41;
	v36 =	vld.idx.msk [tilespmem:v60+s16+$0x0], $0xffff  }
0x21f: {  	v49 =	vor.u32 $0x180, v14;
	[tilespmem:s3+$0xFFFFFF20] =	vst v48;
	v35 =	vld.idx.msk [tilespmem:v59+s16+$0x0], $0xffff;
	v1 =	vxor.u32 v1, v20  }
0x220: {  	v50 =	vor.u32 $0x200, v32;
	v2 =	vld.idx.msk [tilespmem:v2+s16+$0x0], $0xffff;
	[tilespmem:s3+$0xFFFFFF30] =	vst v1;
	v1 =	vxor.u32 v39, v55  }
0x221: {  	v52 =	vor.u32 $0x200, v33;
	v0 =	vld.idx.msk [tilespmem:v0+s16+$0x0], $0xffff;
	[tilespmem:s3+$0xFFFFFF40] =	vst v1;
	v1 =	vxor.u32 v37, v56  }
0x222: {  	v51 =	vor.u32 $0x280, v34;
	v42 =	vld.idx.msk [tilespmem:v62+s16+$0x0], $0xffff;
	[tilespmem:s3+$0xFFFFFF50] =	vst v1;
	v1 =	vxor.u32 v61, v57  }
0x223: {  	v53 =	vor.u32 $0x200, v30;
	v38 =	vxor.u32 v38, v17;
	v41 =	vld.idx.msk [tilespmem:v63+s16+$0x0], $0xffff;
	[tilespmem:s3+$0xFFFFFF60] =	vst v1  }
0x224: {  	v1 =	vor.u32 $0x200, v31;
	[tilespmem:s3+$0xFFFFFF80] =	vst v38;
	v36 =	vxor.u32 v36, v18;
	v54 =	vld.idx.msk [tilespmem:v49+s16+$0x0], $0xffff  }
0x225: {  	v58 =	vor.u32 $0x200, v15;
	v35 =	vxor.u32 v35, v29;
	v43 =	vld.idx.msk [tilespmem:v50+s16+$0x0], $0xffff;
	[tilespmem:s3+$0xFFFFFF90] =	vst v36  }
0x226: {  	v59 =	vor.u32 $0x200, v16;
	[tilespmem:s3+$0x70] =	vst v35;
	v2 =	vxor.u32 v2, v19;
	v39 =	vld.idx.msk [tilespmem:v52+s16+$0x0], $0xffff  }
0x227: {  	v61 =	vor.u32 $0x200, v14;
	v60 =	vld.idx.msk [tilespmem:v51+s16+$0x0], $0xffff;
	[tilespmem:s3+$0xFFFFFFA0] =	vst v2;
	v0 =	vxor.u32 v0, v20  }
0x228: {  	v2 =	vor.u32 $0x280, v32;
	v40 =	vld.idx.msk [tilespmem:v53+s16+$0x0], $0xffff;
	[tilespmem:s3+$0xFFFFFFB0] =	vst v0;
	v0 =	vxor.u32 v42, v55  }
0x229: {  	v63 =	vor.u32 $0x280, v33;
	v1 =	vld.idx.msk [tilespmem:v1+s16+$0x0], $0xffff;
	[tilespmem:s3+$0xFFFFFFC0] =	vst v0;
	v0 =	vxor.u32 v41, v56  }
0x22a: {  	v62 =	vor.u32 $0x300, v34;
	v44 =	vld.idx.msk [tilespmem:v58+s16+$0x0], $0xffff;
	[tilespmem:s3+$0xFFFFFFD0] =	vst v0;
	v0 =	vxor.u32 v54, v57  }
0x22b: {  	v43 =	vxor.u32 v43, v17;
	v35 =	vld.idx.msk [tilespmem:v59+s16+$0x0], $0xffff;
	[tilespmem:s3+$0xFFFFFFE0] =	vst v0  }
0x22c: {  	v45 =	vor.u32 $0x280, v30;
	[tilespmem:s3+$0x0] =	vst v43;
	v39 =	vxor.u32 v39, v18;
	v37 =	vld.idx.msk [tilespmem:v61+s16+$0x0], $0xffff  }
0x22d: {  	v36 =	vxor.u32 v60, v29;
	v2 =	vld.idx.msk [tilespmem:v2+s16+$0x0], $0xffff;
	[tilespmem:s3+$0x10] =	vst v39  }
0x22e: {  	[tilespmem:s3+$0xF0] =	vst v36;
	v42 =	vld.idx.msk [tilespmem:v63+s16+$0x0], $0xffff  }
0x22f: {  	s5 =	simm.s32 $0x970;
	v0 =	vor.u32 $0x280, v31;
	v48 =	vxor.u32 v40, v19;
	v49 =	vld.idx.msk [tilespmem:v62+s16+$0x0], $0xffff  }
0x230: {  	v46 =	vor.u32 $0x280, v15;
	[tilespmem:s3+$0x20] =	vst v48;
	v48 =	vld [tilespmem:s5+$0xFFFFFFE0]  }
0x231: {  	v1 =	vxor.u32 v1, v20;
	v38 =	vld.idx.msk [tilespmem:v45+s16+$0x0], $0xffff  }
0x232: {  	v47 =	vor.u32 $0x280, v16;
	[tilespmem:s3+$0x30] =	vst v1;
	v1 =	vxor.u32 v44, v55;
	v44 =	vld [tilespmem:s5+$0xFFFFFFA0]  }
0x233: {  	v50 =	vor.u32 $0x280, v14;
	v45 =	vld [tilespmem:s5+$0xFFFFFFB0]  }
0x234: {  	v51 =	vor.u32 $0x300, v32;
	v0 =	vld.idx.msk [tilespmem:v0+s16+$0x0], $0xffff;
	[tilespmem:s3+$0x40] =	vst v1  }
0x235: {  	v52 =	vor.u32 $0x300, v33;
	v1 =	vxor.u32 v35, v56;
	v43 =	vld.idx.msk [tilespmem:v46+s16+$0x0], $0xffff  }
0x236: {  	v34 =	vor.u32 $0x380, v34;
	[tilespmem:s3+$0x50] =	vst v1;
	v1 =	vxor.u32 v37, v57;
	v46 =	vld [tilespmem:s5+$0xFFFFFFC0]  }
0x237: {  	v2 =	vxor.u32 v2, v17;
	v36 =	vld.idx.msk [tilespmem:v47+s16+$0x0], $0xffff;
	[tilespmem:s3+$0x60] =	vst v1;
	v1 =	vor.u32 $0x300, v31  }
0x238: {  	v10 =	vxor.u32 v25, v10;
	[tilespmem:s3+$0x80] =	vst v2;
	v54 =	vxor.u32 v42, v18;
	v2 =	vld.idx.msk [tilespmem:v50+s16+$0x0], $0xffff  }
0x239: {  	v11 =	vor.u32 $0x380, v11;
	v6 =	vxor.u32 v21, v6;
	v40 =	vxor.u32 v49, v29;
	v39 =	vld.idx.msk [tilespmem:v51+s16+$0x0], $0xffff;
	[tilespmem:s3+$0x90] =	vst v54  }
0x23a: {  	v12 =	vor.u32 $0x380, v12;
	v28 =	vxor.u32 v28, v4;
	[tilespmem:s3+$0x170] =	vst v40;
	v35 =	vld.idx.msk [tilespmem:v52+s16+$0x0], $0xffff;
	v0 =	vxor.u32 v0, v20  }
0x23b: {  	v9 =	vxor.u32 v24, v9;
	v33 =	vor.u32 $0x380, v33;
	v53 =	vor.u32 $0x300, v30;
	v34 =	vld.idx.msk [tilespmem:v34+s16+$0x0], $0xffff;
	[tilespmem:s3+$0xB0] =	vst v0  }
0x23c: {  	v32 =	vor.u32 $0x380, v32;
	v58 =	vor.u32 $0x300, v16;
	v59 =	vor.u32 $0x300, v14;
	v0 =	vld.idx.msk [tilespmem:v1+s16+$0x0], $0xffff  }
0x23d: {  	[tilespmem:s2+$0x150] =	vst v28;
	v42 =	vxor.u32 v27, v5;
	v51 =	vor.u32 $0x380, v30;
	v28 =	vshll.u32 v48, $0x3;
	v1 =	vld [tilespmem:s5+$0x0]  }
0x23e: {  	v47 =	vld [tilespmem:s5+$0xFFFFFFD0];
	[tilespmem:s2+$0x140] =	vst v42;
	v38 =	vxor.u32 v38, v19;
	v60 =	vshll.u32 v44, $0x3;
	v61 =	vshll.u32 v45, $0x3  }
0x23f: {  	v50 =	vld [tilespmem:s5+$0xFFFFFF90];
	v62 =	vand.u32 $0x7F, v44;
	[tilespmem:s3+$0xA0] =	vst v38;
	v38 =	vor.u32 $0x380, v13;
	v27 =	vxor.u32 v43, v55  }
0x240: {  	v13 =	vor.u32 $0x300, v15;
	v63 =	vand.u32 $0x7C00, v61;
	v37 =	vld.idx.msk [tilespmem:v53+s16+$0x0], $0xffff;
	[tilespmem:s3+$0xC0] =	vst v27;
	v36 =	vxor.u32 v36, v56  }
0x241: {  	v42 =	vld.idx.msk [tilespmem:v11+s16+$0x0], $0xffff;
	v61 =	vand.u32 $0x7F, v46;
	[tilespmem:s3+$0xD0] =	vst v36;
	v2 =	vxor.u32 v2, v57;
	v30 =	vxor.u32 v39, v17  }
0x242: {  	v43 =	vld [tilespmem:s5+$0xFFFFFFF0];
	[tilespmem:s3+$0xE0] =	vst v2;
	v2 =	vxor.u32 v34, v29;
	v29 =	vxor.u32 v35, v18;
	v25 =	vshll.u32 v1, $0x3  }
0x243: {  	[tilespmem:s3+$0x100] =	vst v30;
	v30 =	vld.idx.msk [tilespmem:v59+s16+$0x0], $0xffff;
	v34 =	vand.u32 $0x7C00, v60;
	v49 =	vand.u32 $0x7F, v1;
	v25 =	vand.u32 $0x7C00, v25  }
0x244: {  	v32 =	vld.idx.msk [tilespmem:v32+s16+$0x0], $0xffff;
	[tilespmem:s3+$0x110] =	vst v29;
	v29 =	vshll.u32 v50, $0x3;
	v0 =	vxor.u32 v0, v20;
	v27 =	vor.u32 v49, v25  }
0x245: {  	v35 =	vor.u32 v62, v34;
	[tilespmem:s3+$0x130] =	vst v0;
	v25 =	vld.idx.msk [tilespmem:v13+s16+$0x0], $0xffff;
	v13 =	vor.u32 $0x380, v31;
	v31 =	vxor.u32 v37, v19  }
0x246: {  	v33 =	vld.idx.msk [tilespmem:v33+s16+$0x0], $0xffff;
	v0 =	vand.u32 $0x7F, v45;
	v49 =	vxor.u32 v26, v3;
	[tilespmem:s3+$0x120] =	vst v31;
	v31 =	vshll.u32 v46, $0x3  }
0x247: {  	v26 =	vld.idx.msk [tilespmem:v58+s16+$0x0], $0xffff;
	v34 =	vor.u32 v0, v63;
	v60 =	vand.u32 $0x7C00, v31;
	v31 =	vshll.u32 v47, $0x3  }
0x248: {  	v59 =	vand.u32 $0x7F, v50;
	v29 =	vand.u32 $0x7C00, v29;
	v54 =	vand.u32 $0x7C00, v31;
	v31 =	vld.idx.msk [tilespmem:v12+s16+$0x0], $0xffff  }
0x249: {  	v29 =	vor.u32 v59, v29;
	v0 =	vand.u32 $0x7F, v47;
	v53 =	vor.u32 $0x80, v27;
	v58 =	vld.idx.msk [tilespmem:v27+s16+$0x0], $0xffff  }
0x24a: {  	[tilespmem:s2+$0x160] =	vst v49;
	v36 =	vor.u32 v61, v60;
	v12 =	vshll.u32 v43, $0x3;
	v37 =	vor.u32 v0, v54;
	v41 =	vld.idx.msk [tilespmem:v13+s16+$0x0], $0xffff  }
0x24b: {  	v0 =	vand.u32 $0x7F, v48;
	v13 =	vand.u32 $0x80000000, v1;
	v1 =	vand.u32 $0x7C00, v28;
	v28 =	vld.idx.msk [tilespmem:v38+s16+$0x0], $0xffff  }
0x24c: {  	[tilespmem:s2+$0x1F0] =	vst v10;
	v10 =	vand.u32 $0x7C00, v12;
	v21 =	vld.idx.msk [tilespmem:v34+s16+$0x0], $0xffff;
	v38 =	vor.u32 v0, v1;
	v0 =	vand.u32 $0x7F, v43  }
0x24d: {  	[tilespmem:s2+$0x1B0] =	vst v9;
	v40 =	vld.idx.msk [tilespmem:v51+s16+$0x0], $0xffff;
	v39 =	vor.u32 v0, v10  }
0x24e: {  	[tilespmem:s3+$0x1F0] =	vst v2;
	v2 =	vxor.u32 v22, v7;
	v9 =	vor.u32 $0x80, v34;
	v0 =	vld.idx.msk [tilespmem:v35+s16+$0x0], $0xffff  }
0x24f: {  	s5 =	simm.s32 $0x1BA00;
	[tilespmem:s2+$0x190] =	vst v2;
	v2 =	vld.idx.msk [tilespmem:v36+s16+$0x0], $0xffff;
	v11 =	vxor.u32 v58, v13  }
0x250: {  	v10 =	vand.u32 $0x80000000, v45;
	[tilespmem:s5+$0xFFFFFE70] =	vst v11;
	v11 =	vld.idx.msk [tilespmem:v29+s16+$0x0], $0xffff  }
0x251: {  	[tilespmem:s2+$0x180] =	vst v6;
	v22 =	vor.u32 $0x80, v35;
	v21 =	vxor.u32 v21, v10;
	v1 =	vld.idx.msk [tilespmem:v53+s16+$0x0], $0xffff  }
0x252: {  	v6 =	vxor.u32 v23, v8;
	v52 =	vand.u32 $0x80000000, v44;
	v7 =	vor.u32 $0x80, v29;
	[tilespmem:s5+$0xFFFFFE20] =	vst v21;
	v63 =	vld.idx.msk [tilespmem:v39+s16+$0x0], $0xffff  }
0x253: {  	v8 =	vor.u32 $0x100, v27;
	v12 =	vand.u32 $0x80000000, v46;
	v0 =	vxor.u32 v0, v52;
	v54 =	vld.idx.msk [tilespmem:v9+s16+$0x0], $0xffff  }
0x254: {  	v51 =	vand.u32 $0x80000000, v50;
	v62 =	vor.u32 $0x80, v36;
	v23 =	vld.idx.msk [tilespmem:v37+s16+$0x0], $0xffff;
	[tilespmem:s5+$0xFFFFFE10] =	vst v0;
	v2 =	vxor.u32 v2, v12  }
0x255: {  	v24 =	vld.idx.msk [tilespmem:v38+s16+$0x0], $0xffff;
	v21 =	vor.u32 $0x80, v39;
	[tilespmem:s5+$0xFFFFFE30] =	vst v2;
	v11 =	vxor.u32 v11, v51  }
0x256: {  	v60 =	vor.u32 $0x100, v34;
	v9 =	vand.u32 $0x80000000, v43;
	v22 =	vld.idx.msk [tilespmem:v22+s16+$0x0], $0xffff;
	[tilespmem:s5+$0xFFFFFE00] =	vst v11;
	v1 =	vxor.u32 v1, v13  }
0x257: {  	v0 =	vor.u32 $0x80, v38;
	v59 =	vxor.u32 v63, v9;
	[tilespmem:s5+$0xFFFFFEF0] =	vst v1;
	v50 =	vld.idx.msk [tilespmem:v7+s16+$0x0], $0xffff  }
0x258: {  	v1 =	vor.u32 $0x80, v37;
	v7 =	vand.u32 $0x80000000, v47;
	[tilespmem:s5+$0xFFFFFE60] =	vst v59;
	v47 =	vxor.u32 v54, v10;
	v53 =	vld.idx.msk [tilespmem:v8+s16+$0x0], $0xffff  }
0x259: {  	v2 =	vor.u32 $0x100, v29;
	v58 =	vld.idx.msk [tilespmem:v62+s16+$0x0], $0xffff;
	v8 =	vand.u32 $0x80000000, v48;
	v23 =	vxor.u32 v23, v7;
	[tilespmem:s5+$0xFFFFFEA0] =	vst v47  }
0x25a: {  	v21 =	vld.idx.msk [tilespmem:v21+s16+$0x0], $0xffff;
	[tilespmem:s5+$0xFFFFFE40] =	vst v23;
	v23 =	vxor.u32 v24, v8;
	v24 =	vor.u32 $0x180, v27  }
0x25b: {  	v22 =	vxor.u32 v22, v52;
	v44 =	vld.idx.msk [tilespmem:v60+s16+$0x0], $0xffff;
	[tilespmem:s5+$0xFFFFFE50] =	vst v23;
	v23 =	vor.u32 $0x100, v35  }
0x25c: {  	v61 =	vor.u32 $0x100, v36;
	[tilespmem:s5+$0xFFFFFE90] =	vst v22;
	v0 =	vld.idx.msk [tilespmem:v0+s16+$0x0], $0xffff;
	v45 =	vxor.u32 v50, v51  }
0x25d: {  	v63 =	vor.u32 $0x100, v39;
	v1 =	vld.idx.msk [tilespmem:v1+s16+$0x0], $0xffff;
	[tilespmem:s5+$0xFFFFFE80] =	vst v45;
	v46 =	vxor.u32 v53, v13  }
0x25e: {  	v22 =	vor.u32 $0x100, v38;
	v43 =	vxor.u32 v58, v12;
	[tilespmem:s5+$0xFFFFFF70] =	vst v46;
	v2 =	vld.idx.msk [tilespmem:v2+s16+$0x0], $0xffff  }
0x25f: {  	v62 =	vor.u32 $0x100, v37;
	[tilespmem:s5+$0xFFFFFEB0] =	vst v43;
	v21 =	vxor.u32 v21, v9;
	v24 =	vld.idx.msk [tilespmem:v24+s16+$0x0], $0xffff  }
0x260: {  	[tilespmem:s5+$0xFFFFFEE0] =	vst v21;
	v21 =	vor.u32 $0x180, v34;
	v44 =	vxor.u32 v44, v10;
	v23 =	vld.idx.msk [tilespmem:v23+s16+$0x0], $0xffff  }
0x261: {  	v48 =	vor.u32 $0x180, v29;
	v45 =	vld.idx.msk [tilespmem:v61+s16+$0x0], $0xffff;
	[tilespmem:s5+$0xFFFFFF20] =	vst v44;
	v0 =	vxor.u32 v0, v8  }
0x262: {  	v47 =	vld.idx.msk [tilespmem:v63+s16+$0x0], $0xffff;
	v1 =	vxor.u32 v1, v7;
	[tilespmem:s5+$0xFFFFFED0] =	vst v0;
	v0 =	vor.u32 $0x180, v35  }
0x263: {  	[tilespmem:s5+$0xFFFFFEC0] =	vst v1;
	v1 =	vor.u32 $0x200, v27;
	v22 =	vld.idx.msk [tilespmem:v22+s16+$0x0], $0xffff;
	v2 =	vxor.u32 v2, v51  }
0x264: {  	v49 =	vor.u32 $0x180, v39;
	v46 =	vld.idx.msk [tilespmem:v62+s16+$0x0], $0xffff;
	[tilespmem:s5+$0xFFFFFF00] =	vst v2;
	v24 =	vxor.u32 v24, v13  }
0x265: {  	v21 =	vld.idx.msk [tilespmem:v21+s16+$0x0], $0xffff;
	v2 =	vor.u32 $0x180, v36;
	v23 =	vxor.u32 v23, v52;
	[tilespmem:s5+$0xFFFFFFF0] =	vst v24  }
0x266: {  	v45 =	vxor.u32 v45, v12;
	v24 =	vor.u32 $0x180, v37;
	v43 =	vld.idx.msk [tilespmem:v48+s16+$0x0], $0xffff;
	[tilespmem:s5+$0xFFFFFF10] =	vst v23  }
0x267: {  	[tilespmem:s5+$0xFFFFFF30] =	vst v45;
	v47 =	vxor.u32 v47, v9;
	v23 =	vor.u32 $0x180, v38;
	v0 =	vld.idx.msk [tilespmem:v0+s16+$0x0], $0xffff  }
0x268: {  	v54 =	vor.u32 $0x200, v34;
	[tilespmem:s5+$0xFFFFFF60] =	vst v47;
	v1 =	vld.idx.msk [tilespmem:v1+s16+$0x0], $0xffff;
	v22 =	vxor.u32 v22, v8  }
0x269: {  	v50 =	vor.u32 $0x200, v29;
	v44 =	vld.idx.msk [tilespmem:v49+s16+$0x0], $0xffff;
	v46 =	vxor.u32 v46, v7;
	[tilespmem:s5+$0xFFFFFF50] =	vst v22  }
0x26a: {  	v22 =	vor.u32 $0x200, v35;
	v21 =	vxor.u32 v21, v10;
	v2 =	vld.idx.msk [tilespmem:v2+s16+$0x0], $0xffff;
	[tilespmem:s5+$0xFFFFFF40] =	vst v46  }
0x26b: {  	v53 =	vor.u32 $0x280, v27;
	[tilespmem:s5+$0xFFFFFFA0] =	vst v21;
	v24 =	vld.idx.msk [tilespmem:v24+s16+$0x0], $0xffff;
	v43 =	vxor.u32 v43, v51  }
0x26c: {  	v21 =	vor.u32 $0x200, v39;
	v23 =	vld.idx.msk [tilespmem:v23+s16+$0x0], $0xffff;
	[tilespmem:s5+$0xFFFFFF80] =	vst v43;
	v0 =	vxor.u32 v0, v52  }
0x26d: {  	v58 =	vor.u32 $0x200, v36;
	v60 =	vld.idx.msk [tilespmem:v54+s16+$0x0], $0xffff;
	v1 =	vxor.u32 v1, v13;
	[tilespmem:s5+$0xFFFFFF90] =	vst v0  }
0x26e: {  	v62 =	vxor.u32 v44, v9;
	v45 =	vld.idx.msk [tilespmem:v50+s16+$0x0], $0xffff;
	[tilespmem:s5+$0x70] =	vst v1;
	v1 =	vor.u32 $0x200, v37  }
0x26f: {  	v0 =	vor.u32 $0x200, v38;
	[tilespmem:s5+$0xFFFFFFE0] =	vst v62;
	v59 =	vld.idx.msk [tilespmem:v22+s16+$0x0], $0xffff;
	v2 =	vxor.u32 v2, v12  }
0x270: {  	v46 =	vld.idx.msk [tilespmem:v53+s16+$0x0], $0xffff;
	[tilespmem:s5+$0xFFFFFFB0] =	vst v2;
	v2 =	vor.u32 $0x280, v29  }
0x271: {  	v61 =	vor.u32 $0x280, v35;
	v21 =	vld.idx.msk [tilespmem:v21+s16+$0x0], $0xffff;
	v22 =	vxor.u32 v24, v7  }
0x272: {  	v24 =	vld.idx.msk [tilespmem:v58+s16+$0x0], $0xffff;
	[tilespmem:s5+$0xFFFFFFC0] =	vst v22;
	v22 =	vxor.u32 v23, v8;
	v23 =	vor.u32 $0x300, v27  }
0x273: {  	v14 =	vor.u32 $0x380, v14;
	v17 =	vxor.u32 v32, v17;
	[tilespmem:s5+$0xFFFFFFD0] =	vst v22;
	v47 =	vxor.u32 v45, v51;
	v1 =	vld.idx.msk [tilespmem:v1+s16+$0x0], $0xffff  }
0x274: {  	v63 =	vor.u32 $0x280, v34;
	v22 =	vxor.u32 v41, v20;
	v0 =	vld.idx.msk [tilespmem:v0+s16+$0x0], $0xffff;
	[tilespmem:s5+$0x0] =	vst v47;
	v53 =	vxor.u32 v59, v52  }
0x275: {  	v20 =	vxor.u32 v42, v5;
	v5 =	vor.u32 $0x280, v36;
	v49 =	vxor.u32 v46, v13;
	[tilespmem:s5+$0x10] =	vst v53;
	v2 =	vld.idx.msk [tilespmem:v2+s16+$0x0], $0xffff  }
0x276: {  	v18 =	vxor.u32 v33, v18;
	v50 =	vor.u32 $0x280, v37;
	v32 =	vxor.u32 v60, v10;
	[tilespmem:s5+$0xF0] =	vst v49;
	v33 =	vld.idx.msk [tilespmem:v61+s16+$0x0], $0xffff  }
0x277: {  	v11 =	vor.u32 $0x380, v16;
	v16 =	vor.u32 $0x280, v38;
	[tilespmem:s5+$0x20] =	vst v32;
	v54 =	vld.idx.msk [tilespmem:v23+s16+$0x0], $0xffff;
	v23 =	vxor.u32 v24, v12  }
0x278: {  	v19 =	vxor.u32 v40, v19;
	v58 =	vor.u32 $0x280, v39;
	[tilespmem:s5+$0x30] =	vst v23;
	v1 =	vxor.u32 v1, v7  }
0x279: {  	v40 =	vld.idx.msk [tilespmem:v63+s16+$0x0], $0xffff;
	v24 =	vxor.u32 v31, v4;
	v4 =	vor.u32 $0x300, v29;
	v0 =	vxor.u32 v0, v8;
	[tilespmem:s5+$0x40] =	vst v1  }
0x27a: {  	v15 =	vor.u32 $0x380, v15;
	v59 =	vor.u32 $0x300, v35;
	v5 =	vld.idx.msk [tilespmem:v5+s16+$0x0], $0xffff;
	[tilespmem:s5+$0x50] =	vst v0;
	v0 =	vxor.u32 v21, v9  }
0x27b: {  	v62 =	vor.u32 $0x300, v36;
	v60 =	vor.u32 $0x380, v27;
	v41 =	vld.idx.msk [tilespmem:v50+s16+$0x0], $0xffff;
	v1 =	vxor.u32 v2, v51;
	[tilespmem:s5+$0x60] =	vst v0  }
0x27c: {  	v32 =	vxor.u32 v25, v55;
	v61 =	vor.u32 $0x300, v34;
	v63 =	vld.idx.msk [tilespmem:v16+s16+$0x0], $0xffff;
	v2 =	vxor.u32 v33, v52;
	[tilespmem:s5+$0x80] =	vst v1  }
0x27d: {  	v25 =	vor.u32 $0x380, v35;
	v35 =	vxor.u32 v30, v57;
	v0 =	vld.idx.msk [tilespmem:v58+s16+$0x0], $0xffff;
	v1 =	vxor.u32 v54, v13;
	[tilespmem:s5+$0x90] =	vst v2  }
0x27e: {  	v27 =	vor.u32 $0x300, v37;
	v31 =	vxor.u32 v28, v3;
	v3 =	vxor.u32 v40, v10;
	[tilespmem:s5+$0x170] =	vst v1;
	v1 =	vld.idx.msk [tilespmem:v4+s16+$0x0], $0xffff  }
0x27f: {  	v30 =	vor.u32 $0x380, v34;
	v28 =	vor.u32 $0x300, v38;
	v29 =	vor.u32 $0x380, v29;
	[tilespmem:s5+$0xA0] =	vst v3;
	v3 =	vld.idx.msk [tilespmem:v59+s16+$0x0], $0xffff  }
0x280: {  	[tilespmem:s2+$0x1A0] =	vst v6;
	v23 =	vor.u32 $0x300, v39;
	v21 =	vor.u32 $0x380, v38;
	v2 =	vld.idx.msk [tilespmem:v60+s16+$0x0], $0xffff;
	v4 =	vxor.u32 v5, v12  }
0x281: {  	v33 =	vxor.u32 v26, v56;
	v26 =	vor.u32 $0x380, v36;
	v5 =	vld.idx.msk [tilespmem:v61+s16+$0x0], $0xffff;
	[tilespmem:s5+$0xB0] =	vst v4;
	v4 =	vxor.u32 v41, v7  }
0x282: {  	s11 =	simm.s32 $0x9F0;
	s20 =	simm.s32 $0x90;
	v16 =	vor.u32 $0x380, v37;
	v34 =	vld.idx.msk [tilespmem:v62+s16+$0x0], $0xffff;
	v36 =	vxor.u32 v63, v8;
	[tilespmem:s5+$0xC0] =	vst v4;
	v4 =	vor.u32 $0x380, v39  }
.LBB2_7:
0x283: {  	[tilespmem:s5+$0xD0] =	vst v36  }
0x284: {  	v58 =	vld [tilespmem:s11+$0xFFFFFFA0];
	[tilespmem:s3+$0x190] =	vst v18;
	v0 =	vxor.u32 v0, v9  }
0x285: {  	v1 =	vxor.u32 v1, v51;
	[tilespmem:s5+$0xE0] =	vst v0  }
0x286: {  	v37 =	vld [tilespmem:s11+$0x0];
	v3 =	vxor.u32 v3, v52;
	[tilespmem:s5+$0x100] =	vst v1  }
0x287: {  	v0 =	vld [tilespmem:s11+$0xFFFFFFB0];
	[tilespmem:s5+$0x110] =	vst v3  }
0x288: {  	v3 =	vxor.u32 v5, v10;
	v5 =	vld [tilespmem:s11+$0xFFFFFFE0];
	[tilespmem:s3+$0x150] =	vst v33  }
0x289: {  	v1 =	vxor.u32 v2, v13;
	v2 =	vld [tilespmem:s11+$0xFFFFFFC0];
	[tilespmem:s3+$0x1A0] =	vst v19  }
0x28a: {  	[tilespmem:s5+$0x1F0] =	vst v1;
	v1 =	vld [tilespmem:s11+$0xFFFFFFD0]  }
0x28b: {  	[tilespmem:s5+$0x120] =	vst v3;
	v42 =	vld [tilespmem:s11+$0xFFFFFFF0]  }
0x28c: {  	v39 =	vld [tilespmem:s11+$0xFFFFFF90];
	[tilespmem:s3+$0x140] =	vst v32  }
0x28d: {  	v33 =	vld.idx.msk [tilespmem:v28+s16+$0x0], $0xffff;
	[tilespmem:s3+$0x180] =	vst v17  }
0x28e: {  	v13 =	vshll.u32 v37, $0x3;
	[tilespmem:s3+$0x160] =	vst v35;
	v6 =	vld.idx.msk [tilespmem:v29+s16+$0x0], $0xffff  }
0x28f: {  	v38 =	vand.u32 $0x7F, v37;
	v3 =	vxor.u32 v34, v12;
	v13 =	vand.u32 $0x7C00, v13;
	[tilespmem:s2+$0x1D0] =	vst v24;
	v32 =	vld.idx.msk [tilespmem:v27+s16+$0x0], $0xffff  }
0x290: {  	[tilespmem:s5+$0x130] =	vst v3;
	v3 =	vor.u32 v38, v13;
	v35 =	vld.idx.msk [tilespmem:v23+s16+$0x0], $0xffff;
	v40 =	vshll.u32 v0, $0x3  }
0x291: {  	[tilespmem:s3+$0x1B0] =	vst v22;
	v27 =	vand.u32 $0x7F, v0;
	v38 =	vand.u32 $0x80000000, v0;
	v0 =	vld.idx.msk [tilespmem:v11+s16+$0x0], $0xffff;
	v18 =	vshll.u32 v39, $0x3  }
0x292: {  	v59 =	vshll.u32 v58, $0x3;
	[tilespmem:s2+$0x1E0] =	vst v31;
	v19 =	vand.u32 $0x7C00, v18;
	v18 =	vld.idx.msk [tilespmem:v25+s16+$0x0], $0xffff  }
0x293: {  	v34 =	vand.u32 $0x7C00, v59;
	v13 =	vand.u32 $0x7F, v58;
	v41 =	vshll.u32 v1, $0x3;
	[tilespmem:$0x1FDE0] =	vst v6;
	v6 =	vld.idx.msk [tilespmem:v26+s16+$0x0], $0xffff  }
0x294: {  	v23 =	vand.u32 $0x7F, v1;
	v25 =	vor.u32 v13, v34;
	v34 =	vand.u32 $0x80000000, v1;
	v1 =	vld.idx.msk [tilespmem:v14+s16+$0x0], $0xffff  }
0x295: {  	[tilespmem:s2+$0x1C0] =	vst v20;
	v29 =	vand.u32 $0x7F, v39;
	v47 =	vld.idx.msk [tilespmem:v3+s16+$0x0], $0xffff  }
0x296: {  	v41 =	vand.u32 $0x7C00, v41;
	v29 =	vor.u32 v29, v19;
	[tilespmem:$0x1FE10] =	vst v0;
	v0 =	vmov v16  }
0x297: {  	v61 =	vshll.u32 v2, $0x3;
	v45 =	vor.u32 v23, v41;
	v23 =	vor.u32 $0x80, v3;
	[tilespmem:$0x1FEE0] =	vst v0  }
0x298: {  	v28 =	vand.u32 $0x7F, v2;
	v43 =	vshll.u32 v5, $0x3;
	v46 =	vand.u32 $0x7F, v5;
	[tilespmem:$0x1FDF0] =	vst v6  }
0x299: {  	v60 =	vand.u32 $0x7C00, v40;
	v40 =	vand.u32 $0x7C00, v61;
	v13 =	vand.u32 $0x80000000, v37;
	[tilespmem:$0x1FE20] =	vst v1;
	v1 =	vmovc v4  }
0x29a: {  	s2 =	smov.u32 s3;
	s3 =	smov.u32 s5;
	s5 =	sadd.s32 $0x400, s5;
	v43 =	vand.u32 $0x7C00, v43;
	v48 =	vor.u32 v27, v60;
	v6 =	vld.idx.msk [tilespmem:v15+s16+$0x0], $0xffff;
	v0 =	vxor.u32 v47, v13;
	[tilespmem:$0x1FEB0] =	vst v1  }
0x29b: {  	v17 =	vmov v51;
	v50 =	vor.u32 v28, v40;
	v51 =	vor.u32 v46, v43;
	v1 =	vld.idx.msk [tilespmem:v29+s16+$0x0], $0xffff;
	[tilespmem:s5+$0xFFFFFE70] =	vst v0  }
0x29c: {  	v44 =	vshll.u32 v42, $0x3;
	v62 =	vor.u32 $0x200, v51;
	v0 =	vld.idx.msk [tilespmem:v23+s16+$0x0], $0xffff  }
0x29d: {  	v49 =	vand.u32 $0x7F, v42;
	v44 =	vand.u32 $0x7C00, v44;
	v63 =	vor.u32 $0x280, v25;
	[tilespmem:$0x1FE40] =	vst v62;
	v23 =	vld.idx.msk [tilespmem:v25+s16+$0x0], $0xffff  }
0x29e: {  	v36 =	vand.u32 $0x80000000, v42;
	v46 =	vor.u32 v49, v44;
	[tilespmem:$0x1FE50] =	vst v63;
	v63 =	vor.u32 $0x280, v50  }
0x29f: {  	v40 =	vand.u32 $0x80000000, v39;
	v39 =	vand.u32 $0x80000000, v2;
	v2 =	vor.u32 $0x80, v29;
	[tilespmem:$0x1FE60] =	vst v63;
	v42 =	vld.idx.msk [tilespmem:v48+s16+$0x0], $0xffff  }
0x2a0: {  	v43 =	vld.idx.msk [tilespmem:v50+s16+$0x0], $0xffff;
	[tilespmem:$0x1FE00] =	vst v6;
	v1 =	vxor.u32 v1, v40  }
0x2a1: {  	v41 =	vand.u32 $0x80000000, v58;
	v4 =	vor.u32 $0x80, v25;
	v49 =	vld.idx.msk [tilespmem:v45+s16+$0x0], $0xffff;
	[tilespmem:s5+$0xFFFFFE00] =	vst v1;
	v0 =	vxor.u32 v0, v13  }
0x2a2: {  	v58 =	vld.idx.msk [tilespmem:v51+s16+$0x0], $0xffff;
	v23 =	vxor.u32 v23, v41;
	[tilespmem:s5+$0xFFFFFEF0] =	vst v0  }
0x2a3: {  	v47 =	vor.u32 $0x100, v3;
	v59 =	vld.idx.msk [tilespmem:v46+s16+$0x0], $0xffff;
	[tilespmem:s5+$0xFFFFFE10] =	vst v23;
	v23 =	vor.u32 $0x200, v25  }
0x2a4: {  	v16 =	vor.u32 $0x80, v48;
	v60 =	vld.idx.msk [tilespmem:v2+s16+$0x0], $0xffff;
	[tilespmem:$0x1FE30] =	vst v23;
	v23 =	vxor.u32 v42, v38  }
0x2a5: {  	v22 =	vld.idx.msk [tilespmem:v30+s16+$0x0], $0xffff;
	v19 =	vmov v21;
	v21 =	vor.u32 $0x80, v50;
	[tilespmem:s5+$0xFFFFFE20] =	vst v23;
	v23 =	vxor.u32 v43, v39  }
0x2a6: {  	v37 =	vand.u32 $0x80000000, v5;
	v26 =	vor.u32 $0x80, v45;
	v4 =	vld.idx.msk [tilespmem:v4+s16+$0x0], $0xffff;
	[tilespmem:s5+$0xFFFFFE30] =	vst v23;
	v23 =	vxor.u32 v49, v34  }
0x2a7: {  	v27 =	vor.u32 $0x80, v51;
	[tilespmem:s5+$0xFFFFFE40] =	vst v23;
	v23 =	vxor.u32 v58, v37  }
0x2a8: {  	v61 =	vld.idx.msk [tilespmem:v47+s16+$0x0], $0xffff;
	[tilespmem:s5+$0xFFFFFE50] =	vst v23;
	v23 =	vxor.u32 v59, v36  }
0x2a9: {  	v16 =	vld.idx.msk [tilespmem:v16+s16+$0x0], $0xffff;
	v60 =	vxor.u32 v60, v40;
	[tilespmem:s5+$0xFFFFFE60] =	vst v23  }
0x2aa: {  	v28 =	vor.u32 $0x80, v46;
	v21 =	vld.idx.msk [tilespmem:v21+s16+$0x0], $0xffff;
	[tilespmem:s5+$0xFFFFFE80] =	vst v60;
	v23 =	vor.u32 $0x280, v45  }
0x2ab: {  	v11 =	vmov v52;
	v30 =	vor.u32 $0x100, v29;
	v26 =	vld.idx.msk [tilespmem:v26+s16+$0x0], $0xffff;
	v4 =	vxor.u32 v4, v41;
	[tilespmem:$0x1FE70] =	vst v23  }
0x2ac: {  	v44 =	vor.u32 $0x100, v25;
	v63 =	vld.idx.msk [tilespmem:v27+s16+$0x0], $0xffff;
	v23 =	vor.u32 $0x280, v51;
	[tilespmem:s5+$0xFFFFFE90] =	vst v4  }
0x2ad: {  	v18 =	vxor.u32 v18, v11;
	v6 =	vor.u32 $0x100, v45;
	v4 =	vor.u32 $0x300, v25;
	[tilespmem:$0x1FE80] =	vst v23  }
0x2ae: {  	v53 =	vor.u32 $0x100, v51;
	v11 =	vmovc v19;
	v19 =	vxor.u32 v22, v10;
	v10 =	vld [tilespmem:$0x1FDF0];
	[tilespmem:$0x1FEC0] =	vst v4;
	v4 =	vxor.u32 v16, v38  }
0x2af: {  	v62 =	vor.u32 $0x180, v3;
	v60 =	vld.idx.msk [tilespmem:v28+s16+$0x0], $0xffff;
	[tilespmem:s5+$0xFFFFFEA0] =	vst v4;
	v4 =	vxor.u32 v21, v39  }
0x2b0: {  	v14 =	vor.u32 $0x100, v48;
	v30 =	vld.idx.msk [tilespmem:v30+s16+$0x0], $0xffff;
	[tilespmem:s5+$0xFFFFFEB0] =	vst v4;
	v4 =	vxor.u32 v26, v34  }
0x2b1: {  	v15 =	vor.u32 $0x100, v50;
	v23 =	vxor.u32 v61, v13;
	v61 =	vld.idx.msk [tilespmem:v44+s16+$0x0], $0xffff;
	[tilespmem:s5+$0xFFFFFEC0] =	vst v4;
	v4 =	vxor.u32 v63, v37  }
0x2b2: {  	v54 =	vor.u32 $0x100, v46;
	v6 =	vld.idx.msk [tilespmem:v6+s16+$0x0], $0xffff;
	[tilespmem:s5+$0xFFFFFED0] =	vst v4  }
0x2b3: {  	v16 =	vor.u32 $0x300, v48;
	[tilespmem:s5+$0xFFFFFF70] =	vst v23;
	v53 =	vld.idx.msk [tilespmem:v53+s16+$0x0], $0xffff  }
0x2b4: {  	[tilespmem:$0x1FED0] =	vst v16;
	v16 =	vld.idx.msk [tilespmem:v62+s16+$0x0], $0xffff  }
0x2b5: {  	v24 =	vmovc v56;
	v56 =	vor.u32 $0x180, v48;
	v2 =	vor.u32 $0x180, v51;
	v14 =	vld.idx.msk [tilespmem:v14+s16+$0x0], $0xffff;
	v4 =	vxor.u32 v60, v36  }
0x2b6: {  	v42 =	vor.u32 $0x200, v48;
	v59 =	vor.u32 $0x280, v48;
	v62 =	vor.u32 $0x200, v3;
	v15 =	vld.idx.msk [tilespmem:v15+s16+$0x0], $0xffff;
	[tilespmem:s5+$0xFFFFFEE0] =	vst v4  }
0x2b7: {  	v21 =	vxor.u32 v30, v40;
	v30 =	vor.u32 $0x380, v48;
	v48 =	vld.idx.msk [tilespmem:v54+s16+$0x0], $0xffff;
	v6 =	vxor.u32 v6, v34  }
0x2b8: {  	v22 =	vxor.u32 v10, v12;
	v10 =	vld [tilespmem:$0x1FE00];
	[tilespmem:s5+$0xFFFFFF40] =	vst v6;
	v6 =	vxor.u32 v53, v37  }
0x2b9: {  	v31 =	vmovc v57;
	v57 =	vor.u32 $0x180, v50;
	v63 =	vxor.u32 v61, v41;
	v61 =	vld [tilespmem:$0x1FDE0];
	v4 =	vxor.u32 v16, v13;
	[tilespmem:s5+$0xFFFFFF50] =	vst v6  }
0x2ba: {  	v5 =	vor.u32 $0x180, v45;
	v14 =	vxor.u32 v14, v38;
	[tilespmem:s5+$0xFFFFFFF0] =	vst v4;
	v2 =	vld.idx.msk [tilespmem:v2+s16+$0x0], $0xffff  }
0x2bb: {  	[tilespmem:s5+$0xFFFFFF20] =	vst v14;
	v14 =	vxor.u32 v15, v39;
	v60 =	vld.idx.msk [tilespmem:v62+s16+$0x0], $0xffff  }
0x2bc: {  	v52 =	vor.u32 $0x180, v29;
	v15 =	vld.idx.msk [tilespmem:v56+s16+$0x0], $0xffff;
	[tilespmem:s5+$0xFFFFFF30] =	vst v14;
	v6 =	vxor.u32 v48, v36  }
0x2bd: {  	v20 =	vmov v55;
	v55 =	vor.u32 $0x180, v25;
	[tilespmem:s5+$0xFFFFFF60] =	vst v6;
	v6 =	vld [tilespmem:$0x1FE10]  }
0x2be: {  	v33 =	vxor.u32 v33, v8;
	v1 =	vor.u32 $0x180, v46;
	[tilespmem:s5+$0xFFFFFF00] =	vst v21;
	v56 =	vmovc v8;
	v8 =	vmov v37;
	v14 =	vld.idx.msk [tilespmem:v57+s16+$0x0], $0xffff  }
0x2bf: {  	[tilespmem:s5+$0xFFFFFF10] =	vst v63;
	v63 =	vor.u32 $0x280, v3;
	v5 =	vld.idx.msk [tilespmem:v5+s16+$0x0], $0xffff;
	v2 =	vxor.u32 v2, v8  }
0x2c0: {  	v47 =	vor.u32 $0x200, v50;
	[tilespmem:s5+$0xFFFFFFD0] =	vst v2;
	v2 =	vld [tilespmem:$0x1FE40]  }
0x2c1: {  	v20 =	vxor.u32 v10, v20;
	v44 =	vor.u32 $0x300, v50;
	v26 =	vor.u32 $0x380, v50;
	v50 =	vld.idx.msk [tilespmem:v52+s16+$0x0], $0xffff  }
0x2c2: {  	v43 =	vor.u32 $0x200, v45;
	v10 =	vmovc v38;
	v62 =	vld.idx.msk [tilespmem:v55+s16+$0x0], $0xffff;
	v24 =	vxor.u32 v6, v24;
	v6 =	vxor.u32 v60, v13  }
0x2c3: {  	v32 =	vxor.u32 v32, v7;
	v12 =	vmov v39;
	v1 =	vld.idx.msk [tilespmem:v1+s16+$0x0], $0xffff;
	[tilespmem:s5+$0x70] =	vst v6;
	v6 =	vxor.u32 v15, v10  }
0x2c4: {  	v55 =	vmov v7;
	v7 =	vmov v34;
	v15 =	vld.idx.msk [tilespmem:v63+s16+$0x0], $0xffff;
	[tilespmem:s5+$0xFFFFFFA0] =	vst v6;
	v6 =	vxor.u32 v14, v12  }
0x2c5: {  	v0 =	vor.u32 $0x200, v29;
	v5 =	vxor.u32 v5, v7;
	v14 =	vld.idx.msk [tilespmem:v42+s16+$0x0], $0xffff;
	[tilespmem:s5+$0xFFFFFFB0] =	vst v6  }
0x2c6: {  	v35 =	vxor.u32 v35, v9;
	v28 =	vor.u32 $0x300, v51;
	v21 =	vor.u32 $0x380, v51;
	v51 =	vmovc v40;
	[tilespmem:s5+$0xFFFFFFC0] =	vst v5;
	v6 =	vld.idx.msk [tilespmem:v47+s16+$0x0], $0xffff  }
0x2c7: {  	v17 =	vxor.u32 v61, v17;
	v57 =	vmovc v9;
	v9 =	vmov v36;
	v48 =	vxor.u32 v50, v51;
	v61 =	vld.idx.msk [tilespmem:v43+s16+$0x0], $0xffff  }
0x2c8: {  	[tilespmem:s5+$0xFFFFFF80] =	vst v48;
	v1 =	vxor.u32 v1, v9;
	v2 =	vld.idx.msk [tilespmem:v2+s16+$0x0], $0xffff  }
0x2c9: {  	[tilespmem:s5+$0xFFFFFFE0] =	vst v1;
	v1 =	vxor.u32 v15, v13  }
0x2ca: {  	v0 =	vld.idx.msk [tilespmem:v0+s16+$0x0], $0xffff;
	[tilespmem:s5+$0xF0] =	vst v1;
	v1 =	vxor.u32 v14, v10  }
0x2cb: {  	v60 =	vld [tilespmem:$0x1FE30];
	[tilespmem:s5+$0x20] =	vst v1;
	v1 =	vxor.u32 v6, v12  }
0x2cc: {  	v49 =	vor.u32 $0x200, v46;
	[tilespmem:s5+$0x30] =	vst v1;
	v1 =	vxor.u32 v61, v7  }
0x2cd: {  	v5 =	vor.u32 $0x300, v3;
	[tilespmem:s5+$0x40] =	vst v1;
	v1 =	vxor.u32 v2, v8;
	v2 =	vor.u32 $0x380, v3;
	v3 =	vld [tilespmem:$0x1FE70];
	_ =	sdelay $0x1  }
0x2ce: {  	v58 =	vor.u32 $0x280, v29;
	v52 =	vmov v41  }
0x2cf: {  	v53 =	vxor.u32 v62, v52;
	v62 =	vld [tilespmem:$0x1FE60];
	v0 =	vxor.u32 v0, v51  }
0x2d0: {  	[tilespmem:s5+$0x0] =	vst v0;
	v0 =	vld.idx.msk [tilespmem:v49+s16+$0x0], $0xffff  }
0x2d1: {  	[tilespmem:s5+$0xFFFFFF90] =	vst v53;
	v14 =	vld [tilespmem:$0x1FE50]  }
0x2d2: {  	v34 =	vld.idx.msk [tilespmem:v60+s16+$0x0], $0xffff  }
0x2d3: {  	v15 =	vld.idx.msk [tilespmem:v58+s16+$0x0], $0xffff  }
0x2d4: {  	v27 =	vor.u32 $0x300, v29;
	v63 =	vld.idx.msk [tilespmem:v3+s16+$0x0], $0xffff  }
0x2d5: {  	[tilespmem:$0x1FEA0] =	vst v27;
	v27 =	vor.u32 $0x280, v46;
	v3 =	vld [tilespmem:$0x1FE80]  }
0x2d6: {  	[tilespmem:$0x1FE90] =	vst v27;
	v0 =	vxor.u32 v0, v9;
	v5 =	vld.idx.msk [tilespmem:v5+s16+$0x0], $0xffff  }
0x2d7: {  	[tilespmem:s5+$0x60] =	vst v0;
	v0 =	vld [tilespmem:$0x1FE90];
	v34 =	vxor.u32 v34, v52  }
0x2d8: {  	v6 =	vld.idx.msk [tilespmem:v59+s16+$0x0], $0xffff;
	[tilespmem:s5+$0x10] =	vst v34  }
0x2d9: {  	[tilespmem:s5+$0x50] =	vst v1;
	v1 =	vxor.u32 v15, v51;
	v14 =	vld.idx.msk [tilespmem:v14+s16+$0x0], $0xffff  }
0x2da: {  	[tilespmem:s5+$0x80] =	vst v1;
	v1 =	vld [tilespmem:$0x1FEA0];
	_ =	sdelay $0x1  }
0x2db: {  	v50 =	vld [tilespmem:$0x1FE20]  }
0x2dc: {  	v15 =	vld.idx.msk [tilespmem:v3+s16+$0x0], $0xffff;
	v3 =	vxor.u32 v5, v13  }
0x2dd: {  	v34 =	vld.idx.msk [tilespmem:v62+s16+$0x0], $0xffff;
	v5 =	vxor.u32 v14, v52;
	[tilespmem:s5+$0x170] =	vst v3  }
0x2de: {  	[tilespmem:s5+$0x90] =	vst v5;
	v5 =	vxor.u32 v6, v10;
	v3 =	vld [tilespmem:$0x1FEC0]  }
0x2df: {  	[tilespmem:s5+$0xA0] =	vst v5;
	v5 =	vld [tilespmem:$0x1FED0]  }
0x2e0: {  	v0 =	vld.idx.msk [tilespmem:v0+s16+$0x0], $0xffff  }
0x2e1: {  	s20 =	sadd.s32 $0x8, s20;
	v1 =	vld.idx.msk [tilespmem:v1+s16+$0x0], $0xffff  }
0x2e2: {  	p1 =	slt.u32 s20, $0xF8;
	v14 =	vld [tilespmem:$0x1FEB0];
	v6 =	vxor.u32 v34, v12  }
.Ltmp4:
0x2e3: {  	v2 =	vld.idx.msk [tilespmem:v2+s16+$0x0], $0xffff;
	[tilespmem:s5+$0xB0] =	vst v6;
	(pc) =	sbr.rel @p1 .LBB2_7-.Ltmp4, $4  }
0x2e4: {  	v34 =	vld.idx.msk [tilespmem:v44+s16+$0x0], $0xffff  }
0x2e5: {  	v29 =	vor.u32 $0x380, v29;
	v25 =	vor.u32 $0x380, v25;
	v36 =	vxor.u32 v15, v8;
	v15 =	vld [tilespmem:$0x1FEE0]  }
0x2e6: {  	v27 =	vor.u32 $0x300, v45;
	v23 =	vor.u32 $0x300, v46;
	v6 =	vxor.u32 v63, v7;
	v3 =	vld.idx.msk [tilespmem:v3+s16+$0x0], $0xffff  }
0x2e7: {  	s11 =	sadd.s32 $0x80, s11;
	v16 =	vor.u32 $0x380, v45;
	v4 =	vor.u32 $0x380, v46;
	v31 =	vxor.u32 v50, v31;
	[tilespmem:s5+$0xC0] =	vst v6;
	v5 =	vld.idx.msk [tilespmem:v5+s16+$0x0], $0xffff  }
0x2e8: {  	[tilespmem:s5+$0xD0] =	vst v36  }
0x2e9: {  	[tilespmem:s3+$0x140] =	vst v32  }
0x2ea: {  	[tilespmem:s3+$0x150] =	vst v33  }
0x2eb: {  	[tilespmem:s3+$0x160] =	vst v35  }
0x2ec: {  	[tilespmem:s3+$0x180] =	vst v17  }
0x2ed: {  	[tilespmem:s3+$0x190] =	vst v18  }
0x2ee: {  	[tilespmem:s3+$0x1A0] =	vst v19  }
0x2ef: {  	v0 =	vxor.u32 v0, v9;
	[tilespmem:s3+$0x1B0] =	vst v22  }
0x2f0: {  	v1 =	vxor.u32 v1, v51;
	[tilespmem:s5+$0xE0] =	vst v0  }
0x2f1: {  	[tilespmem:s5+$0x100] =	vst v1;
	v0 =	vxor.u32 v2, v13  }
0x2f2: {  	[tilespmem:s5+$0x1F0] =	vst v0;
	v1 =	vxor.u32 v3, v52  }
0x2f3: {  	v3 =	vld.idx.msk [tilespmem:v29+s16+$0x0], $0xffff;
	[tilespmem:s5+$0x110] =	vst v1;
	v0 =	vxor.u32 v5, v10  }
0x2f4: {  	v1 =	vld.idx.msk [tilespmem:v28+s16+$0x0], $0xffff;
	[tilespmem:s5+$0x120] =	vst v0;
	v0 =	vxor.u32 v34, v12  }
0x2f5: {  	[tilespmem:s5+$0x130] =	vst v0;
	v0 =	vld.idx.msk [tilespmem:v27+s16+$0x0], $0xffff  }
0x2f6: {  	[tilespmem:s2+$0x1C0] =	vst v20;
	v6 =	vld.idx.msk [tilespmem:v30+s16+$0x0], $0xffff  }
0x2f7: {  	[tilespmem:s2+$0x1D0] =	vst v24;
	v2 =	vld.idx.msk [tilespmem:v23+s16+$0x0], $0xffff  }
0x2f8: {  	[tilespmem:s2+$0x1E0] =	vst v31;
	v5 =	vld.idx.msk [tilespmem:v25+s16+$0x0], $0xffff;
	v3 =	vxor.u32 v3, v51  }
0x2f9: {  	v13 =	vld.idx.msk [tilespmem:v26+s16+$0x0], $0xffff;
	v1 =	vxor.u32 v1, v8;
	[tilespmem:s5+$0x180] =	vst v3  }
0x2fa: {  	[tilespmem:s5+$0x150] =	vst v1;
	v1 =	vld.idx.msk [tilespmem:v11+s16+$0x0], $0xffff;
	v0 =	vxor.u32 v0, v7  }
0x2fb: {  	v3 =	vxor.u32 v6, v10;
	[tilespmem:s5+$0x140] =	vst v0;
	v0 =	vld.idx.msk [tilespmem:v15+s16+$0x0], $0xffff  }
0x2fc: {  	v2 =	vxor.u32 v2, v9;
	[tilespmem:s5+$0x1A0] =	vst v3;
	v3 =	vld.idx.msk [tilespmem:v21+s16+$0x0], $0xffff  }
0x2fd: {  	[tilespmem:s5+$0x160] =	vst v2;
	v2 =	vld.idx.msk [tilespmem:v14+s16+$0x0], $0xffff;
	v5 =	vxor.u32 v5, v52  }
0x2fe: {  	[tilespmem:s5+$0x190] =	vst v5;
	v6 =	vxor.u32 v13, v12;
	v5 =	vld.idx.msk [tilespmem:v16+s16+$0x0], $0xffff  }
0x2ff: {  	v4 =	vld.idx.msk [tilespmem:v4+s16+$0x0], $0xffff;
	[tilespmem:s5+$0x1B0] =	vst v6;
	v1 =	vxor.u32 v1, v56  }
0x300: {  	[tilespmem:s3+$0x1D0] =	vst v1;
	v0 =	vxor.u32 v0, v55  }
0x301: {  	v1 =	vxor.u32 v3, v8;
	[tilespmem:s3+$0x1C0] =	vst v0  }
0x302: {  	v0 =	vxor.u32 v2, v57;
	[tilespmem:s5+$0x1D0] =	vst v1  }
0x303: {  	[tilespmem:s3+$0x1E0] =	vst v0;
	v0 =	vxor.u32 v5, v7  }
0x304: {  	[tilespmem:s5+$0x1C0] =	vst v0;
	v0 =	vxor.u32 v4, v9  }
0x305: {  	s1 =	sadd.s32 s1, s12;
	p1 =	seq.s32 s31, $0xF;
	[tilespmem:s5+$0x1E0] =	vst v0  }
0x306: {  	[hbm4b:s1+s8] =	stream.linear.scatter [tilespmem:s23], [sflag:$0x5], $0x4000, $0x38;
	[tilespmem:$0x1F000] =	vst v63  }
0x307: {  	s2 =	simm.s32 @!p1 $0x0;
	s3 =	simm.s32 @!p1 $0x3000;
	s1 =	sadd.s32 @!p1 s15, s4  }
0x308: {  	[tilespmem:s3], [sflag:$0x1] =	stream.linear.gather @!p1 [hbm4b:s1+s2], $0x8000, $0x38;
	[tilespmem:$0x1F000] =	vst v63  }
0x309: {  	_ =	swait.ge [sflag:s24], $0x8000  }
0x30a: {  	[sflag:s24] =	ssyncset.done $0x0  }
0x30b: {  	s1 =	simm.s32 @!p0 $0x4;
	[sflag:s24] =	ssyncadd.s32 $0xFFFF8000  }
0x30c: {  	_ =	swait.ge @!p0 [sflag:s1], $0x4000  }
0x30d: {  	[sflag:s1] =	ssyncset.done @!p0 $0x0  }
0x30e: {  	s5 =	simm.s32 $0x40;
	[sflag:s1] =	ssyncadd.s32 @!p0 $0xFFFFC000  }
0x30f: {  	v2 =	vld [tilespmem:s5+$0x30];
	_ =	sdelay $0x1  }
0x310: {  	v3 =	vld [tilespmem:s5+$0xFFFFFFD0]  }
0x311: {  	v4 =	vld [tilespmem:s5+$0xFFFFFFE0]  }
0x312: {  	v9 =	vld [tilespmem:s5+$0xFFFFFFF0]  }
0x313: {  	v5 =	vld [tilespmem:s5+$0xFFFFFFC0];
	v0 =	vshll.u32 v2, $0x3  }
0x314: {  	v1 =	vand.u32 $0x7F, v2;
	v0 =	vand.u32 $0x7C00, v0  }
0x315: {  	v15 =	vor.u32 v1, v0  }
0x316: {  	v17 =	vld [tilespmem:s5+$0x10]  }
0x317: {  	v16 =	vld [tilespmem:s5+$0x0];
	v6 =	vand.u32 $0x7F, v3;
	v8 =	vshll.u32 v9, $0x3;
	v0 =	vshll.u32 v3, $0x3  }
0x318: {  	v18 =	vld [tilespmem:s5+$0x20];
	v10 =	vand.u32 $0x7F, v5;
	v1 =	vand.u32 $0x7C00, v0;
	v0 =	vshll.u32 v4, $0x3  }
0x319: {  	v12 =	vand.u32 $0x7F, v4;
	v7 =	vand.u32 $0x7C00, v0;
	v0 =	vshll.u32 v5, $0x3  }
0x31a: {  	v13 =	vand.u32 $0x7F, v9;
	v14 =	vor.u32 v6, v1;
	v0 =	vand.u32 $0x7C00, v0;
	v11 =	vld.idx.msk [tilespmem:v15+s17+$0x0], $0xffff  }
0x31b: {  	s11 =	simm.s32 $0xC0;
	v21 =	vshll.u32 v17, $0x3;
	v8 =	vand.u32 $0x7C00, v8;
	v0 =	vor.u32 v10, v0  }
0x31c: {  	v59 =	vld [tilespmem:s11+$0xFFFFFFD0];
	v19 =	vor.u32 $0x80, v15;
	v6 =	vand.u32 $0x7F, v16;
	v1 =	vor.u32 v12, v7  }
0x31d: {  	v60 =	vld [tilespmem:s11+$0xFFFFFFE0];
	v7 =	vand.u32 $0x7C00, v21;
	v12 =	vshll.u32 v18, $0x3;
	v10 =	vshll.u32 v16, $0x3  }
0x31e: {  	v37 =	vld [tilespmem:s11+$0xFFFFFFF0];
	v20 =	vand.u32 $0x7C00, v10;
	v10 =	vand.u32 $0x80000000, v2;
	v2 =	vor.u32 v13, v8  }
0x31f: {  	s1 =	simm.s32 $0x17200;
	v13 =	vand.u32 $0x7F, v17;
	v21 =	vld.idx.msk [tilespmem:v14+s17+$0x0], $0xffff;
	v8 =	vxor.u32 v11, v10;
	v11 =	vor.u32 v6, v20  }
0x320: {  	v20 =	vld.idx.msk [tilespmem:v0+s17+$0x0], $0xffff;
	v6 =	vand.u32 $0x7C00, v12;
	v12 =	vor.u32 v13, v7;
	[tilespmem:s1+$0xFFFFFE70] =	vst v8;
	v8 =	vand.u32 $0x7F, v18  }
0x321: {  	v19 =	vld.idx.msk [tilespmem:v19+s17+$0x0], $0xffff;
	v13 =	vor.u32 v8, v6  }
0x322: {  	v22 =	vor.u32 $0x80, v0;
	v23 =	vld.idx.msk [tilespmem:v1+s17+$0x0], $0xffff  }
0x323: {  	v25 =	vor.u32 $0x100, v15;
	v26 =	vor.u32 $0x80, v14;
	v24 =	vld.idx.msk [tilespmem:v2+s17+$0x0], $0xffff;
	v7 =	vand.u32 $0x80000000, v3  }
0x324: {  	v6 =	vand.u32 $0x80000000, v5;
	v8 =	vand.u32 $0x80000000, v4;
	v4 =	vxor.u32 v21, v7;
	v27 =	vld.idx.msk [tilespmem:v11+s17+$0x0], $0xffff  }
0x325: {  	v28 =	vor.u32 $0x80, v1;
	[tilespmem:s1+$0xFFFFFE10] =	vst v4;
	v5 =	vxor.u32 v20, v6;
	v20 =	vld.idx.msk [tilespmem:v12+s17+$0x0], $0xffff  }
0x326: {  	v29 =	vor.u32 $0x80, v2;
	[tilespmem:s1+$0xFFFFFE00] =	vst v5;
	v30 =	vld.idx.msk [tilespmem:v13+s17+$0x0], $0xffff;
	v3 =	vxor.u32 v19, v10  }
0x327: {  	v9 =	vand.u32 $0x80000000, v9;
	v19 =	vor.u32 $0x80, v11;
	v22 =	vld.idx.msk [tilespmem:v22+s17+$0x0], $0xffff;
	[tilespmem:s1+$0xFFFFFEF0] =	vst v3;
	v3 =	vxor.u32 v23, v8  }
0x328: {  	v21 =	vor.u32 $0x80, v12;
	v5 =	vand.u32 $0x80000000, v16;
	v23 =	vld.idx.msk [tilespmem:v25+s17+$0x0], $0xffff;
	[tilespmem:s1+$0xFFFFFE20] =	vst v3;
	v3 =	vxor.u32 v24, v9  }
0x329: {  	v4 =	vand.u32 $0x80000000, v17;
	v16 =	vor.u32 $0x80, v13;
	v25 =	vld.idx.msk [tilespmem:v26+s17+$0x0], $0xffff;
	[tilespmem:s1+$0xFFFFFE30] =	vst v3;
	v26 =	vxor.u32 v27, v5  }
0x32a: {  	v17 =	vor.u32 $0x100, v0;
	v24 =	vld.idx.msk [tilespmem:v28+s17+$0x0], $0xffff;
	v3 =	vand.u32 $0x80000000, v18;
	v20 =	vxor.u32 v20, v4;
	[tilespmem:s1+$0xFFFFFE40] =	vst v26  }
0x32b: {  	v18 =	vld.idx.msk [tilespmem:v29+s17+$0x0], $0xffff;
	v26 =	vor.u32 $0x180, v15;
	[tilespmem:s1+$0xFFFFFE50] =	vst v20;
	v20 =	vxor.u32 v30, v3  }
0x32c: {  	v27 =	vor.u32 $0x100, v14;
	v19 =	vld.idx.msk [tilespmem:v19+s17+$0x0], $0xffff;
	v22 =	vxor.u32 v22, v6;
	[tilespmem:s1+$0xFFFFFE60] =	vst v20  }
0x32d: {  	v28 =	vor.u32 $0x100, v1;
	v21 =	vld.idx.msk [tilespmem:v21+s17+$0x0], $0xffff;
	[tilespmem:s1+$0xFFFFFE80] =	vst v22;
	v22 =	vxor.u32 v23, v10  }
0x32e: {  	v20 =	vor.u32 $0x100, v2;
	v16 =	vld.idx.msk [tilespmem:v16+s17+$0x0], $0xffff;
	v25 =	vxor.u32 v25, v7;
	[tilespmem:s1+$0xFFFFFF70] =	vst v22  }
0x32f: {  	v23 =	vor.u32 $0x100, v11;
	v17 =	vld.idx.msk [tilespmem:v17+s17+$0x0], $0xffff;
	[tilespmem:s1+$0xFFFFFE90] =	vst v25;
	v24 =	vxor.u32 v24, v8  }
0x330: {  	v22 =	vor.u32 $0x100, v12;
	v25 =	vld.idx.msk [tilespmem:v26+s17+$0x0], $0xffff;
	[tilespmem:s1+$0xFFFFFEA0] =	vst v24;
	v18 =	vxor.u32 v18, v9  }
0x331: {  	v26 =	vor.u32 $0x100, v13;
	v27 =	vld.idx.msk [tilespmem:v27+s17+$0x0], $0xffff;
	[tilespmem:s1+$0xFFFFFEB0] =	vst v18;
	v18 =	vxor.u32 v19, v5  }
0x332: {  	v24 =	vor.u32 $0x180, v0;
	v28 =	vld.idx.msk [tilespmem:v28+s17+$0x0], $0xffff;
	[tilespmem:s1+$0xFFFFFEC0] =	vst v18;
	v18 =	vxor.u32 v21, v4  }
0x333: {  	v19 =	vld.idx.msk [tilespmem:v20+s17+$0x0], $0xffff;
	v20 =	vor.u32 $0x200, v15;
	[tilespmem:s1+$0xFFFFFED0] =	vst v18;
	v16 =	vxor.u32 v16, v3  }
0x334: {  	v21 =	vor.u32 $0x180, v14;
	v23 =	vld.idx.msk [tilespmem:v23+s17+$0x0], $0xffff;
	v17 =	vxor.u32 v17, v6;
	[tilespmem:s1+$0xFFFFFEE0] =	vst v16  }
0x335: {  	v18 =	vor.u32 $0x180, v1;
	v22 =	vld.idx.msk [tilespmem:v22+s17+$0x0], $0xffff;
	[tilespmem:s1+$0xFFFFFF00] =	vst v17;
	v25 =	vxor.u32 v25, v10  }
0x336: {  	v16 =	vor.u32 $0x180, v2;
	v17 =	vld.idx.msk [tilespmem:v26+s17+$0x0], $0xffff;
	v27 =	vxor.u32 v27, v7;
	[tilespmem:s1+$0xFFFFFFF0] =	vst v25  }
0x337: {  	v26 =	vor.u32 $0x180, v11;
	v24 =	vld.idx.msk [tilespmem:v24+s17+$0x0], $0xffff;
	[tilespmem:s1+$0xFFFFFF10] =	vst v27;
	v27 =	vxor.u32 v28, v8  }
0x338: {  	v25 =	vor.u32 $0x180, v12;
	v20 =	vld.idx.msk [tilespmem:v20+s17+$0x0], $0xffff;
	[tilespmem:s1+$0xFFFFFF20] =	vst v27;
	v19 =	vxor.u32 v19, v9  }
0x339: {  	v28 =	vor.u32 $0x180, v13;
	v21 =	vld.idx.msk [tilespmem:v21+s17+$0x0], $0xffff;
	[tilespmem:s1+$0xFFFFFF30] =	vst v19;
	v19 =	vxor.u32 v23, v5  }
0x33a: {  	v27 =	vor.u32 $0x200, v0;
	v18 =	vld.idx.msk [tilespmem:v18+s17+$0x0], $0xffff;
	[tilespmem:s1+$0xFFFFFF40] =	vst v19;
	v19 =	vxor.u32 v22, v4  }
0x33b: {  	v16 =	vld.idx.msk [tilespmem:v16+s17+$0x0], $0xffff;
	v22 =	vor.u32 $0x280, v15;
	[tilespmem:s1+$0xFFFFFF50] =	vst v19;
	v17 =	vxor.u32 v17, v3  }
0x33c: {  	v23 =	vor.u32 $0x200, v14;
	v26 =	vld.idx.msk [tilespmem:v26+s17+$0x0], $0xffff;
	v24 =	vxor.u32 v24, v6;
	[tilespmem:s1+$0xFFFFFF60] =	vst v17  }
0x33d: {  	v19 =	vor.u32 $0x200, v1;
	v25 =	vld.idx.msk [tilespmem:v25+s17+$0x0], $0xffff;
	[tilespmem:s1+$0xFFFFFF80] =	vst v24;
	v20 =	vxor.u32 v20, v10  }
0x33e: {  	v17 =	vor.u32 $0x200, v2;
	v24 =	vld.idx.msk [tilespmem:v28+s17+$0x0], $0xffff;
	v21 =	vxor.u32 v21, v7;
	[tilespmem:s1+$0x70] =	vst v20  }
0x33f: {  	v28 =	vor.u32 $0x200, v11;
	v27 =	vld.idx.msk [tilespmem:v27+s17+$0x0], $0xffff;
	[tilespmem:s1+$0xFFFFFF90] =	vst v21;
	v18 =	vxor.u32 v18, v8  }
0x340: {  	v20 =	vor.u32 $0x200, v12;
	v21 =	vld.idx.msk [tilespmem:v22+s17+$0x0], $0xffff;
	[tilespmem:s1+$0xFFFFFFA0] =	vst v18;
	v16 =	vxor.u32 v16, v9  }
0x341: {  	v22 =	vor.u32 $0x200, v13;
	v23 =	vld.idx.msk [tilespmem:v23+s17+$0x0], $0xffff;
	[tilespmem:s1+$0xFFFFFFB0] =	vst v16;
	v16 =	vxor.u32 v26, v5  }
0x342: {  	v18 =	vor.u32 $0x280, v0;
	v19 =	vld.idx.msk [tilespmem:v19+s17+$0x0], $0xffff;
	[tilespmem:s1+$0xFFFFFFC0] =	vst v16;
	v16 =	vxor.u32 v25, v4  }
0x343: {  	v17 =	vld.idx.msk [tilespmem:v17+s17+$0x0], $0xffff;
	v25 =	vor.u32 $0x300, v15;
	[tilespmem:s1+$0xFFFFFFD0] =	vst v16;
	v16 =	vxor.u32 v24, v3  }
0x344: {  	v26 =	vor.u32 $0x280, v14;
	v28 =	vld.idx.msk [tilespmem:v28+s17+$0x0], $0xffff;
	v27 =	vxor.u32 v27, v6;
	[tilespmem:s1+$0xFFFFFFE0] =	vst v16  }
0x345: {  	v24 =	vor.u32 $0x280, v1;
	v20 =	vld.idx.msk [tilespmem:v20+s17+$0x0], $0xffff;
	[tilespmem:s1+$0x0] =	vst v27;
	v21 =	vxor.u32 v21, v10  }
0x346: {  	v16 =	vor.u32 $0x280, v2;
	v22 =	vld.idx.msk [tilespmem:v22+s17+$0x0], $0xffff;
	v23 =	vxor.u32 v23, v7;
	[tilespmem:s1+$0xF0] =	vst v21  }
0x347: {  	v27 =	vor.u32 $0x280, v11;
	v18 =	vld.idx.msk [tilespmem:v18+s17+$0x0], $0xffff;
	[tilespmem:s1+$0x10] =	vst v23;
	v19 =	vxor.u32 v19, v8  }
0x348: {  	v21 =	vor.u32 $0x280, v12;
	v23 =	vld.idx.msk [tilespmem:v25+s17+$0x0], $0xffff;
	[tilespmem:s1+$0x20] =	vst v19;
	v17 =	vxor.u32 v17, v9  }
0x349: {  	v25 =	vor.u32 $0x280, v13;
	v26 =	vld.idx.msk [tilespmem:v26+s17+$0x0], $0xffff;
	[tilespmem:s1+$0x30] =	vst v17;
	v17 =	vxor.u32 v28, v5  }
0x34a: {  	v15 =	vor.u32 $0x380, v15;
	v24 =	vld.idx.msk [tilespmem:v24+s17+$0x0], $0xffff;
	[tilespmem:s1+$0x40] =	vst v17;
	v17 =	vxor.u32 v20, v4  }
0x34b: {  	v16 =	vld.idx.msk [tilespmem:v16+s17+$0x0], $0xffff;
	[tilespmem:s1+$0x50] =	vst v17;
	v17 =	vxor.u32 v22, v3  }
0x34c: {  	v27 =	vld.idx.msk [tilespmem:v27+s17+$0x0], $0xffff;
	v18 =	vxor.u32 v18, v6;
	[tilespmem:s1+$0x60] =	vst v17  }
0x34d: {  	v21 =	vld.idx.msk [tilespmem:v21+s17+$0x0], $0xffff;
	[tilespmem:s1+$0x80] =	vst v18;
	v22 =	vxor.u32 v23, v10  }
0x34e: {  	v19 =	vor.u32 $0x300, v0;
	v18 =	vld.idx.msk [tilespmem:v25+s17+$0x0], $0xffff;
	v25 =	vxor.u32 v26, v7;
	[tilespmem:s1+$0x170] =	vst v22  }
0x34f: {  	v20 =	vor.u32 $0x300, v14;
	[tilespmem:s1+$0x90] =	vst v25;
	v25 =	vld.idx.msk [tilespmem:v15+s17+$0x0], $0xffff;
	v15 =	vxor.u32 v24, v8  }
0x350: {  	v17 =	vor.u32 $0x300, v1;
	[tilespmem:s1+$0xA0] =	vst v15;
	v15 =	vxor.u32 v16, v9;
	v16 =	vld [tilespmem:s11+$0x30]  }
0x351: {  	v38 =	vld [tilespmem:s11+$0xFFFFFFC0];
	v23 =	vor.u32 $0x300, v2  }
0x352: {  	v39 =	vld [tilespmem:s11+$0x0]  }
0x353: {  	v30 =	vand.u32 $0x7F, v59;
	v0 =	vor.u32 $0x380, v0;
	v14 =	vor.u32 $0x380, v14;
	v19 =	vld.idx.msk [tilespmem:v19+s17+$0x0], $0xffff  }
0x354: {  	v1 =	vor.u32 $0x380, v1;
	v22 =	vor.u32 $0x300, v11;
	v20 =	vld.idx.msk [tilespmem:v20+s17+$0x0], $0xffff;
	v24 =	vor.u32 $0x300, v13  }
0x355: {  	v27 =	vxor.u32 v27, v5;
	v17 =	vld.idx.msk [tilespmem:v17+s17+$0x0], $0xffff;
	[tilespmem:s1+$0xB0] =	vst v15;
	v21 =	vxor.u32 v21, v4;
	v26 =	vshll.u32 v16, $0x3  }
0x356: {  	[tilespmem:s1+$0xC0] =	vst v27;
	v15 =	vld.idx.msk [tilespmem:v23+s17+$0x0], $0xffff;
	v23 =	vor.u32 $0x300, v12;
	v28 =	vand.u32 $0x7F, v16;
	v26 =	vand.u32 $0x7C00, v26  }
0x357: {  	v40 =	vld [tilespmem:s11+$0x10];
	v18 =	vxor.u32 v18, v3;
	[tilespmem:s1+$0xD0] =	vst v21;
	v21 =	vshll.u32 v60, $0x3;
	v34 =	vor.u32 v28, v26  }
0x358: {  	v41 =	vld [tilespmem:s11+$0x20];
	v19 =	vxor.u32 v19, v6;
	v31 =	vand.u32 $0x7C00, v21;
	v21 =	vshll.u32 v38, $0x3;
	[tilespmem:s1+$0xE0] =	vst v18  }
0x359: {  	v27 =	vld.idx.msk [tilespmem:v22+s17+$0x0], $0xffff;
	v22 =	vand.u32 $0x7F, v38;
	[tilespmem:s1+$0x100] =	vst v19;
	v20 =	vxor.u32 v20, v7;
	v21 =	vand.u32 $0x7C00, v21  }
0x35a: {  	v2 =	vor.u32 $0x380, v2;
	v18 =	vshll.u32 v37, $0x3;
	v32 =	vor.u32 v22, v21;
	[tilespmem:s1+$0x110] =	vst v20;
	v21 =	vld.idx.msk [tilespmem:v0+s17+$0x0], $0xffff  }
0x35b: {  	v20 =	vshll.u32 v39, $0x3;
	v17 =	vxor.u32 v17, v8;
	v22 =	vld.idx.msk [tilespmem:v14+s17+$0x0], $0xffff;
	v14 =	vand.u32 $0x7F, v39  }
0x35c: {  	v26 =	vshll.u32 v59, $0x3;
	v15 =	vxor.u32 v15, v9;
	[tilespmem:s1+$0x120] =	vst v17;
	v17 =	vand.u32 $0x7C00, v20;
	v42 =	vld.idx.msk [tilespmem:v34+s17+$0x0], $0xffff  }
0x35d: {  	v19 =	vand.u32 $0x7F, v60;
	v28 =	vld.idx.msk [tilespmem:v23+s17+$0x0], $0xffff;
	v29 =	vand.u32 $0x7C00, v26;
	[tilespmem:s1+$0x130] =	vst v15;
	v15 =	vor.u32 v14, v17  }
0x35e: {  	v18 =	vand.u32 $0x7C00, v18;
	v20 =	vshll.u32 v40, $0x3;
	v26 =	vld.idx.msk [tilespmem:v24+s17+$0x0], $0xffff;
	v33 =	vor.u32 v30, v29  }
0x35f: {  	v24 =	vand.u32 $0x7F, v37;
	v0 =	vor.u32 $0x80, v34;
	v23 =	vld.idx.msk [tilespmem:v1+s17+$0x0], $0xffff;
	v1 =	vand.u32 $0x7C00, v20  }
0x360: {  	v30 =	vor.u32 v19, v31;
	v29 =	vand.u32 $0x80000000, v16;
	v31 =	vor.u32 v24, v18;
	v24 =	vld.idx.msk [tilespmem:v2+s17+$0x0], $0xffff  }
0x361: {  	s2 =	simm.s32 $0x17600;
	v16 =	vshll.u32 v41, $0x3;
	v18 =	vand.u32 $0x7F, v40;
	v19 =	vld.idx.msk [tilespmem:v32+s17+$0x0], $0xffff;
	v2 =	vxor.u32 v42, v29  }
0x362: {  	v14 =	vand.u32 $0x7F, v41;
	v45 =	vld.idx.msk [tilespmem:v15+s17+$0x0], $0xffff;
	[tilespmem:s2+$0xFFFFFE70] =	vst v2;
	v2 =	vand.u32 $0x7C00, v16;
	v16 =	vor.u32 v18, v1  }
0x363: {  	v1 =	vld.idx.msk [tilespmem:v33+s17+$0x0], $0xffff;
	v14 =	vor.u32 v14, v2  }
0x364: {  	v0 =	vld.idx.msk [tilespmem:v0+s17+$0x0], $0xffff;
	v2 =	vor.u32 $0x80, v32  }
0x365: {  	v62 =	vor.u32 $0x80, v33;
	v61 =	vld.idx.msk [tilespmem:v30+s17+$0x0], $0xffff  }
0x366: {  	v44 =	vor.u32 $0x100, v34;
	v17 =	vand.u32 $0x80000000, v38;
	v43 =	vld.idx.msk [tilespmem:v31+s17+$0x0], $0xffff  }
0x367: {  	v46 =	vor.u32 $0x80, v30;
	v19 =	vxor.u32 v19, v17;
	v18 =	vand.u32 $0x80000000, v59;
	v47 =	vld.idx.msk [tilespmem:v16+s17+$0x0], $0xffff  }
0x368: {  	[tilespmem:s2+$0xFFFFFE00] =	vst v19;
	v1 =	vxor.u32 v1, v18;
	v48 =	vld.idx.msk [tilespmem:v14+s17+$0x0], $0xffff  }
0x369: {  	v63 =	vor.u32 $0x80, v31;
	v19 =	vand.u32 $0x80000000, v60;
	v0 =	vxor.u32 v0, v29;
	v2 =	vld.idx.msk [tilespmem:v2+s17+$0x0], $0xffff;
	[tilespmem:s2+$0xFFFFFE10] =	vst v1  }
0x36a: {  	v50 =	vor.u32 $0x80, v15;
	v1 =	vxor.u32 v61, v19;
	[tilespmem:s2+$0xFFFFFEF0] =	vst v0;
	v38 =	vld.idx.msk [tilespmem:v62+s17+$0x0], $0xffff  }
0x36b: {  	v20 =	vand.u32 $0x80000000, v37;
	v0 =	vor.u32 $0x80, v16;
	[tilespmem:s2+$0xFFFFFE20] =	vst v1;
	v51 =	vld.idx.msk [tilespmem:v44+s17+$0x0], $0xffff  }
0x36c: {  	s20 =	simm.s32 $0x140;
	v55 =	vand.u32 $0x80000000, v39;
	v53 =	vor.u32 $0x80, v14;
	v1 =	vxor.u32 v43, v20;
	v61 =	vld.idx.msk [tilespmem:v46+s17+$0x0], $0xffff  }
0x36d: {  	v56 =	vand.u32 $0x80000000, v40;
	v60 =	vor.u32 $0x100, v32;
	[tilespmem:s2+$0xFFFFFE30] =	vst v1;
	v1 =	vxor.u32 v45, v55;
	v45 =	vld [tilespmem:s20+$0xFFFFFFE0]  }
0x36e: {  	v57 =	vand.u32 $0x80000000, v41;
	v35 =	vld.idx.msk [tilespmem:v63+s17+$0x0], $0xffff;
	[tilespmem:s2+$0xFFFFFE40] =	vst v1;
	v63 =	vor.u32 $0x100, v33;
	v1 =	vxor.u32 v47, v56  }
0x36f: {  	v62 =	vor.u32 $0x180, v34;
	v36 =	vld.idx.msk [tilespmem:v50+s17+$0x0], $0xffff;
	[tilespmem:s2+$0xFFFFFE50] =	vst v1;
	v1 =	vxor.u32 v48, v57  }
0x370: {  	v49 =	vor.u32 $0x100, v30;
	v2 =	vxor.u32 v2, v17;
	v0 =	vld.idx.msk [tilespmem:v0+s17+$0x0], $0xffff;
	[tilespmem:s2+$0xFFFFFE60] =	vst v1  }
0x371: {  	v1 =	vor.u32 $0x100, v31;
	[tilespmem:s2+$0xFFFFFE80] =	vst v2;
	v38 =	vxor.u32 v38, v18;
	v2 =	vld.idx.msk [tilespmem:v53+s17+$0x0], $0xffff  }
0x372: {  	v50 =	vor.u32 $0x100, v15;
	v37 =	vxor.u32 v51, v29;
	v40 =	vld.idx.msk [tilespmem:v60+s17+$0x0], $0xffff;
	[tilespmem:s2+$0xFFFFFE90] =	vst v38  }
0x373: {  	v51 =	vor.u32 $0x100, v16;
	v52 =	vxor.u32 v61, v19;
	[tilespmem:s2+$0xFFFFFF70] =	vst v37;
	v43 =	vld.idx.msk [tilespmem:v63+s17+$0x0], $0xffff  }
0x374: {  	v53 =	vor.u32 $0x100, v14;
	[tilespmem:s2+$0xFFFFFEA0] =	vst v52;
	v35 =	vxor.u32 v35, v20;
	v41 =	vld.idx.msk [tilespmem:v62+s17+$0x0], $0xffff  }
0x375: {  	v54 =	vor.u32 $0x180, v32;
	v44 =	vld.idx.msk [tilespmem:v49+s17+$0x0], $0xffff;
	[tilespmem:s2+$0xFFFFFEB0] =	vst v35;
	v58 =	vxor.u32 v36, v55  }
0x376: {  	v60 =	vor.u32 $0x180, v33;
	[tilespmem:s2+$0xFFFFFEC0] =	vst v58;
	v1 =	vld.idx.msk [tilespmem:v1+s17+$0x0], $0xffff;
	v0 =	vxor.u32 v0, v56  }
0x377: {  	v59 =	vor.u32 $0x200, v34;
	v39 =	vld.idx.msk [tilespmem:v50+s17+$0x0], $0xffff;
	[tilespmem:s2+$0xFFFFFED0] =	vst v0;
	v0 =	vxor.u32 v2, v57  }
0x378: {  	v2 =	vor.u32 $0x180, v30;
	v40 =	vxor.u32 v40, v17;
	v37 =	vld.idx.msk [tilespmem:v51+s17+$0x0], $0xffff;
	[tilespmem:s2+$0xFFFFFEE0] =	vst v0  }
0x379: {  	v0 =	vor.u32 $0x180, v31;
	[tilespmem:s2+$0xFFFFFF00] =	vst v40;
	v43 =	vxor.u32 v43, v18;
	v61 =	vld.idx.msk [tilespmem:v53+s17+$0x0], $0xffff  }
0x37a: {  	v62 =	vor.u32 $0x180, v15;
	v41 =	vxor.u32 v41, v29;
	v38 =	vld.idx.msk [tilespmem:v54+s17+$0x0], $0xffff;
	[tilespmem:s2+$0xFFFFFF10] =	vst v43  }
0x37b: {  	v63 =	vor.u32 $0x180, v16;
	v48 =	vxor.u32 v44, v19;
	[tilespmem:s2+$0xFFFFFFF0] =	vst v41;
	v36 =	vld.idx.msk [tilespmem:v60+s17+$0x0], $0xffff  }
0x37c: {  	v49 =	vor.u32 $0x180, v14;
	[tilespmem:s2+$0xFFFFFF20] =	vst v48;
	v35 =	vld.idx.msk [tilespmem:v59+s17+$0x0], $0xffff;
	v1 =	vxor.u32 v1, v20  }
0x37d: {  	v50 =	vor.u32 $0x200, v32;
	v2 =	vld.idx.msk [tilespmem:v2+s17+$0x0], $0xffff;
	[tilespmem:s2+$0xFFFFFF30] =	vst v1;
	v1 =	vxor.u32 v39, v55  }
0x37e: {  	v52 =	vor.u32 $0x200, v33;
	v0 =	vld.idx.msk [tilespmem:v0+s17+$0x0], $0xffff;
	[tilespmem:s2+$0xFFFFFF40] =	vst v1;
	v1 =	vxor.u32 v37, v56  }
0x37f: {  	v51 =	vor.u32 $0x280, v34;
	v42 =	vld.idx.msk [tilespmem:v62+s17+$0x0], $0xffff;
	[tilespmem:s2+$0xFFFFFF50] =	vst v1;
	v1 =	vxor.u32 v61, v57  }
0x380: {  	v53 =	vor.u32 $0x200, v30;
	v38 =	vxor.u32 v38, v17;
	v41 =	vld.idx.msk [tilespmem:v63+s17+$0x0], $0xffff;
	[tilespmem:s2+$0xFFFFFF60] =	vst v1  }
0x381: {  	v1 =	vor.u32 $0x200, v31;
	[tilespmem:s2+$0xFFFFFF80] =	vst v38;
	v36 =	vxor.u32 v36, v18;
	v54 =	vld.idx.msk [tilespmem:v49+s17+$0x0], $0xffff  }
0x382: {  	v58 =	vor.u32 $0x200, v15;
	v35 =	vxor.u32 v35, v29;
	v43 =	vld.idx.msk [tilespmem:v50+s17+$0x0], $0xffff;
	[tilespmem:s2+$0xFFFFFF90] =	vst v36  }
0x383: {  	v59 =	vor.u32 $0x200, v16;
	[tilespmem:s2+$0x70] =	vst v35;
	v2 =	vxor.u32 v2, v19;
	v39 =	vld.idx.msk [tilespmem:v52+s17+$0x0], $0xffff  }
0x384: {  	v61 =	vor.u32 $0x200, v14;
	v60 =	vld.idx.msk [tilespmem:v51+s17+$0x0], $0xffff;
	[tilespmem:s2+$0xFFFFFFA0] =	vst v2;
	v0 =	vxor.u32 v0, v20  }
0x385: {  	v2 =	vor.u32 $0x280, v32;
	v40 =	vld.idx.msk [tilespmem:v53+s17+$0x0], $0xffff;
	[tilespmem:s2+$0xFFFFFFB0] =	vst v0;
	v0 =	vxor.u32 v42, v55  }
0x386: {  	v63 =	vor.u32 $0x280, v33;
	v1 =	vld.idx.msk [tilespmem:v1+s17+$0x0], $0xffff;
	[tilespmem:s2+$0xFFFFFFC0] =	vst v0;
	v0 =	vxor.u32 v41, v56  }
0x387: {  	v62 =	vor.u32 $0x300, v34;
	v44 =	vld.idx.msk [tilespmem:v58+s17+$0x0], $0xffff;
	[tilespmem:s2+$0xFFFFFFD0] =	vst v0;
	v0 =	vxor.u32 v54, v57  }
0x388: {  	v46 =	vor.u32 $0x280, v30;
	v43 =	vxor.u32 v43, v17;
	v35 =	vld.idx.msk [tilespmem:v59+s17+$0x0], $0xffff;
	[tilespmem:s2+$0xFFFFFFE0] =	vst v0  }
0x389: {  	[tilespmem:s2+$0x0] =	vst v43;
	v39 =	vxor.u32 v39, v18;
	v37 =	vld.idx.msk [tilespmem:v61+s17+$0x0], $0xffff  }
0x38a: {  	v36 =	vxor.u32 v60, v29;
	v2 =	vld.idx.msk [tilespmem:v2+s17+$0x0], $0xffff;
	[tilespmem:s2+$0x10] =	vst v39  }
0x38b: {  	v0 =	vor.u32 $0x280, v31;
	[tilespmem:s2+$0xF0] =	vst v36;
	v49 =	vxor.u32 v40, v19;
	v42 =	vld.idx.msk [tilespmem:v63+s17+$0x0], $0xffff  }
0x38c: {  	v47 =	vor.u32 $0x280, v15;
	v50 =	vld.idx.msk [tilespmem:v62+s17+$0x0], $0xffff;
	[tilespmem:s2+$0x20] =	vst v49  }
0x38d: {  	v1 =	vxor.u32 v1, v20;
	v38 =	vld.idx.msk [tilespmem:v46+s17+$0x0], $0xffff  }
0x38e: {  	v48 =	vor.u32 $0x280, v16;
	[tilespmem:s2+$0x30] =	vst v1;
	v1 =	vxor.u32 v44, v55;
	v44 =	vld [tilespmem:s20+$0xFFFFFFD0]  }
0x38f: {  	v46 =	vld [tilespmem:s20+$0xFFFFFFF0]  }
0x390: {  	v51 =	vor.u32 $0x280, v14;
	v0 =	vld.idx.msk [tilespmem:v0+s17+$0x0], $0xffff;
	[tilespmem:s2+$0x40] =	vst v1;
	v1 =	vxor.u32 v35, v56  }
0x391: {  	v52 =	vor.u32 $0x300, v32;
	v43 =	vld.idx.msk [tilespmem:v47+s17+$0x0], $0xffff;
	[tilespmem:s2+$0x50] =	vst v1;
	v1 =	vxor.u32 v37, v57  }
0x392: {  	v47 =	vld [tilespmem:s20+$0x0];
	[tilespmem:s2+$0x60] =	vst v1;
	v1 =	vor.u32 $0x300, v31  }
0x393: {  	v36 =	vld.idx.msk [tilespmem:v48+s17+$0x0], $0xffff  }
0x394: {  	v53 =	vor.u32 $0x300, v33;
	v2 =	vxor.u32 v2, v17;
	v48 =	vld [tilespmem:s20+$0x10]  }
0x395: {  	v34 =	vor.u32 $0x380, v34;
	[tilespmem:s2+$0x80] =	vst v2;
	v2 =	vld.idx.msk [tilespmem:v51+s17+$0x0], $0xffff;
	v0 =	vxor.u32 v0, v20  }
0x396: {  	v11 =	vor.u32 $0x380, v11;
	v54 =	vor.u32 $0x300, v30;
	v58 =	vxor.u32 v42, v18;
	v39 =	vld.idx.msk [tilespmem:v52+s17+$0x0], $0xffff;
	[tilespmem:s2+$0xB0] =	vst v0  }
0x397: {  	v12 =	vor.u32 $0x380, v12;
	v10 =	vxor.u32 v25, v10;
	v42 =	vxor.u32 v27, v5;
	[tilespmem:s2+$0x90] =	vst v58;
	v0 =	vld.idx.msk [tilespmem:v1+s17+$0x0], $0xffff  }
0x398: {  	v28 =	vxor.u32 v28, v4;
	v32 =	vor.u32 $0x380, v32;
	v40 =	vxor.u32 v50, v29;
	[tilespmem:s1+$0x140] =	vst v42;
	v1 =	vld [tilespmem:s20+$0x30]  }
0x399: {  	v59 =	vor.u32 $0x300, v16;
	v60 =	vor.u32 $0x300, v14;
	[tilespmem:s2+$0x170] =	vst v40;
	v38 =	vxor.u32 v38, v19;
	v35 =	vld.idx.msk [tilespmem:v53+s17+$0x0], $0xffff  }
0x39a: {  	v62 =	vshll.u32 v45, $0x3;
	v51 =	vor.u32 $0x380, v30;
	v34 =	vld.idx.msk [tilespmem:v34+s17+$0x0], $0xffff;
	[tilespmem:s2+$0xA0] =	vst v38;
	v27 =	vxor.u32 v43, v55  }
0x39b: {  	v38 =	vor.u32 $0x380, v13;
	v13 =	vor.u32 $0x300, v15;
	v37 =	vld.idx.msk [tilespmem:v54+s17+$0x0], $0xffff;
	[tilespmem:s2+$0xC0] =	vst v27;
	v36 =	vxor.u32 v36, v56  }
0x39c: {  	v50 =	vld [tilespmem:s20+$0xFFFFFFC0];
	v58 =	vand.u32 $0x7C00, v62;
	v61 =	vshll.u32 v44, $0x3;
	[tilespmem:s2+$0xD0] =	vst v36;
	v2 =	vxor.u32 v2, v57  }
0x39d: {  	v63 =	vand.u32 $0x7F, v44;
	v42 =	vld.idx.msk [tilespmem:v11+s17+$0x0], $0xffff;
	v30 =	vxor.u32 v39, v17;
	[tilespmem:s2+$0xE0] =	vst v2;
	v25 =	vshll.u32 v1, $0x3  }
0x39e: {  	v62 =	vand.u32 $0x7F, v46;
	v43 =	vld [tilespmem:s20+$0x20];
	[tilespmem:s2+$0x100] =	vst v30;
	v49 =	vand.u32 $0x7F, v1;
	v25 =	vand.u32 $0x7C00, v25  }
0x39f: {  	v2 =	vxor.u32 v34, v29;
	v29 =	vxor.u32 v35, v18;
	v30 =	vld.idx.msk [tilespmem:v60+s17+$0x0], $0xffff;
	v27 =	vor.u32 v49, v25  }
0x3a0: {  	v34 =	vand.u32 $0x7C00, v61;
	[tilespmem:s2+$0x110] =	vst v29;
	v25 =	vld.idx.msk [tilespmem:v13+s17+$0x0], $0xffff;
	v13 =	vor.u32 $0x380, v31;
	v31 =	vxor.u32 v37, v19  }
0x3a1: {  	v32 =	vld.idx.msk [tilespmem:v32+s17+$0x0], $0xffff;
	v60 =	vand.u32 $0x7F, v50;
	v29 =	vshll.u32 v50, $0x3;
	[tilespmem:s2+$0x120] =	vst v31;
	v31 =	vshll.u32 v46, $0x3  }
0x3a2: {  	v0 =	vxor.u32 v0, v20;
	v49 =	vxor.u32 v26, v3;
	v26 =	vld.idx.msk [tilespmem:v59+s17+$0x0], $0xffff;
	v61 =	vand.u32 $0x7C00, v31  }
0x3a3: {  	v35 =	vor.u32 v63, v34;
	[tilespmem:s2+$0x130] =	vst v0;
	v0 =	vand.u32 $0x7F, v45;
	v40 =	vld.idx.msk [tilespmem:v51+s17+$0x0], $0xffff;
	v36 =	vor.u32 v62, v61  }
0x3a4: {  	[tilespmem:s1+$0x150] =	vst v28;
	v29 =	vand.u32 $0x7C00, v29;
	v34 =	vor.u32 v0, v58;
	v31 =	vshll.u32 v47, $0x3;
	v59 =	vld.idx.msk [tilespmem:v27+s17+$0x0], $0xffff  }
0x3a5: {  	[tilespmem:s2+$0x1F0] =	vst v2;
	v29 =	vor.u32 v60, v29;
	v54 =	vand.u32 $0x7C00, v31;
	v31 =	vld.idx.msk [tilespmem:v12+s17+$0x0], $0xffff  }
0x3a6: {  	v28 =	vshll.u32 v48, $0x3;
	v2 =	vxor.u32 v22, v7;
	v53 =	vor.u32 $0x80, v27;
	[tilespmem:s1+$0x160] =	vst v49;
	v41 =	vld.idx.msk [tilespmem:v13+s17+$0x0], $0xffff  }
0x3a7: {  	v0 =	vand.u32 $0x7F, v47;
	v13 =	vand.u32 $0x80000000, v1;
	v1 =	vand.u32 $0x7C00, v28;
	v28 =	vld.idx.msk [tilespmem:v38+s17+$0x0], $0xffff  }
0x3a8: {  	v6 =	vxor.u32 v21, v6;
	[tilespmem:s1+$0x190] =	vst v2;
	v37 =	vor.u32 v0, v54;
	v0 =	vand.u32 $0x7F, v48;
	v2 =	vld.idx.msk [tilespmem:v36+s17+$0x0], $0xffff  }
0x3a9: {  	s3 =	simm.s32 $0x17A00;
	[tilespmem:s1+$0x1F0] =	vst v10;
	v12 =	vshll.u32 v43, $0x3;
	v21 =	vld.idx.msk [tilespmem:v34+s17+$0x0], $0xffff;
	v38 =	vor.u32 v0, v1;
	v11 =	vxor.u32 v59, v13  }
0x3aa: {  	v10 =	vand.u32 $0x7C00, v12;
	v63 =	vor.u32 $0x80, v36;
	v0 =	vand.u32 $0x7F, v43;
	[tilespmem:s3+$0xFFFFFE70] =	vst v11;
	v11 =	vld.idx.msk [tilespmem:v29+s17+$0x0], $0xffff  }
0x3ab: {  	v39 =	vor.u32 v0, v10;
	v1 =	vld.idx.msk [tilespmem:v53+s17+$0x0], $0xffff  }
0x3ac: {  	v7 =	vor.u32 $0x80, v29;
	v12 =	vand.u32 $0x80000000, v46;
	v0 =	vld.idx.msk [tilespmem:v35+s17+$0x0], $0xffff  }
0x3ad: {  	[tilespmem:s1+$0x180] =	vst v6;
	v6 =	vxor.u32 v23, v8;
	v8 =	vor.u32 $0x100, v27;
	v23 =	vld.idx.msk [tilespmem:v37+s17+$0x0], $0xffff;
	v2 =	vxor.u32 v2, v12  }
0x3ae: {  	v9 =	vxor.u32 v24, v9;
	v22 =	vor.u32 $0x80, v35;
	v51 =	vand.u32 $0x80000000, v50;
	v24 =	vld.idx.msk [tilespmem:v38+s17+$0x0], $0xffff;
	[tilespmem:s3+$0xFFFFFE30] =	vst v2  }
0x3af: {  	[tilespmem:s1+$0x1B0] =	vst v9;
	v9 =	vor.u32 $0x80, v34;
	v60 =	vld.idx.msk [tilespmem:v63+s17+$0x0], $0xffff;
	v11 =	vxor.u32 v11, v51  }
0x3b0: {  	v33 =	vor.u32 $0x380, v33;
	v52 =	vand.u32 $0x80000000, v44;
	v53 =	vld.idx.msk [tilespmem:v39+s17+$0x0], $0xffff;
	[tilespmem:s3+$0xFFFFFE00] =	vst v11;
	v1 =	vxor.u32 v1, v13  }
0x3b1: {  	v10 =	vand.u32 $0x80000000, v45;
	v0 =	vxor.u32 v0, v52;
	[tilespmem:s3+$0xFFFFFEF0] =	vst v1;
	v1 =	vor.u32 $0x80, v37;
	v54 =	vld.idx.msk [tilespmem:v7+s17+$0x0], $0xffff  }
0x3b2: {  	[tilespmem:s3+$0xFFFFFE10] =	vst v0;
	v0 =	vor.u32 $0x80, v38;
	v7 =	vxor.u32 v21, v10;
	v21 =	vld.idx.msk [tilespmem:v8+s17+$0x0], $0xffff;
	v8 =	vand.u32 $0x80000000, v47  }
0x3b3: {  	v58 =	vor.u32 $0x80, v39;
	v22 =	vld.idx.msk [tilespmem:v22+s17+$0x0], $0xffff;
	v63 =	vor.u32 $0x100, v36;
	[tilespmem:s3+$0xFFFFFE20] =	vst v7;
	v23 =	vxor.u32 v23, v8  }
0x3b4: {  	v7 =	vand.u32 $0x80000000, v48;
	v59 =	vld.idx.msk [tilespmem:v9+s17+$0x0], $0xffff;
	v9 =	vand.u32 $0x80000000, v43;
	v43 =	vxor.u32 v60, v12;
	[tilespmem:s3+$0xFFFFFE40] =	vst v23  }
0x3b5: {  	v33 =	vld.idx.msk [tilespmem:v33+s17+$0x0], $0xffff;
	v2 =	vor.u32 $0x100, v29;
	v23 =	vxor.u32 v24, v7;
	[tilespmem:s3+$0xFFFFFEB0] =	vst v43  }
0x3b6: {  	v24 =	vor.u32 $0x180, v27;
	v61 =	vxor.u32 v53, v9;
	[tilespmem:s3+$0xFFFFFE50] =	vst v23;
	v1 =	vld.idx.msk [tilespmem:v1+s17+$0x0], $0xffff  }
0x3b7: {  	v23 =	vor.u32 $0x100, v35;
	[tilespmem:s3+$0xFFFFFE60] =	vst v61;
	v45 =	vxor.u32 v54, v51;
	v0 =	vld.idx.msk [tilespmem:v0+s17+$0x0], $0xffff  }
0x3b8: {  	v62 =	vor.u32 $0x100, v34;
	v46 =	vld.idx.msk [tilespmem:v58+s17+$0x0], $0xffff;
	[tilespmem:s3+$0xFFFFFE80] =	vst v45;
	v21 =	vxor.u32 v21, v13  }
0x3b9: {  	v22 =	vxor.u32 v22, v52;
	v45 =	vld.idx.msk [tilespmem:v63+s17+$0x0], $0xffff;
	[tilespmem:s3+$0xFFFFFF70] =	vst v21;
	v21 =	vor.u32 $0x100, v37  }
0x3ba: {  	v48 =	vor.u32 $0x100, v39;
	[tilespmem:s3+$0xFFFFFE90] =	vst v22;
	v2 =	vld.idx.msk [tilespmem:v2+s17+$0x0], $0xffff;
	v47 =	vxor.u32 v59, v10  }
0x3bb: {  	v22 =	vor.u32 $0x100, v38;
	v24 =	vld.idx.msk [tilespmem:v24+s17+$0x0], $0xffff;
	[tilespmem:s3+$0xFFFFFEA0] =	vst v47;
	v1 =	vxor.u32 v1, v8  }
0x3bc: {  	v49 =	vor.u32 $0x180, v29;
	v23 =	vld.idx.msk [tilespmem:v23+s17+$0x0], $0xffff;
	v0 =	vxor.u32 v0, v7;
	[tilespmem:s3+$0xFFFFFEC0] =	vst v1  }
0x3bd: {  	v44 =	vld.idx.msk [tilespmem:v62+s17+$0x0], $0xffff;
	v46 =	vxor.u32 v46, v9;
	v1 =	vor.u32 $0x200, v27;
	[tilespmem:s3+$0xFFFFFED0] =	vst v0  }
0x3be: {  	v0 =	vor.u32 $0x180, v35;
	[tilespmem:s3+$0xFFFFFEE0] =	vst v46;
	v45 =	vxor.u32 v45, v12;
	v21 =	vld.idx.msk [tilespmem:v21+s17+$0x0], $0xffff  }
0x3bf: {  	v50 =	vor.u32 $0x180, v34;
	v2 =	vxor.u32 v2, v51;
	v47 =	vld.idx.msk [tilespmem:v48+s17+$0x0], $0xffff;
	[tilespmem:s3+$0xFFFFFF30] =	vst v45  }
0x3c0: {  	v22 =	vld.idx.msk [tilespmem:v22+s17+$0x0], $0xffff;
	[tilespmem:s3+$0xFFFFFF00] =	vst v2;
	v2 =	vor.u32 $0x180, v36;
	v24 =	vxor.u32 v24, v13  }
0x3c1: {  	[tilespmem:s3+$0xFFFFFFF0] =	vst v24;
	v24 =	vor.u32 $0x180, v37;
	v43 =	vld.idx.msk [tilespmem:v49+s17+$0x0], $0xffff;
	v23 =	vxor.u32 v23, v52  }
0x3c2: {  	v53 =	vor.u32 $0x180, v39;
	v44 =	vxor.u32 v44, v10;
	[tilespmem:s3+$0xFFFFFF10] =	vst v23;
	v1 =	vld.idx.msk [tilespmem:v1+s17+$0x0], $0xffff  }
0x3c3: {  	v23 =	vor.u32 $0x180, v38;
	[tilespmem:s3+$0xFFFFFF20] =	vst v44;
	v0 =	vld.idx.msk [tilespmem:v0+s17+$0x0], $0xffff;
	v21 =	vxor.u32 v21, v8  }
0x3c4: {  	v54 =	vor.u32 $0x200, v29;
	v46 =	vld.idx.msk [tilespmem:v50+s17+$0x0], $0xffff;
	v47 =	vxor.u32 v47, v9;
	[tilespmem:s3+$0xFFFFFF40] =	vst v21  }
0x3c5: {  	v2 =	vld.idx.msk [tilespmem:v2+s17+$0x0], $0xffff;
	v21 =	vxor.u32 v22, v7;
	v22 =	vor.u32 $0x280, v27;
	[tilespmem:s3+$0xFFFFFF60] =	vst v47  }
0x3c6: {  	v58 =	vor.u32 $0x200, v34;
	[tilespmem:s3+$0xFFFFFF50] =	vst v21;
	v24 =	vld.idx.msk [tilespmem:v24+s17+$0x0], $0xffff;
	v43 =	vxor.u32 v43, v51  }
0x3c7: {  	v21 =	vor.u32 $0x200, v35;
	v44 =	vld.idx.msk [tilespmem:v53+s17+$0x0], $0xffff;
	[tilespmem:s3+$0xFFFFFF80] =	vst v43;
	v1 =	vxor.u32 v1, v13  }
0x3c8: {  	v59 =	vor.u32 $0x200, v36;
	v23 =	vld.idx.msk [tilespmem:v23+s17+$0x0], $0xffff;
	v0 =	vxor.u32 v0, v52;
	[tilespmem:s3+$0x70] =	vst v1  }
0x3c9: {  	v61 =	vor.u32 $0x200, v39;
	v45 =	vld.idx.msk [tilespmem:v54+s17+$0x0], $0xffff;
	v46 =	vxor.u32 v46, v10;
	[tilespmem:s3+$0xFFFFFF90] =	vst v0  }
0x3ca: {  	v1 =	vor.u32 $0x200, v37;
	[tilespmem:s3+$0xFFFFFFA0] =	vst v46;
	v60 =	vld.idx.msk [tilespmem:v22+s17+$0x0], $0xffff;
	v2 =	vxor.u32 v2, v12  }
0x3cb: {  	v0 =	vor.u32 $0x200, v38;
	v62 =	vld.idx.msk [tilespmem:v58+s17+$0x0], $0xffff;
	[tilespmem:s3+$0xFFFFFFB0] =	vst v2;
	v22 =	vxor.u32 v24, v8  }
0x3cc: {  	v21 =	vld.idx.msk [tilespmem:v21+s17+$0x0], $0xffff;
	v2 =	vor.u32 $0x280, v29;
	v44 =	vxor.u32 v44, v9;
	[tilespmem:s3+$0xFFFFFFC0] =	vst v22  }
0x3cd: {  	v14 =	vor.u32 $0x380, v14;
	v24 =	vld.idx.msk [tilespmem:v59+s17+$0x0], $0xffff;
	v22 =	vxor.u32 v23, v7;
	v23 =	vor.u32 $0x300, v27;
	[tilespmem:s3+$0xFFFFFFE0] =	vst v44  }
0x3ce: {  	[tilespmem:s1+$0x1A0] =	vst v6;
	v15 =	vor.u32 $0x380, v15;
	v17 =	vxor.u32 v32, v17;
	v63 =	vor.u32 $0x280, v35;
	v50 =	vld.idx.msk [tilespmem:v61+s17+$0x0], $0xffff  }
0x3cf: {  	v47 =	vor.u32 $0x280, v34;
	[tilespmem:s3+$0xFFFFFFD0] =	vst v22;
	v22 =	vxor.u32 v41, v20;
	v49 =	vxor.u32 v45, v51;
	v1 =	vld.idx.msk [tilespmem:v1+s17+$0x0], $0xffff  }
0x3d0: {  	v20 =	vxor.u32 v42, v5;
	v5 =	vor.u32 $0x280, v36;
	v0 =	vld.idx.msk [tilespmem:v0+s17+$0x0], $0xffff;
	[tilespmem:s3+$0x0] =	vst v49;
	v53 =	vxor.u32 v60, v13  }
0x3d1: {  	v18 =	vxor.u32 v33, v18;
	v54 =	vor.u32 $0x280, v37;
	[tilespmem:s3+$0xF0] =	vst v53;
	v2 =	vld.idx.msk [tilespmem:v2+s17+$0x0], $0xffff;
	v21 =	vxor.u32 v21, v52  }
0x3d2: {  	v11 =	vor.u32 $0x380, v16;
	v16 =	vor.u32 $0x280, v38;
	[tilespmem:s3+$0x10] =	vst v21;
	v21 =	vxor.u32 v62, v10;
	v58 =	vld.idx.msk [tilespmem:v23+s17+$0x0], $0xffff  }
0x3d3: {  	v19 =	vxor.u32 v40, v19;
	v23 =	vxor.u32 v24, v12;
	[tilespmem:s3+$0x20] =	vst v21;
	v21 =	vor.u32 $0x280, v39;
	v33 =	vld.idx.msk [tilespmem:v63+s17+$0x0], $0xffff  }
0x3d4: {  	v24 =	vxor.u32 v31, v4;
	v4 =	vor.u32 $0x300, v29;
	[tilespmem:s3+$0x30] =	vst v23;
	v40 =	vld.idx.msk [tilespmem:v47+s17+$0x0], $0xffff;
	v1 =	vxor.u32 v1, v8  }
0x3d5: {  	v32 =	vxor.u32 v25, v55;
	v60 =	vor.u32 $0x380, v27;
	v5 =	vld.idx.msk [tilespmem:v5+s17+$0x0], $0xffff;
	v0 =	vxor.u32 v0, v7;
	[tilespmem:s3+$0x40] =	vst v1  }
0x3d6: {  	v25 =	vor.u32 $0x380, v35;
	v59 =	vor.u32 $0x300, v35;
	[tilespmem:s3+$0x50] =	vst v0;
	v0 =	vxor.u32 v50, v9;
	v42 =	vld.idx.msk [tilespmem:v54+s17+$0x0], $0xffff  }
0x3d7: {  	v35 =	vxor.u32 v30, v57;
	v61 =	vor.u32 $0x300, v34;
	v1 =	vxor.u32 v2, v51;
	v63 =	vld.idx.msk [tilespmem:v16+s17+$0x0], $0xffff;
	[tilespmem:s3+$0x60] =	vst v0  }
0x3d8: {  	v30 =	vor.u32 $0x380, v34;
	v62 =	vor.u32 $0x300, v36;
	[tilespmem:s3+$0x80] =	vst v1;
	v1 =	vxor.u32 v58, v13;
	v0 =	vld.idx.msk [tilespmem:v21+s17+$0x0], $0xffff  }
0x3d9: {  	v27 =	vor.u32 $0x300, v37;
	v31 =	vxor.u32 v28, v3;
	[tilespmem:s3+$0x170] =	vst v1;
	v1 =	vld.idx.msk [tilespmem:v4+s17+$0x0], $0xffff;
	v2 =	vxor.u32 v33, v52  }
0x3da: {  	v28 =	vor.u32 $0x300, v38;
	v29 =	vor.u32 $0x380, v29;
	[tilespmem:s3+$0x90] =	vst v2;
	v3 =	vxor.u32 v40, v10;
	v2 =	vld.idx.msk [tilespmem:v60+s17+$0x0], $0xffff  }
0x3db: {  	v23 =	vor.u32 $0x300, v39;
	v16 =	vor.u32 $0x380, v37;
	v4 =	vxor.u32 v5, v12;
	[tilespmem:s3+$0xA0] =	vst v3;
	v3 =	vld.idx.msk [tilespmem:v59+s17+$0x0], $0xffff  }
0x3dc: {  	v33 =	vxor.u32 v26, v56;
	v26 =	vor.u32 $0x380, v36;
	[tilespmem:s3+$0xB0] =	vst v4;
	v5 =	vld.idx.msk [tilespmem:v61+s17+$0x0], $0xffff;
	v4 =	vxor.u32 v42, v8  }
0x3dd: {  	s4 =	sshll.u32 s31, $0x4;
	s5 =	simm.s32 $0x10;
	s11 =	simm.s32 $0x1C0;
	v21 =	vor.u32 $0x380, v38;
	v34 =	vld.idx.msk [tilespmem:v62+s17+$0x0], $0xffff;
	v36 =	vxor.u32 v63, v7;
	[tilespmem:s3+$0xC0] =	vst v4;
	v4 =	vor.u32 $0x380, v39  }
.LBB2_9:
0x3de: {  	[tilespmem:s3+$0xD0] =	vst v36  }
0x3df: {  	v58 =	vld [tilespmem:s11+$0xFFFFFFD0];
	[tilespmem:s2+$0x190] =	vst v18;
	v0 =	vxor.u32 v0, v9  }
0x3e0: {  	v1 =	vxor.u32 v1, v51;
	[tilespmem:s3+$0xE0] =	vst v0  }
0x3e1: {  	v37 =	vld [tilespmem:s11+$0x30];
	v3 =	vxor.u32 v3, v52;
	[tilespmem:s3+$0x100] =	vst v1  }
0x3e2: {  	v0 =	vld [tilespmem:s11+$0xFFFFFFE0];
	[tilespmem:s3+$0x110] =	vst v3  }
0x3e3: {  	v3 =	vxor.u32 v5, v10;
	v5 =	vld [tilespmem:s11+$0x10];
	[tilespmem:s2+$0x150] =	vst v33  }
0x3e4: {  	v1 =	vxor.u32 v2, v13;
	v2 =	vld [tilespmem:s11+$0xFFFFFFF0];
	[tilespmem:s2+$0x1A0] =	vst v19  }
0x3e5: {  	[tilespmem:s3+$0x1F0] =	vst v1;
	v1 =	vld [tilespmem:s11+$0x0]  }
0x3e6: {  	[tilespmem:s3+$0x120] =	vst v3;
	v42 =	vld [tilespmem:s11+$0x20]  }
0x3e7: {  	v39 =	vld [tilespmem:s11+$0xFFFFFFC0];
	[tilespmem:s2+$0x140] =	vst v32  }
0x3e8: {  	v33 =	vld.idx.msk [tilespmem:v28+s17+$0x0], $0xffff;
	[tilespmem:s2+$0x180] =	vst v17  }
0x3e9: {  	v13 =	vshll.u32 v37, $0x3;
	[tilespmem:s2+$0x160] =	vst v35;
	v6 =	vld.idx.msk [tilespmem:v29+s17+$0x0], $0xffff  }
0x3ea: {  	v38 =	vand.u32 $0x7F, v37;
	v3 =	vxor.u32 v34, v12;
	v13 =	vand.u32 $0x7C00, v13;
	[tilespmem:s1+$0x1D0] =	vst v24;
	v32 =	vld.idx.msk [tilespmem:v27+s17+$0x0], $0xffff  }
0x3eb: {  	[tilespmem:s3+$0x130] =	vst v3;
	v3 =	vor.u32 v38, v13;
	v35 =	vld.idx.msk [tilespmem:v23+s17+$0x0], $0xffff;
	v40 =	vshll.u32 v0, $0x3  }
0x3ec: {  	[tilespmem:s2+$0x1B0] =	vst v22;
	v27 =	vand.u32 $0x7F, v0;
	v38 =	vand.u32 $0x80000000, v0;
	v0 =	vld.idx.msk [tilespmem:v11+s17+$0x0], $0xffff;
	v18 =	vshll.u32 v39, $0x3  }
0x3ed: {  	v59 =	vshll.u32 v58, $0x3;
	[tilespmem:s1+$0x1E0] =	vst v31;
	v19 =	vand.u32 $0x7C00, v18;
	v18 =	vld.idx.msk [tilespmem:v25+s17+$0x0], $0xffff  }
0x3ee: {  	v34 =	vand.u32 $0x7C00, v59;
	v13 =	vand.u32 $0x7F, v58;
	v41 =	vshll.u32 v1, $0x3;
	[tilespmem:$0x1FCD0] =	vst v6;
	v6 =	vld.idx.msk [tilespmem:v26+s17+$0x0], $0xffff  }
0x3ef: {  	v23 =	vand.u32 $0x7F, v1;
	v25 =	vor.u32 v13, v34;
	v34 =	vand.u32 $0x80000000, v1;
	v1 =	vld.idx.msk [tilespmem:v14+s17+$0x0], $0xffff  }
0x3f0: {  	[tilespmem:s1+$0x1C0] =	vst v20;
	v29 =	vand.u32 $0x7F, v39;
	v47 =	vld.idx.msk [tilespmem:v3+s17+$0x0], $0xffff  }
0x3f1: {  	v41 =	vand.u32 $0x7C00, v41;
	v29 =	vor.u32 v29, v19;
	[tilespmem:$0x1FD00] =	vst v0;
	v0 =	vmov v16  }
0x3f2: {  	v61 =	vshll.u32 v2, $0x3;
	v45 =	vor.u32 v23, v41;
	v23 =	vor.u32 $0x80, v3;
	[tilespmem:$0x1FDD0] =	vst v0  }
0x3f3: {  	v28 =	vand.u32 $0x7F, v2;
	v43 =	vshll.u32 v5, $0x3;
	v46 =	vand.u32 $0x7F, v5;
	[tilespmem:$0x1FCE0] =	vst v6  }
0x3f4: {  	v60 =	vand.u32 $0x7C00, v40;
	v40 =	vand.u32 $0x7C00, v61;
	v13 =	vand.u32 $0x80000000, v37;
	[tilespmem:$0x1FD10] =	vst v1;
	v1 =	vmovc v4  }
0x3f5: {  	s1 =	smov.u32 s2;
	s2 =	smov.u32 s3;
	s3 =	sadd.s32 $0x400, s3;
	v43 =	vand.u32 $0x7C00, v43;
	v48 =	vor.u32 v27, v60;
	v6 =	vld.idx.msk [tilespmem:v15+s17+$0x0], $0xffff;
	v0 =	vxor.u32 v47, v13;
	[tilespmem:$0x1FDA0] =	vst v1  }
0x3f6: {  	v17 =	vmov v51;
	v50 =	vor.u32 v28, v40;
	v51 =	vor.u32 v46, v43;
	v1 =	vld.idx.msk [tilespmem:v29+s17+$0x0], $0xffff;
	[tilespmem:s3+$0xFFFFFE70] =	vst v0  }
0x3f7: {  	v44 =	vshll.u32 v42, $0x3;
	v62 =	vor.u32 $0x200, v51;
	v0 =	vld.idx.msk [tilespmem:v23+s17+$0x0], $0xffff  }
0x3f8: {  	v49 =	vand.u32 $0x7F, v42;
	v44 =	vand.u32 $0x7C00, v44;
	v63 =	vor.u32 $0x280, v25;
	[tilespmem:$0x1FD30] =	vst v62;
	v23 =	vld.idx.msk [tilespmem:v25+s17+$0x0], $0xffff  }
0x3f9: {  	v36 =	vand.u32 $0x80000000, v42;
	v46 =	vor.u32 v49, v44;
	[tilespmem:$0x1FD40] =	vst v63;
	v63 =	vor.u32 $0x280, v50  }
0x3fa: {  	v40 =	vand.u32 $0x80000000, v39;
	v39 =	vand.u32 $0x80000000, v2;
	v2 =	vor.u32 $0x80, v29;
	[tilespmem:$0x1FD50] =	vst v63;
	v42 =	vld.idx.msk [tilespmem:v48+s17+$0x0], $0xffff  }
0x3fb: {  	v43 =	vld.idx.msk [tilespmem:v50+s17+$0x0], $0xffff;
	[tilespmem:$0x1FCF0] =	vst v6;
	v1 =	vxor.u32 v1, v40  }
0x3fc: {  	v41 =	vand.u32 $0x80000000, v58;
	v4 =	vor.u32 $0x80, v25;
	v49 =	vld.idx.msk [tilespmem:v45+s17+$0x0], $0xffff;
	[tilespmem:s3+$0xFFFFFE00] =	vst v1;
	v0 =	vxor.u32 v0, v13  }
0x3fd: {  	v58 =	vld.idx.msk [tilespmem:v51+s17+$0x0], $0xffff;
	v23 =	vxor.u32 v23, v41;
	[tilespmem:s3+$0xFFFFFEF0] =	vst v0  }
0x3fe: {  	v47 =	vor.u32 $0x100, v3;
	v59 =	vld.idx.msk [tilespmem:v46+s17+$0x0], $0xffff;
	[tilespmem:s3+$0xFFFFFE10] =	vst v23;
	v23 =	vor.u32 $0x200, v25  }
0x3ff: {  	v16 =	vor.u32 $0x80, v48;
	v60 =	vld.idx.msk [tilespmem:v2+s17+$0x0], $0xffff;
	[tilespmem:$0x1FD20] =	vst v23;
	v23 =	vxor.u32 v42, v38  }
0x400: {  	v22 =	vld.idx.msk [tilespmem:v30+s17+$0x0], $0xffff;
	v19 =	vmov v21;
	v21 =	vor.u32 $0x80, v50;
	[tilespmem:s3+$0xFFFFFE20] =	vst v23;
	v23 =	vxor.u32 v43, v39  }
0x401: {  	v37 =	vand.u32 $0x80000000, v5;
	v26 =	vor.u32 $0x80, v45;
	v4 =	vld.idx.msk [tilespmem:v4+s17+$0x0], $0xffff;
	[tilespmem:s3+$0xFFFFFE30] =	vst v23;
	v23 =	vxor.u32 v49, v34  }
0x402: {  	v27 =	vor.u32 $0x80, v51;
	[tilespmem:s3+$0xFFFFFE40] =	vst v23;
	v23 =	vxor.u32 v58, v37  }
0x403: {  	v61 =	vld.idx.msk [tilespmem:v47+s17+$0x0], $0xffff;
	[tilespmem:s3+$0xFFFFFE50] =	vst v23;
	v23 =	vxor.u32 v59, v36  }
0x404: {  	v16 =	vld.idx.msk [tilespmem:v16+s17+$0x0], $0xffff;
	v60 =	vxor.u32 v60, v40;
	[tilespmem:s3+$0xFFFFFE60] =	vst v23  }
0x405: {  	v28 =	vor.u32 $0x80, v46;
	v21 =	vld.idx.msk [tilespmem:v21+s17+$0x0], $0xffff;
	[tilespmem:s3+$0xFFFFFE80] =	vst v60;
	v23 =	vor.u32 $0x280, v45  }
0x406: {  	v11 =	vmov v52;
	v30 =	vor.u32 $0x100, v29;
	v26 =	vld.idx.msk [tilespmem:v26+s17+$0x0], $0xffff;
	v4 =	vxor.u32 v4, v41;
	[tilespmem:$0x1FD60] =	vst v23  }
0x407: {  	v44 =	vor.u32 $0x100, v25;
	v63 =	vld.idx.msk [tilespmem:v27+s17+$0x0], $0xffff;
	v23 =	vor.u32 $0x280, v51;
	[tilespmem:s3+$0xFFFFFE90] =	vst v4  }
0x408: {  	v18 =	vxor.u32 v18, v11;
	v6 =	vor.u32 $0x100, v45;
	v4 =	vor.u32 $0x300, v25;
	[tilespmem:$0x1FD70] =	vst v23  }
0x409: {  	v53 =	vor.u32 $0x100, v51;
	v11 =	vmovc v19;
	v19 =	vxor.u32 v22, v10;
	v10 =	vld [tilespmem:$0x1FCE0];
	[tilespmem:$0x1FDB0] =	vst v4;
	v4 =	vxor.u32 v16, v38  }
0x40a: {  	v62 =	vor.u32 $0x180, v3;
	v60 =	vld.idx.msk [tilespmem:v28+s17+$0x0], $0xffff;
	[tilespmem:s3+$0xFFFFFEA0] =	vst v4;
	v4 =	vxor.u32 v21, v39  }
0x40b: {  	v14 =	vor.u32 $0x100, v48;
	v30 =	vld.idx.msk [tilespmem:v30+s17+$0x0], $0xffff;
	[tilespmem:s3+$0xFFFFFEB0] =	vst v4;
	v4 =	vxor.u32 v26, v34  }
0x40c: {  	v15 =	vor.u32 $0x100, v50;
	v23 =	vxor.u32 v61, v13;
	v61 =	vld.idx.msk [tilespmem:v44+s17+$0x0], $0xffff;
	[tilespmem:s3+$0xFFFFFEC0] =	vst v4;
	v4 =	vxor.u32 v63, v37  }
0x40d: {  	v54 =	vor.u32 $0x100, v46;
	v6 =	vld.idx.msk [tilespmem:v6+s17+$0x0], $0xffff;
	[tilespmem:s3+$0xFFFFFED0] =	vst v4  }
0x40e: {  	v16 =	vor.u32 $0x300, v48;
	[tilespmem:s3+$0xFFFFFF70] =	vst v23;
	v53 =	vld.idx.msk [tilespmem:v53+s17+$0x0], $0xffff  }
0x40f: {  	[tilespmem:$0x1FDC0] =	vst v16;
	v16 =	vld.idx.msk [tilespmem:v62+s17+$0x0], $0xffff  }
0x410: {  	v24 =	vmovc v56;
	v56 =	vor.u32 $0x180, v48;
	v2 =	vor.u32 $0x180, v51;
	v14 =	vld.idx.msk [tilespmem:v14+s17+$0x0], $0xffff;
	v4 =	vxor.u32 v60, v36  }
0x411: {  	v42 =	vor.u32 $0x200, v48;
	v59 =	vor.u32 $0x280, v48;
	v62 =	vor.u32 $0x200, v3;
	v15 =	vld.idx.msk [tilespmem:v15+s17+$0x0], $0xffff;
	[tilespmem:s3+$0xFFFFFEE0] =	vst v4  }
0x412: {  	v21 =	vxor.u32 v30, v40;
	v30 =	vor.u32 $0x380, v48;
	v48 =	vld.idx.msk [tilespmem:v54+s17+$0x0], $0xffff;
	v6 =	vxor.u32 v6, v34  }
0x413: {  	v22 =	vxor.u32 v10, v12;
	v10 =	vld [tilespmem:$0x1FCF0];
	[tilespmem:s3+$0xFFFFFF40] =	vst v6;
	v6 =	vxor.u32 v53, v37  }
0x414: {  	v31 =	vmovc v57;
	v57 =	vor.u32 $0x180, v50;
	v63 =	vxor.u32 v61, v41;
	v61 =	vld [tilespmem:$0x1FCD0];
	v4 =	vxor.u32 v16, v13;
	[tilespmem:s3+$0xFFFFFF50] =	vst v6  }
0x415: {  	v5 =	vor.u32 $0x180, v45;
	v14 =	vxor.u32 v14, v38;
	[tilespmem:s3+$0xFFFFFFF0] =	vst v4;
	v2 =	vld.idx.msk [tilespmem:v2+s17+$0x0], $0xffff  }
0x416: {  	[tilespmem:s3+$0xFFFFFF20] =	vst v14;
	v14 =	vxor.u32 v15, v39;
	v60 =	vld.idx.msk [tilespmem:v62+s17+$0x0], $0xffff  }
0x417: {  	v52 =	vor.u32 $0x180, v29;
	v15 =	vld.idx.msk [tilespmem:v56+s17+$0x0], $0xffff;
	[tilespmem:s3+$0xFFFFFF30] =	vst v14;
	v6 =	vxor.u32 v48, v36  }
0x418: {  	v20 =	vmov v55;
	v55 =	vor.u32 $0x180, v25;
	[tilespmem:s3+$0xFFFFFF60] =	vst v6;
	v6 =	vld [tilespmem:$0x1FD00]  }
0x419: {  	v33 =	vxor.u32 v33, v7;
	v1 =	vor.u32 $0x180, v46;
	[tilespmem:s3+$0xFFFFFF00] =	vst v21;
	v56 =	vmovc v7;
	v7 =	vmov v37;
	v14 =	vld.idx.msk [tilespmem:v57+s17+$0x0], $0xffff  }
0x41a: {  	[tilespmem:s3+$0xFFFFFF10] =	vst v63;
	v63 =	vor.u32 $0x280, v3;
	v5 =	vld.idx.msk [tilespmem:v5+s17+$0x0], $0xffff;
	v2 =	vxor.u32 v2, v7  }
0x41b: {  	v47 =	vor.u32 $0x200, v50;
	[tilespmem:s3+$0xFFFFFFD0] =	vst v2;
	v2 =	vld [tilespmem:$0x1FD30]  }
0x41c: {  	v20 =	vxor.u32 v10, v20;
	v44 =	vor.u32 $0x300, v50;
	v26 =	vor.u32 $0x380, v50;
	v50 =	vld.idx.msk [tilespmem:v52+s17+$0x0], $0xffff  }
0x41d: {  	v43 =	vor.u32 $0x200, v45;
	v10 =	vmovc v38;
	v62 =	vld.idx.msk [tilespmem:v55+s17+$0x0], $0xffff;
	v24 =	vxor.u32 v6, v24;
	v6 =	vxor.u32 v60, v13  }
0x41e: {  	v32 =	vxor.u32 v32, v8;
	v12 =	vmov v39;
	v1 =	vld.idx.msk [tilespmem:v1+s17+$0x0], $0xffff;
	[tilespmem:s3+$0x70] =	vst v6;
	v6 =	vxor.u32 v15, v10  }
0x41f: {  	v55 =	vmov v8;
	v8 =	vmov v34;
	v15 =	vld.idx.msk [tilespmem:v63+s17+$0x0], $0xffff;
	[tilespmem:s3+$0xFFFFFFA0] =	vst v6;
	v6 =	vxor.u32 v14, v12  }
0x420: {  	v0 =	vor.u32 $0x200, v29;
	v5 =	vxor.u32 v5, v8;
	v14 =	vld.idx.msk [tilespmem:v42+s17+$0x0], $0xffff;
	[tilespmem:s3+$0xFFFFFFB0] =	vst v6  }
0x421: {  	v35 =	vxor.u32 v35, v9;
	v28 =	vor.u32 $0x300, v51;
	v21 =	vor.u32 $0x380, v51;
	v51 =	vmovc v40;
	[tilespmem:s3+$0xFFFFFFC0] =	vst v5;
	v6 =	vld.idx.msk [tilespmem:v47+s17+$0x0], $0xffff  }
0x422: {  	v17 =	vxor.u32 v61, v17;
	v57 =	vmovc v9;
	v9 =	vmov v36;
	v48 =	vxor.u32 v50, v51;
	v61 =	vld.idx.msk [tilespmem:v43+s17+$0x0], $0xffff  }
0x423: {  	[tilespmem:s3+$0xFFFFFF80] =	vst v48;
	v1 =	vxor.u32 v1, v9;
	v2 =	vld.idx.msk [tilespmem:v2+s17+$0x0], $0xffff  }
0x424: {  	[tilespmem:s3+$0xFFFFFFE0] =	vst v1;
	v1 =	vxor.u32 v15, v13  }
0x425: {  	v0 =	vld.idx.msk [tilespmem:v0+s17+$0x0], $0xffff;
	[tilespmem:s3+$0xF0] =	vst v1;
	v1 =	vxor.u32 v14, v10  }
0x426: {  	v60 =	vld [tilespmem:$0x1FD20];
	[tilespmem:s3+$0x20] =	vst v1;
	v1 =	vxor.u32 v6, v12  }
0x427: {  	v49 =	vor.u32 $0x200, v46;
	[tilespmem:s3+$0x30] =	vst v1;
	v1 =	vxor.u32 v61, v8  }
0x428: {  	v5 =	vor.u32 $0x300, v3;
	[tilespmem:s3+$0x40] =	vst v1;
	v1 =	vxor.u32 v2, v7;
	v2 =	vor.u32 $0x380, v3;
	v3 =	vld [tilespmem:$0x1FD60];
	_ =	sdelay $0x1  }
0x429: {  	v58 =	vor.u32 $0x280, v29;
	v52 =	vmov v41  }
0x42a: {  	v53 =	vxor.u32 v62, v52;
	v62 =	vld [tilespmem:$0x1FD50];
	v0 =	vxor.u32 v0, v51  }
0x42b: {  	[tilespmem:s3+$0x0] =	vst v0;
	v0 =	vld.idx.msk [tilespmem:v49+s17+$0x0], $0xffff  }
0x42c: {  	[tilespmem:s3+$0xFFFFFF90] =	vst v53;
	v14 =	vld [tilespmem:$0x1FD40]  }
0x42d: {  	v34 =	vld.idx.msk [tilespmem:v60+s17+$0x0], $0xffff  }
0x42e: {  	v15 =	vld.idx.msk [tilespmem:v58+s17+$0x0], $0xffff  }
0x42f: {  	v27 =	vor.u32 $0x300, v29;
	v63 =	vld.idx.msk [tilespmem:v3+s17+$0x0], $0xffff  }
0x430: {  	[tilespmem:$0x1FD90] =	vst v27;
	v27 =	vor.u32 $0x280, v46;
	v3 =	vld [tilespmem:$0x1FD70]  }
0x431: {  	[tilespmem:$0x1FD80] =	vst v27;
	v0 =	vxor.u32 v0, v9;
	v5 =	vld.idx.msk [tilespmem:v5+s17+$0x0], $0xffff  }
0x432: {  	[tilespmem:s3+$0x60] =	vst v0;
	v0 =	vld [tilespmem:$0x1FD80];
	v34 =	vxor.u32 v34, v52  }
0x433: {  	v6 =	vld.idx.msk [tilespmem:v59+s17+$0x0], $0xffff;
	[tilespmem:s3+$0x10] =	vst v34  }
0x434: {  	[tilespmem:s3+$0x50] =	vst v1;
	v1 =	vxor.u32 v15, v51;
	v14 =	vld.idx.msk [tilespmem:v14+s17+$0x0], $0xffff  }
0x435: {  	[tilespmem:s3+$0x80] =	vst v1;
	v1 =	vld [tilespmem:$0x1FD90];
	_ =	sdelay $0x1  }
0x436: {  	v50 =	vld [tilespmem:$0x1FD10]  }
0x437: {  	v15 =	vld.idx.msk [tilespmem:v3+s17+$0x0], $0xffff;
	v3 =	vxor.u32 v5, v13  }
0x438: {  	v34 =	vld.idx.msk [tilespmem:v62+s17+$0x0], $0xffff;
	v5 =	vxor.u32 v14, v52;
	[tilespmem:s3+$0x170] =	vst v3  }
0x439: {  	[tilespmem:s3+$0x90] =	vst v5;
	v5 =	vxor.u32 v6, v10;
	v3 =	vld [tilespmem:$0x1FDB0]  }
0x43a: {  	[tilespmem:s3+$0xA0] =	vst v5;
	v5 =	vld [tilespmem:$0x1FDC0]  }
0x43b: {  	v0 =	vld.idx.msk [tilespmem:v0+s17+$0x0], $0xffff  }
0x43c: {  	s5 =	sadd.s32 $0x8, s5;
	v1 =	vld.idx.msk [tilespmem:v1+s17+$0x0], $0xffff  }
0x43d: {  	p0 =	slt.u32 s5, $0x78;
	v14 =	vld [tilespmem:$0x1FDA0];
	v6 =	vxor.u32 v34, v12  }
.Ltmp5:
0x43e: {  	v2 =	vld.idx.msk [tilespmem:v2+s17+$0x0], $0xffff;
	[tilespmem:s3+$0xB0] =	vst v6;
	(pc) =	sbr.rel @p0 .LBB2_9-.Ltmp5, $4  }
0x43f: {  	v34 =	vld.idx.msk [tilespmem:v44+s17+$0x0], $0xffff  }
0x440: {  	v29 =	vor.u32 $0x380, v29;
	v25 =	vor.u32 $0x380, v25;
	v36 =	vxor.u32 v15, v7;
	v15 =	vld [tilespmem:$0x1FDD0]  }
0x441: {  	v27 =	vor.u32 $0x300, v45;
	v23 =	vor.u32 $0x300, v46;
	v6 =	vxor.u32 v63, v8;
	v3 =	vld.idx.msk [tilespmem:v3+s17+$0x0], $0xffff  }
0x442: {  	s11 =	sadd.s32 $0x80, s11;
	v16 =	vor.u32 $0x380, v45;
	v4 =	vor.u32 $0x380, v46;
	v31 =	vxor.u32 v50, v31;
	[tilespmem:s3+$0xC0] =	vst v6;
	v5 =	vld.idx.msk [tilespmem:v5+s17+$0x0], $0xffff  }
0x443: {  	[tilespmem:s3+$0xD0] =	vst v36  }
0x444: {  	[tilespmem:s2+$0x140] =	vst v32  }
0x445: {  	[tilespmem:s2+$0x150] =	vst v33  }
0x446: {  	[tilespmem:s2+$0x160] =	vst v35  }
0x447: {  	[tilespmem:s2+$0x180] =	vst v17  }
0x448: {  	[tilespmem:s2+$0x190] =	vst v18  }
0x449: {  	[tilespmem:s2+$0x1A0] =	vst v19  }
0x44a: {  	v0 =	vxor.u32 v0, v9;
	[tilespmem:s2+$0x1B0] =	vst v22  }
0x44b: {  	v1 =	vxor.u32 v1, v51;
	[tilespmem:s3+$0xE0] =	vst v0  }
0x44c: {  	[tilespmem:s3+$0x100] =	vst v1;
	v0 =	vxor.u32 v2, v13  }
0x44d: {  	[tilespmem:s3+$0x1F0] =	vst v0;
	v1 =	vxor.u32 v3, v52  }
0x44e: {  	v2 =	vld.idx.msk [tilespmem:v23+s17+$0x0], $0xffff;
	[tilespmem:s3+$0x110] =	vst v1;
	v0 =	vxor.u32 v5, v10  }
0x44f: {  	v1 =	vld.idx.msk [tilespmem:v28+s17+$0x0], $0xffff;
	[tilespmem:s3+$0x120] =	vst v0;
	v0 =	vxor.u32 v34, v12  }
0x450: {  	[tilespmem:s3+$0x130] =	vst v0;
	v0 =	vld.idx.msk [tilespmem:v27+s17+$0x0], $0xffff  }
0x451: {  	[tilespmem:s1+$0x1C0] =	vst v20;
	v3 =	vld.idx.msk [tilespmem:v29+s17+$0x0], $0xffff  }
0x452: {  	[tilespmem:s1+$0x1D0] =	vst v24;
	v6 =	vld.idx.msk [tilespmem:v30+s17+$0x0], $0xffff  }
0x453: {  	[tilespmem:s1+$0x1E0] =	vst v31;
	v5 =	vld.idx.msk [tilespmem:v25+s17+$0x0], $0xffff;
	v2 =	vxor.u32 v2, v9  }
0x454: {  	v13 =	vld.idx.msk [tilespmem:v26+s17+$0x0], $0xffff;
	[tilespmem:s3+$0x160] =	vst v2;
	v1 =	vxor.u32 v1, v7  }
0x455: {  	[tilespmem:s3+$0x150] =	vst v1;
	v1 =	vld.idx.msk [tilespmem:v11+s17+$0x0], $0xffff;
	v0 =	vxor.u32 v0, v8  }
0x456: {  	v3 =	vxor.u32 v3, v51;
	[tilespmem:s3+$0x140] =	vst v0;
	v0 =	vld.idx.msk [tilespmem:v15+s17+$0x0], $0xffff  }
0x457: {  	v2 =	vld.idx.msk [tilespmem:v14+s17+$0x0], $0xffff;
	[tilespmem:s3+$0x180] =	vst v3;
	v3 =	vxor.u32 v6, v10  }
0x458: {  	v5 =	vxor.u32 v5, v52;
	[tilespmem:s3+$0x1A0] =	vst v3;
	v3 =	vld.idx.msk [tilespmem:v21+s17+$0x0], $0xffff  }
0x459: {  	[tilespmem:s3+$0x190] =	vst v5;
	v6 =	vxor.u32 v13, v12;
	v5 =	vld.idx.msk [tilespmem:v16+s17+$0x0], $0xffff  }
0x45a: {  	v4 =	vld.idx.msk [tilespmem:v4+s17+$0x0], $0xffff;
	[tilespmem:s3+$0x1B0] =	vst v6;
	v1 =	vxor.u32 v1, v56  }
0x45b: {  	[tilespmem:s2+$0x1D0] =	vst v1;
	v0 =	vxor.u32 v0, v55  }
0x45c: {  	[tilespmem:s2+$0x1C0] =	vst v0;
	v0 =	vxor.u32 v2, v57  }
0x45d: {  	v1 =	vxor.u32 v3, v7;
	[tilespmem:s2+$0x1E0] =	vst v0;
	s2 =	sor.u32 s4, s7  }
0x45e: {  	[tilespmem:s3+$0x1D0] =	vst v1;
	v0 =	vxor.u32 v5, v8;
	s1 =	sshll.u32 s2, $0x9  }
0x45f: {  	[tilespmem:s3+$0x1C0] =	vst v0;
	v0 =	vxor.u32 v4, v9;
	s1 =	sor.u32 $0x1000, s1  }
0x460: {  	[tilespmem:s3+$0x1E0] =	vst v0;
	s5 =	sadd.s32 s6, s1  }
0x461: {  	[hbm4b:s5+s8] =	stream.linear.scatter [tilespmem:s25], [sflag:$0x4], $0x4000, $0x38;
	[tilespmem:$0x1F000] =	vst v63  }
0x462: {  	_ =	swait.ge [sflag:s26], $0x4000  }
0x463: {  	[sflag:s26] =	ssyncset.done $0x0  }
0x464: {  	s11 =	simm.s32 $0x870;
	[sflag:s26] =	ssyncadd.s32 $0xFFFFC000  }
0x465: {  	v2 =	vld [tilespmem:s11+$0x0];
	_ =	sdelay $0x1  }
0x466: {  	v3 =	vld [tilespmem:s11+$0xFFFFFFA0]  }
0x467: {  	v4 =	vld [tilespmem:s11+$0xFFFFFFB0]  }
0x468: {  	v9 =	vld [tilespmem:s11+$0xFFFFFFC0]  }
0x469: {  	v5 =	vld [tilespmem:s11+$0xFFFFFF90];
	v0 =	vshll.u32 v2, $0x3  }
0x46a: {  	v1 =	vand.u32 $0x7F, v2;
	v0 =	vand.u32 $0x7C00, v0  }
0x46b: {  	v15 =	vor.u32 v1, v0  }
0x46c: {  	v17 =	vld [tilespmem:s11+$0xFFFFFFE0]  }
0x46d: {  	v16 =	vld [tilespmem:s11+$0xFFFFFFD0];
	v6 =	vand.u32 $0x7F, v3;
	v8 =	vshll.u32 v9, $0x3;
	v0 =	vshll.u32 v3, $0x3  }
0x46e: {  	v18 =	vld [tilespmem:s11+$0xFFFFFFF0];
	v10 =	vand.u32 $0x7F, v5;
	v1 =	vand.u32 $0x7C00, v0;
	v0 =	vshll.u32 v4, $0x3  }
0x46f: {  	v12 =	vand.u32 $0x7F, v4;
	v7 =	vand.u32 $0x7C00, v0;
	v0 =	vshll.u32 v5, $0x3  }
0x470: {  	v13 =	vand.u32 $0x7F, v9;
	v14 =	vor.u32 v6, v1;
	v0 =	vand.u32 $0x7C00, v0;
	v11 =	vld.idx.msk [tilespmem:v15+s17+$0x0], $0xffff  }
0x471: {  	s20 =	simm.s32 $0x8F0;
	v21 =	vshll.u32 v17, $0x3;
	v8 =	vand.u32 $0x7C00, v8;
	v0 =	vor.u32 v10, v0  }
0x472: {  	v59 =	vld [tilespmem:s20+$0xFFFFFFA0];
	v19 =	vor.u32 $0x80, v15;
	v6 =	vand.u32 $0x7F, v16;
	v1 =	vor.u32 v12, v7  }
0x473: {  	v60 =	vld [tilespmem:s20+$0xFFFFFFB0];
	v7 =	vand.u32 $0x7C00, v21;
	v12 =	vshll.u32 v18, $0x3;
	v10 =	vshll.u32 v16, $0x3  }
0x474: {  	v37 =	vld [tilespmem:s20+$0xFFFFFFC0];
	v20 =	vand.u32 $0x7C00, v10;
	v10 =	vand.u32 $0x80000000, v2;
	v2 =	vor.u32 v13, v8  }
0x475: {  	s2 =	simm.s32 $0x1B200;
	v13 =	vand.u32 $0x7F, v17;
	v21 =	vld.idx.msk [tilespmem:v14+s17+$0x0], $0xffff;
	v8 =	vxor.u32 v11, v10;
	v11 =	vor.u32 v6, v20  }
0x476: {  	v20 =	vld.idx.msk [tilespmem:v0+s17+$0x0], $0xffff;
	v6 =	vand.u32 $0x7C00, v12;
	v12 =	vor.u32 v13, v7;
	[tilespmem:s2+$0xFFFFFE70] =	vst v8;
	v8 =	vand.u32 $0x7F, v18  }
0x477: {  	v19 =	vld.idx.msk [tilespmem:v19+s17+$0x0], $0xffff;
	v13 =	vor.u32 v8, v6  }
0x478: {  	v22 =	vor.u32 $0x80, v0;
	v23 =	vld.idx.msk [tilespmem:v1+s17+$0x0], $0xffff  }
0x479: {  	v25 =	vor.u32 $0x100, v15;
	v26 =	vor.u32 $0x80, v14;
	v24 =	vld.idx.msk [tilespmem:v2+s17+$0x0], $0xffff;
	v7 =	vand.u32 $0x80000000, v3  }
0x47a: {  	v6 =	vand.u32 $0x80000000, v5;
	v8 =	vand.u32 $0x80000000, v4;
	v4 =	vxor.u32 v21, v7;
	v27 =	vld.idx.msk [tilespmem:v11+s17+$0x0], $0xffff  }
0x47b: {  	v28 =	vor.u32 $0x80, v1;
	[tilespmem:s2+$0xFFFFFE10] =	vst v4;
	v5 =	vxor.u32 v20, v6;
	v20 =	vld.idx.msk [tilespmem:v12+s17+$0x0], $0xffff  }
0x47c: {  	v29 =	vor.u32 $0x80, v2;
	[tilespmem:s2+$0xFFFFFE00] =	vst v5;
	v30 =	vld.idx.msk [tilespmem:v13+s17+$0x0], $0xffff;
	v3 =	vxor.u32 v19, v10  }
0x47d: {  	v9 =	vand.u32 $0x80000000, v9;
	v19 =	vor.u32 $0x80, v11;
	v22 =	vld.idx.msk [tilespmem:v22+s17+$0x0], $0xffff;
	[tilespmem:s2+$0xFFFFFEF0] =	vst v3;
	v3 =	vxor.u32 v23, v8  }
0x47e: {  	v21 =	vor.u32 $0x80, v12;
	v5 =	vand.u32 $0x80000000, v16;
	v23 =	vld.idx.msk [tilespmem:v25+s17+$0x0], $0xffff;
	[tilespmem:s2+$0xFFFFFE20] =	vst v3;
	v3 =	vxor.u32 v24, v9  }
0x47f: {  	v4 =	vand.u32 $0x80000000, v17;
	v16 =	vor.u32 $0x80, v13;
	v25 =	vld.idx.msk [tilespmem:v26+s17+$0x0], $0xffff;
	[tilespmem:s2+$0xFFFFFE30] =	vst v3;
	v26 =	vxor.u32 v27, v5  }
0x480: {  	v17 =	vor.u32 $0x100, v0;
	v24 =	vld.idx.msk [tilespmem:v28+s17+$0x0], $0xffff;
	v3 =	vand.u32 $0x80000000, v18;
	v20 =	vxor.u32 v20, v4;
	[tilespmem:s2+$0xFFFFFE40] =	vst v26  }
0x481: {  	v18 =	vld.idx.msk [tilespmem:v29+s17+$0x0], $0xffff;
	v26 =	vor.u32 $0x180, v15;
	[tilespmem:s2+$0xFFFFFE50] =	vst v20;
	v20 =	vxor.u32 v30, v3  }
0x482: {  	v27 =	vor.u32 $0x100, v14;
	v19 =	vld.idx.msk [tilespmem:v19+s17+$0x0], $0xffff;
	v22 =	vxor.u32 v22, v6;
	[tilespmem:s2+$0xFFFFFE60] =	vst v20  }
0x483: {  	v28 =	vor.u32 $0x100, v1;
	v21 =	vld.idx.msk [tilespmem:v21+s17+$0x0], $0xffff;
	[tilespmem:s2+$0xFFFFFE80] =	vst v22;
	v22 =	vxor.u32 v23, v10  }
0x484: {  	v20 =	vor.u32 $0x100, v2;
	v16 =	vld.idx.msk [tilespmem:v16+s17+$0x0], $0xffff;
	v25 =	vxor.u32 v25, v7;
	[tilespmem:s2+$0xFFFFFF70] =	vst v22  }
0x485: {  	v23 =	vor.u32 $0x100, v11;
	v17 =	vld.idx.msk [tilespmem:v17+s17+$0x0], $0xffff;
	[tilespmem:s2+$0xFFFFFE90] =	vst v25;
	v24 =	vxor.u32 v24, v8  }
0x486: {  	v22 =	vor.u32 $0x100, v12;
	v25 =	vld.idx.msk [tilespmem:v26+s17+$0x0], $0xffff;
	[tilespmem:s2+$0xFFFFFEA0] =	vst v24;
	v18 =	vxor.u32 v18, v9  }
0x487: {  	v26 =	vor.u32 $0x100, v13;
	v27 =	vld.idx.msk [tilespmem:v27+s17+$0x0], $0xffff;
	[tilespmem:s2+$0xFFFFFEB0] =	vst v18;
	v18 =	vxor.u32 v19, v5  }
0x488: {  	v24 =	vor.u32 $0x180, v0;
	v28 =	vld.idx.msk [tilespmem:v28+s17+$0x0], $0xffff;
	[tilespmem:s2+$0xFFFFFEC0] =	vst v18;
	v18 =	vxor.u32 v21, v4  }
0x489: {  	v19 =	vld.idx.msk [tilespmem:v20+s17+$0x0], $0xffff;
	v20 =	vor.u32 $0x200, v15;
	[tilespmem:s2+$0xFFFFFED0] =	vst v18;
	v16 =	vxor.u32 v16, v3  }
0x48a: {  	v21 =	vor.u32 $0x180, v14;
	v23 =	vld.idx.msk [tilespmem:v23+s17+$0x0], $0xffff;
	v17 =	vxor.u32 v17, v6;
	[tilespmem:s2+$0xFFFFFEE0] =	vst v16  }
0x48b: {  	v18 =	vor.u32 $0x180, v1;
	v22 =	vld.idx.msk [tilespmem:v22+s17+$0x0], $0xffff;
	[tilespmem:s2+$0xFFFFFF00] =	vst v17;
	v25 =	vxor.u32 v25, v10  }
0x48c: {  	v16 =	vor.u32 $0x180, v2;
	v17 =	vld.idx.msk [tilespmem:v26+s17+$0x0], $0xffff;
	v27 =	vxor.u32 v27, v7;
	[tilespmem:s2+$0xFFFFFFF0] =	vst v25  }
0x48d: {  	v26 =	vor.u32 $0x180, v11;
	v24 =	vld.idx.msk [tilespmem:v24+s17+$0x0], $0xffff;
	[tilespmem:s2+$0xFFFFFF10] =	vst v27;
	v27 =	vxor.u32 v28, v8  }
0x48e: {  	v25 =	vor.u32 $0x180, v12;
	v20 =	vld.idx.msk [tilespmem:v20+s17+$0x0], $0xffff;
	[tilespmem:s2+$0xFFFFFF20] =	vst v27;
	v19 =	vxor.u32 v19, v9  }
0x48f: {  	v28 =	vor.u32 $0x180, v13;
	v21 =	vld.idx.msk [tilespmem:v21+s17+$0x0], $0xffff;
	[tilespmem:s2+$0xFFFFFF30] =	vst v19;
	v19 =	vxor.u32 v23, v5  }
0x490: {  	v27 =	vor.u32 $0x200, v0;
	v18 =	vld.idx.msk [tilespmem:v18+s17+$0x0], $0xffff;
	[tilespmem:s2+$0xFFFFFF40] =	vst v19;
	v19 =	vxor.u32 v22, v4  }
0x491: {  	v16 =	vld.idx.msk [tilespmem:v16+s17+$0x0], $0xffff;
	v22 =	vor.u32 $0x280, v15;
	[tilespmem:s2+$0xFFFFFF50] =	vst v19;
	v17 =	vxor.u32 v17, v3  }
0x492: {  	v23 =	vor.u32 $0x200, v14;
	v26 =	vld.idx.msk [tilespmem:v26+s17+$0x0], $0xffff;
	v24 =	vxor.u32 v24, v6;
	[tilespmem:s2+$0xFFFFFF60] =	vst v17  }
0x493: {  	v19 =	vor.u32 $0x200, v1;
	v25 =	vld.idx.msk [tilespmem:v25+s17+$0x0], $0xffff;
	[tilespmem:s2+$0xFFFFFF80] =	vst v24;
	v20 =	vxor.u32 v20, v10  }
0x494: {  	v17 =	vor.u32 $0x200, v2;
	v24 =	vld.idx.msk [tilespmem:v28+s17+$0x0], $0xffff;
	v21 =	vxor.u32 v21, v7;
	[tilespmem:s2+$0x70] =	vst v20  }
0x495: {  	v28 =	vor.u32 $0x200, v11;
	v27 =	vld.idx.msk [tilespmem:v27+s17+$0x0], $0xffff;
	[tilespmem:s2+$0xFFFFFF90] =	vst v21;
	v18 =	vxor.u32 v18, v8  }
0x496: {  	v20 =	vor.u32 $0x200, v12;
	v21 =	vld.idx.msk [tilespmem:v22+s17+$0x0], $0xffff;
	[tilespmem:s2+$0xFFFFFFA0] =	vst v18;
	v16 =	vxor.u32 v16, v9  }
0x497: {  	v22 =	vor.u32 $0x200, v13;
	v23 =	vld.idx.msk [tilespmem:v23+s17+$0x0], $0xffff;
	[tilespmem:s2+$0xFFFFFFB0] =	vst v16;
	v16 =	vxor.u32 v26, v5  }
0x498: {  	v18 =	vor.u32 $0x280, v0;
	v19 =	vld.idx.msk [tilespmem:v19+s17+$0x0], $0xffff;
	[tilespmem:s2+$0xFFFFFFC0] =	vst v16;
	v16 =	vxor.u32 v25, v4  }
0x499: {  	v17 =	vld.idx.msk [tilespmem:v17+s17+$0x0], $0xffff;
	v25 =	vor.u32 $0x300, v15;
	[tilespmem:s2+$0xFFFFFFD0] =	vst v16;
	v16 =	vxor.u32 v24, v3  }
0x49a: {  	v26 =	vor.u32 $0x280, v14;
	v28 =	vld.idx.msk [tilespmem:v28+s17+$0x0], $0xffff;
	v27 =	vxor.u32 v27, v6;
	[tilespmem:s2+$0xFFFFFFE0] =	vst v16  }
0x49b: {  	v24 =	vor.u32 $0x280, v1;
	v20 =	vld.idx.msk [tilespmem:v20+s17+$0x0], $0xffff;
	[tilespmem:s2+$0x0] =	vst v27;
	v21 =	vxor.u32 v21, v10  }
0x49c: {  	v16 =	vor.u32 $0x280, v2;
	v22 =	vld.idx.msk [tilespmem:v22+s17+$0x0], $0xffff;
	v23 =	vxor.u32 v23, v7;
	[tilespmem:s2+$0xF0] =	vst v21  }
0x49d: {  	v27 =	vor.u32 $0x280, v11;
	v18 =	vld.idx.msk [tilespmem:v18+s17+$0x0], $0xffff;
	[tilespmem:s2+$0x10] =	vst v23;
	v19 =	vxor.u32 v19, v8  }
0x49e: {  	v21 =	vor.u32 $0x280, v12;
	v23 =	vld.idx.msk [tilespmem:v25+s17+$0x0], $0xffff;
	[tilespmem:s2+$0x20] =	vst v19;
	v17 =	vxor.u32 v17, v9  }
0x49f: {  	v25 =	vor.u32 $0x280, v13;
	v26 =	vld.idx.msk [tilespmem:v26+s17+$0x0], $0xffff;
	[tilespmem:s2+$0x30] =	vst v17;
	v17 =	vxor.u32 v28, v5  }
0x4a0: {  	v15 =	vor.u32 $0x380, v15;
	v24 =	vld.idx.msk [tilespmem:v24+s17+$0x0], $0xffff;
	[tilespmem:s2+$0x40] =	vst v17;
	v17 =	vxor.u32 v20, v4  }
0x4a1: {  	v16 =	vld.idx.msk [tilespmem:v16+s17+$0x0], $0xffff;
	[tilespmem:s2+$0x50] =	vst v17;
	v17 =	vxor.u32 v22, v3  }
0x4a2: {  	v27 =	vld.idx.msk [tilespmem:v27+s17+$0x0], $0xffff;
	v18 =	vxor.u32 v18, v6;
	[tilespmem:s2+$0x60] =	vst v17  }
0x4a3: {  	v21 =	vld.idx.msk [tilespmem:v21+s17+$0x0], $0xffff;
	[tilespmem:s2+$0x80] =	vst v18;
	v22 =	vxor.u32 v23, v10  }
0x4a4: {  	v19 =	vor.u32 $0x300, v0;
	v18 =	vld.idx.msk [tilespmem:v25+s17+$0x0], $0xffff;
	v25 =	vxor.u32 v26, v7;
	[tilespmem:s2+$0x170] =	vst v22  }
0x4a5: {  	v20 =	vor.u32 $0x300, v14;
	[tilespmem:s2+$0x90] =	vst v25;
	v25 =	vld.idx.msk [tilespmem:v15+s17+$0x0], $0xffff;
	v15 =	vxor.u32 v24, v8  }
0x4a6: {  	v17 =	vor.u32 $0x300, v1;
	[tilespmem:s2+$0xA0] =	vst v15;
	v15 =	vxor.u32 v16, v9;
	v16 =	vld [tilespmem:s20+$0x0]  }
0x4a7: {  	v38 =	vld [tilespmem:s20+$0xFFFFFF90];
	v23 =	vor.u32 $0x300, v2  }
0x4a8: {  	v39 =	vld [tilespmem:s20+$0xFFFFFFD0]  }
0x4a9: {  	v30 =	vand.u32 $0x7F, v59;
	v0 =	vor.u32 $0x380, v0;
	v14 =	vor.u32 $0x380, v14;
	v19 =	vld.idx.msk [tilespmem:v19+s17+$0x0], $0xffff  }
0x4aa: {  	v1 =	vor.u32 $0x380, v1;
	v22 =	vor.u32 $0x300, v11;
	v20 =	vld.idx.msk [tilespmem:v20+s17+$0x0], $0xffff;
	v24 =	vor.u32 $0x300, v13  }
0x4ab: {  	v27 =	vxor.u32 v27, v5;
	v17 =	vld.idx.msk [tilespmem:v17+s17+$0x0], $0xffff;
	[tilespmem:s2+$0xB0] =	vst v15;
	v21 =	vxor.u32 v21, v4;
	v26 =	vshll.u32 v16, $0x3  }
0x4ac: {  	[tilespmem:s2+$0xC0] =	vst v27;
	v15 =	vld.idx.msk [tilespmem:v23+s17+$0x0], $0xffff;
	v23 =	vor.u32 $0x300, v12;
	v28 =	vand.u32 $0x7F, v16;
	v26 =	vand.u32 $0x7C00, v26  }
0x4ad: {  	v40 =	vld [tilespmem:s20+$0xFFFFFFE0];
	v18 =	vxor.u32 v18, v3;
	[tilespmem:s2+$0xD0] =	vst v21;
	v21 =	vshll.u32 v60, $0x3;
	v34 =	vor.u32 v28, v26  }
0x4ae: {  	v41 =	vld [tilespmem:s20+$0xFFFFFFF0];
	v19 =	vxor.u32 v19, v6;
	v31 =	vand.u32 $0x7C00, v21;
	v21 =	vshll.u32 v38, $0x3;
	[tilespmem:s2+$0xE0] =	vst v18  }
0x4af: {  	v27 =	vld.idx.msk [tilespmem:v22+s17+$0x0], $0xffff;
	v22 =	vand.u32 $0x7F, v38;
	[tilespmem:s2+$0x100] =	vst v19;
	v20 =	vxor.u32 v20, v7;
	v21 =	vand.u32 $0x7C00, v21  }
0x4b0: {  	v2 =	vor.u32 $0x380, v2;
	v18 =	vshll.u32 v37, $0x3;
	v32 =	vor.u32 v22, v21;
	[tilespmem:s2+$0x110] =	vst v20;
	v21 =	vld.idx.msk [tilespmem:v0+s17+$0x0], $0xffff  }
0x4b1: {  	v20 =	vshll.u32 v39, $0x3;
	v17 =	vxor.u32 v17, v8;
	v22 =	vld.idx.msk [tilespmem:v14+s17+$0x0], $0xffff;
	v14 =	vand.u32 $0x7F, v39  }
0x4b2: {  	v26 =	vshll.u32 v59, $0x3;
	v15 =	vxor.u32 v15, v9;
	[tilespmem:s2+$0x120] =	vst v17;
	v17 =	vand.u32 $0x7C00, v20;
	v42 =	vld.idx.msk [tilespmem:v34+s17+$0x0], $0xffff  }
0x4b3: {  	v19 =	vand.u32 $0x7F, v60;
	v28 =	vld.idx.msk [tilespmem:v23+s17+$0x0], $0xffff;
	v29 =	vand.u32 $0x7C00, v26;
	[tilespmem:s2+$0x130] =	vst v15;
	v15 =	vor.u32 v14, v17  }
0x4b4: {  	v18 =	vand.u32 $0x7C00, v18;
	v20 =	vshll.u32 v40, $0x3;
	v26 =	vld.idx.msk [tilespmem:v24+s17+$0x0], $0xffff;
	v33 =	vor.u32 v30, v29  }
0x4b5: {  	v24 =	vand.u32 $0x7F, v37;
	v0 =	vor.u32 $0x80, v34;
	v23 =	vld.idx.msk [tilespmem:v1+s17+$0x0], $0xffff;
	v1 =	vand.u32 $0x7C00, v20  }
0x4b6: {  	v30 =	vor.u32 v19, v31;
	v29 =	vand.u32 $0x80000000, v16;
	v31 =	vor.u32 v24, v18;
	v24 =	vld.idx.msk [tilespmem:v2+s17+$0x0], $0xffff  }
0x4b7: {  	s3 =	simm.s32 $0x1B600;
	v16 =	vshll.u32 v41, $0x3;
	v18 =	vand.u32 $0x7F, v40;
	v19 =	vld.idx.msk [tilespmem:v32+s17+$0x0], $0xffff;
	v2 =	vxor.u32 v42, v29  }
0x4b8: {  	v14 =	vand.u32 $0x7F, v41;
	v45 =	vld.idx.msk [tilespmem:v15+s17+$0x0], $0xffff;
	[tilespmem:s3+$0xFFFFFE70] =	vst v2;
	v2 =	vand.u32 $0x7C00, v16;
	v16 =	vor.u32 v18, v1  }
0x4b9: {  	v1 =	vld.idx.msk [tilespmem:v33+s17+$0x0], $0xffff;
	v14 =	vor.u32 v14, v2  }
0x4ba: {  	v0 =	vld.idx.msk [tilespmem:v0+s17+$0x0], $0xffff;
	v2 =	vor.u32 $0x80, v32  }
0x4bb: {  	v62 =	vor.u32 $0x80, v33;
	v61 =	vld.idx.msk [tilespmem:v30+s17+$0x0], $0xffff  }
0x4bc: {  	v44 =	vor.u32 $0x100, v34;
	v17 =	vand.u32 $0x80000000, v38;
	v43 =	vld.idx.msk [tilespmem:v31+s17+$0x0], $0xffff  }
0x4bd: {  	v46 =	vor.u32 $0x80, v30;
	v19 =	vxor.u32 v19, v17;
	v18 =	vand.u32 $0x80000000, v59;
	v47 =	vld.idx.msk [tilespmem:v16+s17+$0x0], $0xffff  }
0x4be: {  	v63 =	vor.u32 $0x80, v31;
	[tilespmem:s3+$0xFFFFFE00] =	vst v19;
	v1 =	vxor.u32 v1, v18;
	v48 =	vld.idx.msk [tilespmem:v14+s17+$0x0], $0xffff  }
0x4bf: {  	v50 =	vor.u32 $0x80, v15;
	v19 =	vand.u32 $0x80000000, v60;
	v0 =	vxor.u32 v0, v29;
	v2 =	vld.idx.msk [tilespmem:v2+s17+$0x0], $0xffff;
	[tilespmem:s3+$0xFFFFFE10] =	vst v1  }
0x4c0: {  	v20 =	vand.u32 $0x80000000, v37;
	v1 =	vxor.u32 v61, v19;
	[tilespmem:s3+$0xFFFFFEF0] =	vst v0;
	v0 =	vor.u32 $0x80, v16;
	v38 =	vld.idx.msk [tilespmem:v62+s17+$0x0], $0xffff  }
0x4c1: {  	v55 =	vand.u32 $0x80000000, v39;
	v53 =	vor.u32 $0x80, v14;
	[tilespmem:s3+$0xFFFFFE20] =	vst v1;
	v1 =	vxor.u32 v43, v20;
	v51 =	vld.idx.msk [tilespmem:v44+s17+$0x0], $0xffff  }
0x4c2: {  	v56 =	vand.u32 $0x80000000, v40;
	v60 =	vor.u32 $0x100, v32;
	v61 =	vld.idx.msk [tilespmem:v46+s17+$0x0], $0xffff;
	[tilespmem:s3+$0xFFFFFE30] =	vst v1;
	v1 =	vxor.u32 v45, v55  }
0x4c3: {  	v57 =	vand.u32 $0x80000000, v41;
	v35 =	vld.idx.msk [tilespmem:v63+s17+$0x0], $0xffff;
	[tilespmem:s3+$0xFFFFFE40] =	vst v1;
	v63 =	vor.u32 $0x100, v33;
	v1 =	vxor.u32 v47, v56  }
0x4c4: {  	v62 =	vor.u32 $0x180, v34;
	v36 =	vld.idx.msk [tilespmem:v50+s17+$0x0], $0xffff;
	[tilespmem:s3+$0xFFFFFE50] =	vst v1;
	v1 =	vxor.u32 v48, v57  }
0x4c5: {  	v49 =	vor.u32 $0x100, v30;
	v2 =	vxor.u32 v2, v17;
	v0 =	vld.idx.msk [tilespmem:v0+s17+$0x0], $0xffff;
	[tilespmem:s3+$0xFFFFFE60] =	vst v1  }
0x4c6: {  	v1 =	vor.u32 $0x100, v31;
	[tilespmem:s3+$0xFFFFFE80] =	vst v2;
	v38 =	vxor.u32 v38, v18;
	v2 =	vld.idx.msk [tilespmem:v53+s17+$0x0], $0xffff  }
0x4c7: {  	v50 =	vor.u32 $0x100, v15;
	v37 =	vxor.u32 v51, v29;
	v40 =	vld.idx.msk [tilespmem:v60+s17+$0x0], $0xffff;
	[tilespmem:s3+$0xFFFFFE90] =	vst v38  }
0x4c8: {  	v51 =	vor.u32 $0x100, v16;
	v52 =	vxor.u32 v61, v19;
	[tilespmem:s3+$0xFFFFFF70] =	vst v37;
	v43 =	vld.idx.msk [tilespmem:v63+s17+$0x0], $0xffff  }
0x4c9: {  	v53 =	vor.u32 $0x100, v14;
	[tilespmem:s3+$0xFFFFFEA0] =	vst v52;
	v35 =	vxor.u32 v35, v20;
	v41 =	vld.idx.msk [tilespmem:v62+s17+$0x0], $0xffff  }
0x4ca: {  	v54 =	vor.u32 $0x180, v32;
	v44 =	vld.idx.msk [tilespmem:v49+s17+$0x0], $0xffff;
	[tilespmem:s3+$0xFFFFFEB0] =	vst v35;
	v58 =	vxor.u32 v36, v55  }
0x4cb: {  	v60 =	vor.u32 $0x180, v33;
	[tilespmem:s3+$0xFFFFFEC0] =	vst v58;
	v1 =	vld.idx.msk [tilespmem:v1+s17+$0x0], $0xffff;
	v0 =	vxor.u32 v0, v56  }
0x4cc: {  	v59 =	vor.u32 $0x200, v34;
	v39 =	vld.idx.msk [tilespmem:v50+s17+$0x0], $0xffff;
	[tilespmem:s3+$0xFFFFFED0] =	vst v0;
	v0 =	vxor.u32 v2, v57  }
0x4cd: {  	v2 =	vor.u32 $0x180, v30;
	v40 =	vxor.u32 v40, v17;
	v37 =	vld.idx.msk [tilespmem:v51+s17+$0x0], $0xffff;
	[tilespmem:s3+$0xFFFFFEE0] =	vst v0  }
0x4ce: {  	v0 =	vor.u32 $0x180, v31;
	[tilespmem:s3+$0xFFFFFF00] =	vst v40;
	v43 =	vxor.u32 v43, v18;
	v61 =	vld.idx.msk [tilespmem:v53+s17+$0x0], $0xffff  }
0x4cf: {  	v62 =	vor.u32 $0x180, v15;
	v41 =	vxor.u32 v41, v29;
	v38 =	vld.idx.msk [tilespmem:v54+s17+$0x0], $0xffff;
	[tilespmem:s3+$0xFFFFFF10] =	vst v43  }
0x4d0: {  	v63 =	vor.u32 $0x180, v16;
	v48 =	vxor.u32 v44, v19;
	[tilespmem:s3+$0xFFFFFFF0] =	vst v41;
	v36 =	vld.idx.msk [tilespmem:v60+s17+$0x0], $0xffff  }
0x4d1: {  	v49 =	vor.u32 $0x180, v14;
	[tilespmem:s3+$0xFFFFFF20] =	vst v48;
	v35 =	vld.idx.msk [tilespmem:v59+s17+$0x0], $0xffff;
	v1 =	vxor.u32 v1, v20  }
0x4d2: {  	v50 =	vor.u32 $0x200, v32;
	v2 =	vld.idx.msk [tilespmem:v2+s17+$0x0], $0xffff;
	[tilespmem:s3+$0xFFFFFF30] =	vst v1;
	v1 =	vxor.u32 v39, v55  }
0x4d3: {  	v52 =	vor.u32 $0x200, v33;
	v0 =	vld.idx.msk [tilespmem:v0+s17+$0x0], $0xffff;
	[tilespmem:s3+$0xFFFFFF40] =	vst v1;
	v1 =	vxor.u32 v37, v56  }
0x4d4: {  	v51 =	vor.u32 $0x280, v34;
	v42 =	vld.idx.msk [tilespmem:v62+s17+$0x0], $0xffff;
	[tilespmem:s3+$0xFFFFFF50] =	vst v1;
	v1 =	vxor.u32 v61, v57  }
0x4d5: {  	v53 =	vor.u32 $0x200, v30;
	v38 =	vxor.u32 v38, v17;
	v41 =	vld.idx.msk [tilespmem:v63+s17+$0x0], $0xffff;
	[tilespmem:s3+$0xFFFFFF60] =	vst v1  }
0x4d6: {  	v1 =	vor.u32 $0x200, v31;
	[tilespmem:s3+$0xFFFFFF80] =	vst v38;
	v36 =	vxor.u32 v36, v18;
	v54 =	vld.idx.msk [tilespmem:v49+s17+$0x0], $0xffff  }
0x4d7: {  	v58 =	vor.u32 $0x200, v15;
	v35 =	vxor.u32 v35, v29;
	v43 =	vld.idx.msk [tilespmem:v50+s17+$0x0], $0xffff;
	[tilespmem:s3+$0xFFFFFF90] =	vst v36  }
0x4d8: {  	v59 =	vor.u32 $0x200, v16;
	[tilespmem:s3+$0x70] =	vst v35;
	v2 =	vxor.u32 v2, v19;
	v39 =	vld.idx.msk [tilespmem:v52+s17+$0x0], $0xffff  }
0x4d9: {  	v61 =	vor.u32 $0x200, v14;
	v60 =	vld.idx.msk [tilespmem:v51+s17+$0x0], $0xffff;
	[tilespmem:s3+$0xFFFFFFA0] =	vst v2;
	v0 =	vxor.u32 v0, v20  }
0x4da: {  	v2 =	vor.u32 $0x280, v32;
	v40 =	vld.idx.msk [tilespmem:v53+s17+$0x0], $0xffff;
	[tilespmem:s3+$0xFFFFFFB0] =	vst v0;
	v0 =	vxor.u32 v42, v55  }
0x4db: {  	v63 =	vor.u32 $0x280, v33;
	v1 =	vld.idx.msk [tilespmem:v1+s17+$0x0], $0xffff;
	[tilespmem:s3+$0xFFFFFFC0] =	vst v0;
	v0 =	vxor.u32 v41, v56  }
0x4dc: {  	v62 =	vor.u32 $0x300, v34;
	v44 =	vld.idx.msk [tilespmem:v58+s17+$0x0], $0xffff;
	[tilespmem:s3+$0xFFFFFFD0] =	vst v0;
	v0 =	vxor.u32 v54, v57  }
0x4dd: {  	v43 =	vxor.u32 v43, v17;
	v35 =	vld.idx.msk [tilespmem:v59+s17+$0x0], $0xffff;
	[tilespmem:s3+$0xFFFFFFE0] =	vst v0  }
0x4de: {  	v45 =	vor.u32 $0x280, v30;
	[tilespmem:s3+$0x0] =	vst v43;
	v39 =	vxor.u32 v39, v18;
	v37 =	vld.idx.msk [tilespmem:v61+s17+$0x0], $0xffff  }
0x4df: {  	v36 =	vxor.u32 v60, v29;
	v2 =	vld.idx.msk [tilespmem:v2+s17+$0x0], $0xffff;
	[tilespmem:s3+$0x10] =	vst v39  }
0x4e0: {  	[tilespmem:s3+$0xF0] =	vst v36;
	v42 =	vld.idx.msk [tilespmem:v63+s17+$0x0], $0xffff  }
0x4e1: {  	s5 =	simm.s32 $0x970;
	v0 =	vor.u32 $0x280, v31;
	v48 =	vxor.u32 v40, v19;
	v49 =	vld.idx.msk [tilespmem:v62+s17+$0x0], $0xffff  }
0x4e2: {  	v46 =	vor.u32 $0x280, v15;
	[tilespmem:s3+$0x20] =	vst v48;
	v48 =	vld [tilespmem:s5+$0xFFFFFFE0]  }
0x4e3: {  	v1 =	vxor.u32 v1, v20;
	v38 =	vld.idx.msk [tilespmem:v45+s17+$0x0], $0xffff  }
0x4e4: {  	v47 =	vor.u32 $0x280, v16;
	[tilespmem:s3+$0x30] =	vst v1;
	v1 =	vxor.u32 v44, v55;
	v44 =	vld [tilespmem:s5+$0xFFFFFFA0]  }
0x4e5: {  	v50 =	vor.u32 $0x280, v14;
	v45 =	vld [tilespmem:s5+$0xFFFFFFB0]  }
0x4e6: {  	v51 =	vor.u32 $0x300, v32;
	v0 =	vld.idx.msk [tilespmem:v0+s17+$0x0], $0xffff;
	[tilespmem:s3+$0x40] =	vst v1  }
0x4e7: {  	v52 =	vor.u32 $0x300, v33;
	v1 =	vxor.u32 v35, v56;
	v43 =	vld.idx.msk [tilespmem:v46+s17+$0x0], $0xffff  }
0x4e8: {  	v34 =	vor.u32 $0x380, v34;
	[tilespmem:s3+$0x50] =	vst v1;
	v1 =	vxor.u32 v37, v57;
	v46 =	vld [tilespmem:s5+$0xFFFFFFC0]  }
0x4e9: {  	v2 =	vxor.u32 v2, v17;
	v36 =	vld.idx.msk [tilespmem:v47+s17+$0x0], $0xffff;
	[tilespmem:s3+$0x60] =	vst v1;
	v1 =	vor.u32 $0x300, v31  }
0x4ea: {  	v10 =	vxor.u32 v25, v10;
	[tilespmem:s3+$0x80] =	vst v2;
	v54 =	vxor.u32 v42, v18;
	v2 =	vld.idx.msk [tilespmem:v50+s17+$0x0], $0xffff  }
0x4eb: {  	v11 =	vor.u32 $0x380, v11;
	v6 =	vxor.u32 v21, v6;
	v40 =	vxor.u32 v49, v29;
	v39 =	vld.idx.msk [tilespmem:v51+s17+$0x0], $0xffff;
	[tilespmem:s3+$0x90] =	vst v54  }
0x4ec: {  	v12 =	vor.u32 $0x380, v12;
	v28 =	vxor.u32 v28, v4;
	[tilespmem:s3+$0x170] =	vst v40;
	v35 =	vld.idx.msk [tilespmem:v52+s17+$0x0], $0xffff;
	v0 =	vxor.u32 v0, v20  }
0x4ed: {  	v9 =	vxor.u32 v24, v9;
	v33 =	vor.u32 $0x380, v33;
	v53 =	vor.u32 $0x300, v30;
	v34 =	vld.idx.msk [tilespmem:v34+s17+$0x0], $0xffff;
	[tilespmem:s3+$0xB0] =	vst v0  }
0x4ee: {  	v32 =	vor.u32 $0x380, v32;
	v58 =	vor.u32 $0x300, v16;
	v59 =	vor.u32 $0x300, v14;
	v0 =	vld.idx.msk [tilespmem:v1+s17+$0x0], $0xffff  }
0x4ef: {  	[tilespmem:s2+$0x150] =	vst v28;
	v42 =	vxor.u32 v27, v5;
	v51 =	vor.u32 $0x380, v30;
	v28 =	vshll.u32 v48, $0x3;
	v1 =	vld [tilespmem:s5+$0x0]  }
0x4f0: {  	v47 =	vld [tilespmem:s5+$0xFFFFFFD0];
	[tilespmem:s2+$0x140] =	vst v42;
	v38 =	vxor.u32 v38, v19;
	v60 =	vshll.u32 v44, $0x3;
	v61 =	vshll.u32 v45, $0x3  }
0x4f1: {  	v50 =	vld [tilespmem:s5+$0xFFFFFF90];
	v62 =	vand.u32 $0x7F, v44;
	[tilespmem:s3+$0xA0] =	vst v38;
	v38 =	vor.u32 $0x380, v13;
	v27 =	vxor.u32 v43, v55  }
0x4f2: {  	v13 =	vor.u32 $0x300, v15;
	v63 =	vand.u32 $0x7C00, v61;
	v37 =	vld.idx.msk [tilespmem:v53+s17+$0x0], $0xffff;
	[tilespmem:s3+$0xC0] =	vst v27;
	v36 =	vxor.u32 v36, v56  }
0x4f3: {  	v42 =	vld.idx.msk [tilespmem:v11+s17+$0x0], $0xffff;
	v61 =	vand.u32 $0x7F, v46;
	[tilespmem:s3+$0xD0] =	vst v36;
	v2 =	vxor.u32 v2, v57;
	v30 =	vxor.u32 v39, v17  }
0x4f4: {  	v43 =	vld [tilespmem:s5+$0xFFFFFFF0];
	[tilespmem:s3+$0xE0] =	vst v2;
	v2 =	vxor.u32 v34, v29;
	v29 =	vxor.u32 v35, v18;
	v25 =	vshll.u32 v1, $0x3  }
0x4f5: {  	[tilespmem:s3+$0x100] =	vst v30;
	v30 =	vld.idx.msk [tilespmem:v59+s17+$0x0], $0xffff;
	v34 =	vand.u32 $0x7C00, v60;
	v49 =	vand.u32 $0x7F, v1;
	v25 =	vand.u32 $0x7C00, v25  }
0x4f6: {  	v32 =	vld.idx.msk [tilespmem:v32+s17+$0x0], $0xffff;
	[tilespmem:s3+$0x110] =	vst v29;
	v29 =	vshll.u32 v50, $0x3;
	v0 =	vxor.u32 v0, v20;
	v27 =	vor.u32 v49, v25  }
0x4f7: {  	v35 =	vor.u32 v62, v34;
	[tilespmem:s3+$0x130] =	vst v0;
	v25 =	vld.idx.msk [tilespmem:v13+s17+$0x0], $0xffff;
	v13 =	vor.u32 $0x380, v31;
	v31 =	vxor.u32 v37, v19  }
0x4f8: {  	v33 =	vld.idx.msk [tilespmem:v33+s17+$0x0], $0xffff;
	v0 =	vand.u32 $0x7F, v45;
	v49 =	vxor.u32 v26, v3;
	[tilespmem:s3+$0x120] =	vst v31;
	v31 =	vshll.u32 v46, $0x3  }
0x4f9: {  	v26 =	vld.idx.msk [tilespmem:v58+s17+$0x0], $0xffff;
	v34 =	vor.u32 v0, v63;
	v60 =	vand.u32 $0x7C00, v31;
	v31 =	vshll.u32 v47, $0x3  }
0x4fa: {  	v59 =	vand.u32 $0x7F, v50;
	v29 =	vand.u32 $0x7C00, v29;
	v54 =	vand.u32 $0x7C00, v31;
	v31 =	vld.idx.msk [tilespmem:v12+s17+$0x0], $0xffff  }
0x4fb: {  	v29 =	vor.u32 v59, v29;
	v0 =	vand.u32 $0x7F, v47;
	v53 =	vor.u32 $0x80, v27;
	v58 =	vld.idx.msk [tilespmem:v27+s17+$0x0], $0xffff  }
0x4fc: {  	[tilespmem:s2+$0x160] =	vst v49;
	v36 =	vor.u32 v61, v60;
	v12 =	vshll.u32 v43, $0x3;
	v37 =	vor.u32 v0, v54;
	v41 =	vld.idx.msk [tilespmem:v13+s17+$0x0], $0xffff  }
0x4fd: {  	v0 =	vand.u32 $0x7F, v48;
	v13 =	vand.u32 $0x80000000, v1;
	v1 =	vand.u32 $0x7C00, v28;
	v28 =	vld.idx.msk [tilespmem:v38+s17+$0x0], $0xffff  }
0x4fe: {  	[tilespmem:s2+$0x1F0] =	vst v10;
	v10 =	vand.u32 $0x7C00, v12;
	v21 =	vld.idx.msk [tilespmem:v34+s17+$0x0], $0xffff;
	v38 =	vor.u32 v0, v1;
	v0 =	vand.u32 $0x7F, v43  }
0x4ff: {  	[tilespmem:s2+$0x1B0] =	vst v9;
	v40 =	vld.idx.msk [tilespmem:v51+s17+$0x0], $0xffff;
	v39 =	vor.u32 v0, v10  }
0x500: {  	[tilespmem:s3+$0x1F0] =	vst v2;
	v2 =	vxor.u32 v22, v7;
	v9 =	vor.u32 $0x80, v34;
	v0 =	vld.idx.msk [tilespmem:v35+s17+$0x0], $0xffff  }
0x501: {  	s5 =	simm.s32 $0x1BA00;
	[tilespmem:s2+$0x190] =	vst v2;
	v2 =	vld.idx.msk [tilespmem:v36+s17+$0x0], $0xffff;
	v11 =	vxor.u32 v58, v13  }
0x502: {  	v10 =	vand.u32 $0x80000000, v45;
	[tilespmem:s5+$0xFFFFFE70] =	vst v11;
	v11 =	vld.idx.msk [tilespmem:v29+s17+$0x0], $0xffff  }
0x503: {  	[tilespmem:s2+$0x180] =	vst v6;
	v22 =	vor.u32 $0x80, v35;
	v21 =	vxor.u32 v21, v10;
	v1 =	vld.idx.msk [tilespmem:v53+s17+$0x0], $0xffff  }
0x504: {  	v6 =	vxor.u32 v23, v8;
	v52 =	vand.u32 $0x80000000, v44;
	v7 =	vor.u32 $0x80, v29;
	[tilespmem:s5+$0xFFFFFE20] =	vst v21;
	v63 =	vld.idx.msk [tilespmem:v39+s17+$0x0], $0xffff  }
0x505: {  	v8 =	vor.u32 $0x100, v27;
	v12 =	vand.u32 $0x80000000, v46;
	v0 =	vxor.u32 v0, v52;
	v54 =	vld.idx.msk [tilespmem:v9+s17+$0x0], $0xffff  }
0x506: {  	v51 =	vand.u32 $0x80000000, v50;
	v62 =	vor.u32 $0x80, v36;
	v23 =	vld.idx.msk [tilespmem:v37+s17+$0x0], $0xffff;
	[tilespmem:s5+$0xFFFFFE10] =	vst v0;
	v2 =	vxor.u32 v2, v12  }
0x507: {  	v24 =	vld.idx.msk [tilespmem:v38+s17+$0x0], $0xffff;
	v21 =	vor.u32 $0x80, v39;
	[tilespmem:s5+$0xFFFFFE30] =	vst v2;
	v11 =	vxor.u32 v11, v51  }
0x508: {  	v60 =	vor.u32 $0x100, v34;
	v9 =	vand.u32 $0x80000000, v43;
	v22 =	vld.idx.msk [tilespmem:v22+s17+$0x0], $0xffff;
	[tilespmem:s5+$0xFFFFFE00] =	vst v11;
	v1 =	vxor.u32 v1, v13  }
0x509: {  	v0 =	vor.u32 $0x80, v38;
	v59 =	vxor.u32 v63, v9;
	[tilespmem:s5+$0xFFFFFEF0] =	vst v1;
	v50 =	vld.idx.msk [tilespmem:v7+s17+$0x0], $0xffff  }
0x50a: {  	v1 =	vor.u32 $0x80, v37;
	v7 =	vand.u32 $0x80000000, v47;
	[tilespmem:s5+$0xFFFFFE60] =	vst v59;
	v47 =	vxor.u32 v54, v10;
	v53 =	vld.idx.msk [tilespmem:v8+s17+$0x0], $0xffff  }
0x50b: {  	v2 =	vor.u32 $0x100, v29;
	v58 =	vld.idx.msk [tilespmem:v62+s17+$0x0], $0xffff;
	v8 =	vand.u32 $0x80000000, v48;
	v23 =	vxor.u32 v23, v7;
	[tilespmem:s5+$0xFFFFFEA0] =	vst v47  }
0x50c: {  	v21 =	vld.idx.msk [tilespmem:v21+s17+$0x0], $0xffff;
	[tilespmem:s5+$0xFFFFFE40] =	vst v23;
	v23 =	vxor.u32 v24, v8;
	v24 =	vor.u32 $0x180, v27  }
0x50d: {  	v22 =	vxor.u32 v22, v52;
	v44 =	vld.idx.msk [tilespmem:v60+s17+$0x0], $0xffff;
	[tilespmem:s5+$0xFFFFFE50] =	vst v23;
	v23 =	vor.u32 $0x100, v35  }
0x50e: {  	v61 =	vor.u32 $0x100, v36;
	[tilespmem:s5+$0xFFFFFE90] =	vst v22;
	v0 =	vld.idx.msk [tilespmem:v0+s17+$0x0], $0xffff;
	v45 =	vxor.u32 v50, v51  }
0x50f: {  	v63 =	vor.u32 $0x100, v39;
	v1 =	vld.idx.msk [tilespmem:v1+s17+$0x0], $0xffff;
	[tilespmem:s5+$0xFFFFFE80] =	vst v45;
	v46 =	vxor.u32 v53, v13  }
0x510: {  	v22 =	vor.u32 $0x100, v38;
	v43 =	vxor.u32 v58, v12;
	[tilespmem:s5+$0xFFFFFF70] =	vst v46;
	v2 =	vld.idx.msk [tilespmem:v2+s17+$0x0], $0xffff  }
0x511: {  	v62 =	vor.u32 $0x100, v37;
	[tilespmem:s5+$0xFFFFFEB0] =	vst v43;
	v21 =	vxor.u32 v21, v9;
	v24 =	vld.idx.msk [tilespmem:v24+s17+$0x0], $0xffff  }
0x512: {  	[tilespmem:s5+$0xFFFFFEE0] =	vst v21;
	v21 =	vor.u32 $0x180, v34;
	v44 =	vxor.u32 v44, v10;
	v23 =	vld.idx.msk [tilespmem:v23+s17+$0x0], $0xffff  }
0x513: {  	v48 =	vor.u32 $0x180, v29;
	v45 =	vld.idx.msk [tilespmem:v61+s17+$0x0], $0xffff;
	[tilespmem:s5+$0xFFFFFF20] =	vst v44;
	v0 =	vxor.u32 v0, v8  }
0x514: {  	v47 =	vld.idx.msk [tilespmem:v63+s17+$0x0], $0xffff;
	v1 =	vxor.u32 v1, v7;
	[tilespmem:s5+$0xFFFFFED0] =	vst v0;
	v0 =	vor.u32 $0x180, v35  }
0x515: {  	[tilespmem:s5+$0xFFFFFEC0] =	vst v1;
	v1 =	vor.u32 $0x200, v27;
	v22 =	vld.idx.msk [tilespmem:v22+s17+$0x0], $0xffff;
	v2 =	vxor.u32 v2, v51  }
0x516: {  	v49 =	vor.u32 $0x180, v39;
	v46 =	vld.idx.msk [tilespmem:v62+s17+$0x0], $0xffff;
	[tilespmem:s5+$0xFFFFFF00] =	vst v2;
	v24 =	vxor.u32 v24, v13  }
0x517: {  	v21 =	vld.idx.msk [tilespmem:v21+s17+$0x0], $0xffff;
	v2 =	vor.u32 $0x180, v36;
	v23 =	vxor.u32 v23, v52;
	[tilespmem:s5+$0xFFFFFFF0] =	vst v24  }
0x518: {  	v45 =	vxor.u32 v45, v12;
	v24 =	vor.u32 $0x180, v37;
	v43 =	vld.idx.msk [tilespmem:v48+s17+$0x0], $0xffff;
	[tilespmem:s5+$0xFFFFFF10] =	vst v23  }
0x519: {  	[tilespmem:s5+$0xFFFFFF30] =	vst v45;
	v47 =	vxor.u32 v47, v9;
	v23 =	vor.u32 $0x180, v38;
	v0 =	vld.idx.msk [tilespmem:v0+s17+$0x0], $0xffff  }
0x51a: {  	v54 =	vor.u32 $0x200, v34;
	[tilespmem:s5+$0xFFFFFF60] =	vst v47;
	v1 =	vld.idx.msk [tilespmem:v1+s17+$0x0], $0xffff;
	v22 =	vxor.u32 v22, v8  }
0x51b: {  	v50 =	vor.u32 $0x200, v29;
	v44 =	vld.idx.msk [tilespmem:v49+s17+$0x0], $0xffff;
	v46 =	vxor.u32 v46, v7;
	[tilespmem:s5+$0xFFFFFF50] =	vst v22  }
0x51c: {  	v22 =	vor.u32 $0x200, v35;
	v21 =	vxor.u32 v21, v10;
	v2 =	vld.idx.msk [tilespmem:v2+s17+$0x0], $0xffff;
	[tilespmem:s5+$0xFFFFFF40] =	vst v46  }
0x51d: {  	v53 =	vor.u32 $0x280, v27;
	[tilespmem:s5+$0xFFFFFFA0] =	vst v21;
	v24 =	vld.idx.msk [tilespmem:v24+s17+$0x0], $0xffff;
	v43 =	vxor.u32 v43, v51  }
0x51e: {  	v21 =	vor.u32 $0x200, v39;
	v23 =	vld.idx.msk [tilespmem:v23+s17+$0x0], $0xffff;
	[tilespmem:s5+$0xFFFFFF80] =	vst v43;
	v0 =	vxor.u32 v0, v52  }
0x51f: {  	v58 =	vor.u32 $0x200, v36;
	v60 =	vld.idx.msk [tilespmem:v54+s17+$0x0], $0xffff;
	v1 =	vxor.u32 v1, v13;
	[tilespmem:s5+$0xFFFFFF90] =	vst v0  }
0x520: {  	v62 =	vxor.u32 v44, v9;
	v45 =	vld.idx.msk [tilespmem:v50+s17+$0x0], $0xffff;
	[tilespmem:s5+$0x70] =	vst v1;
	v1 =	vor.u32 $0x200, v37  }
0x521: {  	v0 =	vor.u32 $0x200, v38;
	[tilespmem:s5+$0xFFFFFFE0] =	vst v62;
	v59 =	vld.idx.msk [tilespmem:v22+s17+$0x0], $0xffff;
	v2 =	vxor.u32 v2, v12  }
0x522: {  	v46 =	vld.idx.msk [tilespmem:v53+s17+$0x0], $0xffff;
	[tilespmem:s5+$0xFFFFFFB0] =	vst v2;
	v2 =	vor.u32 $0x280, v29  }
0x523: {  	v61 =	vor.u32 $0x280, v35;
	v21 =	vld.idx.msk [tilespmem:v21+s17+$0x0], $0xffff;
	v22 =	vxor.u32 v24, v7  }
0x524: {  	v24 =	vld.idx.msk [tilespmem:v58+s17+$0x0], $0xffff;
	[tilespmem:s5+$0xFFFFFFC0] =	vst v22;
	v22 =	vxor.u32 v23, v8;
	v23 =	vor.u32 $0x300, v27  }
0x525: {  	v14 =	vor.u32 $0x380, v14;
	v17 =	vxor.u32 v32, v17;
	[tilespmem:s5+$0xFFFFFFD0] =	vst v22;
	v47 =	vxor.u32 v45, v51;
	v1 =	vld.idx.msk [tilespmem:v1+s17+$0x0], $0xffff  }
0x526: {  	v63 =	vor.u32 $0x280, v34;
	v22 =	vxor.u32 v41, v20;
	v0 =	vld.idx.msk [tilespmem:v0+s17+$0x0], $0xffff;
	[tilespmem:s5+$0x0] =	vst v47;
	v53 =	vxor.u32 v59, v52  }
0x527: {  	v20 =	vxor.u32 v42, v5;
	v5 =	vor.u32 $0x280, v36;
	v49 =	vxor.u32 v46, v13;
	[tilespmem:s5+$0x10] =	vst v53;
	v2 =	vld.idx.msk [tilespmem:v2+s17+$0x0], $0xffff  }
0x528: {  	v18 =	vxor.u32 v33, v18;
	v50 =	vor.u32 $0x280, v37;
	v32 =	vxor.u32 v60, v10;
	[tilespmem:s5+$0xF0] =	vst v49;
	v33 =	vld.idx.msk [tilespmem:v61+s17+$0x0], $0xffff  }
0x529: {  	v11 =	vor.u32 $0x380, v16;
	v16 =	vor.u32 $0x280, v38;
	[tilespmem:s5+$0x20] =	vst v32;
	v54 =	vld.idx.msk [tilespmem:v23+s17+$0x0], $0xffff;
	v23 =	vxor.u32 v24, v12  }
0x52a: {  	v19 =	vxor.u32 v40, v19;
	v58 =	vor.u32 $0x280, v39;
	[tilespmem:s5+$0x30] =	vst v23;
	v1 =	vxor.u32 v1, v7  }
0x52b: {  	v40 =	vld.idx.msk [tilespmem:v63+s17+$0x0], $0xffff;
	v24 =	vxor.u32 v31, v4;
	v4 =	vor.u32 $0x300, v29;
	v0 =	vxor.u32 v0, v8;
	[tilespmem:s5+$0x40] =	vst v1  }
0x52c: {  	v15 =	vor.u32 $0x380, v15;
	v59 =	vor.u32 $0x300, v35;
	v5 =	vld.idx.msk [tilespmem:v5+s17+$0x0], $0xffff;
	[tilespmem:s5+$0x50] =	vst v0;
	v0 =	vxor.u32 v21, v9  }
0x52d: {  	v62 =	vor.u32 $0x300, v36;
	v60 =	vor.u32 $0x380, v27;
	v41 =	vld.idx.msk [tilespmem:v50+s17+$0x0], $0xffff;
	v1 =	vxor.u32 v2, v51;
	[tilespmem:s5+$0x60] =	vst v0  }
0x52e: {  	v32 =	vxor.u32 v25, v55;
	v61 =	vor.u32 $0x300, v34;
	v63 =	vld.idx.msk [tilespmem:v16+s17+$0x0], $0xffff;
	v2 =	vxor.u32 v33, v52;
	[tilespmem:s5+$0x80] =	vst v1  }
0x52f: {  	v25 =	vor.u32 $0x380, v35;
	v35 =	vxor.u32 v30, v57;
	v0 =	vld.idx.msk [tilespmem:v58+s17+$0x0], $0xffff;
	v1 =	vxor.u32 v54, v13;
	[tilespmem:s5+$0x90] =	vst v2  }
0x530: {  	v27 =	vor.u32 $0x300, v37;
	v31 =	vxor.u32 v28, v3;
	v3 =	vxor.u32 v40, v10;
	[tilespmem:s5+$0x170] =	vst v1;
	v1 =	vld.idx.msk [tilespmem:v4+s17+$0x0], $0xffff  }
0x531: {  	v30 =	vor.u32 $0x380, v34;
	v28 =	vor.u32 $0x300, v38;
	v29 =	vor.u32 $0x380, v29;
	[tilespmem:s5+$0xA0] =	vst v3;
	v3 =	vld.idx.msk [tilespmem:v59+s17+$0x0], $0xffff  }
0x532: {  	[tilespmem:s2+$0x1A0] =	vst v6;
	v23 =	vor.u32 $0x300, v39;
	v21 =	vor.u32 $0x380, v38;
	v2 =	vld.idx.msk [tilespmem:v60+s17+$0x0], $0xffff;
	v4 =	vxor.u32 v5, v12  }
0x533: {  	v33 =	vxor.u32 v26, v56;
	v26 =	vor.u32 $0x380, v36;
	v5 =	vld.idx.msk [tilespmem:v61+s17+$0x0], $0xffff;
	[tilespmem:s5+$0xB0] =	vst v4;
	v4 =	vxor.u32 v41, v7  }
0x534: {  	s11 =	simm.s32 $0x9F0;
	s20 =	simm.s32 $0x90;
	v16 =	vor.u32 $0x380, v37;
	v34 =	vld.idx.msk [tilespmem:v62+s17+$0x0], $0xffff;
	v36 =	vxor.u32 v63, v8;
	[tilespmem:s5+$0xC0] =	vst v4;
	v4 =	vor.u32 $0x380, v39  }
.LBB2_11:
0x535: {  	[tilespmem:s5+$0xD0] =	vst v36  }
0x536: {  	v58 =	vld [tilespmem:s11+$0xFFFFFFA0];
	[tilespmem:s3+$0x190] =	vst v18;
	v0 =	vxor.u32 v0, v9  }
0x537: {  	v1 =	vxor.u32 v1, v51;
	[tilespmem:s5+$0xE0] =	vst v0  }
0x538: {  	v37 =	vld [tilespmem:s11+$0x0];
	v3 =	vxor.u32 v3, v52;
	[tilespmem:s5+$0x100] =	vst v1  }
0x539: {  	v0 =	vld [tilespmem:s11+$0xFFFFFFB0];
	[tilespmem:s5+$0x110] =	vst v3  }
0x53a: {  	v3 =	vxor.u32 v5, v10;
	v5 =	vld [tilespmem:s11+$0xFFFFFFE0];
	[tilespmem:s3+$0x150] =	vst v33  }
0x53b: {  	v1 =	vxor.u32 v2, v13;
	v2 =	vld [tilespmem:s11+$0xFFFFFFC0];
	[tilespmem:s3+$0x1A0] =	vst v19  }
0x53c: {  	[tilespmem:s5+$0x1F0] =	vst v1;
	v1 =	vld [tilespmem:s11+$0xFFFFFFD0]  }
0x53d: {  	[tilespmem:s5+$0x120] =	vst v3;
	v42 =	vld [tilespmem:s11+$0xFFFFFFF0]  }
0x53e: {  	v39 =	vld [tilespmem:s11+$0xFFFFFF90];
	[tilespmem:s3+$0x140] =	vst v32  }
0x53f: {  	v33 =	vld.idx.msk [tilespmem:v28+s17+$0x0], $0xffff;
	[tilespmem:s3+$0x180] =	vst v17  }
0x540: {  	v13 =	vshll.u32 v37, $0x3;
	[tilespmem:s3+$0x160] =	vst v35;
	v6 =	vld.idx.msk [tilespmem:v29+s17+$0x0], $0xffff  }
0x541: {  	v38 =	vand.u32 $0x7F, v37;
	v3 =	vxor.u32 v34, v12;
	v13 =	vand.u32 $0x7C00, v13;
	[tilespmem:s2+$0x1D0] =	vst v24;
	v32 =	vld.idx.msk [tilespmem:v27+s17+$0x0], $0xffff  }
0x542: {  	[tilespmem:s5+$0x130] =	vst v3;
	v3 =	vor.u32 v38, v13;
	v35 =	vld.idx.msk [tilespmem:v23+s17+$0x0], $0xffff;
	v40 =	vshll.u32 v0, $0x3  }
0x543: {  	[tilespmem:s3+$0x1B0] =	vst v22;
	v27 =	vand.u32 $0x7F, v0;
	v38 =	vand.u32 $0x80000000, v0;
	v0 =	vld.idx.msk [tilespmem:v11+s17+$0x0], $0xffff;
	v18 =	vshll.u32 v39, $0x3  }
0x544: {  	v59 =	vshll.u32 v58, $0x3;
	[tilespmem:s2+$0x1E0] =	vst v31;
	v19 =	vand.u32 $0x7C00, v18;
	v18 =	vld.idx.msk [tilespmem:v25+s17+$0x0], $0xffff  }
0x545: {  	v34 =	vand.u32 $0x7C00, v59;
	v13 =	vand.u32 $0x7F, v58;
	v41 =	vshll.u32 v1, $0x3;
	[tilespmem:$0x1FBC0] =	vst v6;
	v6 =	vld.idx.msk [tilespmem:v26+s17+$0x0], $0xffff  }
0x546: {  	v23 =	vand.u32 $0x7F, v1;
	v25 =	vor.u32 v13, v34;
	v34 =	vand.u32 $0x80000000, v1;
	v1 =	vld.idx.msk [tilespmem:v14+s17+$0x0], $0xffff  }
0x547: {  	[tilespmem:s2+$0x1C0] =	vst v20;
	v29 =	vand.u32 $0x7F, v39;
	v47 =	vld.idx.msk [tilespmem:v3+s17+$0x0], $0xffff  }
0x548: {  	v41 =	vand.u32 $0x7C00, v41;
	v29 =	vor.u32 v29, v19;
	[tilespmem:$0x1FBF0] =	vst v0;
	v0 =	vmov v16  }
0x549: {  	v61 =	vshll.u32 v2, $0x3;
	v45 =	vor.u32 v23, v41;
	v23 =	vor.u32 $0x80, v3;
	[tilespmem:$0x1FCC0] =	vst v0  }
0x54a: {  	v28 =	vand.u32 $0x7F, v2;
	v43 =	vshll.u32 v5, $0x3;
	v46 =	vand.u32 $0x7F, v5;
	[tilespmem:$0x1FBD0] =	vst v6  }
0x54b: {  	v60 =	vand.u32 $0x7C00, v40;
	v40 =	vand.u32 $0x7C00, v61;
	v13 =	vand.u32 $0x80000000, v37;
	[tilespmem:$0x1FC00] =	vst v1;
	v1 =	vmovc v4  }
0x54c: {  	s2 =	smov.u32 s3;
	s3 =	smov.u32 s5;
	s5 =	sadd.s32 $0x400, s5;
	v43 =	vand.u32 $0x7C00, v43;
	v48 =	vor.u32 v27, v60;
	v6 =	vld.idx.msk [tilespmem:v15+s17+$0x0], $0xffff;
	v0 =	vxor.u32 v47, v13;
	[tilespmem:$0x1FC90] =	vst v1  }
0x54d: {  	v17 =	vmov v51;
	v50 =	vor.u32 v28, v40;
	v51 =	vor.u32 v46, v43;
	v1 =	vld.idx.msk [tilespmem:v29+s17+$0x0], $0xffff;
	[tilespmem:s5+$0xFFFFFE70] =	vst v0  }
0x54e: {  	v44 =	vshll.u32 v42, $0x3;
	v62 =	vor.u32 $0x200, v51;
	v0 =	vld.idx.msk [tilespmem:v23+s17+$0x0], $0xffff  }
0x54f: {  	v49 =	vand.u32 $0x7F, v42;
	v44 =	vand.u32 $0x7C00, v44;
	v63 =	vor.u32 $0x280, v25;
	[tilespmem:$0x1FC20] =	vst v62;
	v23 =	vld.idx.msk [tilespmem:v25+s17+$0x0], $0xffff  }
0x550: {  	v36 =	vand.u32 $0x80000000, v42;
	v46 =	vor.u32 v49, v44;
	[tilespmem:$0x1FC30] =	vst v63;
	v63 =	vor.u32 $0x280, v50  }
0x551: {  	v40 =	vand.u32 $0x80000000, v39;
	v39 =	vand.u32 $0x80000000, v2;
	v2 =	vor.u32 $0x80, v29;
	[tilespmem:$0x1FC40] =	vst v63;
	v42 =	vld.idx.msk [tilespmem:v48+s17+$0x0], $0xffff  }
0x552: {  	v43 =	vld.idx.msk [tilespmem:v50+s17+$0x0], $0xffff;
	[tilespmem:$0x1FBE0] =	vst v6;
	v1 =	vxor.u32 v1, v40  }
0x553: {  	v41 =	vand.u32 $0x80000000, v58;
	v4 =	vor.u32 $0x80, v25;
	v49 =	vld.idx.msk [tilespmem:v45+s17+$0x0], $0xffff;
	[tilespmem:s5+$0xFFFFFE00] =	vst v1;
	v0 =	vxor.u32 v0, v13  }
0x554: {  	v58 =	vld.idx.msk [tilespmem:v51+s17+$0x0], $0xffff;
	v23 =	vxor.u32 v23, v41;
	[tilespmem:s5+$0xFFFFFEF0] =	vst v0  }
0x555: {  	v47 =	vor.u32 $0x100, v3;
	v59 =	vld.idx.msk [tilespmem:v46+s17+$0x0], $0xffff;
	[tilespmem:s5+$0xFFFFFE10] =	vst v23;
	v23 =	vor.u32 $0x200, v25  }
0x556: {  	v16 =	vor.u32 $0x80, v48;
	v60 =	vld.idx.msk [tilespmem:v2+s17+$0x0], $0xffff;
	[tilespmem:$0x1FC10] =	vst v23;
	v23 =	vxor.u32 v42, v38  }
0x557: {  	v22 =	vld.idx.msk [tilespmem:v30+s17+$0x0], $0xffff;
	v19 =	vmov v21;
	v21 =	vor.u32 $0x80, v50;
	[tilespmem:s5+$0xFFFFFE20] =	vst v23;
	v23 =	vxor.u32 v43, v39  }
0x558: {  	v37 =	vand.u32 $0x80000000, v5;
	v26 =	vor.u32 $0x80, v45;
	v4 =	vld.idx.msk [tilespmem:v4+s17+$0x0], $0xffff;
	[tilespmem:s5+$0xFFFFFE30] =	vst v23;
	v23 =	vxor.u32 v49, v34  }
0x559: {  	v27 =	vor.u32 $0x80, v51;
	[tilespmem:s5+$0xFFFFFE40] =	vst v23;
	v23 =	vxor.u32 v58, v37  }
0x55a: {  	v61 =	vld.idx.msk [tilespmem:v47+s17+$0x0], $0xffff;
	[tilespmem:s5+$0xFFFFFE50] =	vst v23;
	v23 =	vxor.u32 v59, v36  }
0x55b: {  	v16 =	vld.idx.msk [tilespmem:v16+s17+$0x0], $0xffff;
	v60 =	vxor.u32 v60, v40;
	[tilespmem:s5+$0xFFFFFE60] =	vst v23  }
0x55c: {  	v28 =	vor.u32 $0x80, v46;
	v21 =	vld.idx.msk [tilespmem:v21+s17+$0x0], $0xffff;
	[tilespmem:s5+$0xFFFFFE80] =	vst v60;
	v23 =	vor.u32 $0x280, v45  }
0x55d: {  	v11 =	vmov v52;
	v30 =	vor.u32 $0x100, v29;
	v26 =	vld.idx.msk [tilespmem:v26+s17+$0x0], $0xffff;
	v4 =	vxor.u32 v4, v41;
	[tilespmem:$0x1FC50] =	vst v23  }
0x55e: {  	v44 =	vor.u32 $0x100, v25;
	v63 =	vld.idx.msk [tilespmem:v27+s17+$0x0], $0xffff;
	v23 =	vor.u32 $0x280, v51;
	[tilespmem:s5+$0xFFFFFE90] =	vst v4  }
0x55f: {  	v18 =	vxor.u32 v18, v11;
	v6 =	vor.u32 $0x100, v45;
	v4 =	vor.u32 $0x300, v25;
	[tilespmem:$0x1FC60] =	vst v23  }
0x560: {  	v53 =	vor.u32 $0x100, v51;
	v11 =	vmovc v19;
	v19 =	vxor.u32 v22, v10;
	v10 =	vld [tilespmem:$0x1FBD0];
	[tilespmem:$0x1FCA0] =	vst v4;
	v4 =	vxor.u32 v16, v38  }
0x561: {  	v62 =	vor.u32 $0x180, v3;
	v60 =	vld.idx.msk [tilespmem:v28+s17+$0x0], $0xffff;
	[tilespmem:s5+$0xFFFFFEA0] =	vst v4;
	v4 =	vxor.u32 v21, v39  }
0x562: {  	v14 =	vor.u32 $0x100, v48;
	v30 =	vld.idx.msk [tilespmem:v30+s17+$0x0], $0xffff;
	[tilespmem:s5+$0xFFFFFEB0] =	vst v4;
	v4 =	vxor.u32 v26, v34  }
0x563: {  	v15 =	vor.u32 $0x100, v50;
	v23 =	vxor.u32 v61, v13;
	v61 =	vld.idx.msk [tilespmem:v44+s17+$0x0], $0xffff;
	[tilespmem:s5+$0xFFFFFEC0] =	vst v4;
	v4 =	vxor.u32 v63, v37  }
0x564: {  	v54 =	vor.u32 $0x100, v46;
	v6 =	vld.idx.msk [tilespmem:v6+s17+$0x0], $0xffff;
	[tilespmem:s5+$0xFFFFFED0] =	vst v4  }
0x565: {  	v16 =	vor.u32 $0x300, v48;
	[tilespmem:s5+$0xFFFFFF70] =	vst v23;
	v53 =	vld.idx.msk [tilespmem:v53+s17+$0x0], $0xffff  }
0x566: {  	[tilespmem:$0x1FCB0] =	vst v16;
	v16 =	vld.idx.msk [tilespmem:v62+s17+$0x0], $0xffff  }
0x567: {  	v24 =	vmovc v56;
	v56 =	vor.u32 $0x180, v48;
	v2 =	vor.u32 $0x180, v51;
	v14 =	vld.idx.msk [tilespmem:v14+s17+$0x0], $0xffff;
	v4 =	vxor.u32 v60, v36  }
0x568: {  	v42 =	vor.u32 $0x200, v48;
	v59 =	vor.u32 $0x280, v48;
	v62 =	vor.u32 $0x200, v3;
	v15 =	vld.idx.msk [tilespmem:v15+s17+$0x0], $0xffff;
	[tilespmem:s5+$0xFFFFFEE0] =	vst v4  }
0x569: {  	v21 =	vxor.u32 v30, v40;
	v30 =	vor.u32 $0x380, v48;
	v48 =	vld.idx.msk [tilespmem:v54+s17+$0x0], $0xffff;
	v6 =	vxor.u32 v6, v34  }
0x56a: {  	v22 =	vxor.u32 v10, v12;
	v10 =	vld [tilespmem:$0x1FBE0];
	[tilespmem:s5+$0xFFFFFF40] =	vst v6;
	v6 =	vxor.u32 v53, v37  }
0x56b: {  	v31 =	vmovc v57;
	v57 =	vor.u32 $0x180, v50;
	v63 =	vxor.u32 v61, v41;
	v61 =	vld [tilespmem:$0x1FBC0];
	v4 =	vxor.u32 v16, v13;
	[tilespmem:s5+$0xFFFFFF50] =	vst v6  }
0x56c: {  	v5 =	vor.u32 $0x180, v45;
	v14 =	vxor.u32 v14, v38;
	[tilespmem:s5+$0xFFFFFFF0] =	vst v4;
	v2 =	vld.idx.msk [tilespmem:v2+s17+$0x0], $0xffff  }
0x56d: {  	[tilespmem:s5+$0xFFFFFF20] =	vst v14;
	v14 =	vxor.u32 v15, v39;
	v60 =	vld.idx.msk [tilespmem:v62+s17+$0x0], $0xffff  }
0x56e: {  	v52 =	vor.u32 $0x180, v29;
	v15 =	vld.idx.msk [tilespmem:v56+s17+$0x0], $0xffff;
	[tilespmem:s5+$0xFFFFFF30] =	vst v14;
	v6 =	vxor.u32 v48, v36  }
0x56f: {  	v20 =	vmov v55;
	v55 =	vor.u32 $0x180, v25;
	[tilespmem:s5+$0xFFFFFF60] =	vst v6;
	v6 =	vld [tilespmem:$0x1FBF0]  }
0x570: {  	v33 =	vxor.u32 v33, v8;
	v1 =	vor.u32 $0x180, v46;
	[tilespmem:s5+$0xFFFFFF00] =	vst v21;
	v56 =	vmovc v8;
	v8 =	vmov v37;
	v14 =	vld.idx.msk [tilespmem:v57+s17+$0x0], $0xffff  }
0x571: {  	[tilespmem:s5+$0xFFFFFF10] =	vst v63;
	v63 =	vor.u32 $0x280, v3;
	v5 =	vld.idx.msk [tilespmem:v5+s17+$0x0], $0xffff;
	v2 =	vxor.u32 v2, v8  }
0x572: {  	v47 =	vor.u32 $0x200, v50;
	[tilespmem:s5+$0xFFFFFFD0] =	vst v2;
	v2 =	vld [tilespmem:$0x1FC20]  }
0x573: {  	v20 =	vxor.u32 v10, v20;
	v44 =	vor.u32 $0x300, v50;
	v26 =	vor.u32 $0x380, v50;
	v50 =	vld.idx.msk [tilespmem:v52+s17+$0x0], $0xffff  }
0x574: {  	v43 =	vor.u32 $0x200, v45;
	v10 =	vmovc v38;
	v62 =	vld.idx.msk [tilespmem:v55+s17+$0x0], $0xffff;
	v24 =	vxor.u32 v6, v24;
	v6 =	vxor.u32 v60, v13  }
0x575: {  	v32 =	vxor.u32 v32, v7;
	v12 =	vmov v39;
	v1 =	vld.idx.msk [tilespmem:v1+s17+$0x0], $0xffff;
	[tilespmem:s5+$0x70] =	vst v6;
	v6 =	vxor.u32 v15, v10  }
0x576: {  	v55 =	vmov v7;
	v7 =	vmov v34;
	v15 =	vld.idx.msk [tilespmem:v63+s17+$0x0], $0xffff;
	[tilespmem:s5+$0xFFFFFFA0] =	vst v6;
	v6 =	vxor.u32 v14, v12  }
0x577: {  	v0 =	vor.u32 $0x200, v29;
	v5 =	vxor.u32 v5, v7;
	v14 =	vld.idx.msk [tilespmem:v42+s17+$0x0], $0xffff;
	[tilespmem:s5+$0xFFFFFFB0] =	vst v6  }
0x578: {  	v35 =	vxor.u32 v35, v9;
	v28 =	vor.u32 $0x300, v51;
	v21 =	vor.u32 $0x380, v51;
	v51 =	vmovc v40;
	[tilespmem:s5+$0xFFFFFFC0] =	vst v5;
	v6 =	vld.idx.msk [tilespmem:v47+s17+$0x0], $0xffff  }
0x579: {  	v17 =	vxor.u32 v61, v17;
	v57 =	vmovc v9;
	v9 =	vmov v36;
	v48 =	vxor.u32 v50, v51;
	v61 =	vld.idx.msk [tilespmem:v43+s17+$0x0], $0xffff  }
0x57a: {  	[tilespmem:s5+$0xFFFFFF80] =	vst v48;
	v1 =	vxor.u32 v1, v9;
	v2 =	vld.idx.msk [tilespmem:v2+s17+$0x0], $0xffff  }
0x57b: {  	[tilespmem:s5+$0xFFFFFFE0] =	vst v1;
	v1 =	vxor.u32 v15, v13  }
0x57c: {  	v0 =	vld.idx.msk [tilespmem:v0+s17+$0x0], $0xffff;
	[tilespmem:s5+$0xF0] =	vst v1;
	v1 =	vxor.u32 v14, v10  }
0x57d: {  	v60 =	vld [tilespmem:$0x1FC10];
	[tilespmem:s5+$0x20] =	vst v1;
	v1 =	vxor.u32 v6, v12  }
0x57e: {  	v49 =	vor.u32 $0x200, v46;
	[tilespmem:s5+$0x30] =	vst v1;
	v1 =	vxor.u32 v61, v7  }
0x57f: {  	v5 =	vor.u32 $0x300, v3;
	[tilespmem:s5+$0x40] =	vst v1;
	v1 =	vxor.u32 v2, v8;
	v2 =	vor.u32 $0x380, v3;
	v3 =	vld [tilespmem:$0x1FC50];
	_ =	sdelay $0x1  }
0x580: {  	v58 =	vor.u32 $0x280, v29;
	v52 =	vmov v41  }
0x581: {  	v53 =	vxor.u32 v62, v52;
	v62 =	vld [tilespmem:$0x1FC40];
	v0 =	vxor.u32 v0, v51  }
0x582: {  	[tilespmem:s5+$0x0] =	vst v0;
	v0 =	vld.idx.msk [tilespmem:v49+s17+$0x0], $0xffff  }
0x583: {  	[tilespmem:s5+$0xFFFFFF90] =	vst v53;
	v14 =	vld [tilespmem:$0x1FC30]  }
0x584: {  	v34 =	vld.idx.msk [tilespmem:v60+s17+$0x0], $0xffff  }
0x585: {  	v15 =	vld.idx.msk [tilespmem:v58+s17+$0x0], $0xffff  }
0x586: {  	v27 =	vor.u32 $0x300, v29;
	v63 =	vld.idx.msk [tilespmem:v3+s17+$0x0], $0xffff  }
0x587: {  	[tilespmem:$0x1FC80] =	vst v27;
	v27 =	vor.u32 $0x280, v46;
	v3 =	vld [tilespmem:$0x1FC60]  }
0x588: {  	[tilespmem:$0x1FC70] =	vst v27;
	v0 =	vxor.u32 v0, v9;
	v5 =	vld.idx.msk [tilespmem:v5+s17+$0x0], $0xffff  }
0x589: {  	[tilespmem:s5+$0x60] =	vst v0;
	v0 =	vld [tilespmem:$0x1FC70];
	v34 =	vxor.u32 v34, v52  }
0x58a: {  	v6 =	vld.idx.msk [tilespmem:v59+s17+$0x0], $0xffff;
	[tilespmem:s5+$0x10] =	vst v34  }
0x58b: {  	[tilespmem:s5+$0x50] =	vst v1;
	v1 =	vxor.u32 v15, v51;
	v14 =	vld.idx.msk [tilespmem:v14+s17+$0x0], $0xffff  }
0x58c: {  	[tilespmem:s5+$0x80] =	vst v1;
	v1 =	vld [tilespmem:$0x1FC80];
	_ =	sdelay $0x1  }
0x58d: {  	v50 =	vld [tilespmem:$0x1FC00]  }
0x58e: {  	v15 =	vld.idx.msk [tilespmem:v3+s17+$0x0], $0xffff;
	v3 =	vxor.u32 v5, v13  }
0x58f: {  	v34 =	vld.idx.msk [tilespmem:v62+s17+$0x0], $0xffff;
	v5 =	vxor.u32 v14, v52;
	[tilespmem:s5+$0x170] =	vst v3  }
0x590: {  	[tilespmem:s5+$0x90] =	vst v5;
	v5 =	vxor.u32 v6, v10;
	v3 =	vld [tilespmem:$0x1FCA0]  }
0x591: {  	[tilespmem:s5+$0xA0] =	vst v5;
	v5 =	vld [tilespmem:$0x1FCB0]  }
0x592: {  	v0 =	vld.idx.msk [tilespmem:v0+s17+$0x0], $0xffff  }
0x593: {  	s20 =	sadd.s32 $0x8, s20;
	v1 =	vld.idx.msk [tilespmem:v1+s17+$0x0], $0xffff  }
0x594: {  	p0 =	slt.u32 s20, $0xF8;
	v14 =	vld [tilespmem:$0x1FC90];
	v6 =	vxor.u32 v34, v12  }
.Ltmp6:
0x595: {  	v2 =	vld.idx.msk [tilespmem:v2+s17+$0x0], $0xffff;
	[tilespmem:s5+$0xB0] =	vst v6;
	(pc) =	sbr.rel @p0 .LBB2_11-.Ltmp6, $4  }
0x596: {  	v34 =	vld.idx.msk [tilespmem:v44+s17+$0x0], $0xffff  }
0x597: {  	v29 =	vor.u32 $0x380, v29;
	v25 =	vor.u32 $0x380, v25;
	v36 =	vxor.u32 v15, v8;
	v15 =	vld [tilespmem:$0x1FCC0]  }
0x598: {  	v27 =	vor.u32 $0x300, v45;
	v23 =	vor.u32 $0x300, v46;
	v6 =	vxor.u32 v63, v7;
	v3 =	vld.idx.msk [tilespmem:v3+s17+$0x0], $0xffff  }
0x599: {  	s11 =	sadd.s32 $0x80, s11;
	v16 =	vor.u32 $0x380, v45;
	v4 =	vor.u32 $0x380, v46;
	v31 =	vxor.u32 v50, v31;
	[tilespmem:s5+$0xC0] =	vst v6;
	v5 =	vld.idx.msk [tilespmem:v5+s17+$0x0], $0xffff  }
0x59a: {  	[tilespmem:s5+$0xD0] =	vst v36  }
0x59b: {  	[tilespmem:s3+$0x140] =	vst v32  }
0x59c: {  	[tilespmem:s3+$0x150] =	vst v33  }
0x59d: {  	[tilespmem:s3+$0x160] =	vst v35  }
0x59e: {  	[tilespmem:s3+$0x180] =	vst v17  }
0x59f: {  	[tilespmem:s3+$0x190] =	vst v18  }
0x5a0: {  	[tilespmem:s3+$0x1A0] =	vst v19  }
0x5a1: {  	[tilespmem:s3+$0x1B0] =	vst v22  }
0x5a2: {  	[tilespmem:s2+$0x1C0] =	vst v20  }
0x5a3: {  	[tilespmem:s2+$0x1D0] =	vst v24  }
0x5a4: {  	v0 =	vxor.u32 v0, v9;
	[tilespmem:s2+$0x1E0] =	vst v31  }
0x5a5: {  	v1 =	vxor.u32 v1, v51;
	v43 =	vld.idx.msk [tilespmem:v27+s17+$0x0], $0xffff;
	[tilespmem:s5+$0xE0] =	vst v0  }
0x5a6: {  	v39 =	vxor.u32 v2, v13;
	[tilespmem:s5+$0x100] =	vst v1;
	v44 =	vld.idx.msk [tilespmem:v28+s17+$0x0], $0xffff  }
0x5a7: {  	[tilespmem:s5+$0x1F0] =	vst v39;
	v42 =	vxor.u32 v34, v12;
	v45 =	vld.idx.msk [tilespmem:v23+s17+$0x0], $0xffff  }
0x5a8: {  	[tilespmem:s5+$0x130] =	vst v42;
	v46 =	vld.idx.msk [tilespmem:v29+s17+$0x0], $0xffff;
	v40 =	vxor.u32 v3, v52  }
0x5a9: {  	v49 =	vld.idx.msk [tilespmem:v15+s17+$0x0], $0xffff;
	[tilespmem:s5+$0x110] =	vst v40;
	v41 =	vxor.u32 v5, v10  }
0x5aa: {  	v50 =	vld.idx.msk [tilespmem:v11+s17+$0x0], $0xffff;
	[tilespmem:s5+$0x120] =	vst v41;
	v0 =	vxor.u32 v43, v7  }
0x5ab: {  	v48 =	vld.idx.msk [tilespmem:v26+s17+$0x0], $0xffff;
	v1 =	vxor.u32 v44, v8;
	[tilespmem:s5+$0x140] =	vst v0  }
0x5ac: {  	v47 =	vld.idx.msk [tilespmem:v25+s17+$0x0], $0xffff;
	v2 =	vxor.u32 v45, v9;
	[tilespmem:s5+$0x150] =	vst v1  }
0x5ad: {  	v6 =	vld.idx.msk [tilespmem:v30+s17+$0x0], $0xffff;
	v3 =	vxor.u32 v46, v51;
	[tilespmem:s5+$0x160] =	vst v2  }
0x5ae: {  	v51 =	vld.idx.msk [tilespmem:v14+s17+$0x0], $0xffff;
	v0 =	vxor.u32 v49, v55;
	[tilespmem:s5+$0x180] =	vst v3  }
0x5af: {  	v54 =	vld.idx.msk [tilespmem:v16+s17+$0x0], $0xffff;
	v1 =	vxor.u32 v50, v56;
	[tilespmem:s3+$0x1C0] =	vst v0  }
0x5b0: {  	v58 =	vxor.u32 v48, v12;
	v59 =	vld.idx.msk [tilespmem:v21+s17+$0x0], $0xffff;
	[tilespmem:s3+$0x1D0] =	vst v1  }
0x5b1: {  	[tilespmem:s5+$0x1B0] =	vst v58;
	v4 =	vld.idx.msk [tilespmem:v4+s17+$0x0], $0xffff;
	v5 =	vxor.u32 v47, v52  }
0x5b2: {  	v53 =	vxor.u32 v6, v10;
	[tilespmem:s5+$0x190] =	vst v5  }
0x5b3: {  	[tilespmem:s5+$0x1A0] =	vst v53;
	v60 =	vxor.u32 v51, v57  }
.Ltmp7:
0x5b4: {  	v61 =	vxor.u32 v54, v7;
	[tilespmem:s3+$0x1E0] =	vst v60;
	(pc) =	sbr.rel @p1 .LBB2_14-.Ltmp7, $4  }
0x5b5: {  	v62 =	vxor.u32 v59, v8;
	[tilespmem:s5+$0x1C0] =	vst v61  }
0x5b6: {  	v63 =	vxor.u32 v4, v9;
	[tilespmem:s5+$0x1D0] =	vst v62  }
0x5b7: {  	s1 =	sadd.s32 s1, s12;
	[tilespmem:s5+$0x1E0] =	vst v63  }
0x5b8: {  	[hbm4b:s1+s8] =	stream.linear.scatter [tilespmem:s23], [sflag:$0x5], $0x4000, $0x38;
	[tilespmem:$0x1F000] =	vst v63  }
.Ltmp8:
0x5b9: {  	(pc) =	sbr.rel .LBB2_4-.Ltmp8, $4  }
0x5ba: {  	s1 =	sadd.s32 s4, s13  }
0x5bb: {  	s1 =	sshll.u32 s1, $0x9  }
0x5bc: {  	s31 =	sadd.s32 $0x1, s31;
	s1 =	sadd.s32 s0, s1  }
0x5bd: {  	[tilespmem:s17], [sflag:$0x2] =	stream.linear.gather [hbm4b:s1+s8], $0x8000, $0x38;
	[tilespmem:$0x1F000] =	vst v63  }
.LBB2_15:
0x5be: {  	_ =	sfence.sel $0x180000  }
0x5bf: {  	[bflag:$0x0] =	sbarrier.arrive $0xFFFF  }
0x5c0: {  	_ =	strace $0x90000047  }
0x5c1: {  	s0 =	stileid.u32;
	[bflag:$0x2] =	sbarrier.arrive $0xFFFF  }
0x5c2: {  	p0 =	sne.s32 s0, $0x0;
	s0 =	rddreg [dreg:$0x5]  }
0x5c3: {  	s0 =	sadd.s32 @!p0 $0x100000, s0  }
0x5c4: {  	[sflag:s0] =	ssyncadd.tile.s32 @!p0 $0x1;
	_ =	shalt  }
.Lfunc_end2:
_tile_overlayer_lowered:
.L_overlay_start_2:
0x5c5: {  	(tag) =	ssettag $0x2  }
0x5c6: {  	s0 =	rddreg [dreg:$0x0];
	s2 =	stileid.u32  }
0x5c7: {  	s1 =	rddreg [dreg:$0x1];
	p0 =	sne.s32 s2, $0x0  }
0x5c8: {  	s3 =	rddreg [dreg:$0x2];
	[bflag:$0x3] =	sbarrier.arrive $0xFFFF;
	s2 =	simm.s32 @!p0 $0x1C06  }
0x5c9: {  	[timem:s3], [sflag:s2] =	dma.local @!p0 [hbm:s0], s1  }
0x5ca: {  	s0 =	simm.s32 @!p0 $0x6  }
0x5cb: {  	_ =	swait.ge @!p0 [sflag:s0], s1  }
0x5cc: {  	s1 =	ssub.s32 @!p0 $0x0, s1;
	[sflag:s0] =	ssyncset.done @!p0 $0x0  }
0x5cd: {  	[sflag:s0] =	ssyncadd.s32 @!p0 s1  }
0x5ce: {  	[bflag:$0x3] =	sbarrier.arrive $0xFFFF  }
0x5cf: {  	_ =	shalt  }

</sc_bundles>
